<compile_context>
chip_gen: v7x
topology: tpu7x:2x2x1
jax: 0.10.2.dev20260603
libtpu: 0.0.44.dev20260713+nightly
codegen_flags: <defaults>
</compile_context>

<pallas_src>
import jax
import jax.numpy as jnp
from jax import lax
from jax.experimental import pallas as pl
from jax.experimental.pallas import tpu as pltpu
from jax.experimental.pallas import tpu_sc as plsc

_T = 0.9
_N = 32768
_ROWS = 64
_L = 16
_NSL = _N // _L
_UNROLL = 8
_H1 = 4096
_H3 = 64


def _scan_desc(hist_ref, nslices, acc0, tprime, chunk=1):
    lo_slice = jnp.int32(0)
    top_slice = jnp.int32(nslices)
    found0 = True
    acc = acc0
    if chunk > 1:
        nch = nslices // chunk

        def cond0(c):
            k, _, found = c
            return jnp.logical_and(k < nch, jnp.logical_not(found))

        def body0(c):
            k, acc, _ = c
            base = (nch - 1 - k) * chunk * _L
            s = hist_ref[pl.ds(base, _L)]
            for j in range(1, chunk):
                s = s + hist_ref[pl.ds(base + j * _L, _L)]
            tot = jnp.sum(s)
            hit = acc + tot > tprime
            return (jnp.where(hit, k, k + 1), jnp.where(hit, acc, acc + tot),
                    hit)

        k0, acc, found0 = lax.while_loop(cond0, body0,
                                         (jnp.int32(0), acc0, False))
        win = nch - 1 - jnp.minimum(k0, nch - 1)
        lo_slice = win * chunk
        top_slice = lo_slice + chunk

    def cond(c):
        k, _, found = c
        return jnp.logical_and(k < top_slice, jnp.logical_not(found))

    def body(c):
        k, acc, _ = c
        kk = top_slice - 1 - k
        sl = hist_ref[pl.ds(kk * _L, _L)]
        tot = jnp.sum(sl)
        hit = acc + tot > tprime
        return (jnp.where(hit, k, k + 1), jnp.where(hit, acc, acc + tot), hit)

    if chunk > 1:
        k, acc, found = lax.while_loop(
            cond, body, (jnp.where(found0, 0, top_slice), acc, False))
    else:
        k, acc, found = lax.while_loop(cond, body, (jnp.int32(0), acc, False))

    kk = top_slice - 1 - jnp.minimum(k, top_slice - 1)
    sl = hist_ref[pl.ds(kk * _L, _L)]
    rv = lax.rev(sl, (0,))
    run = acc + plsc.cumsum(rv)
    cross = run > tprime
    lane = jnp.max(plsc.all_reduce_ffs(cross))
    iota16 = lax.broadcasted_iota(jnp.int32, (_L,), 0)
    fexcl = jnp.sum(jnp.where(iota16 == lane, run - rv, 0.0))
    bval = jnp.sum(jnp.where(iota16 == lane, rv, 0.0))
    cut = kk * _L + (_L - 1) - lane
    return found, cut, fexcl, bval


def _zero(ref, n):
    z = jnp.zeros((_L,), jnp.float32)

    def body(i, _):
        base = i * _UNROLL * _L
        for k in range(_UNROLL):
            ref[pl.ds(base + k * _L, _L)] = z
        return 0

    if n // _L >= _UNROLL:
        lax.fori_loop(0, n // (_L * _UNROLL), body, 0)
    else:
        for k in range(n // _L):
            ref[pl.ds(k * _L, _L)] = z


def _process_row(g_v, m_v, hist_v, hist3_v):

    _zero(hist_v, _H1)

    def h1_body(i, acc):
        base = i * _UNROLL * _L
        gs = [g_v[pl.ds(base + k * _L, _L)] for k in range(_UNROLL)]
        ms = [m_v[pl.ds(base + k * _L, _L)] for k in range(_UNROLL)]
        gated = [jnp.where(ms[k] != 0, gs[k], 0.0) for k in range(_UNROLL)]
        pats = [plsc.bitcast(gated[k], jnp.int32) for k in range(_UNROLL)]
        for k in range(_UNROLL):
            g_v[pl.ds(base + k * _L, _L)] = gated[k]
        for k in range(_UNROLL):
            plsc.addupdate_scatter(hist_v,
                                   (lax.shift_right_logical(pats[k], 18),),
                                   gated[k], mask=pats[k] > 0)
        for k in range(_UNROLL):
            acc = acc + gated[k]
        return acc

    acc = lax.fori_loop(0, _NSL // _UNROLL, h1_body,
                        jnp.zeros((_L,), jnp.float32))
    total = jnp.maximum(jnp.sum(acc), jnp.float32(1e-12))
    tprime = jnp.float32(_T) * total

    found1, b1, f1, _ = _scan_desc(hist_v, _H1 // _L, jnp.float32(0.0), tprime,
                                   chunk=8)
    allkeep = jnp.logical_not(found1)

    _zero(hist_v, _H1)

    def h2_body(i, _):
        base = i * _UNROLL * _L
        gated = [g_v[pl.ds(base + k * _L, _L)] for k in range(_UNROLL)]
        pats = [plsc.bitcast(gated[k], jnp.int32) for k in range(_UNROLL)]
        sels = [lax.shift_right_logical(pats[k], 18) == b1
                for k in range(_UNROLL)]
        idxs = [jnp.bitwise_and(lax.shift_right_logical(pats[k], 6), _H1 - 1)
                for k in range(_UNROLL)]
        for k in range(_UNROLL):
            plsc.addupdate_scatter(hist_v, (idxs[k],), gated[k], mask=sels[k])
        return 0

    lax.fori_loop(0, _NSL // _UNROLL, h2_body, 0)
    _, b2, f2, bsum2 = _scan_desc(hist_v, _H1 // _L, f1, tprime, chunk=8)
    pref = jnp.bitwise_or(lax.shift_left(b1, 12), b2)

    v_apx = plsc.bitcast(
        jnp.full((_L,), jnp.bitwise_or(lax.shift_left(pref, 6), 32),
                 jnp.int32), jnp.float32)
    e24 = (jnp.full((_L,), bsum2) / jnp.maximum(v_apx, jnp.float32(1e-30))
           + 0.5).astype(jnp.int32)
    multi = jnp.max(e24) > 1

    def resolve_multi(_):
        _zero(hist3_v, _H3)

        def h3_body(i, _):
            base = i * _UNROLL * _L
            gated = [g_v[pl.ds(base + k * _L, _L)] for k in range(_UNROLL)]
            pats = [plsc.bitcast(gated[k], jnp.int32) for k in range(_UNROLL)]
            sels = [lax.shift_right_logical(pats[k], 6) == pref
                    for k in range(_UNROLL)]
            idxs = [jnp.bitwise_and(pats[k], _H3 - 1) for k in range(_UNROLL)]
            for k in range(_UNROLL):
                plsc.addupdate_scatter(hist3_v, (idxs[k],), gated[k],
                                       mask=sels[k])
            return 0

        lax.fori_loop(0, _NSL // _UNROLL, h3_body, 0)
        _, b3, f_hi3, bsum3 = _scan_desc(hist3_v, _H3 // _L, f2, tprime)
        vpat = jnp.bitwise_or(lax.shift_left(pref, 6), b3)
        vstar = plsc.bitcast(jnp.full((_L,), vpat, jnp.int32), jnp.float32)
        e3 = (jnp.full((_L,), bsum3) / jnp.maximum(vstar, jnp.float32(1e-30))
              + 0.5).astype(jnp.int32)
        return vpat, vpat - 1, f_hi3, vstar, e3

    def resolve_single(_):
        gt_thresh = jnp.bitwise_or(lax.shift_left(pref, 6), _H3 - 1)
        eq_lo = lax.shift_left(pref, 6) - 1
        vstar = jnp.full((_L,), bsum2)
        return gt_thresh, eq_lo, f2, vstar, jnp.full((_L,), 1, jnp.int32)

    gt_thresh, eq_lo, f_hi, vstar, ev = lax.cond(
        multi, resolve_multi, resolve_single, 0)
    gt_tv = jnp.full((_L,), gt_thresh)
    eq_lov = jnp.full((_L,), eq_lo)

    rfv = jnp.full((_L,), tprime - f_hi) / jnp.maximum(vstar, jnp.float32(1e-30))
    rv = jnp.clip(rfv, 0.0, jnp.float32(_N)).astype(jnp.int32)
    rv = jnp.where(jnp.full((_L,), f_hi) == 0.0, jnp.maximum(rv, 1), rv)
    need_rank = jnp.logical_and(jnp.max(rv) > 0, jnp.max(rv) < jnp.max(ev))

    def out_allkeep(_):
        def body(i, _):
            base = i * _UNROLL * _L
            ms = [m_v[pl.ds(base + k * _L, _L)] for k in range(_UNROLL)]
            outs = [jnp.where(ms[k] != 0, 1.0, 0.0) for k in range(_UNROLL)]
            for k in range(_UNROLL):
                g_v[pl.ds(base + k * _L, _L)] = outs[k]
            return 0

        lax.fori_loop(0, _NSL // _UNROLL, body, 0)
        return 0

    def out_fast(_):
        eq_keep = rv >= ev

        def body(i, _):
            base = i * _UNROLL * _L
            gated = [g_v[pl.ds(base + k * _L, _L)] for k in range(_UNROLL)]
            outs = []
            for k in range(_UNROLL):
                pat = plsc.bitcast(gated[k], jnp.int32)
                gt = pat > gt_tv
                eq = (pat > eq_lov) & jnp.logical_not(gt)
                keep = gt | (eq & eq_keep)
                outs.append(jnp.where(keep, 1.0, 0.0))
            for k in range(_UNROLL):
                g_v[pl.ds(base + k * _L, _L)] = outs[k]
            return 0

        lax.fori_loop(0, _NSL // _UNROLL, body, 0)
        return 0

    def out_slow(_):
        def body(i, carry):
            base = i * _UNROLL * _L
            gated = [g_v[pl.ds(base + k * _L, _L)] for k in range(_UNROLL)]
            pats = [plsc.bitcast(gated[k], jnp.int32) for k in range(_UNROLL)]
            gts = [pats[k] > gt_tv for k in range(_UNROLL)]
            eqs = [(pats[k] > eq_lov) & jnp.logical_not(gts[k])
                   for k in range(_UNROLL)]
            css = [plsc.cumsum(jnp.where(eqs[k], 1, 0)) for k in range(_UNROLL)]
            pcs = [plsc.all_reduce_population_count(eqs[k])
                   for k in range(_UNROLL)]
            outs = []
            for k in range(_UNROLL):
                rank = css[k] + carry
                keep = gts[k] | (eqs[k] & (rank <= rv))
                outs.append(jnp.where(keep, 1.0, 0.0))
                carry = carry + pcs[k]
            for k in range(_UNROLL):
                g_v[pl.ds(base + k * _L, _L)] = outs[k]
            return carry

        lax.fori_loop(0, _NSL // _UNROLL, body, jnp.zeros((_L,), jnp.int32))
        return 0

    def out_select(_):
        lax.cond(need_rank, out_slow, out_fast, 0)
        return 0

    lax.cond(allkeep, out_allkeep, out_select, 0)


def _sc_body(g_hbm, m_hbm, o_hbm, ga_v, gb_v, m_v, hist_v, hist3_v,
             sem_g, sem_o):
    wid = lax.axis_index("s") * 2 + lax.axis_index("c")
    row_a = wid * 2
    row_b = row_a + 1

    cp_b = pltpu.async_copy(g_hbm.at[row_b], gb_v, sem_g)
    pltpu.sync_copy(g_hbm.at[row_a], ga_v)
    pltpu.sync_copy(m_hbm.at[row_a], m_v)
    _process_row(ga_v, m_v, hist_v, hist3_v)
    cp_oa = pltpu.async_copy(ga_v, o_hbm.at[row_a], sem_o)
    pltpu.sync_copy(m_hbm.at[row_b], m_v)
    cp_b.wait()
    _process_row(gb_v, m_v, hist_v, hist3_v)
    pltpu.sync_copy(gb_v, o_hbm.at[row_b])
    cp_oa.wait()


def kernel(gates, attention_mask):
    mesh = plsc.VectorSubcoreMesh(core_axis_name="c", subcore_axis_name="s")
    f = pl.kernel(
        _sc_body,
        out_type=jax.ShapeDtypeStruct((_ROWS, _N), jnp.float32),
        mesh=mesh,
        compiler_params=pltpu.CompilerParams(needs_layout_passes=False),
        scratch_types=[
            pltpu.VMEM((_N,), jnp.float32),
            pltpu.VMEM((_N,), jnp.float32),
            pltpu.VMEM((_N,), jnp.int32),
            pltpu.VMEM((_H1,), jnp.float32),
            pltpu.VMEM((_H3,), jnp.float32),
            pltpu.SemaphoreType.DMA,
            pltpu.SemaphoreType.DMA,
        ],
    )
    out = f(gates, attention_mask)
    return out.astype(jnp.bool_)

# --- scband reference (transcript-rebuilt; emitter-appended) ---
"""Pipeline reference for scband-triton-keep-mask-builder-80994493268396 (READ-ONLY COPY).

The authoritative reference and input builder live on the scoring server;
editing this copy changes nothing except your own understanding.
"""

import jax, jax.numpy as jnp
import numpy as np

CUMULATIVE_THRESHOLD = 0.9

def setup_inputs(seed: int = 0) -> dict:
    key = jax.random.key(seed)
    k1, k2 = jax.random.split(key)
    gates = jax.random.uniform(k1, (64, 32768), dtype=jnp.float32)
    attention_mask = jax.random.randint(k2, (64, 32768), 0, 2, dtype=jnp.int32)
    return {"gates": gates, "attention_mask": attention_mask}

def reference(gates, attention_mask):
    threshold = min(max(CUMULATIVE_THRESHOLD, 0.0), 1.0)
    active = attention_mask.astype(bool)
    gated = jnp.where(active, gates, 0.0)
    total = jnp.clip(jnp.sum(gated, axis=-1, keepdims=True), 1e-12, None)
    shares = gated / total
    shares = jnp.where(active, shares, 0.0)
    # sort descending
    sorted_idx = jnp.argsort(-shares, axis=-1)
    sorted_share = jnp.take_along_axis(shares, sorted_idx, axis=-1)
    cumulative = jnp.cumsum(sorted_share, axis=-1)
    keep_sorted = cumulative <= threshold
    keep_sorted = keep_sorted.at[..., 0].set(True)
    # scatter keep bits back to original token positions
    B, N = shares.shape
    rows = jnp.arange(B)[:, None]
    keep_mask = jnp.zeros((B, N), dtype=bool).at[rows, sorted_idx].set(keep_sorted)
    keep_mask = keep_mask & active
    return keep_mask

if __name__ == "__main__":
    import jax
    _d = setup_inputs()
    print(jax.jit(kernel)(*tuple(_d.values())))

</pallas_src>

<mosaic_0001>
#map = affine_map<(d0, d1) -> (0, 0)>
module attributes {stable_mosaic.version = 14 : i64} {
  func.func @_sc_body(%arg0: i32, %arg1: i32, %arg2: memref<64x32768xf32, #tpu.memory_space<hbm>>, %arg3: memref<64x32768xi32, #tpu.memory_space<hbm>>, %arg4: memref<64x32768xf32, #tpu.memory_space<hbm>>, %arg5: memref<32768xf32, #tpu.memory_space<vmem>>, %arg6: memref<32768xf32, #tpu.memory_space<vmem>>, %arg7: memref<32768xi32, #tpu.memory_space<vmem>>, %arg8: memref<4096xf32, #tpu.memory_space<vmem>>, %arg9: memref<64xf32, #tpu.memory_space<vmem>>, %arg10: memref<!tpu.dma_semaphore, #tpu.memory_space<semaphore_mem>>, %arg11: memref<!tpu.dma_semaphore, #tpu.memory_space<semaphore_mem>>) attributes {dimension_semantics = [#tpu.dimension_semantics<core_parallel>, #tpu.dimension_semantics<subcore_parallel>], iteration_bounds = array<i64: 2, 16>, scalar_prefetch = 0 : i64, scratch_operands = 7 : i64, tpu.core_type = #tpu.core_type<sc_vector_subcore>, window_params = [{transform_indices = #map}, {transform_indices = #map}, {transform_indices = #map}]} {
    %mul3A = arith.constant 2 : i32
    %mul3A_0 = arith.muli %arg1, %mul3A : i32
    %add3A = arith.addi %mul3A_0, %arg0 : i32
    %mul3A_1 = arith.constant 2 : i32
    %mul3A_2 = arith.muli %add3A, %mul3A_1 : i32
    %add3A_3 = arith.constant 1 : i32
    %add3A_4 = arith.addi %mul3A_2, %add3A_3 : i32
    %dma_start3A = arith.constant 0 : i32
    %dma_start3A_5 = tpu.memref_slice %arg2[%add3A_4, %dma_start3A] : memref<64x32768xf32, #tpu.memory_space<hbm>> -> memref<1x32768xf32, #tpu.memory_space<hbm>>
    %dma_start3A_6 = tpu.memref_squeeze %dma_start3A_5 : memref<1x32768xf32, #tpu.memory_space<hbm>> -> memref<32768xf32, #tpu.memory_space<hbm>>
    %dma_start3A_7 = arith.constant 0 : i32
    %dma_start3A_8 = tpu.memref_slice %arg2[%add3A_4, %dma_start3A_7] : memref<64x32768xf32, #tpu.memory_space<hbm>> -> memref<1x32768xf32, #tpu.memory_space<hbm>>
    %dma_start3A_9 = tpu.memref_squeeze %dma_start3A_8 : memref<1x32768xf32, #tpu.memory_space<hbm>> -> memref<32768xf32, #tpu.memory_space<hbm>>
    tpu.enqueue_dma source(%dma_start3A_9 : memref<32768xf32, #tpu.memory_space<hbm>>) target(%arg6 : memref<32768xf32, #tpu.memory_space<vmem>>) target_semaphore(%arg10 : memref<!tpu.dma_semaphore, #tpu.memory_space<semaphore_mem>>)
    "tpu.region"() ({
      %run_scoped3A = tpu.sem_alloc : memref<!tpu.dma_semaphore, #tpu.memory_space<semaphore_mem>>
      %dma_start3A_551 = arith.constant 0 : i32
      %dma_start3A_552 = tpu.memref_slice %arg2[%mul3A_2, %dma_start3A_551] : memref<64x32768xf32, #tpu.memory_space<hbm>> -> memref<1x32768xf32, #tpu.memory_space<hbm>>
      %dma_start3A_553 = tpu.memref_squeeze %dma_start3A_552 : memref<1x32768xf32, #tpu.memory_space<hbm>> -> memref<32768xf32, #tpu.memory_space<hbm>>
      %dma_start3A_554 = arith.constant 0 : i32
      %dma_start3A_555 = tpu.memref_slice %arg2[%mul3A_2, %dma_start3A_554] : memref<64x32768xf32, #tpu.memory_space<hbm>> -> memref<1x32768xf32, #tpu.memory_space<hbm>>
      %dma_start3A_556 = tpu.memref_squeeze %dma_start3A_555 : memref<1x32768xf32, #tpu.memory_space<hbm>> -> memref<32768xf32, #tpu.memory_space<hbm>>
      tpu.enqueue_dma source(%dma_start3A_556 : memref<32768xf32, #tpu.memory_space<hbm>>) target(%arg5 : memref<32768xf32, #tpu.memory_space<vmem>>) target_semaphore(%run_scoped3A : memref<!tpu.dma_semaphore, #tpu.memory_space<semaphore_mem>>)
      %dma_wait3A_557 = arith.constant 0 : i32
      %dma_wait3A_558 = tpu.memref_slice %arg2[%mul3A_2, %dma_wait3A_557] : memref<64x32768xf32, #tpu.memory_space<hbm>> -> memref<1x32768xf32, #tpu.memory_space<hbm>>
      %dma_wait3A_559 = tpu.memref_squeeze %dma_wait3A_558 : memref<1x32768xf32, #tpu.memory_space<hbm>> -> memref<32768xf32, #tpu.memory_space<hbm>>
      %dma_wait3A_560 = arith.constant 0 : i32
      %dma_wait3A_561 = tpu.memref_slice %arg2[%mul3A_2, %dma_wait3A_560] : memref<64x32768xf32, #tpu.memory_space<hbm>> -> memref<1x32768xf32, #tpu.memory_space<hbm>>
      %dma_wait3A_562 = tpu.memref_squeeze %dma_wait3A_561 : memref<1x32768xf32, #tpu.memory_space<hbm>> -> memref<32768xf32, #tpu.memory_space<hbm>>
      tpu.wait_dma2 semaphore(%run_scoped3A : memref<!tpu.dma_semaphore, #tpu.memory_space<semaphore_mem>>) src(%dma_wait3A_562 : memref<32768xf32, #tpu.memory_space<hbm>>) dst(%arg5 : memref<32768xf32, #tpu.memory_space<vmem>>)
      tpu.yield
    }) : () -> ()
    "tpu.region"() ({
      %run_scoped3A = tpu.sem_alloc : memref<!tpu.dma_semaphore, #tpu.memory_space<semaphore_mem>>
      %dma_start3A_551 = arith.constant 0 : i32
      %dma_start3A_552 = tpu.memref_slice %arg3[%mul3A_2, %dma_start3A_551] : memref<64x32768xi32, #tpu.memory_space<hbm>> -> memref<1x32768xi32, #tpu.memory_space<hbm>>
      %dma_start3A_553 = tpu.memref_squeeze %dma_start3A_552 : memref<1x32768xi32, #tpu.memory_space<hbm>> -> memref<32768xi32, #tpu.memory_space<hbm>>
      %dma_start3A_554 = arith.constant 0 : i32
      %dma_start3A_555 = tpu.memref_slice %arg3[%mul3A_2, %dma_start3A_554] : memref<64x32768xi32, #tpu.memory_space<hbm>> -> memref<1x32768xi32, #tpu.memory_space<hbm>>
      %dma_start3A_556 = tpu.memref_squeeze %dma_start3A_555 : memref<1x32768xi32, #tpu.memory_space<hbm>> -> memref<32768xi32, #tpu.memory_space<hbm>>
      tpu.enqueue_dma source(%dma_start3A_556 : memref<32768xi32, #tpu.memory_space<hbm>>) target(%arg7 : memref<32768xi32, #tpu.memory_space<vmem>>) target_semaphore(%run_scoped3A : memref<!tpu.dma_semaphore, #tpu.memory_space<semaphore_mem>>)
      %dma_wait3A_557 = arith.constant 0 : i32
      %dma_wait3A_558 = tpu.memref_slice %arg3[%mul3A_2, %dma_wait3A_557] : memref<64x32768xi32, #tpu.memory_space<hbm>> -> memref<1x32768xi32, #tpu.memory_space<hbm>>
      %dma_wait3A_559 = tpu.memref_squeeze %dma_wait3A_558 : memref<1x32768xi32, #tpu.memory_space<hbm>> -> memref<32768xi32, #tpu.memory_space<hbm>>
      %dma_wait3A_560 = arith.constant 0 : i32
      %dma_wait3A_561 = tpu.memref_slice %arg3[%mul3A_2, %dma_wait3A_560] : memref<64x32768xi32, #tpu.memory_space<hbm>> -> memref<1x32768xi32, #tpu.memory_space<hbm>>
      %dma_wait3A_562 = tpu.memref_squeeze %dma_wait3A_561 : memref<1x32768xi32, #tpu.memory_space<hbm>> -> memref<32768xi32, #tpu.memory_space<hbm>>
      tpu.wait_dma2 semaphore(%run_scoped3A : memref<!tpu.dma_semaphore, #tpu.memory_space<semaphore_mem>>) src(%dma_wait3A_562 : memref<32768xi32, #tpu.memory_space<hbm>>) dst(%arg7 : memref<32768xi32, #tpu.memory_space<vmem>>)
      tpu.yield
    }) : () -> ()
    %broadcast_in_dim3A = arith.constant 0.000000e+00 : f32
    %broadcast_in_dim3A_10 = vector.broadcast %broadcast_in_dim3A : f32 to vector<16xf32>
    %scan3A = arith.constant 0 : i32
    %scan3A_11 = arith.constant 0 : i32
    %scan3A_12 = arith.constant 32 : i32
    %scan3A_13 = arith.addi %scan3A_11, %scan3A_12 : i32
    %scan3A_14 = arith.constant 1 : i32
    %scan3A_15 = scf.for %scan3A_551 = %scan3A_11 to %scan3A_13 step %scan3A_14 iter_args(%scan3A_552 = %scan3A) -> (i32)  : i32 {
      %mul3A_553 = arith.constant 8 : i32
      %mul3A_554 = arith.muli %scan3A_551, %mul3A_553 : i32
      %mul3A_555 = arith.constant 16 : i32
      %mul3A_556 = arith.muli %mul3A_554, %mul3A_555 : i32
      %add3A_557 = arith.constant 0 : i32
      %add3A_558 = arith.addi %mul3A_556, %add3A_557 : i32
      %swap3A = arith.index_cast %add3A_558 : i32 to index
      %swap3A_559 = tpu.vector_load %arg8[%swap3A] {strides = array<i32>} : memref<4096xf32, #tpu.memory_space<vmem>>, vector<16xf32>,
      tpu.vector_store %arg8[%swap3A], %broadcast_in_dim3A_10 {strides = array<i32>} : memref<4096xf32, #tpu.memory_space<vmem>>, vector<16xf32>,
      %add3A_560 = arith.constant 16 : i32
      %add3A_561 = arith.addi %mul3A_556, %add3A_560 : i32
      %swap3A_562 = arith.index_cast %add3A_561 : i32 to index
      %swap3A_563 = tpu.vector_load %arg8[%swap3A_562] {strides = array<i32>} : memref<4096xf32, #tpu.memory_space<vmem>>, vector<16xf32>,
      tpu.vector_store %arg8[%swap3A_562], %broadcast_in_dim3A_10 {strides = array<i32>} : memref<4096xf32, #tpu.memory_space<vmem>>, vector<16xf32>,
      %add3A_564 = arith.constant 32 : i32
      %add3A_565 = arith.addi %mul3A_556, %add3A_564 : i32
      %swap3A_566 = arith.index_cast %add3A_565 : i32 to index
      %swap3A_567 = tpu.vector_load %arg8[%swap3A_566] {strides = array<i32>} : memref<4096xf32, #tpu.memory_space<vmem>>, vector<16xf32>,
      tpu.vector_store %arg8[%swap3A_566], %broadcast_in_dim3A_10 {strides = array<i32>} : memref<4096xf32, #tpu.memory_space<vmem>>, vector<16xf32>,
      %add3A_568 = arith.constant 48 : i32
      %add3A_569 = arith.addi %mul3A_556, %add3A_568 : i32
      %swap3A_570 = arith.index_cast %add3A_569 : i32 to index
      %swap3A_571 = tpu.vector_load %arg8[%swap3A_570] {strides = array<i32>} : memref<4096xf32, #tpu.memory_space<vmem>>, vector<16xf32>,
      tpu.vector_store %arg8[%swap3A_570], %broadcast_in_dim3A_10 {strides = array<i32>} : memref<4096xf32, #tpu.memory_space<vmem>>, vector<16xf32>,
      %add3A_572 = arith.constant 64 : i32
      %add3A_573 = arith.addi %mul3A_556, %add3A_572 : i32
      %swap3A_574 = arith.index_cast %add3A_573 : i32 to index
      %swap3A_575 = tpu.vector_load %arg8[%swap3A_574] {strides = array<i32>} : memref<4096xf32, #tpu.memory_space<vmem>>, vector<16xf32>,
      tpu.vector_store %arg8[%swap3A_574], %broadcast_in_dim3A_10 {strides = array<i32>} : memref<4096xf32, #tpu.memory_space<vmem>>, vector<16xf32>,
      %add3A_576 = arith.constant 80 : i32
      %add3A_577 = arith.addi %mul3A_556, %add3A_576 : i32
      %swap3A_578 = arith.index_cast %add3A_577 : i32 to index
      %swap3A_579 = tpu.vector_load %arg8[%swap3A_578] {strides = array<i32>} : memref<4096xf32, #tpu.memory_space<vmem>>, vector<16xf32>,
      tpu.vector_store %arg8[%swap3A_578], %broadcast_in_dim3A_10 {strides = array<i32>} : memref<4096xf32, #tpu.memory_space<vmem>>, vector<16xf32>,
      %add3A_580 = arith.constant 96 : i32
      %add3A_581 = arith.addi %mul3A_556, %add3A_580 : i32
      %swap3A_582 = arith.index_cast %add3A_581 : i32 to index
      %swap3A_583 = tpu.vector_load %arg8[%swap3A_582] {strides = array<i32>} : memref<4096xf32, #tpu.memory_space<vmem>>, vector<16xf32>,
      tpu.vector_store %arg8[%swap3A_582], %broadcast_in_dim3A_10 {strides = array<i32>} : memref<4096xf32, #tpu.memory_space<vmem>>, vector<16xf32>,
      %add3A_584 = arith.constant 112 : i32
      %add3A_585 = arith.addi %mul3A_556, %add3A_584 : i32
      %swap3A_586 = arith.index_cast %add3A_585 : i32 to index
      %swap3A_587 = tpu.vector_load %arg8[%swap3A_586] {strides = array<i32>} : memref<4096xf32, #tpu.memory_space<vmem>>, vector<16xf32>,
      tpu.vector_store %arg8[%swap3A_586], %broadcast_in_dim3A_10 {strides = array<i32>} : memref<4096xf32, #tpu.memory_space<vmem>>, vector<16xf32>,
      %scan3A_588 = arith.constant 0 : i32
      scf.yield %scan3A_588 : i32
    }
    %scan3A_16 = arith.constant 32 : i32
    %broadcast_in_dim3A_17 = arith.constant 0.000000e+00 : f32
    %broadcast_in_dim3A_18 = vector.broadcast %broadcast_in_dim3A_17 : f32 to vector<16xf32>
    %scan3A_19 = arith.constant 0 : i32
    %scan3A_20 = arith.constant 256 : i32
    %scan3A_21 = arith.addi %scan3A_19, %scan3A_20 : i32
    %scan3A_22 = arith.constant 1 : i32
    %scan3A_23 = scf.for %scan3A_551 = %scan3A_19 to %scan3A_21 step %scan3A_22 iter_args(%scan3A_552 = %broadcast_in_dim3A_18) -> (vector<16xf32>)  : i32 {
      %mul3A_553 = arith.constant 8 : i32
      %mul3A_554 = arith.muli %scan3A_551, %mul3A_553 : i32
      %mul3A_555 = arith.constant 16 : i32
      %mul3A_556 = arith.muli %mul3A_554, %mul3A_555 : i32
      %add3A_557 = arith.constant 0 : i32
      %add3A_558 = arith.addi %mul3A_556, %add3A_557 : i32
      %get3A_559 = arith.index_cast %add3A_558 : i32 to index
      %get3A_560 = tpu.vector_load %arg5[%get3A_559] {strides = array<i32>} : memref<32768xf32, #tpu.memory_space<vmem>>, vector<16xf32>,
      %add3A_561 = arith.constant 16 : i32
      %add3A_562 = arith.addi %mul3A_556, %add3A_561 : i32
      %get3A_563 = arith.index_cast %add3A_562 : i32 to index
      %get3A_564 = tpu.vector_load %arg5[%get3A_563] {strides = array<i32>} : memref<32768xf32, #tpu.memory_space<vmem>>, vector<16xf32>,
      %add3A_565 = arith.constant 32 : i32
      %add3A_566 = arith.addi %mul3A_556, %add3A_565 : i32
      %get3A_567 = arith.index_cast %add3A_566 : i32 to index
      %get3A_568 = tpu.vector_load %arg5[%get3A_567] {strides = array<i32>} : memref<32768xf32, #tpu.memory_space<vmem>>, vector<16xf32>,
      %add3A_569 = arith.constant 48 : i32
      %add3A_570 = arith.addi %mul3A_556, %add3A_569 : i32
      %get3A_571 = arith.index_cast %add3A_570 : i32 to index
      %get3A_572 = tpu.vector_load %arg5[%get3A_571] {strides = array<i32>} : memref<32768xf32, #tpu.memory_space<vmem>>, vector<16xf32>,
      %add3A_573 = arith.constant 64 : i32
      %add3A_574 = arith.addi %mul3A_556, %add3A_573 : i32
      %get3A_575 = arith.index_cast %add3A_574 : i32 to index
      %get3A_576 = tpu.vector_load %arg5[%get3A_575] {strides = array<i32>} : memref<32768xf32, #tpu.memory_space<vmem>>, vector<16xf32>,
      %add3A_577 = arith.constant 80 : i32
      %add3A_578 = arith.addi %mul3A_556, %add3A_577 : i32
      %get3A_579 = arith.index_cast %add3A_578 : i32 to index
      %get3A_580 = tpu.vector_load %arg5[%get3A_579] {strides = array<i32>} : memref<32768xf32, #tpu.memory_space<vmem>>, vector<16xf32>,
      %add3A_581 = arith.constant 96 : i32
      %add3A_582 = arith.addi %mul3A_556, %add3A_581 : i32
      %get3A_583 = arith.index_cast %add3A_582 : i32 to index
      %get3A_584 = tpu.vector_load %arg5[%get3A_583] {strides = array<i32>} : memref<32768xf32, #tpu.memory_space<vmem>>, vector<16xf32>,
      %add3A_585 = arith.constant 112 : i32
      %add3A_586 = arith.addi %mul3A_556, %add3A_585 : i32
      %get3A_587 = arith.index_cast %add3A_586 : i32 to index
      %get3A_588 = tpu.vector_load %arg5[%get3A_587] {strides = array<i32>} : memref<32768xf32, #tpu.memory_space<vmem>>, vector<16xf32>,
      %add3A_589 = arith.constant 0 : i32
      %add3A_590 = arith.addi %mul3A_556, %add3A_589 : i32
      %get3A_591 = arith.index_cast %add3A_590 : i32 to index
      %get3A_592 = tpu.vector_load %arg7[%get3A_591] {strides = array<i32>} : memref<32768xi32, #tpu.memory_space<vmem>>, vector<16xi32>,
      %add3A_593 = arith.constant 16 : i32
      %add3A_594 = arith.addi %mul3A_556, %add3A_593 : i32
      %get3A_595 = arith.index_cast %add3A_594 : i32 to index
      %get3A_596 = tpu.vector_load %arg7[%get3A_595] {strides = array<i32>} : memref<32768xi32, #tpu.memory_space<vmem>>, vector<16xi32>,
      %add3A_597 = arith.constant 32 : i32
      %add3A_598 = arith.addi %mul3A_556, %add3A_597 : i32
      %get3A_599 = arith.index_cast %add3A_598 : i32 to index
      %get3A_600 = tpu.vector_load %arg7[%get3A_599] {strides = array<i32>} : memref<32768xi32, #tpu.memory_space<vmem>>, vector<16xi32>,
      %add3A_601 = arith.constant 48 : i32
      %add3A_602 = arith.addi %mul3A_556, %add3A_601 : i32
      %get3A_603 = arith.index_cast %add3A_602 : i32 to index
      %get3A_604 = tpu.vector_load %arg7[%get3A_603] {strides = array<i32>} : memref<32768xi32, #tpu.memory_space<vmem>>, vector<16xi32>,
      %add3A_605 = arith.constant 64 : i32
      %add3A_606 = arith.addi %mul3A_556, %add3A_605 : i32
      %get3A_607 = arith.index_cast %add3A_606 : i32 to index
      %get3A_608 = tpu.vector_load %arg7[%get3A_607] {strides = array<i32>} : memref<32768xi32, #tpu.memory_space<vmem>>, vector<16xi32>,
      %add3A_609 = arith.constant 80 : i32
      %add3A_610 = arith.addi %mul3A_556, %add3A_609 : i32
      %get3A_611 = arith.index_cast %add3A_610 : i32 to index
      %get3A_612 = tpu.vector_load %arg7[%get3A_611] {strides = array<i32>} : memref<32768xi32, #tpu.memory_space<vmem>>, vector<16xi32>,
      %add3A_613 = arith.constant 96 : i32
      %add3A_614 = arith.addi %mul3A_556, %add3A_613 : i32
      %get3A_615 = arith.index_cast %add3A_614 : i32 to index
      %get3A_616 = tpu.vector_load %arg7[%get3A_615] {strides = array<i32>} : memref<32768xi32, #tpu.memory_space<vmem>>, vector<16xi32>,
      %add3A_617 = arith.constant 112 : i32
      %add3A_618 = arith.addi %mul3A_556, %add3A_617 : i32
      %get3A_619 = arith.index_cast %add3A_618 : i32 to index
      %get3A_620 = tpu.vector_load %arg7[%get3A_619] {strides = array<i32>} : memref<32768xi32, #tpu.memory_space<vmem>>, vector<16xi32>,
      %ne3A = arith.constant 0 : i32
      %ne3A_621 = vector.broadcast %ne3A : i32 to vector<16xi32>
      %ne3A_622 = arith.cmpi ne, %get3A_592, %ne3A_621 : vector<16xi32>
      %jit3A_623 = arith.constant 0.000000e+00 : f32
      %broadcast_in_dim3A_624 = vector.broadcast %jit3A_623 : f32 to vector<16xf32>
      %select_n3A_625 = arith.select %ne3A_622, %get3A_560, %broadcast_in_dim3A_624 : vector<16xi1>, vector<16xf32>
      %ne3A_626 = arith.constant 0 : i32
      %ne3A_627 = vector.broadcast %ne3A_626 : i32 to vector<16xi32>
      %ne3A_628 = arith.cmpi ne, %get3A_596, %ne3A_627 : vector<16xi32>
      %jit3A_629 = arith.constant 0.000000e+00 : f32
      %broadcast_in_dim3A_630 = vector.broadcast %jit3A_629 : f32 to vector<16xf32>
      %select_n3A_631 = arith.select %ne3A_628, %get3A_564, %broadcast_in_dim3A_630 : vector<16xi1>, vector<16xf32>
      %ne3A_632 = arith.constant 0 : i32
      %ne3A_633 = vector.broadcast %ne3A_632 : i32 to vector<16xi32>
      %ne3A_634 = arith.cmpi ne, %get3A_600, %ne3A_633 : vector<16xi32>
      %jit3A_635 = arith.constant 0.000000e+00 : f32
      %broadcast_in_dim3A_636 = vector.broadcast %jit3A_635 : f32 to vector<16xf32>
      %select_n3A_637 = arith.select %ne3A_634, %get3A_568, %broadcast_in_dim3A_636 : vector<16xi1>, vector<16xf32>
      %ne3A_638 = arith.constant 0 : i32
      %ne3A_639 = vector.broadcast %ne3A_638 : i32 to vector<16xi32>
      %ne3A_640 = arith.cmpi ne, %get3A_604, %ne3A_639 : vector<16xi32>
      %jit3A_641 = arith.constant 0.000000e+00 : f32
      %broadcast_in_dim3A_642 = vector.broadcast %jit3A_641 : f32 to vector<16xf32>
      %select_n3A_643 = arith.select %ne3A_640, %get3A_572, %broadcast_in_dim3A_642 : vector<16xi1>, vector<16xf32>
      %ne3A_644 = arith.constant 0 : i32
      %ne3A_645 = vector.broadcast %ne3A_644 : i32 to vector<16xi32>
      %ne3A_646 = arith.cmpi ne, %get3A_608, %ne3A_645 : vector<16xi32>
      %jit3A_647 = arith.constant 0.000000e+00 : f32
      %broadcast_in_dim3A_648 = vector.broadcast %jit3A_647 : f32 to vector<16xf32>
      %select_n3A_649 = arith.select %ne3A_646, %get3A_576, %broadcast_in_dim3A_648 : vector<16xi1>, vector<16xf32>
      %ne3A_650 = arith.constant 0 : i32
      %ne3A_651 = vector.broadcast %ne3A_650 : i32 to vector<16xi32>
      %ne3A_652 = arith.cmpi ne, %get3A_612, %ne3A_651 : vector<16xi32>
      %jit3A_653 = arith.constant 0.000000e+00 : f32
      %broadcast_in_dim3A_654 = vector.broadcast %jit3A_653 : f32 to vector<16xf32>
      %select_n3A_655 = arith.select %ne3A_652, %get3A_580, %broadcast_in_dim3A_654 : vector<16xi1>, vector<16xf32>
      %ne3A_656 = arith.constant 0 : i32
      %ne3A_657 = vector.broadcast %ne3A_656 : i32 to vector<16xi32>
      %ne3A_658 = arith.cmpi ne, %get3A_616, %ne3A_657 : vector<16xi32>
      %jit3A_659 = arith.constant 0.000000e+00 : f32
      %broadcast_in_dim3A_660 = vector.broadcast %jit3A_659 : f32 to vector<16xf32>
      %select_n3A_661 = arith.select %ne3A_658, %get3A_584, %broadcast_in_dim3A_660 : vector<16xi1>, vector<16xf32>
      %ne3A_662 = arith.constant 0 : i32
      %ne3A_663 = vector.broadcast %ne3A_662 : i32 to vector<16xi32>
      %ne3A_664 = arith.cmpi ne, %get3A_620, %ne3A_663 : vector<16xi32>
      %jit3A_665 = arith.constant 0.000000e+00 : f32
      %broadcast_in_dim3A_666 = vector.broadcast %jit3A_665 : f32 to vector<16xf32>
      %select_n3A_667 = arith.select %ne3A_664, %get3A_588, %broadcast_in_dim3A_666 : vector<16xi1>, vector<16xf32>
      %bitcast3A_668 = vector.bitcast %select_n3A_625 : vector<16xf32> to vector<16xi32>
      %bitcast3A_669 = vector.bitcast %select_n3A_631 : vector<16xf32> to vector<16xi32>
      %bitcast3A_670 = vector.bitcast %select_n3A_637 : vector<16xf32> to vector<16xi32>
      %bitcast3A_671 = vector.bitcast %select_n3A_643 : vector<16xf32> to vector<16xi32>
      %bitcast3A_672 = vector.bitcast %select_n3A_649 : vector<16xf32> to vector<16xi32>
      %bitcast3A_673 = vector.bitcast %select_n3A_655 : vector<16xf32> to vector<16xi32>
      %bitcast3A_674 = vector.bitcast %select_n3A_661 : vector<16xf32> to vector<16xi32>
      %bitcast3A_675 = vector.bitcast %select_n3A_667 : vector<16xf32> to vector<16xi32>
      %add3A_676 = arith.constant 0 : i32
      %add3A_677 = arith.addi %mul3A_556, %add3A_676 : i32
      %swap3A = arith.index_cast %add3A_677 : i32 to index
      %swap3A_678 = tpu.vector_load %arg5[%swap3A] {strides = array<i32>} : memref<32768xf32, #tpu.memory_space<vmem>>, vector<16xf32>,
      tpu.vector_store %arg5[%swap3A], %select_n3A_625 {strides = array<i32>} : memref<32768xf32, #tpu.memory_space<vmem>>, vector<16xf32>,
      %add3A_679 = arith.constant 16 : i32
      %add3A_680 = arith.addi %mul3A_556, %add3A_679 : i32
      %swap3A_681 = arith.index_cast %add3A_680 : i32 to index
      %swap3A_682 = tpu.vector_load %arg5[%swap3A_681] {strides = array<i32>} : memref<32768xf32, #tpu.memory_space<vmem>>, vector<16xf32>,
      tpu.vector_store %arg5[%swap3A_681], %select_n3A_631 {strides = array<i32>} : memref<32768xf32, #tpu.memory_space<vmem>>, vector<16xf32>,
      %add3A_683 = arith.constant 32 : i32
      %add3A_684 = arith.addi %mul3A_556, %add3A_683 : i32
      %swap3A_685 = arith.index_cast %add3A_684 : i32 to index
      %swap3A_686 = tpu.vector_load %arg5[%swap3A_685] {strides = array<i32>} : memref<32768xf32, #tpu.memory_space<vmem>>, vector<16xf32>,
      tpu.vector_store %arg5[%swap3A_685], %select_n3A_637 {strides = array<i32>} : memref<32768xf32, #tpu.memory_space<vmem>>, vector<16xf32>,
      %add3A_687 = arith.constant 48 : i32
      %add3A_688 = arith.addi %mul3A_556, %add3A_687 : i32
      %swap3A_689 = arith.index_cast %add3A_688 : i32 to index
      %swap3A_690 = tpu.vector_load %arg5[%swap3A_689] {strides = array<i32>} : memref<32768xf32, #tpu.memory_space<vmem>>, vector<16xf32>,
      tpu.vector_store %arg5[%swap3A_689], %select_n3A_643 {strides = array<i32>} : memref<32768xf32, #tpu.memory_space<vmem>>, vector<16xf32>,
      %add3A_691 = arith.constant 64 : i32
      %add3A_692 = arith.addi %mul3A_556, %add3A_691 : i32
      %swap3A_693 = arith.index_cast %add3A_692 : i32 to index
      %swap3A_694 = tpu.vector_load %arg5[%swap3A_693] {strides = array<i32>} : memref<32768xf32, #tpu.memory_space<vmem>>, vector<16xf32>,
      tpu.vector_store %arg5[%swap3A_693], %select_n3A_649 {strides = array<i32>} : memref<32768xf32, #tpu.memory_space<vmem>>, vector<16xf32>,
      %add3A_695 = arith.constant 80 : i32
      %add3A_696 = arith.addi %mul3A_556, %add3A_695 : i32
      %swap3A_697 = arith.index_cast %add3A_696 : i32 to index
      %swap3A_698 = tpu.vector_load %arg5[%swap3A_697] {strides = array<i32>} : memref<32768xf32, #tpu.memory_space<vmem>>, vector<16xf32>,
      tpu.vector_store %arg5[%swap3A_697], %select_n3A_655 {strides = array<i32>} : memref<32768xf32, #tpu.memory_space<vmem>>, vector<16xf32>,
      %add3A_699 = arith.constant 96 : i32
      %add3A_700 = arith.addi %mul3A_556, %add3A_699 : i32
      %swap3A_701 = arith.index_cast %add3A_700 : i32 to index
      %swap3A_702 = tpu.vector_load %arg5[%swap3A_701] {strides = array<i32>} : memref<32768xf32, #tpu.memory_space<vmem>>, vector<16xf32>,
      tpu.vector_store %arg5[%swap3A_701], %select_n3A_661 {strides = array<i32>} : memref<32768xf32, #tpu.memory_space<vmem>>, vector<16xf32>,
      %add3A_703 = arith.constant 112 : i32
      %add3A_704 = arith.addi %mul3A_556, %add3A_703 : i32
      %swap3A_705 = arith.index_cast %add3A_704 : i32 to index
      %swap3A_706 = tpu.vector_load %arg5[%swap3A_705] {strides = array<i32>} : memref<32768xf32, #tpu.memory_space<vmem>>, vector<16xf32>,
      tpu.vector_store %arg5[%swap3A_705], %select_n3A_667 {strides = array<i32>} : memref<32768xf32, #tpu.memory_space<vmem>>, vector<16xf32>,
      %shift_right_logical3A = arith.constant 18 : i32
      %shift_right_logical3A_707 = vector.broadcast %shift_right_logical3A : i32 to vector<16xi32>
      %shift_right_logical3A_708 = arith.shrui %bitcast3A_668, %shift_right_logical3A_707 : vector<16xi32>
      %gt3A_709 = arith.constant 0 : i32
      %gt3A_710 = vector.broadcast %gt3A_709 : i32 to vector<16xi32>
      %gt3A_711 = arith.cmpi sgt, %bitcast3A_668, %gt3A_710 : vector<16xi32>
      tpu.vector_store_idx %arg8[%shift_right_logical3A_708], %select_n3A_625 masked %gt3A_711 {add = true} : memref<4096xf32, #tpu.memory_space<vmem>>[vector<16xi32>], vector<16xf32>, vector<16xi1>
      %shift_right_logical3A_712 = arith.constant 18 : i32
      %shift_right_logical3A_713 = vector.broadcast %shift_right_logical3A_712 : i32 to vector<16xi32>
      %shift_right_logical3A_714 = arith.shrui %bitcast3A_669, %shift_right_logical3A_713 : vector<16xi32>
      %gt3A_715 = arith.constant 0 : i32
      %gt3A_716 = vector.broadcast %gt3A_715 : i32 to vector<16xi32>
      %gt3A_717 = arith.cmpi sgt, %bitcast3A_669, %gt3A_716 : vector<16xi32>
      tpu.vector_store_idx %arg8[%shift_right_logical3A_714], %select_n3A_631 masked %gt3A_717 {add = true} : memref<4096xf32, #tpu.memory_space<vmem>>[vector<16xi32>], vector<16xf32>, vector<16xi1>
      %shift_right_logical3A_718 = arith.constant 18 : i32
      %shift_right_logical3A_719 = vector.broadcast %shift_right_logical3A_718 : i32 to vector<16xi32>
      %shift_right_logical3A_720 = arith.shrui %bitcast3A_670, %shift_right_logical3A_719 : vector<16xi32>
      %gt3A_721 = arith.constant 0 : i32
      %gt3A_722 = vector.broadcast %gt3A_721 : i32 to vector<16xi32>
      %gt3A_723 = arith.cmpi sgt, %bitcast3A_670, %gt3A_722 : vector<16xi32>
      tpu.vector_store_idx %arg8[%shift_right_logical3A_720], %select_n3A_637 masked %gt3A_723 {add = true} : memref<4096xf32, #tpu.memory_space<vmem>>[vector<16xi32>], vector<16xf32>, vector<16xi1>
      %shift_right_logical3A_724 = arith.constant 18 : i32
      %shift_right_logical3A_725 = vector.broadcast %shift_right_logical3A_724 : i32 to vector<16xi32>
      %shift_right_logical3A_726 = arith.shrui %bitcast3A_671, %shift_right_logical3A_725 : vector<16xi32>
      %gt3A_727 = arith.constant 0 : i32
      %gt3A_728 = vector.broadcast %gt3A_727 : i32 to vector<16xi32>
      %gt3A_729 = arith.cmpi sgt, %bitcast3A_671, %gt3A_728 : vector<16xi32>
      tpu.vector_store_idx %arg8[%shift_right_logical3A_726], %select_n3A_643 masked %gt3A_729 {add = true} : memref<4096xf32, #tpu.memory_space<vmem>>[vector<16xi32>], vector<16xf32>, vector<16xi1>
      %shift_right_logical3A_730 = arith.constant 18 : i32
      %shift_right_logical3A_731 = vector.broadcast %shift_right_logical3A_730 : i32 to vector<16xi32>
      %shift_right_logical3A_732 = arith.shrui %bitcast3A_672, %shift_right_logical3A_731 : vector<16xi32>
      %gt3A_733 = arith.constant 0 : i32
      %gt3A_734 = vector.broadcast %gt3A_733 : i32 to vector<16xi32>
      %gt3A_735 = arith.cmpi sgt, %bitcast3A_672, %gt3A_734 : vector<16xi32>
      tpu.vector_store_idx %arg8[%shift_right_logical3A_732], %select_n3A_649 masked %gt3A_735 {add = true} : memref<4096xf32, #tpu.memory_space<vmem>>[vector<16xi32>], vector<16xf32>, vector<16xi1>
      %shift_right_logical3A_736 = arith.constant 18 : i32
      %shift_right_logical3A_737 = vector.broadcast %shift_right_logical3A_736 : i32 to vector<16xi32>
      %shift_right_logical3A_738 = arith.shrui %bitcast3A_673, %shift_right_logical3A_737 : vector<16xi32>
      %gt3A_739 = arith.constant 0 : i32
      %gt3A_740 = vector.broadcast %gt3A_739 : i32 to vector<16xi32>
      %gt3A_741 = arith.cmpi sgt, %bitcast3A_673, %gt3A_740 : vector<16xi32>
      tpu.vector_store_idx %arg8[%shift_right_logical3A_738], %select_n3A_655 masked %gt3A_741 {add = true} : memref<4096xf32, #tpu.memory_space<vmem>>[vector<16xi32>], vector<16xf32>, vector<16xi1>
      %shift_right_logical3A_742 = arith.constant 18 : i32
      %shift_right_logical3A_743 = vector.broadcast %shift_right_logical3A_742 : i32 to vector<16xi32>
      %shift_right_logical3A_744 = arith.shrui %bitcast3A_674, %shift_right_logical3A_743 : vector<16xi32>
      %gt3A_745 = arith.constant 0 : i32
      %gt3A_746 = vector.broadcast %gt3A_745 : i32 to vector<16xi32>
      %gt3A_747 = arith.cmpi sgt, %bitcast3A_674, %gt3A_746 : vector<16xi32>
      tpu.vector_store_idx %arg8[%shift_right_logical3A_744], %select_n3A_661 masked %gt3A_747 {add = true} : memref<4096xf32, #tpu.memory_space<vmem>>[vector<16xi32>], vector<16xf32>, vector<16xi1>
      %shift_right_logical3A_748 = arith.constant 18 : i32
      %shift_right_logical3A_749 = vector.broadcast %shift_right_logical3A_748 : i32 to vector<16xi32>
      %shift_right_logical3A_750 = arith.shrui %bitcast3A_675, %shift_right_logical3A_749 : vector<16xi32>
      %gt3A_751 = arith.constant 0 : i32
      %gt3A_752 = vector.broadcast %gt3A_751 : i32 to vector<16xi32>
      %gt3A_753 = arith.cmpi sgt, %bitcast3A_675, %gt3A_752 : vector<16xi32>
      tpu.vector_store_idx %arg8[%shift_right_logical3A_750], %select_n3A_667 masked %gt3A_753 {add = true} : memref<4096xf32, #tpu.memory_space<vmem>>[vector<16xi32>], vector<16xf32>, vector<16xi1>
      %add3A_754 = arith.addf %scan3A_552, %select_n3A_625 : vector<16xf32>
      %add3A_755 = arith.addf %add3A_754, %select_n3A_631 : vector<16xf32>
      %add3A_756 = arith.addf %add3A_755, %select_n3A_637 : vector<16xf32>
      %add3A_757 = arith.addf %add3A_756, %select_n3A_643 : vector<16xf32>
      %add3A_758 = arith.addf %add3A_757, %select_n3A_649 : vector<16xf32>
      %add3A_759 = arith.addf %add3A_758, %select_n3A_655 : vector<16xf32>
      %add3A_760 = arith.addf %add3A_759, %select_n3A_661 : vector<16xf32>
      %add3A_761 = arith.addf %add3A_760, %select_n3A_667 : vector<16xf32>
      scf.yield %add3A_761 : vector<16xf32>
    }
    %scan3A_24 = arith.constant 256 : i32
    %reduce_sum3A = arith.constant true
    %reduce_sum3A_25 = vector.broadcast %reduce_sum3A : i1 to vector<16xi1>
    %reduce_sum3A_26 = tpu.scan <sum>, %scan3A_23 masked %reduce_sum3A_25 : vector<16xf32>, vector<16xi1> -> vector<16xf32>
    %reduce_sum3A_27 = vector.extract %reduce_sum3A_26[15] : f32 from vector<16xf32>
    %max3A = arith.constant 9.99999996E-13 : f32
    %max3A_28 = arith.maximumf %reduce_sum3A_27, %max3A : f32
    %mul3A_29 = arith.constant 0.899999976 : f32
    %mul3A_30 = arith.mulf %mul3A_29, %max3A_28 : f32
    %while3A = arith.constant 0 : i32
    %while3A_31 = arith.constant 0.000000e+00 : f32
    %while3A_32 = arith.constant false
    %while3A_33:3 = scf.while (%while3A_551 = %while3A, %while3A_552 = %while3A_31, %while3A_553 = %while3A_32) : (i32, f32, i1) -> (i32, f32, i1) {
      %lt3A_554 = arith.constant 32 : i32
      %lt3A_555 = arith.cmpi slt, %while3A_551, %lt3A_554 : i32
      %not3A_556 = arith.constant true
      %not3A_557 = arith.xori %while3A_553, %not3A_556 : i1
      %and3A_558 = arith.andi %lt3A_555, %not3A_557 : i1
      scf.condition(%and3A_558) %while3A_551, %while3A_552, %while3A_553 : i32, f32, i1
    } do {
    ^bb0(%while3A_551: i32, %while3A_552: f32, %while3A_553: i1):
      %sub3A_554 = arith.constant 31 : i32
      %sub3A_555 = arith.subi %sub3A_554, %while3A_551 : i32
      %mul3A_556 = arith.constant 8 : i32
      %mul3A_557 = arith.muli %sub3A_555, %mul3A_556 : i32
      %mul3A_558 = arith.constant 16 : i32
      %mul3A_559 = arith.muli %mul3A_557, %mul3A_558 : i32
      %get3A_560 = arith.index_cast %mul3A_559 : i32 to index
      %get3A_561 = tpu.vector_load %arg8[%get3A_560] {strides = array<i32>} : memref<4096xf32, #tpu.memory_space<vmem>>, vector<16xf32>,
      %add3A_562 = arith.constant 16 : i32
      %add3A_563 = arith.addi %mul3A_559, %add3A_562 : i32
      %get3A_564 = arith.index_cast %add3A_563 : i32 to index
      %get3A_565 = tpu.vector_load %arg8[%get3A_564] {strides = array<i32>} : memref<4096xf32, #tpu.memory_space<vmem>>, vector<16xf32>,
      %add3A_566 = arith.addf %get3A_561, %get3A_565 : vector<16xf32>
      %add3A_567 = arith.constant 32 : i32
      %add3A_568 = arith.addi %mul3A_559, %add3A_567 : i32
      %get3A_569 = arith.index_cast %add3A_568 : i32 to index
      %get3A_570 = tpu.vector_load %arg8[%get3A_569] {strides = array<i32>} : memref<4096xf32, #tpu.memory_space<vmem>>, vector<16xf32>,
      %add3A_571 = arith.addf %add3A_566, %get3A_570 : vector<16xf32>
      %add3A_572 = arith.constant 48 : i32
      %add3A_573 = arith.addi %mul3A_559, %add3A_572 : i32
      %get3A_574 = arith.index_cast %add3A_573 : i32 to index
      %get3A_575 = tpu.vector_load %arg8[%get3A_574] {strides = array<i32>} : memref<4096xf32, #tpu.memory_space<vmem>>, vector<16xf32>,
      %add3A_576 = arith.addf %add3A_571, %get3A_575 : vector<16xf32>
      %add3A_577 = arith.constant 64 : i32
      %add3A_578 = arith.addi %mul3A_559, %add3A_577 : i32
      %get3A_579 = arith.index_cast %add3A_578 : i32 to index
      %get3A_580 = tpu.vector_load %arg8[%get3A_579] {strides = array<i32>} : memref<4096xf32, #tpu.memory_space<vmem>>, vector<16xf32>,
      %add3A_581 = arith.addf %add3A_576, %get3A_580 : vector<16xf32>
      %add3A_582 = arith.constant 80 : i32
      %add3A_583 = arith.addi %mul3A_559, %add3A_582 : i32
      %get3A_584 = arith.index_cast %add3A_583 : i32 to index
      %get3A_585 = tpu.vector_load %arg8[%get3A_584] {strides = array<i32>} : memref<4096xf32, #tpu.memory_space<vmem>>, vector<16xf32>,
      %add3A_586 = arith.addf %add3A_581, %get3A_585 : vector<16xf32>
      %add3A_587 = arith.constant 96 : i32
      %add3A_588 = arith.addi %mul3A_559, %add3A_587 : i32
      %get3A_589 = arith.index_cast %add3A_588 : i32 to index
      %get3A_590 = tpu.vector_load %arg8[%get3A_589] {strides = array<i32>} : memref<4096xf32, #tpu.memory_space<vmem>>, vector<16xf32>,
      %add3A_591 = arith.addf %add3A_586, %get3A_590 : vector<16xf32>
      %add3A_592 = arith.constant 112 : i32
      %add3A_593 = arith.addi %mul3A_559, %add3A_592 : i32
      %get3A_594 = arith.index_cast %add3A_593 : i32 to index
      %get3A_595 = tpu.vector_load %arg8[%get3A_594] {strides = array<i32>} : memref<4096xf32, #tpu.memory_space<vmem>>, vector<16xf32>,
      %add3A_596 = arith.addf %add3A_591, %get3A_595 : vector<16xf32>
      %reduce_sum3A_597 = arith.constant true
      %reduce_sum3A_598 = vector.broadcast %reduce_sum3A_597 : i1 to vector<16xi1>
      %reduce_sum3A_599 = tpu.scan <sum>, %add3A_596 masked %reduce_sum3A_598 : vector<16xf32>, vector<16xi1> -> vector<16xf32>
      %reduce_sum3A_600 = vector.extract %reduce_sum3A_599[15] : f32 from vector<16xf32>
      %add3A_601 = arith.addf %while3A_552, %reduce_sum3A_600 : f32
      %gt3A_602 = arith.cmpf ogt, %add3A_601, %mul3A_30 : f32
      %add3A_603 = arith.constant 1 : i32
      %add3A_604 = arith.addi %while3A_551, %add3A_603 : i32
      %select_n3A_605 = arith.select %gt3A_602, %while3A_551, %add3A_604 : i32
      %add3A_606 = arith.addf %while3A_552, %reduce_sum3A_600 : f32
      %select_n3A_607 = arith.select %gt3A_602, %while3A_552, %add3A_606 : f32
      scf.yield %select_n3A_605, %select_n3A_607, %gt3A_602 : i32, f32, i1
    }
    %min3A = arith.constant 31 : i32
    %min3A_34 = arith.minsi %while3A_33#0, %min3A : i32
    %sub3A = arith.constant 31 : i32
    %sub3A_35 = arith.subi %sub3A, %min3A_34 : i32
    %mul3A_36 = arith.constant 8 : i32
    %mul3A_37 = arith.muli %sub3A_35, %mul3A_36 : i32
    %add3A_38 = arith.constant 8 : i32
    %add3A_39 = arith.addi %mul3A_37, %add3A_38 : i32
    %jit3A = arith.constant 0 : i32
    %select_n3A = arith.select %while3A_33#2, %jit3A, %add3A_39 : i32
    %while3A_40 = arith.constant false
    %while3A_41:3 = scf.while (%while3A_551 = %select_n3A, %while3A_552 = %while3A_33#1, %while3A_553 = %while3A_40) : (i32, f32, i1) -> (i32, f32, i1) {
      %lt3A_554 = arith.cmpi slt, %while3A_551, %add3A_39 : i32
      %not3A_555 = arith.constant true
      %not3A_556 = arith.xori %while3A_553, %not3A_555 : i1
      %and3A_557 = arith.andi %lt3A_554, %not3A_556 : i1
      scf.condition(%and3A_557) %while3A_551, %while3A_552, %while3A_553 : i32, f32, i1
    } do {
    ^bb0(%while3A_551: i32, %while3A_552: f32, %while3A_553: i1):
      %sub3A_554 = arith.constant 1 : i32
      %sub3A_555 = arith.subi %add3A_39, %sub3A_554 : i32
      %sub3A_556 = arith.subi %sub3A_555, %while3A_551 : i32
      %mul3A_557 = arith.constant 16 : i32
      %mul3A_558 = arith.muli %sub3A_556, %mul3A_557 : i32
      %get3A_559 = arith.index_cast %mul3A_558 : i32 to index
      %get3A_560 = tpu.vector_load %arg8[%get3A_559] {strides = array<i32>} : memref<4096xf32, #tpu.memory_space<vmem>>, vector<16xf32>,
      %reduce_sum3A_561 = arith.constant true
      %reduce_sum3A_562 = vector.broadcast %reduce_sum3A_561 : i1 to vector<16xi1>
      %reduce_sum3A_563 = tpu.scan <sum>, %get3A_560 masked %reduce_sum3A_562 : vector<16xf32>, vector<16xi1> -> vector<16xf32>
      %reduce_sum3A_564 = vector.extract %reduce_sum3A_563[15] : f32 from vector<16xf32>
      %add3A_565 = arith.addf %while3A_552, %reduce_sum3A_564 : f32
      %gt3A_566 = arith.cmpf ogt, %add3A_565, %mul3A_30 : f32
      %add3A_567 = arith.constant 1 : i32
      %add3A_568 = arith.addi %while3A_551, %add3A_567 : i32
      %select_n3A_569 = arith.select %gt3A_566, %while3A_551, %add3A_568 : i32
      %add3A_570 = arith.addf %while3A_552, %reduce_sum3A_564 : f32
      %select_n3A_571 = arith.select %gt3A_566, %while3A_552, %add3A_570 : f32
      scf.yield %select_n3A_569, %select_n3A_571, %gt3A_566 : i32, f32, i1
    }
    %sub3A_42 = arith.constant 1 : i32
    %sub3A_43 = arith.subi %add3A_39, %sub3A_42 : i32
    %sub3A_44 = arith.constant 1 : i32
    %sub3A_45 = arith.subi %add3A_39, %sub3A_44 : i32
    %min3A_46 = arith.minsi %while3A_41#0, %sub3A_45 : i32
    %sub3A_47 = arith.subi %sub3A_43, %min3A_46 : i32
    %mul3A_48 = arith.constant 16 : i32
    %mul3A_49 = arith.muli %sub3A_47, %mul3A_48 : i32
    %get3A = arith.index_cast %mul3A_49 : i32 to index
    %get3A_50 = tpu.vector_load %arg8[%get3A] {strides = array<i32>} : memref<4096xf32, #tpu.memory_space<vmem>>, vector<16xf32>,
    %rev3A = arith.constant 15 : i32
    %rev3A_51 = vector.broadcast %rev3A : i32 to vector<16xi32>
    %rev3A_52 = tpu.iota {dimensions = array<i32: 0>} : vector<16xi32>
    %rev3A_53 = arith.subi %rev3A_51, %rev3A_52 : vector<16xi32>
    %rev3A_54 = tpu.dynamic_gather %get3A_50[%rev3A_53] in [0] : vector<16xf32>, vector<16xi32> -> vector<16xf32>
    %broadcast_in_dim3A_55 = arith.constant true
    %broadcast_in_dim3A_56 = vector.broadcast %broadcast_in_dim3A_55 : i1 to vector<16xi1>
    %masked_cumsum3A = tpu.scan <sum>, %rev3A_54 masked %broadcast_in_dim3A_56 : vector<16xf32>, vector<16xi1> -> vector<16xf32>
    %add3A_57 = vector.broadcast %while3A_41#1 : f32 to vector<16xf32>
    %add3A_58 = arith.addf %add3A_57, %masked_cumsum3A : vector<16xf32>
    %gt3A = vector.broadcast %mul3A_30 : f32 to vector<16xf32>
    %gt3A_59 = arith.cmpf ogt, %add3A_58, %gt3A : vector<16xf32>
    %all_reduce_ffs3A = tpu.all_reduce %gt3A_59 {dim = 0 : i64, kind = #tpu.reduction_kind<find_first_set>} : vector<16xi1> -> vector<16xi32>
    %reduce_max3A = arith.constant true
    %reduce_max3A_60 = vector.broadcast %reduce_max3A : i1 to vector<16xi1>
    %reduce_max3A_61 = arith.constant -2147483648 : i32
    %reduce_max3A_62 = vector.broadcast %reduce_max3A_61 : i32 to vector<16xi32>
    %reduce_max3A_63 = arith.xori %all_reduce_ffs3A, %reduce_max3A_62 : vector<16xi32>
    %reduce_max3A_64 = tpu.scan <max>, %reduce_max3A_63 masked %reduce_max3A_60 : vector<16xi32>, vector<16xi1> -> vector<16xi32>
    %reduce_max3A_65 = arith.xori %reduce_max3A_64, %reduce_max3A_62 : vector<16xi32>
    %reduce_max3A_66 = vector.extract %reduce_max3A_65[15] : i32 from vector<16xi32>
    %iota3A = tpu.iota {dimensions = array<i32: 0>} : vector<16xi32>
    %eq3A = vector.broadcast %reduce_max3A_66 : i32 to vector<16xi32>
    %eq3A_67 = arith.cmpi eq, %iota3A, %eq3A : vector<16xi32>
    %sub3A_68 = arith.subf %add3A_58, %rev3A_54 : vector<16xf32>
    %jit3A_69 = arith.constant 0.000000e+00 : f32
    %broadcast_in_dim3A_70 = vector.broadcast %jit3A_69 : f32 to vector<16xf32>
    %select_n3A_71 = arith.select %eq3A_67, %sub3A_68, %broadcast_in_dim3A_70 : vector<16xi1>, vector<16xf32>
    %reduce_sum3A_72 = arith.constant true
    %reduce_sum3A_73 = vector.broadcast %reduce_sum3A_72 : i1 to vector<16xi1>
    %reduce_sum3A_74 = tpu.scan <sum>, %select_n3A_71 masked %reduce_sum3A_73 : vector<16xf32>, vector<16xi1> -> vector<16xf32>
    %reduce_sum3A_75 = vector.extract %reduce_sum3A_74[15] : f32 from vector<16xf32>
    %eq3A_76 = vector.broadcast %reduce_max3A_66 : i32 to vector<16xi32>
    %eq3A_77 = arith.cmpi eq, %iota3A, %eq3A_76 : vector<16xi32>
    %jit3A_78 = arith.constant 0.000000e+00 : f32
    %broadcast_in_dim3A_79 = vector.broadcast %jit3A_78 : f32 to vector<16xf32>
    %select_n3A_80 = arith.select %eq3A_77, %rev3A_54, %broadcast_in_dim3A_79 : vector<16xi1>, vector<16xf32>
    %reduce_sum3A_81 = arith.constant true
    %reduce_sum3A_82 = vector.broadcast %reduce_sum3A_81 : i1 to vector<16xi1>
    %reduce_sum3A_83 = tpu.scan <sum>, %select_n3A_80 masked %reduce_sum3A_82 : vector<16xf32>, vector<16xi1> -> vector<16xf32>
    %reduce_sum3A_84 = vector.extract %reduce_sum3A_83[15] : f32 from vector<16xf32>
    %mul3A_85 = arith.constant 16 : i32
    %mul3A_86 = arith.muli %sub3A_47, %mul3A_85 : i32
    %add3A_87 = arith.constant 15 : i32
    %add3A_88 = arith.addi %mul3A_86, %add3A_87 : i32
    %sub3A_89 = arith.subi %add3A_88, %reduce_max3A_66 : i32
    %not3A = arith.constant true
    %not3A_90 = arith.xori %while3A_41#2, %not3A : i1
    %broadcast_in_dim3A_91 = arith.constant 0.000000e+00 : f32
    %broadcast_in_dim3A_92 = vector.broadcast %broadcast_in_dim3A_91 : f32 to vector<16xf32>
    %scan3A_93 = arith.constant 0 : i32
    %scan3A_94 = arith.constant 0 : i32
    %scan3A_95 = arith.constant 32 : i32
    %scan3A_96 = arith.addi %scan3A_94, %scan3A_95 : i32
    %scan3A_97 = arith.constant 1 : i32
    %scan3A_98 = scf.for %scan3A_551 = %scan3A_94 to %scan3A_96 step %scan3A_97 iter_args(%scan3A_552 = %scan3A_93) -> (i32)  : i32 {
      %mul3A_553 = arith.constant 8 : i32
      %mul3A_554 = arith.muli %scan3A_551, %mul3A_553 : i32
      %mul3A_555 = arith.constant 16 : i32
      %mul3A_556 = arith.muli %mul3A_554, %mul3A_555 : i32
      %add3A_557 = arith.constant 0 : i32
      %add3A_558 = arith.addi %mul3A_556, %add3A_557 : i32
      %swap3A = arith.index_cast %add3A_558 : i32 to index
      %swap3A_559 = tpu.vector_load %arg8[%swap3A] {strides = array<i32>} : memref<4096xf32, #tpu.memory_space<vmem>>, vector<16xf32>,
      tpu.vector_store %arg8[%swap3A], %broadcast_in_dim3A_92 {strides = array<i32>} : memref<4096xf32, #tpu.memory_space<vmem>>, vector<16xf32>,
      %add3A_560 = arith.constant 16 : i32
      %add3A_561 = arith.addi %mul3A_556, %add3A_560 : i32
      %swap3A_562 = arith.index_cast %add3A_561 : i32 to index
      %swap3A_563 = tpu.vector_load %arg8[%swap3A_562] {strides = array<i32>} : memref<4096xf32, #tpu.memory_space<vmem>>, vector<16xf32>,
      tpu.vector_store %arg8[%swap3A_562], %broadcast_in_dim3A_92 {strides = array<i32>} : memref<4096xf32, #tpu.memory_space<vmem>>, vector<16xf32>,
      %add3A_564 = arith.constant 32 : i32
      %add3A_565 = arith.addi %mul3A_556, %add3A_564 : i32
      %swap3A_566 = arith.index_cast %add3A_565 : i32 to index
      %swap3A_567 = tpu.vector_load %arg8[%swap3A_566] {strides = array<i32>} : memref<4096xf32, #tpu.memory_space<vmem>>, vector<16xf32>,
      tpu.vector_store %arg8[%swap3A_566], %broadcast_in_dim3A_92 {strides = array<i32>} : memref<4096xf32, #tpu.memory_space<vmem>>, vector<16xf32>,
      %add3A_568 = arith.constant 48 : i32
      %add3A_569 = arith.addi %mul3A_556, %add3A_568 : i32
      %swap3A_570 = arith.index_cast %add3A_569 : i32 to index
      %swap3A_571 = tpu.vector_load %arg8[%swap3A_570] {strides = array<i32>} : memref<4096xf32, #tpu.memory_space<vmem>>, vector<16xf32>,
      tpu.vector_store %arg8[%swap3A_570], %broadcast_in_dim3A_92 {strides = array<i32>} : memref<4096xf32, #tpu.memory_space<vmem>>, vector<16xf32>,
      %add3A_572 = arith.constant 64 : i32
      %add3A_573 = arith.addi %mul3A_556, %add3A_572 : i32
      %swap3A_574 = arith.index_cast %add3A_573 : i32 to index
      %swap3A_575 = tpu.vector_load %arg8[%swap3A_574] {strides = array<i32>} : memref<4096xf32, #tpu.memory_space<vmem>>, vector<16xf32>,
      tpu.vector_store %arg8[%swap3A_574], %broadcast_in_dim3A_92 {strides = array<i32>} : memref<4096xf32, #tpu.memory_space<vmem>>, vector<16xf32>,
      %add3A_576 = arith.constant 80 : i32
      %add3A_577 = arith.addi %mul3A_556, %add3A_576 : i32
      %swap3A_578 = arith.index_cast %add3A_577 : i32 to index
      %swap3A_579 = tpu.vector_load %arg8[%swap3A_578] {strides = array<i32>} : memref<4096xf32, #tpu.memory_space<vmem>>, vector<16xf32>,
      tpu.vector_store %arg8[%swap3A_578], %broadcast_in_dim3A_92 {strides = array<i32>} : memref<4096xf32, #tpu.memory_space<vmem>>, vector<16xf32>,
      %add3A_580 = arith.constant 96 : i32
      %add3A_581 = arith.addi %mul3A_556, %add3A_580 : i32
      %swap3A_582 = arith.index_cast %add3A_581 : i32 to index
      %swap3A_583 = tpu.vector_load %arg8[%swap3A_582] {strides = array<i32>} : memref<4096xf32, #tpu.memory_space<vmem>>, vector<16xf32>,
      tpu.vector_store %arg8[%swap3A_582], %broadcast_in_dim3A_92 {strides = array<i32>} : memref<4096xf32, #tpu.memory_space<vmem>>, vector<16xf32>,
      %add3A_584 = arith.constant 112 : i32
      %add3A_585 = arith.addi %mul3A_556, %add3A_584 : i32
      %swap3A_586 = arith.index_cast %add3A_585 : i32 to index
      %swap3A_587 = tpu.vector_load %arg8[%swap3A_586] {strides = array<i32>} : memref<4096xf32, #tpu.memory_space<vmem>>, vector<16xf32>,
      tpu.vector_store %arg8[%swap3A_586], %broadcast_in_dim3A_92 {strides = array<i32>} : memref<4096xf32, #tpu.memory_space<vmem>>, vector<16xf32>,
      %scan3A_588 = arith.constant 0 : i32
      scf.yield %scan3A_588 : i32
    }
    %scan3A_99 = arith.constant 32 : i32
    %scan3A_100 = arith.constant 0 : i32
    %scan3A_101 = arith.constant 0 : i32
    %scan3A_102 = arith.constant 256 : i32
    %scan3A_103 = arith.addi %scan3A_101, %scan3A_102 : i32
    %scan3A_104 = arith.constant 1 : i32
    %scan3A_105 = scf.for %scan3A_551 = %scan3A_101 to %scan3A_103 step %scan3A_104 iter_args(%scan3A_552 = %scan3A_100) -> (i32)  : i32 {
      %mul3A_553 = arith.constant 8 : i32
      %mul3A_554 = arith.muli %scan3A_551, %mul3A_553 : i32
      %mul3A_555 = arith.constant 16 : i32
      %mul3A_556 = arith.muli %mul3A_554, %mul3A_555 : i32
      %add3A_557 = arith.constant 0 : i32
      %add3A_558 = arith.addi %mul3A_556, %add3A_557 : i32
      %get3A_559 = arith.index_cast %add3A_558 : i32 to index
      %get3A_560 = tpu.vector_load %arg5[%get3A_559] {strides = array<i32>} : memref<32768xf32, #tpu.memory_space<vmem>>, vector<16xf32>,
      %add3A_561 = arith.constant 16 : i32
      %add3A_562 = arith.addi %mul3A_556, %add3A_561 : i32
      %get3A_563 = arith.index_cast %add3A_562 : i32 to index
      %get3A_564 = tpu.vector_load %arg5[%get3A_563] {strides = array<i32>} : memref<32768xf32, #tpu.memory_space<vmem>>, vector<16xf32>,
      %add3A_565 = arith.constant 32 : i32
      %add3A_566 = arith.addi %mul3A_556, %add3A_565 : i32
      %get3A_567 = arith.index_cast %add3A_566 : i32 to index
      %get3A_568 = tpu.vector_load %arg5[%get3A_567] {strides = array<i32>} : memref<32768xf32, #tpu.memory_space<vmem>>, vector<16xf32>,
      %add3A_569 = arith.constant 48 : i32
      %add3A_570 = arith.addi %mul3A_556, %add3A_569 : i32
      %get3A_571 = arith.index_cast %add3A_570 : i32 to index
      %get3A_572 = tpu.vector_load %arg5[%get3A_571] {strides = array<i32>} : memref<32768xf32, #tpu.memory_space<vmem>>, vector<16xf32>,
      %add3A_573 = arith.constant 64 : i32
      %add3A_574 = arith.addi %mul3A_556, %add3A_573 : i32
      %get3A_575 = arith.index_cast %add3A_574 : i32 to index
      %get3A_576 = tpu.vector_load %arg5[%get3A_575] {strides = array<i32>} : memref<32768xf32, #tpu.memory_space<vmem>>, vector<16xf32>,
      %add3A_577 = arith.constant 80 : i32
      %add3A_578 = arith.addi %mul3A_556, %add3A_577 : i32
      %get3A_579 = arith.index_cast %add3A_578 : i32 to index
      %get3A_580 = tpu.vector_load %arg5[%get3A_579] {strides = array<i32>} : memref<32768xf32, #tpu.memory_space<vmem>>, vector<16xf32>,
      %add3A_581 = arith.constant 96 : i32
      %add3A_582 = arith.addi %mul3A_556, %add3A_581 : i32
      %get3A_583 = arith.index_cast %add3A_582 : i32 to index
      %get3A_584 = tpu.vector_load %arg5[%get3A_583] {strides = array<i32>} : memref<32768xf32, #tpu.memory_space<vmem>>, vector<16xf32>,
      %add3A_585 = arith.constant 112 : i32
      %add3A_586 = arith.addi %mul3A_556, %add3A_585 : i32
      %get3A_587 = arith.index_cast %add3A_586 : i32 to index
      %get3A_588 = tpu.vector_load %arg5[%get3A_587] {strides = array<i32>} : memref<32768xf32, #tpu.memory_space<vmem>>, vector<16xf32>,
      %bitcast3A_589 = vector.bitcast %get3A_560 : vector<16xf32> to vector<16xi32>
      %bitcast3A_590 = vector.bitcast %get3A_564 : vector<16xf32> to vector<16xi32>
      %bitcast3A_591 = vector.bitcast %get3A_568 : vector<16xf32> to vector<16xi32>
      %bitcast3A_592 = vector.bitcast %get3A_572 : vector<16xf32> to vector<16xi32>
      %bitcast3A_593 = vector.bitcast %get3A_576 : vector<16xf32> to vector<16xi32>
      %bitcast3A_594 = vector.bitcast %get3A_580 : vector<16xf32> to vector<16xi32>
      %bitcast3A_595 = vector.bitcast %get3A_584 : vector<16xf32> to vector<16xi32>
      %bitcast3A_596 = vector.bitcast %get3A_588 : vector<16xf32> to vector<16xi32>
      %shift_right_logical3A = arith.constant 18 : i32
      %shift_right_logical3A_597 = vector.broadcast %shift_right_logical3A : i32 to vector<16xi32>
      %shift_right_logical3A_598 = arith.shrui %bitcast3A_589, %shift_right_logical3A_597 : vector<16xi32>
      %eq3A_599 = vector.broadcast %sub3A_89 : i32 to vector<16xi32>
      %eq3A_600 = arith.cmpi eq, %shift_right_logical3A_598, %eq3A_599 : vector<16xi32>
      %shift_right_logical3A_601 = arith.constant 18 : i32
      %shift_right_logical3A_602 = vector.broadcast %shift_right_logical3A_601 : i32 to vector<16xi32>
      %shift_right_logical3A_603 = arith.shrui %bitcast3A_590, %shift_right_logical3A_602 : vector<16xi32>
      %eq3A_604 = vector.broadcast %sub3A_89 : i32 to vector<16xi32>
      %eq3A_605 = arith.cmpi eq, %shift_right_logical3A_603, %eq3A_604 : vector<16xi32>
      %shift_right_logical3A_606 = arith.constant 18 : i32
      %shift_right_logical3A_607 = vector.broadcast %shift_right_logical3A_606 : i32 to vector<16xi32>
      %shift_right_logical3A_608 = arith.shrui %bitcast3A_591, %shift_right_logical3A_607 : vector<16xi32>
      %eq3A_609 = vector.broadcast %sub3A_89 : i32 to vector<16xi32>
      %eq3A_610 = arith.cmpi eq, %shift_right_logical3A_608, %eq3A_609 : vector<16xi32>
      %shift_right_logical3A_611 = arith.constant 18 : i32
      %shift_right_logical3A_612 = vector.broadcast %shift_right_logical3A_611 : i32 to vector<16xi32>
      %shift_right_logical3A_613 = arith.shrui %bitcast3A_592, %shift_right_logical3A_612 : vector<16xi32>
      %eq3A_614 = vector.broadcast %sub3A_89 : i32 to vector<16xi32>
      %eq3A_615 = arith.cmpi eq, %shift_right_logical3A_613, %eq3A_614 : vector<16xi32>
      %shift_right_logical3A_616 = arith.constant 18 : i32
      %shift_right_logical3A_617 = vector.broadcast %shift_right_logical3A_616 : i32 to vector<16xi32>
      %shift_right_logical3A_618 = arith.shrui %bitcast3A_593, %shift_right_logical3A_617 : vector<16xi32>
      %eq3A_619 = vector.broadcast %sub3A_89 : i32 to vector<16xi32>
      %eq3A_620 = arith.cmpi eq, %shift_right_logical3A_618, %eq3A_619 : vector<16xi32>
      %shift_right_logical3A_621 = arith.constant 18 : i32
      %shift_right_logical3A_622 = vector.broadcast %shift_right_logical3A_621 : i32 to vector<16xi32>
      %shift_right_logical3A_623 = arith.shrui %bitcast3A_594, %shift_right_logical3A_622 : vector<16xi32>
      %eq3A_624 = vector.broadcast %sub3A_89 : i32 to vector<16xi32>
      %eq3A_625 = arith.cmpi eq, %shift_right_logical3A_623, %eq3A_624 : vector<16xi32>
      %shift_right_logical3A_626 = arith.constant 18 : i32
      %shift_right_logical3A_627 = vector.broadcast %shift_right_logical3A_626 : i32 to vector<16xi32>
      %shift_right_logical3A_628 = arith.shrui %bitcast3A_595, %shift_right_logical3A_627 : vector<16xi32>
      %eq3A_629 = vector.broadcast %sub3A_89 : i32 to vector<16xi32>
      %eq3A_630 = arith.cmpi eq, %shift_right_logical3A_628, %eq3A_629 : vector<16xi32>
      %shift_right_logical3A_631 = arith.constant 18 : i32
      %shift_right_logical3A_632 = vector.broadcast %shift_right_logical3A_631 : i32 to vector<16xi32>
      %shift_right_logical3A_633 = arith.shrui %bitcast3A_596, %shift_right_logical3A_632 : vector<16xi32>
      %eq3A_634 = vector.broadcast %sub3A_89 : i32 to vector<16xi32>
      %eq3A_635 = arith.cmpi eq, %shift_right_logical3A_633, %eq3A_634 : vector<16xi32>
      %shift_right_logical3A_636 = arith.constant 6 : i32
      %shift_right_logical3A_637 = vector.broadcast %shift_right_logical3A_636 : i32 to vector<16xi32>
      %shift_right_logical3A_638 = arith.shrui %bitcast3A_589, %shift_right_logical3A_637 : vector<16xi32>
      %and3A_639 = arith.constant 4095 : i32
      %and3A_640 = vector.broadcast %and3A_639 : i32 to vector<16xi32>
      %and3A_641 = arith.andi %shift_right_logical3A_638, %and3A_640 : vector<16xi32>
      %shift_right_logical3A_642 = arith.constant 6 : i32
      %shift_right_logical3A_643 = vector.broadcast %shift_right_logical3A_642 : i32 to vector<16xi32>
      %shift_right_logical3A_644 = arith.shrui %bitcast3A_590, %shift_right_logical3A_643 : vector<16xi32>
      %and3A_645 = arith.constant 4095 : i32
      %and3A_646 = vector.broadcast %and3A_645 : i32 to vector<16xi32>
      %and3A_647 = arith.andi %shift_right_logical3A_644, %and3A_646 : vector<16xi32>
      %shift_right_logical3A_648 = arith.constant 6 : i32
      %shift_right_logical3A_649 = vector.broadcast %shift_right_logical3A_648 : i32 to vector<16xi32>
      %shift_right_logical3A_650 = arith.shrui %bitcast3A_591, %shift_right_logical3A_649 : vector<16xi32>
      %and3A_651 = arith.constant 4095 : i32
      %and3A_652 = vector.broadcast %and3A_651 : i32 to vector<16xi32>
      %and3A_653 = arith.andi %shift_right_logical3A_650, %and3A_652 : vector<16xi32>
      %shift_right_logical3A_654 = arith.constant 6 : i32
      %shift_right_logical3A_655 = vector.broadcast %shift_right_logical3A_654 : i32 to vector<16xi32>
      %shift_right_logical3A_656 = arith.shrui %bitcast3A_592, %shift_right_logical3A_655 : vector<16xi32>
      %and3A_657 = arith.constant 4095 : i32
      %and3A_658 = vector.broadcast %and3A_657 : i32 to vector<16xi32>
      %and3A_659 = arith.andi %shift_right_logical3A_656, %and3A_658 : vector<16xi32>
      %shift_right_logical3A_660 = arith.constant 6 : i32
      %shift_right_logical3A_661 = vector.broadcast %shift_right_logical3A_660 : i32 to vector<16xi32>
      %shift_right_logical3A_662 = arith.shrui %bitcast3A_593, %shift_right_logical3A_661 : vector<16xi32>
      %and3A_663 = arith.constant 4095 : i32
      %and3A_664 = vector.broadcast %and3A_663 : i32 to vector<16xi32>
      %and3A_665 = arith.andi %shift_right_logical3A_662, %and3A_664 : vector<16xi32>
      %shift_right_logical3A_666 = arith.constant 6 : i32
      %shift_right_logical3A_667 = vector.broadcast %shift_right_logical3A_666 : i32 to vector<16xi32>
      %shift_right_logical3A_668 = arith.shrui %bitcast3A_594, %shift_right_logical3A_667 : vector<16xi32>
      %and3A_669 = arith.constant 4095 : i32
      %and3A_670 = vector.broadcast %and3A_669 : i32 to vector<16xi32>
      %and3A_671 = arith.andi %shift_right_logical3A_668, %and3A_670 : vector<16xi32>
      %shift_right_logical3A_672 = arith.constant 6 : i32
      %shift_right_logical3A_673 = vector.broadcast %shift_right_logical3A_672 : i32 to vector<16xi32>
      %shift_right_logical3A_674 = arith.shrui %bitcast3A_595, %shift_right_logical3A_673 : vector<16xi32>
      %and3A_675 = arith.constant 4095 : i32
      %and3A_676 = vector.broadcast %and3A_675 : i32 to vector<16xi32>
      %and3A_677 = arith.andi %shift_right_logical3A_674, %and3A_676 : vector<16xi32>
      %shift_right_logical3A_678 = arith.constant 6 : i32
      %shift_right_logical3A_679 = vector.broadcast %shift_right_logical3A_678 : i32 to vector<16xi32>
      %shift_right_logical3A_680 = arith.shrui %bitcast3A_596, %shift_right_logical3A_679 : vector<16xi32>
      %and3A_681 = arith.constant 4095 : i32
      %and3A_682 = vector.broadcast %and3A_681 : i32 to vector<16xi32>
      %and3A_683 = arith.andi %shift_right_logical3A_680, %and3A_682 : vector<16xi32>
      tpu.vector_store_idx %arg8[%and3A_641], %get3A_560 masked %eq3A_600 {add = true} : memref<4096xf32, #tpu.memory_space<vmem>>[vector<16xi32>], vector<16xf32>, vector<16xi1>
      tpu.vector_store_idx %arg8[%and3A_647], %get3A_564 masked %eq3A_605 {add = true} : memref<4096xf32, #tpu.memory_space<vmem>>[vector<16xi32>], vector<16xf32>, vector<16xi1>
      tpu.vector_store_idx %arg8[%and3A_653], %get3A_568 masked %eq3A_610 {add = true} : memref<4096xf32, #tpu.memory_space<vmem>>[vector<16xi32>], vector<16xf32>, vector<16xi1>
      tpu.vector_store_idx %arg8[%and3A_659], %get3A_572 masked %eq3A_615 {add = true} : memref<4096xf32, #tpu.memory_space<vmem>>[vector<16xi32>], vector<16xf32>, vector<16xi1>
      tpu.vector_store_idx %arg8[%and3A_665], %get3A_576 masked %eq3A_620 {add = true} : memref<4096xf32, #tpu.memory_space<vmem>>[vector<16xi32>], vector<16xf32>, vector<16xi1>
      tpu.vector_store_idx %arg8[%and3A_671], %get3A_580 masked %eq3A_625 {add = true} : memref<4096xf32, #tpu.memory_space<vmem>>[vector<16xi32>], vector<16xf32>, vector<16xi1>
      tpu.vector_store_idx %arg8[%and3A_677], %get3A_584 masked %eq3A_630 {add = true} : memref<4096xf32, #tpu.memory_space<vmem>>[vector<16xi32>], vector<16xf32>, vector<16xi1>
      tpu.vector_store_idx %arg8[%and3A_683], %get3A_588 masked %eq3A_635 {add = true} : memref<4096xf32, #tpu.memory_space<vmem>>[vector<16xi32>], vector<16xf32>, vector<16xi1>
      %scan3A_684 = arith.constant 0 : i32
      scf.yield %scan3A_684 : i32
    }
    %scan3A_106 = arith.constant 256 : i32
    %while3A_107 = arith.constant 0 : i32
    %while3A_108 = arith.constant false
    %while3A_109:3 = scf.while (%while3A_551 = %while3A_107, %while3A_552 = %reduce_sum3A_75, %while3A_553 = %while3A_108) : (i32, f32, i1) -> (i32, f32, i1) {
      %lt3A_554 = arith.constant 32 : i32
      %lt3A_555 = arith.cmpi slt, %while3A_551, %lt3A_554 : i32
      %not3A_556 = arith.constant true
      %not3A_557 = arith.xori %while3A_553, %not3A_556 : i1
      %and3A_558 = arith.andi %lt3A_555, %not3A_557 : i1
      scf.condition(%and3A_558) %while3A_551, %while3A_552, %while3A_553 : i32, f32, i1
    } do {
    ^bb0(%while3A_551: i32, %while3A_552: f32, %while3A_553: i1):
      %sub3A_554 = arith.constant 31 : i32
      %sub3A_555 = arith.subi %sub3A_554, %while3A_551 : i32
      %mul3A_556 = arith.constant 8 : i32
      %mul3A_557 = arith.muli %sub3A_555, %mul3A_556 : i32
      %mul3A_558 = arith.constant 16 : i32
      %mul3A_559 = arith.muli %mul3A_557, %mul3A_558 : i32
      %get3A_560 = arith.index_cast %mul3A_559 : i32 to index
      %get3A_561 = tpu.vector_load %arg8[%get3A_560] {strides = array<i32>} : memref<4096xf32, #tpu.memory_space<vmem>>, vector<16xf32>,
      %add3A_562 = arith.constant 16 : i32
      %add3A_563 = arith.addi %mul3A_559, %add3A_562 : i32
      %get3A_564 = arith.index_cast %add3A_563 : i32 to index
      %get3A_565 = tpu.vector_load %arg8[%get3A_564] {strides = array<i32>} : memref<4096xf32, #tpu.memory_space<vmem>>, vector<16xf32>,
      %add3A_566 = arith.addf %get3A_561, %get3A_565 : vector<16xf32>
      %add3A_567 = arith.constant 32 : i32
      %add3A_568 = arith.addi %mul3A_559, %add3A_567 : i32
      %get3A_569 = arith.index_cast %add3A_568 : i32 to index
      %get3A_570 = tpu.vector_load %arg8[%get3A_569] {strides = array<i32>} : memref<4096xf32, #tpu.memory_space<vmem>>, vector<16xf32>,
      %add3A_571 = arith.addf %add3A_566, %get3A_570 : vector<16xf32>
      %add3A_572 = arith.constant 48 : i32
      %add3A_573 = arith.addi %mul3A_559, %add3A_572 : i32
      %get3A_574 = arith.index_cast %add3A_573 : i32 to index
      %get3A_575 = tpu.vector_load %arg8[%get3A_574] {strides = array<i32>} : memref<4096xf32, #tpu.memory_space<vmem>>, vector<16xf32>,
      %add3A_576 = arith.addf %add3A_571, %get3A_575 : vector<16xf32>
      %add3A_577 = arith.constant 64 : i32
      %add3A_578 = arith.addi %mul3A_559, %add3A_577 : i32
      %get3A_579 = arith.index_cast %add3A_578 : i32 to index
      %get3A_580 = tpu.vector_load %arg8[%get3A_579] {strides = array<i32>} : memref<4096xf32, #tpu.memory_space<vmem>>, vector<16xf32>,
      %add3A_581 = arith.addf %add3A_576, %get3A_580 : vector<16xf32>
      %add3A_582 = arith.constant 80 : i32
      %add3A_583 = arith.addi %mul3A_559, %add3A_582 : i32
      %get3A_584 = arith.index_cast %add3A_583 : i32 to index
      %get3A_585 = tpu.vector_load %arg8[%get3A_584] {strides = array<i32>} : memref<4096xf32, #tpu.memory_space<vmem>>, vector<16xf32>,
      %add3A_586 = arith.addf %add3A_581, %get3A_585 : vector<16xf32>
      %add3A_587 = arith.constant 96 : i32
      %add3A_588 = arith.addi %mul3A_559, %add3A_587 : i32
      %get3A_589 = arith.index_cast %add3A_588 : i32 to index
      %get3A_590 = tpu.vector_load %arg8[%get3A_589] {strides = array<i32>} : memref<4096xf32, #tpu.memory_space<vmem>>, vector<16xf32>,
      %add3A_591 = arith.addf %add3A_586, %get3A_590 : vector<16xf32>
      %add3A_592 = arith.constant 112 : i32
      %add3A_593 = arith.addi %mul3A_559, %add3A_592 : i32
      %get3A_594 = arith.index_cast %add3A_593 : i32 to index
      %get3A_595 = tpu.vector_load %arg8[%get3A_594] {strides = array<i32>} : memref<4096xf32, #tpu.memory_space<vmem>>, vector<16xf32>,
      %add3A_596 = arith.addf %add3A_591, %get3A_595 : vector<16xf32>
      %reduce_sum3A_597 = arith.constant true
      %reduce_sum3A_598 = vector.broadcast %reduce_sum3A_597 : i1 to vector<16xi1>
      %reduce_sum3A_599 = tpu.scan <sum>, %add3A_596 masked %reduce_sum3A_598 : vector<16xf32>, vector<16xi1> -> vector<16xf32>
      %reduce_sum3A_600 = vector.extract %reduce_sum3A_599[15] : f32 from vector<16xf32>
      %add3A_601 = arith.addf %while3A_552, %reduce_sum3A_600 : f32
      %gt3A_602 = arith.cmpf ogt, %add3A_601, %mul3A_30 : f32
      %add3A_603 = arith.constant 1 : i32
      %add3A_604 = arith.addi %while3A_551, %add3A_603 : i32
      %select_n3A_605 = arith.select %gt3A_602, %while3A_551, %add3A_604 : i32
      %add3A_606 = arith.addf %while3A_552, %reduce_sum3A_600 : f32
      %select_n3A_607 = arith.select %gt3A_602, %while3A_552, %add3A_606 : f32
      scf.yield %select_n3A_605, %select_n3A_607, %gt3A_602 : i32, f32, i1
    }
    %min3A_110 = arith.constant 31 : i32
    %min3A_111 = arith.minsi %while3A_109#0, %min3A_110 : i32
    %sub3A_112 = arith.constant 31 : i32
    %sub3A_113 = arith.subi %sub3A_112, %min3A_111 : i32
    %mul3A_114 = arith.constant 8 : i32
    %mul3A_115 = arith.muli %sub3A_113, %mul3A_114 : i32
    %add3A_116 = arith.constant 8 : i32
    %add3A_117 = arith.addi %mul3A_115, %add3A_116 : i32
    %jit3A_118 = arith.constant 0 : i32
    %select_n3A_119 = arith.select %while3A_109#2, %jit3A_118, %add3A_117 : i32
    %while3A_120 = arith.constant false
    %while3A_121:3 = scf.while (%while3A_551 = %select_n3A_119, %while3A_552 = %while3A_109#1, %while3A_553 = %while3A_120) : (i32, f32, i1) -> (i32, f32, i1) {
      %lt3A_554 = arith.cmpi slt, %while3A_551, %add3A_117 : i32
      %not3A_555 = arith.constant true
      %not3A_556 = arith.xori %while3A_553, %not3A_555 : i1
      %and3A_557 = arith.andi %lt3A_554, %not3A_556 : i1
      scf.condition(%and3A_557) %while3A_551, %while3A_552, %while3A_553 : i32, f32, i1
    } do {
    ^bb0(%while3A_551: i32, %while3A_552: f32, %while3A_553: i1):
      %sub3A_554 = arith.constant 1 : i32
      %sub3A_555 = arith.subi %add3A_117, %sub3A_554 : i32
      %sub3A_556 = arith.subi %sub3A_555, %while3A_551 : i32
      %mul3A_557 = arith.constant 16 : i32
      %mul3A_558 = arith.muli %sub3A_556, %mul3A_557 : i32
      %get3A_559 = arith.index_cast %mul3A_558 : i32 to index
      %get3A_560 = tpu.vector_load %arg8[%get3A_559] {strides = array<i32>} : memref<4096xf32, #tpu.memory_space<vmem>>, vector<16xf32>,
      %reduce_sum3A_561 = arith.constant true
      %reduce_sum3A_562 = vector.broadcast %reduce_sum3A_561 : i1 to vector<16xi1>
      %reduce_sum3A_563 = tpu.scan <sum>, %get3A_560 masked %reduce_sum3A_562 : vector<16xf32>, vector<16xi1> -> vector<16xf32>
      %reduce_sum3A_564 = vector.extract %reduce_sum3A_563[15] : f32 from vector<16xf32>
      %add3A_565 = arith.addf %while3A_552, %reduce_sum3A_564 : f32
      %gt3A_566 = arith.cmpf ogt, %add3A_565, %mul3A_30 : f32
      %add3A_567 = arith.constant 1 : i32
      %add3A_568 = arith.addi %while3A_551, %add3A_567 : i32
      %select_n3A_569 = arith.select %gt3A_566, %while3A_551, %add3A_568 : i32
      %add3A_570 = arith.addf %while3A_552, %reduce_sum3A_564 : f32
      %select_n3A_571 = arith.select %gt3A_566, %while3A_552, %add3A_570 : f32
      scf.yield %select_n3A_569, %select_n3A_571, %gt3A_566 : i32, f32, i1
    }
    %sub3A_122 = arith.constant 1 : i32
    %sub3A_123 = arith.subi %add3A_117, %sub3A_122 : i32
    %sub3A_124 = arith.constant 1 : i32
    %sub3A_125 = arith.subi %add3A_117, %sub3A_124 : i32
    %min3A_126 = arith.minsi %while3A_121#0, %sub3A_125 : i32
    %sub3A_127 = arith.subi %sub3A_123, %min3A_126 : i32
    %mul3A_128 = arith.constant 16 : i32
    %mul3A_129 = arith.muli %sub3A_127, %mul3A_128 : i32
    %get3A_130 = arith.index_cast %mul3A_129 : i32 to index
    %get3A_131 = tpu.vector_load %arg8[%get3A_130] {strides = array<i32>} : memref<4096xf32, #tpu.memory_space<vmem>>, vector<16xf32>,
    %rev3A_132 = arith.constant 15 : i32
    %rev3A_133 = vector.broadcast %rev3A_132 : i32 to vector<16xi32>
    %rev3A_134 = tpu.iota {dimensions = array<i32: 0>} : vector<16xi32>
    %rev3A_135 = arith.subi %rev3A_133, %rev3A_134 : vector<16xi32>
    %rev3A_136 = tpu.dynamic_gather %get3A_131[%rev3A_135] in [0] : vector<16xf32>, vector<16xi32> -> vector<16xf32>
    %broadcast_in_dim3A_137 = arith.constant true
    %broadcast_in_dim3A_138 = vector.broadcast %broadcast_in_dim3A_137 : i1 to vector<16xi1>
    %masked_cumsum3A_139 = tpu.scan <sum>, %rev3A_136 masked %broadcast_in_dim3A_138 : vector<16xf32>, vector<16xi1> -> vector<16xf32>
    %add3A_140 = vector.broadcast %while3A_121#1 : f32 to vector<16xf32>
    %add3A_141 = arith.addf %add3A_140, %masked_cumsum3A_139 : vector<16xf32>
    %gt3A_142 = vector.broadcast %mul3A_30 : f32 to vector<16xf32>
    %gt3A_143 = arith.cmpf ogt, %add3A_141, %gt3A_142 : vector<16xf32>
    %all_reduce_ffs3A_144 = tpu.all_reduce %gt3A_143 {dim = 0 : i64, kind = #tpu.reduction_kind<find_first_set>} : vector<16xi1> -> vector<16xi32>
    %reduce_max3A_145 = arith.constant true
    %reduce_max3A_146 = vector.broadcast %reduce_max3A_145 : i1 to vector<16xi1>
    %reduce_max3A_147 = arith.constant -2147483648 : i32
    %reduce_max3A_148 = vector.broadcast %reduce_max3A_147 : i32 to vector<16xi32>
    %reduce_max3A_149 = arith.xori %all_reduce_ffs3A_144, %reduce_max3A_148 : vector<16xi32>
    %reduce_max3A_150 = tpu.scan <max>, %reduce_max3A_149 masked %reduce_max3A_146 : vector<16xi32>, vector<16xi1> -> vector<16xi32>
    %reduce_max3A_151 = arith.xori %reduce_max3A_150, %reduce_max3A_148 : vector<16xi32>
    %reduce_max3A_152 = vector.extract %reduce_max3A_151[15] : i32 from vector<16xi32>
    %iota3A_153 = tpu.iota {dimensions = array<i32: 0>} : vector<16xi32>
    %eq3A_154 = vector.broadcast %reduce_max3A_152 : i32 to vector<16xi32>
    %eq3A_155 = arith.cmpi eq, %iota3A_153, %eq3A_154 : vector<16xi32>
    %sub3A_156 = arith.subf %add3A_141, %rev3A_136 : vector<16xf32>
    %jit3A_157 = arith.constant 0.000000e+00 : f32
    %broadcast_in_dim3A_158 = vector.broadcast %jit3A_157 : f32 to vector<16xf32>
    %select_n3A_159 = arith.select %eq3A_155, %sub3A_156, %broadcast_in_dim3A_158 : vector<16xi1>, vector<16xf32>
    %reduce_sum3A_160 = arith.constant true
    %reduce_sum3A_161 = vector.broadcast %reduce_sum3A_160 : i1 to vector<16xi1>
    %reduce_sum3A_162 = tpu.scan <sum>, %select_n3A_159 masked %reduce_sum3A_161 : vector<16xf32>, vector<16xi1> -> vector<16xf32>
    %reduce_sum3A_163 = vector.extract %reduce_sum3A_162[15] : f32 from vector<16xf32>
    %eq3A_164 = vector.broadcast %reduce_max3A_152 : i32 to vector<16xi32>
    %eq3A_165 = arith.cmpi eq, %iota3A_153, %eq3A_164 : vector<16xi32>
    %jit3A_166 = arith.constant 0.000000e+00 : f32
    %broadcast_in_dim3A_167 = vector.broadcast %jit3A_166 : f32 to vector<16xf32>
    %select_n3A_168 = arith.select %eq3A_165, %rev3A_136, %broadcast_in_dim3A_167 : vector<16xi1>, vector<16xf32>
    %reduce_sum3A_169 = arith.constant true
    %reduce_sum3A_170 = vector.broadcast %reduce_sum3A_169 : i1 to vector<16xi1>
    %reduce_sum3A_171 = tpu.scan <sum>, %select_n3A_168 masked %reduce_sum3A_170 : vector<16xf32>, vector<16xi1> -> vector<16xf32>
    %reduce_sum3A_172 = vector.extract %reduce_sum3A_171[15] : f32 from vector<16xf32>
    %mul3A_173 = arith.constant 16 : i32
    %mul3A_174 = arith.muli %sub3A_127, %mul3A_173 : i32
    %add3A_175 = arith.constant 15 : i32
    %add3A_176 = arith.addi %mul3A_174, %add3A_175 : i32
    %sub3A_177 = arith.subi %add3A_176, %reduce_max3A_152 : i32
    %shift_left3A = arith.constant 12 : i32
    %shift_left3A_178 = arith.shli %sub3A_89, %shift_left3A : i32
    %or3A = arith.ori %shift_left3A_178, %sub3A_177 : i32
    %shift_left3A_179 = arith.constant 6 : i32
    %shift_left3A_180 = arith.shli %or3A, %shift_left3A_179 : i32
    %or3A_181 = arith.constant 32 : i32
    %or3A_182 = arith.ori %shift_left3A_180, %or3A_181 : i32
    %broadcast_in_dim3A_183 = vector.broadcast %or3A_182 : i32 to vector<16xi32>
    %bitcast3A = vector.bitcast %broadcast_in_dim3A_183 : vector<16xi32> to vector<16xf32>
    %broadcast_in_dim3A_184 = vector.broadcast %reduce_sum3A_172 : f32 to vector<16xf32>
    %max3A_185 = arith.constant 1.000000e-30 : f32
    %max3A_186 = vector.broadcast %max3A_185 : f32 to vector<16xf32>
    %max3A_187 = arith.maximumf %bitcast3A, %max3A_186 : vector<16xf32>
    %div3A = arith.divf %broadcast_in_dim3A_184, %max3A_187 : vector<16xf32>
    %add3A_188 = arith.constant 5.000000e-01 : f32
    %add3A_189 = vector.broadcast %add3A_188 : f32 to vector<16xf32>
    %add3A_190 = arith.addf %div3A, %add3A_189 : vector<16xf32>
    %convert_element_type3A = arith.fptosi %add3A_190 : vector<16xf32> to vector<16xi32>
    %reduce_max3A_191 = arith.constant true
    %reduce_max3A_192 = vector.broadcast %reduce_max3A_191 : i1 to vector<16xi1>
    %reduce_max3A_193 = arith.constant -2147483648 : i32
    %reduce_max3A_194 = vector.broadcast %reduce_max3A_193 : i32 to vector<16xi32>
    %reduce_max3A_195 = arith.xori %convert_element_type3A, %reduce_max3A_194 : vector<16xi32>
    %reduce_max3A_196 = tpu.scan <max>, %reduce_max3A_195 masked %reduce_max3A_192 : vector<16xi32>, vector<16xi1> -> vector<16xi32>
    %reduce_max3A_197 = arith.xori %reduce_max3A_196, %reduce_max3A_194 : vector<16xi32>
    %reduce_max3A_198 = vector.extract %reduce_max3A_197[15] : i32 from vector<16xi32>
    %gt3A_199 = arith.constant 1 : i32
    %gt3A_200 = arith.cmpi sgt, %reduce_max3A_198, %gt3A_199 : i32
    %convert_element_type3A_201 = arith.extui %gt3A_200 : i1 to i32
    %cond3A = arith.constant 0 : i32
    %cond3A_202 = arith.constant 0 : i32
    %cond3A_203 = arith.cmpi ne, %convert_element_type3A_201, %cond3A_202 : i32
    %cond3A_204:5 = scf.if %cond3A_203 -> (i32, i32, f32, vector<16xf32>, vector<16xi32>) {
      %broadcast_in_dim3A_551 = arith.constant 0.000000e+00 : f32
      %broadcast_in_dim3A_552 = vector.broadcast %broadcast_in_dim3A_551 : f32 to vector<16xf32>
      %swap3A = arith.constant 0 : index
      %swap3A_553 = tpu.vector_load %arg9[%swap3A] {strides = array<i32>} : memref<64xf32, #tpu.memory_space<vmem>>, vector<16xf32>,
      tpu.vector_store %arg9[%swap3A], %broadcast_in_dim3A_552 {strides = array<i32>} : memref<64xf32, #tpu.memory_space<vmem>>, vector<16xf32>,
      %swap3A_554 = arith.constant 16 : index
      %swap3A_555 = tpu.vector_load %arg9[%swap3A_554] {strides = array<i32>} : memref<64xf32, #tpu.memory_space<vmem>>, vector<16xf32>,
      tpu.vector_store %arg9[%swap3A_554], %broadcast_in_dim3A_552 {strides = array<i32>} : memref<64xf32, #tpu.memory_space<vmem>>, vector<16xf32>,
      %swap3A_556 = arith.constant 32 : index
      %swap3A_557 = tpu.vector_load %arg9[%swap3A_556] {strides = array<i32>} : memref<64xf32, #tpu.memory_space<vmem>>, vector<16xf32>,
      tpu.vector_store %arg9[%swap3A_556], %broadcast_in_dim3A_552 {strides = array<i32>} : memref<64xf32, #tpu.memory_space<vmem>>, vector<16xf32>,
      %swap3A_558 = arith.constant 48 : index
      %swap3A_559 = tpu.vector_load %arg9[%swap3A_558] {strides = array<i32>} : memref<64xf32, #tpu.memory_space<vmem>>, vector<16xf32>,
      tpu.vector_store %arg9[%swap3A_558], %broadcast_in_dim3A_552 {strides = array<i32>} : memref<64xf32, #tpu.memory_space<vmem>>, vector<16xf32>,
      %scan3A_560 = arith.constant 0 : i32
      %scan3A_561 = arith.constant 0 : i32
      %scan3A_562 = arith.constant 256 : i32
      %scan3A_563 = arith.addi %scan3A_561, %scan3A_562 : i32
      %scan3A_564 = arith.constant 1 : i32
      %scan3A_565 = scf.for %scan3A_646 = %scan3A_561 to %scan3A_563 step %scan3A_564 iter_args(%scan3A_647 = %scan3A_560) -> (i32)  : i32 {
        %mul3A_648 = arith.constant 8 : i32
        %mul3A_649 = arith.muli %scan3A_646, %mul3A_648 : i32
        %mul3A_650 = arith.constant 16 : i32
        %mul3A_651 = arith.muli %mul3A_649, %mul3A_650 : i32
        %add3A_652 = arith.constant 0 : i32
        %add3A_653 = arith.addi %mul3A_651, %add3A_652 : i32
        %get3A_654 = arith.index_cast %add3A_653 : i32 to index
        %get3A_655 = tpu.vector_load %arg5[%get3A_654] {strides = array<i32>} : memref<32768xf32, #tpu.memory_space<vmem>>, vector<16xf32>,
        %add3A_656 = arith.constant 16 : i32
        %add3A_657 = arith.addi %mul3A_651, %add3A_656 : i32
        %get3A_658 = arith.index_cast %add3A_657 : i32 to index
        %get3A_659 = tpu.vector_load %arg5[%get3A_658] {strides = array<i32>} : memref<32768xf32, #tpu.memory_space<vmem>>, vector<16xf32>,
        %add3A_660 = arith.constant 32 : i32
        %add3A_661 = arith.addi %mul3A_651, %add3A_660 : i32
        %get3A_662 = arith.index_cast %add3A_661 : i32 to index
        %get3A_663 = tpu.vector_load %arg5[%get3A_662] {strides = array<i32>} : memref<32768xf32, #tpu.memory_space<vmem>>, vector<16xf32>,
        %add3A_664 = arith.constant 48 : i32
        %add3A_665 = arith.addi %mul3A_651, %add3A_664 : i32
        %get3A_666 = arith.index_cast %add3A_665 : i32 to index
        %get3A_667 = tpu.vector_load %arg5[%get3A_666] {strides = array<i32>} : memref<32768xf32, #tpu.memory_space<vmem>>, vector<16xf32>,
        %add3A_668 = arith.constant 64 : i32
        %add3A_669 = arith.addi %mul3A_651, %add3A_668 : i32
        %get3A_670 = arith.index_cast %add3A_669 : i32 to index
        %get3A_671 = tpu.vector_load %arg5[%get3A_670] {strides = array<i32>} : memref<32768xf32, #tpu.memory_space<vmem>>, vector<16xf32>,
        %add3A_672 = arith.constant 80 : i32
        %add3A_673 = arith.addi %mul3A_651, %add3A_672 : i32
        %get3A_674 = arith.index_cast %add3A_673 : i32 to index
        %get3A_675 = tpu.vector_load %arg5[%get3A_674] {strides = array<i32>} : memref<32768xf32, #tpu.memory_space<vmem>>, vector<16xf32>,
        %add3A_676 = arith.constant 96 : i32
        %add3A_677 = arith.addi %mul3A_651, %add3A_676 : i32
        %get3A_678 = arith.index_cast %add3A_677 : i32 to index
        %get3A_679 = tpu.vector_load %arg5[%get3A_678] {strides = array<i32>} : memref<32768xf32, #tpu.memory_space<vmem>>, vector<16xf32>,
        %add3A_680 = arith.constant 112 : i32
        %add3A_681 = arith.addi %mul3A_651, %add3A_680 : i32
        %get3A_682 = arith.index_cast %add3A_681 : i32 to index
        %get3A_683 = tpu.vector_load %arg5[%get3A_682] {strides = array<i32>} : memref<32768xf32, #tpu.memory_space<vmem>>, vector<16xf32>,
        %bitcast3A_684 = vector.bitcast %get3A_655 : vector<16xf32> to vector<16xi32>
        %bitcast3A_685 = vector.bitcast %get3A_659 : vector<16xf32> to vector<16xi32>
        %bitcast3A_686 = vector.bitcast %get3A_663 : vector<16xf32> to vector<16xi32>
        %bitcast3A_687 = vector.bitcast %get3A_667 : vector<16xf32> to vector<16xi32>
        %bitcast3A_688 = vector.bitcast %get3A_671 : vector<16xf32> to vector<16xi32>
        %bitcast3A_689 = vector.bitcast %get3A_675 : vector<16xf32> to vector<16xi32>
        %bitcast3A_690 = vector.bitcast %get3A_679 : vector<16xf32> to vector<16xi32>
        %bitcast3A_691 = vector.bitcast %get3A_683 : vector<16xf32> to vector<16xi32>
        %shift_right_logical3A = arith.constant 6 : i32
        %shift_right_logical3A_692 = vector.broadcast %shift_right_logical3A : i32 to vector<16xi32>
        %shift_right_logical3A_693 = arith.shrui %bitcast3A_684, %shift_right_logical3A_692 : vector<16xi32>
        %eq3A_694 = vector.broadcast %or3A : i32 to vector<16xi32>
        %eq3A_695 = arith.cmpi eq, %shift_right_logical3A_693, %eq3A_694 : vector<16xi32>
        %shift_right_logical3A_696 = arith.constant 6 : i32
        %shift_right_logical3A_697 = vector.broadcast %shift_right_logical3A_696 : i32 to vector<16xi32>
        %shift_right_logical3A_698 = arith.shrui %bitcast3A_685, %shift_right_logical3A_697 : vector<16xi32>
        %eq3A_699 = vector.broadcast %or3A : i32 to vector<16xi32>
        %eq3A_700 = arith.cmpi eq, %shift_right_logical3A_698, %eq3A_699 : vector<16xi32>
        %shift_right_logical3A_701 = arith.constant 6 : i32
        %shift_right_logical3A_702 = vector.broadcast %shift_right_logical3A_701 : i32 to vector<16xi32>
        %shift_right_logical3A_703 = arith.shrui %bitcast3A_686, %shift_right_logical3A_702 : vector<16xi32>
        %eq3A_704 = vector.broadcast %or3A : i32 to vector<16xi32>
        %eq3A_705 = arith.cmpi eq, %shift_right_logical3A_703, %eq3A_704 : vector<16xi32>
        %shift_right_logical3A_706 = arith.constant 6 : i32
        %shift_right_logical3A_707 = vector.broadcast %shift_right_logical3A_706 : i32 to vector<16xi32>
        %shift_right_logical3A_708 = arith.shrui %bitcast3A_687, %shift_right_logical3A_707 : vector<16xi32>
        %eq3A_709 = vector.broadcast %or3A : i32 to vector<16xi32>
        %eq3A_710 = arith.cmpi eq, %shift_right_logical3A_708, %eq3A_709 : vector<16xi32>
        %shift_right_logical3A_711 = arith.constant 6 : i32
        %shift_right_logical3A_712 = vector.broadcast %shift_right_logical3A_711 : i32 to vector<16xi32>
        %shift_right_logical3A_713 = arith.shrui %bitcast3A_688, %shift_right_logical3A_712 : vector<16xi32>
        %eq3A_714 = vector.broadcast %or3A : i32 to vector<16xi32>
        %eq3A_715 = arith.cmpi eq, %shift_right_logical3A_713, %eq3A_714 : vector<16xi32>
        %shift_right_logical3A_716 = arith.constant 6 : i32
        %shift_right_logical3A_717 = vector.broadcast %shift_right_logical3A_716 : i32 to vector<16xi32>
        %shift_right_logical3A_718 = arith.shrui %bitcast3A_689, %shift_right_logical3A_717 : vector<16xi32>
        %eq3A_719 = vector.broadcast %or3A : i32 to vector<16xi32>
        %eq3A_720 = arith.cmpi eq, %shift_right_logical3A_718, %eq3A_719 : vector<16xi32>
        %shift_right_logical3A_721 = arith.constant 6 : i32
        %shift_right_logical3A_722 = vector.broadcast %shift_right_logical3A_721 : i32 to vector<16xi32>
        %shift_right_logical3A_723 = arith.shrui %bitcast3A_690, %shift_right_logical3A_722 : vector<16xi32>
        %eq3A_724 = vector.broadcast %or3A : i32 to vector<16xi32>
        %eq3A_725 = arith.cmpi eq, %shift_right_logical3A_723, %eq3A_724 : vector<16xi32>
        %shift_right_logical3A_726 = arith.constant 6 : i32
        %shift_right_logical3A_727 = vector.broadcast %shift_right_logical3A_726 : i32 to vector<16xi32>
        %shift_right_logical3A_728 = arith.shrui %bitcast3A_691, %shift_right_logical3A_727 : vector<16xi32>
        %eq3A_729 = vector.broadcast %or3A : i32 to vector<16xi32>
        %eq3A_730 = arith.cmpi eq, %shift_right_logical3A_728, %eq3A_729 : vector<16xi32>
        %and3A_731 = arith.constant 63 : i32
        %and3A_732 = vector.broadcast %and3A_731 : i32 to vector<16xi32>
        %and3A_733 = arith.andi %bitcast3A_684, %and3A_732 : vector<16xi32>
        %and3A_734 = arith.constant 63 : i32
        %and3A_735 = vector.broadcast %and3A_734 : i32 to vector<16xi32>
        %and3A_736 = arith.andi %bitcast3A_685, %and3A_735 : vector<16xi32>
        %and3A_737 = arith.constant 63 : i32
        %and3A_738 = vector.broadcast %and3A_737 : i32 to vector<16xi32>
        %and3A_739 = arith.andi %bitcast3A_686, %and3A_738 : vector<16xi32>
        %and3A_740 = arith.constant 63 : i32
        %and3A_741 = vector.broadcast %and3A_740 : i32 to vector<16xi32>
        %and3A_742 = arith.andi %bitcast3A_687, %and3A_741 : vector<16xi32>
        %and3A_743 = arith.constant 63 : i32
        %and3A_744 = vector.broadcast %and3A_743 : i32 to vector<16xi32>
        %and3A_745 = arith.andi %bitcast3A_688, %and3A_744 : vector<16xi32>
        %and3A_746 = arith.constant 63 : i32
        %and3A_747 = vector.broadcast %and3A_746 : i32 to vector<16xi32>
        %and3A_748 = arith.andi %bitcast3A_689, %and3A_747 : vector<16xi32>
        %and3A_749 = arith.constant 63 : i32
        %and3A_750 = vector.broadcast %and3A_749 : i32 to vector<16xi32>
        %and3A_751 = arith.andi %bitcast3A_690, %and3A_750 : vector<16xi32>
        %and3A_752 = arith.constant 63 : i32
        %and3A_753 = vector.broadcast %and3A_752 : i32 to vector<16xi32>
        %and3A_754 = arith.andi %bitcast3A_691, %and3A_753 : vector<16xi32>
        tpu.vector_store_idx %arg9[%and3A_733], %get3A_655 masked %eq3A_695 {add = true} : memref<64xf32, #tpu.memory_space<vmem>>[vector<16xi32>], vector<16xf32>, vector<16xi1>
        tpu.vector_store_idx %arg9[%and3A_736], %get3A_659 masked %eq3A_700 {add = true} : memref<64xf32, #tpu.memory_space<vmem>>[vector<16xi32>], vector<16xf32>, vector<16xi1>
        tpu.vector_store_idx %arg9[%and3A_739], %get3A_663 masked %eq3A_705 {add = true} : memref<64xf32, #tpu.memory_space<vmem>>[vector<16xi32>], vector<16xf32>, vector<16xi1>
        tpu.vector_store_idx %arg9[%and3A_742], %get3A_667 masked %eq3A_710 {add = true} : memref<64xf32, #tpu.memory_space<vmem>>[vector<16xi32>], vector<16xf32>, vector<16xi1>
        tpu.vector_store_idx %arg9[%and3A_745], %get3A_671 masked %eq3A_715 {add = true} : memref<64xf32, #tpu.memory_space<vmem>>[vector<16xi32>], vector<16xf32>, vector<16xi1>
        tpu.vector_store_idx %arg9[%and3A_748], %get3A_675 masked %eq3A_720 {add = true} : memref<64xf32, #tpu.memory_space<vmem>>[vector<16xi32>], vector<16xf32>, vector<16xi1>
        tpu.vector_store_idx %arg9[%and3A_751], %get3A_679 masked %eq3A_725 {add = true} : memref<64xf32, #tpu.memory_space<vmem>>[vector<16xi32>], vector<16xf32>, vector<16xi1>
        tpu.vector_store_idx %arg9[%and3A_754], %get3A_683 masked %eq3A_730 {add = true} : memref<64xf32, #tpu.memory_space<vmem>>[vector<16xi32>], vector<16xf32>, vector<16xi1>
        %scan3A_755 = arith.constant 0 : i32
        scf.yield %scan3A_755 : i32
      }
      %scan3A_566 = arith.constant 256 : i32
      %while3A_567 = arith.constant 4 : i32
      %while3A_568 = arith.constant 4 : i32
      %while3A_569 = arith.constant 0 : i32
      %while3A_570 = arith.constant false
      %while3A_571:3 = scf.while (%while3A_646 = %while3A_569, %while3A_647 = %reduce_sum3A_163, %while3A_648 = %while3A_570) : (i32, f32, i1) -> (i32, f32, i1) {
        %lt3A_649 = arith.cmpi slt, %while3A_646, %while3A_567 : i32
        %not3A_650 = arith.constant true
        %not3A_651 = arith.xori %while3A_648, %not3A_650 : i1
        %and3A_652 = arith.andi %lt3A_649, %not3A_651 : i1
        scf.condition(%and3A_652) %while3A_646, %while3A_647, %while3A_648 : i32, f32, i1
      } do {
      ^bb0(%while3A_646: i32, %while3A_647: f32, %while3A_648: i1):
        %sub3A_649 = arith.constant 1 : i32
        %sub3A_650 = arith.subi %while3A_568, %sub3A_649 : i32
        %sub3A_651 = arith.subi %sub3A_650, %while3A_646 : i32
        %mul3A_652 = arith.constant 16 : i32
        %mul3A_653 = arith.muli %sub3A_651, %mul3A_652 : i32
        %get3A_654 = arith.index_cast %mul3A_653 : i32 to index
        %get3A_655 = tpu.vector_load %arg9[%get3A_654] {strides = array<i32>} : memref<64xf32, #tpu.memory_space<vmem>>, vector<16xf32>,
        %reduce_sum3A_656 = arith.constant true
        %reduce_sum3A_657 = vector.broadcast %reduce_sum3A_656 : i1 to vector<16xi1>
        %reduce_sum3A_658 = tpu.scan <sum>, %get3A_655 masked %reduce_sum3A_657 : vector<16xf32>, vector<16xi1> -> vector<16xf32>
        %reduce_sum3A_659 = vector.extract %reduce_sum3A_658[15] : f32 from vector<16xf32>
        %add3A_660 = arith.addf %while3A_647, %reduce_sum3A_659 : f32
        %gt3A_661 = arith.cmpf ogt, %add3A_660, %mul3A_30 : f32
        %add3A_662 = arith.constant 1 : i32
        %add3A_663 = arith.addi %while3A_646, %add3A_662 : i32
        %select_n3A_664 = arith.select %gt3A_661, %while3A_646, %add3A_663 : i32
        %add3A_665 = arith.addf %while3A_647, %reduce_sum3A_659 : f32
        %select_n3A_666 = arith.select %gt3A_661, %while3A_647, %add3A_665 : f32
        scf.yield %select_n3A_664, %select_n3A_666, %gt3A_661 : i32, f32, i1
      }
      %sub3A_572 = arith.constant 4 : i32
      %sub3A_573 = arith.constant 1 : i32
      %sub3A_574 = arith.subi %sub3A_572, %sub3A_573 : i32
      %sub3A_575 = arith.constant 4 : i32
      %sub3A_576 = arith.constant 1 : i32
      %sub3A_577 = arith.subi %sub3A_575, %sub3A_576 : i32
      %min3A_578 = arith.minsi %while3A_571#0, %sub3A_577 : i32
      %sub3A_579 = arith.subi %sub3A_574, %min3A_578 : i32
      %mul3A_580 = arith.constant 16 : i32
      %mul3A_581 = arith.muli %sub3A_579, %mul3A_580 : i32
      %get3A_582 = arith.index_cast %mul3A_581 : i32 to index
      %get3A_583 = tpu.vector_load %arg9[%get3A_582] {strides = array<i32>} : memref<64xf32, #tpu.memory_space<vmem>>, vector<16xf32>,
      %rev3A_584 = arith.constant 15 : i32
      %rev3A_585 = vector.broadcast %rev3A_584 : i32 to vector<16xi32>
      %rev3A_586 = tpu.iota {dimensions = array<i32: 0>} : vector<16xi32>
      %rev3A_587 = arith.subi %rev3A_585, %rev3A_586 : vector<16xi32>
      %rev3A_588 = tpu.dynamic_gather %get3A_583[%rev3A_587] in [0] : vector<16xf32>, vector<16xi32> -> vector<16xf32>
      %broadcast_in_dim3A_589 = arith.constant true
      %broadcast_in_dim3A_590 = vector.broadcast %broadcast_in_dim3A_589 : i1 to vector<16xi1>
      %masked_cumsum3A_591 = tpu.scan <sum>, %rev3A_588 masked %broadcast_in_dim3A_590 : vector<16xf32>, vector<16xi1> -> vector<16xf32>
      %add3A_592 = vector.broadcast %while3A_571#1 : f32 to vector<16xf32>
      %add3A_593 = arith.addf %add3A_592, %masked_cumsum3A_591 : vector<16xf32>
      %gt3A_594 = vector.broadcast %mul3A_30 : f32 to vector<16xf32>
      %gt3A_595 = arith.cmpf ogt, %add3A_593, %gt3A_594 : vector<16xf32>
      %all_reduce_ffs3A_596 = tpu.all_reduce %gt3A_595 {dim = 0 : i64, kind = #tpu.reduction_kind<find_first_set>} : vector<16xi1> -> vector<16xi32>
      %reduce_max3A_597 = arith.constant true
      %reduce_max3A_598 = vector.broadcast %reduce_max3A_597 : i1 to vector<16xi1>
      %reduce_max3A_599 = arith.constant -2147483648 : i32
      %reduce_max3A_600 = vector.broadcast %reduce_max3A_599 : i32 to vector<16xi32>
      %reduce_max3A_601 = arith.xori %all_reduce_ffs3A_596, %reduce_max3A_600 : vector<16xi32>
      %reduce_max3A_602 = tpu.scan <max>, %reduce_max3A_601 masked %reduce_max3A_598 : vector<16xi32>, vector<16xi1> -> vector<16xi32>
      %reduce_max3A_603 = arith.xori %reduce_max3A_602, %reduce_max3A_600 : vector<16xi32>
      %reduce_max3A_604 = vector.extract %reduce_max3A_603[15] : i32 from vector<16xi32>
      %iota3A_605 = tpu.iota {dimensions = array<i32: 0>} : vector<16xi32>
      %eq3A_606 = vector.broadcast %reduce_max3A_604 : i32 to vector<16xi32>
      %eq3A_607 = arith.cmpi eq, %iota3A_605, %eq3A_606 : vector<16xi32>
      %sub3A_608 = arith.subf %add3A_593, %rev3A_588 : vector<16xf32>
      %jit3A_609 = arith.constant 0.000000e+00 : f32
      %broadcast_in_dim3A_610 = vector.broadcast %jit3A_609 : f32 to vector<16xf32>
      %select_n3A_611 = arith.select %eq3A_607, %sub3A_608, %broadcast_in_dim3A_610 : vector<16xi1>, vector<16xf32>
      %reduce_sum3A_612 = arith.constant true
      %reduce_sum3A_613 = vector.broadcast %reduce_sum3A_612 : i1 to vector<16xi1>
      %reduce_sum3A_614 = tpu.scan <sum>, %select_n3A_611 masked %reduce_sum3A_613 : vector<16xf32>, vector<16xi1> -> vector<16xf32>
      %reduce_sum3A_615 = vector.extract %reduce_sum3A_614[15] : f32 from vector<16xf32>
      %eq3A_616 = vector.broadcast %reduce_max3A_604 : i32 to vector<16xi32>
      %eq3A_617 = arith.cmpi eq, %iota3A_605, %eq3A_616 : vector<16xi32>
      %jit3A_618 = arith.constant 0.000000e+00 : f32
      %broadcast_in_dim3A_619 = vector.broadcast %jit3A_618 : f32 to vector<16xf32>
      %select_n3A_620 = arith.select %eq3A_617, %rev3A_588, %broadcast_in_dim3A_619 : vector<16xi1>, vector<16xf32>
      %reduce_sum3A_621 = arith.constant true
      %reduce_sum3A_622 = vector.broadcast %reduce_sum3A_621 : i1 to vector<16xi1>
      %reduce_sum3A_623 = tpu.scan <sum>, %select_n3A_620 masked %reduce_sum3A_622 : vector<16xf32>, vector<16xi1> -> vector<16xf32>
      %reduce_sum3A_624 = vector.extract %reduce_sum3A_623[15] : f32 from vector<16xf32>
      %mul3A_625 = arith.constant 16 : i32
      %mul3A_626 = arith.muli %sub3A_579, %mul3A_625 : i32
      %add3A_627 = arith.constant 15 : i32
      %add3A_628 = arith.addi %mul3A_626, %add3A_627 : i32
      %sub3A_629 = arith.subi %add3A_628, %reduce_max3A_604 : i32
      %shift_left3A_630 = arith.constant 6 : i32
      %shift_left3A_631 = arith.shli %or3A, %shift_left3A_630 : i32
      %or3A_632 = arith.ori %shift_left3A_631, %sub3A_629 : i32
      %broadcast_in_dim3A_633 = vector.broadcast %or3A_632 : i32 to vector<16xi32>
      %bitcast3A_634 = vector.bitcast %broadcast_in_dim3A_633 : vector<16xi32> to vector<16xf32>
      %broadcast_in_dim3A_635 = vector.broadcast %reduce_sum3A_624 : f32 to vector<16xf32>
      %max3A_636 = arith.constant 1.000000e-30 : f32
      %max3A_637 = vector.broadcast %max3A_636 : f32 to vector<16xf32>
      %max3A_638 = arith.maximumf %bitcast3A_634, %max3A_637 : vector<16xf32>
      %div3A_639 = arith.divf %broadcast_in_dim3A_635, %max3A_638 : vector<16xf32>
      %add3A_640 = arith.constant 5.000000e-01 : f32
      %add3A_641 = vector.broadcast %add3A_640 : f32 to vector<16xf32>
      %add3A_642 = arith.addf %div3A_639, %add3A_641 : vector<16xf32>
      %convert_element_type3A_643 = arith.fptosi %add3A_642 : vector<16xf32> to vector<16xi32>
      %sub3A_644 = arith.constant 1 : i32
      %sub3A_645 = arith.subi %or3A_632, %sub3A_644 : i32
      scf.yield %or3A_632, %sub3A_645, %reduce_sum3A_615, %bitcast3A_634, %convert_element_type3A_643 : i32, i32, f32, vector<16xf32>, vector<16xi32>
    } else {
      %shift_left3A_551 = arith.constant 6 : i32
      %shift_left3A_552 = arith.shli %or3A, %shift_left3A_551 : i32
      %or3A_553 = arith.constant 63 : i32
      %or3A_554 = arith.ori %shift_left3A_552, %or3A_553 : i32
      %shift_left3A_555 = arith.constant 6 : i32
      %shift_left3A_556 = arith.shli %or3A, %shift_left3A_555 : i32
      %sub3A_557 = arith.constant 1 : i32
      %sub3A_558 = arith.subi %shift_left3A_556, %sub3A_557 : i32
      %broadcast_in_dim3A_559 = vector.broadcast %reduce_sum3A_172 : f32 to vector<16xf32>
      %broadcast_in_dim3A_560 = arith.constant 1 : i32
      %broadcast_in_dim3A_561 = vector.broadcast %broadcast_in_dim3A_560 : i32 to vector<16xi32>
      scf.yield %or3A_554, %sub3A_558, %reduce_sum3A_163, %broadcast_in_dim3A_559, %broadcast_in_dim3A_561 : i32, i32, f32, vector<16xf32>, vector<16xi32>
    }
    %broadcast_in_dim3A_205 = vector.broadcast %cond3A_204#0 : i32 to vector<16xi32>
    %broadcast_in_dim3A_206 = vector.broadcast %cond3A_204#1 : i32 to vector<16xi32>
    %sub3A_207 = arith.subf %mul3A_30, %cond3A_204#2 : f32
    %broadcast_in_dim3A_208 = vector.broadcast %sub3A_207 : f32 to vector<16xf32>
    %max3A_209 = arith.constant 1.000000e-30 : f32
    %max3A_210 = vector.broadcast %max3A_209 : f32 to vector<16xf32>
    %max3A_211 = arith.maximumf %cond3A_204#3, %max3A_210 : vector<16xf32>
    %div3A_212 = arith.divf %broadcast_in_dim3A_208, %max3A_211 : vector<16xf32>
    %jit3A_213 = arith.constant 0.000000e+00 : f32
    %jit3A_214 = arith.constant 3.276800e+04 : f32
    %max3A_215 = vector.broadcast %jit3A_213 : f32 to vector<16xf32>
    %max3A_216 = arith.maximumf %max3A_215, %div3A_212 : vector<16xf32>
    %min3A_217 = vector.broadcast %jit3A_214 : f32 to vector<16xf32>
    %min3A_218 = arith.minimumf %min3A_217, %max3A_216 : vector<16xf32>
    %convert_element_type3A_219 = arith.fptosi %min3A_218 : vector<16xf32> to vector<16xi32>
    %broadcast_in_dim3A_220 = vector.broadcast %cond3A_204#2 : f32 to vector<16xf32>
    %eq3A_221 = arith.constant 0.000000e+00 : f32
    %eq3A_222 = vector.broadcast %eq3A_221 : f32 to vector<16xf32>
    %eq3A_223 = arith.cmpf oeq, %broadcast_in_dim3A_220, %eq3A_222 : vector<16xf32>
    %max3A_224 = arith.constant 1 : i32
    %max3A_225 = vector.broadcast %max3A_224 : i32 to vector<16xi32>
    %max3A_226 = arith.maxsi %convert_element_type3A_219, %max3A_225 : vector<16xi32>
    %select_n3A_227 = arith.select %eq3A_223, %max3A_226, %convert_element_type3A_219 : vector<16xi1>, vector<16xi32>
    %reduce_max3A_228 = arith.constant true
    %reduce_max3A_229 = vector.broadcast %reduce_max3A_228 : i1 to vector<16xi1>
    %reduce_max3A_230 = arith.constant -2147483648 : i32
    %reduce_max3A_231 = vector.broadcast %reduce_max3A_230 : i32 to vector<16xi32>
    %reduce_max3A_232 = arith.xori %select_n3A_227, %reduce_max3A_231 : vector<16xi32>
    %reduce_max3A_233 = tpu.scan <max>, %reduce_max3A_232 masked %reduce_max3A_229 : vector<16xi32>, vector<16xi1> -> vector<16xi32>
    %reduce_max3A_234 = arith.xori %reduce_max3A_233, %reduce_max3A_231 : vector<16xi32>
    %reduce_max3A_235 = vector.extract %reduce_max3A_234[15] : i32 from vector<16xi32>
    %gt3A_236 = arith.constant 0 : i32
    %gt3A_237 = arith.cmpi sgt, %reduce_max3A_235, %gt3A_236 : i32
    %reduce_max3A_238 = arith.constant true
    %reduce_max3A_239 = vector.broadcast %reduce_max3A_238 : i1 to vector<16xi1>
    %reduce_max3A_240 = arith.constant -2147483648 : i32
    %reduce_max3A_241 = vector.broadcast %reduce_max3A_240 : i32 to vector<16xi32>
    %reduce_max3A_242 = arith.xori %select_n3A_227, %reduce_max3A_241 : vector<16xi32>
    %reduce_max3A_243 = tpu.scan <max>, %reduce_max3A_242 masked %reduce_max3A_239 : vector<16xi32>, vector<16xi1> -> vector<16xi32>
    %reduce_max3A_244 = arith.xori %reduce_max3A_243, %reduce_max3A_241 : vector<16xi32>
    %reduce_max3A_245 = vector.extract %reduce_max3A_244[15] : i32 from vector<16xi32>
    %reduce_max3A_246 = arith.constant true
    %reduce_max3A_247 = vector.broadcast %reduce_max3A_246 : i1 to vector<16xi1>
    %reduce_max3A_248 = arith.constant -2147483648 : i32
    %reduce_max3A_249 = vector.broadcast %reduce_max3A_248 : i32 to vector<16xi32>
    %reduce_max3A_250 = arith.xori %cond3A_204#4, %reduce_max3A_249 : vector<16xi32>
    %reduce_max3A_251 = tpu.scan <max>, %reduce_max3A_250 masked %reduce_max3A_247 : vector<16xi32>, vector<16xi1> -> vector<16xi32>
    %reduce_max3A_252 = arith.xori %reduce_max3A_251, %reduce_max3A_249 : vector<16xi32>
    %reduce_max3A_253 = vector.extract %reduce_max3A_252[15] : i32 from vector<16xi32>
    %lt3A = arith.cmpi slt, %reduce_max3A_245, %reduce_max3A_253 : i32
    %and3A = arith.andi %gt3A_237, %lt3A : i1
    %convert_element_type3A_254 = arith.extui %not3A_90 : i1 to i32
    %cond3A_255 = arith.constant 0 : i32
    %cond3A_256 = arith.constant 0 : i32
    %cond3A_257 = arith.cmpi ne, %convert_element_type3A_254, %cond3A_256 : i32
    %cond3A_258 = scf.if %cond3A_257 -> (i32) {
      %scan3A_551 = arith.constant 0 : i32
      %scan3A_552 = arith.constant 0 : i32
      %scan3A_553 = arith.constant 256 : i32
      %scan3A_554 = arith.addi %scan3A_552, %scan3A_553 : i32
      %scan3A_555 = arith.constant 1 : i32
      %scan3A_556 = scf.for %scan3A_559 = %scan3A_552 to %scan3A_554 step %scan3A_555 iter_args(%scan3A_560 = %scan3A_551) -> (i32)  : i32 {
        %mul3A_561 = arith.constant 8 : i32
        %mul3A_562 = arith.muli %scan3A_559, %mul3A_561 : i32
        %mul3A_563 = arith.constant 16 : i32
        %mul3A_564 = arith.muli %mul3A_562, %mul3A_563 : i32
        %add3A_565 = arith.constant 0 : i32
        %add3A_566 = arith.addi %mul3A_564, %add3A_565 : i32
        %get3A_567 = arith.index_cast %add3A_566 : i32 to index
        %get3A_568 = tpu.vector_load %arg7[%get3A_567] {strides = array<i32>} : memref<32768xi32, #tpu.memory_space<vmem>>, vector<16xi32>,
        %add3A_569 = arith.constant 16 : i32
        %add3A_570 = arith.addi %mul3A_564, %add3A_569 : i32
        %get3A_571 = arith.index_cast %add3A_570 : i32 to index
        %get3A_572 = tpu.vector_load %arg7[%get3A_571] {strides = array<i32>} : memref<32768xi32, #tpu.memory_space<vmem>>, vector<16xi32>,
        %add3A_573 = arith.constant 32 : i32
        %add3A_574 = arith.addi %mul3A_564, %add3A_573 : i32
        %get3A_575 = arith.index_cast %add3A_574 : i32 to index
        %get3A_576 = tpu.vector_load %arg7[%get3A_575] {strides = array<i32>} : memref<32768xi32, #tpu.memory_space<vmem>>, vector<16xi32>,
        %add3A_577 = arith.constant 48 : i32
        %add3A_578 = arith.addi %mul3A_564, %add3A_577 : i32
        %get3A_579 = arith.index_cast %add3A_578 : i32 to index
        %get3A_580 = tpu.vector_load %arg7[%get3A_579] {strides = array<i32>} : memref<32768xi32, #tpu.memory_space<vmem>>, vector<16xi32>,
        %add3A_581 = arith.constant 64 : i32
        %add3A_582 = arith.addi %mul3A_564, %add3A_581 : i32
        %get3A_583 = arith.index_cast %add3A_582 : i32 to index
        %get3A_584 = tpu.vector_load %arg7[%get3A_583] {strides = array<i32>} : memref<32768xi32, #tpu.memory_space<vmem>>, vector<16xi32>,
        %add3A_585 = arith.constant 80 : i32
        %add3A_586 = arith.addi %mul3A_564, %add3A_585 : i32
        %get3A_587 = arith.index_cast %add3A_586 : i32 to index
        %get3A_588 = tpu.vector_load %arg7[%get3A_587] {strides = array<i32>} : memref<32768xi32, #tpu.memory_space<vmem>>, vector<16xi32>,
        %add3A_589 = arith.constant 96 : i32
        %add3A_590 = arith.addi %mul3A_564, %add3A_589 : i32
        %get3A_591 = arith.index_cast %add3A_590 : i32 to index
        %get3A_592 = tpu.vector_load %arg7[%get3A_591] {strides = array<i32>} : memref<32768xi32, #tpu.memory_space<vmem>>, vector<16xi32>,
        %add3A_593 = arith.constant 112 : i32
        %add3A_594 = arith.addi %mul3A_564, %add3A_593 : i32
        %get3A_595 = arith.index_cast %add3A_594 : i32 to index
        %get3A_596 = tpu.vector_load %arg7[%get3A_595] {strides = array<i32>} : memref<32768xi32, #tpu.memory_space<vmem>>, vector<16xi32>,
        %ne3A = arith.constant 0 : i32
        %ne3A_597 = vector.broadcast %ne3A : i32 to vector<16xi32>
        %ne3A_598 = arith.cmpi ne, %get3A_568, %ne3A_597 : vector<16xi32>
        %jit3A_599 = arith.constant 1.000000e+00 : f32
        %jit3A_600 = arith.constant 0.000000e+00 : f32
        %broadcast_in_dim3A_601 = vector.broadcast %jit3A_599 : f32 to vector<16xf32>
        %broadcast_in_dim3A_602 = vector.broadcast %jit3A_600 : f32 to vector<16xf32>
        %select_n3A_603 = arith.select %ne3A_598, %broadcast_in_dim3A_601, %broadcast_in_dim3A_602 : vector<16xi1>, vector<16xf32>
        %ne3A_604 = arith.constant 0 : i32
        %ne3A_605 = vector.broadcast %ne3A_604 : i32 to vector<16xi32>
        %ne3A_606 = arith.cmpi ne, %get3A_572, %ne3A_605 : vector<16xi32>
        %jit3A_607 = arith.constant 1.000000e+00 : f32
        %jit3A_608 = arith.constant 0.000000e+00 : f32
        %broadcast_in_dim3A_609 = vector.broadcast %jit3A_607 : f32 to vector<16xf32>
        %broadcast_in_dim3A_610 = vector.broadcast %jit3A_608 : f32 to vector<16xf32>
        %select_n3A_611 = arith.select %ne3A_606, %broadcast_in_dim3A_609, %broadcast_in_dim3A_610 : vector<16xi1>, vector<16xf32>
        %ne3A_612 = arith.constant 0 : i32
        %ne3A_613 = vector.broadcast %ne3A_612 : i32 to vector<16xi32>
        %ne3A_614 = arith.cmpi ne, %get3A_576, %ne3A_613 : vector<16xi32>
        %jit3A_615 = arith.constant 1.000000e+00 : f32
        %jit3A_616 = arith.constant 0.000000e+00 : f32
        %broadcast_in_dim3A_617 = vector.broadcast %jit3A_615 : f32 to vector<16xf32>
        %broadcast_in_dim3A_618 = vector.broadcast %jit3A_616 : f32 to vector<16xf32>
        %select_n3A_619 = arith.select %ne3A_614, %broadcast_in_dim3A_617, %broadcast_in_dim3A_618 : vector<16xi1>, vector<16xf32>
        %ne3A_620 = arith.constant 0 : i32
        %ne3A_621 = vector.broadcast %ne3A_620 : i32 to vector<16xi32>
        %ne3A_622 = arith.cmpi ne, %get3A_580, %ne3A_621 : vector<16xi32>
        %jit3A_623 = arith.constant 1.000000e+00 : f32
        %jit3A_624 = arith.constant 0.000000e+00 : f32
        %broadcast_in_dim3A_625 = vector.broadcast %jit3A_623 : f32 to vector<16xf32>
        %broadcast_in_dim3A_626 = vector.broadcast %jit3A_624 : f32 to vector<16xf32>
        %select_n3A_627 = arith.select %ne3A_622, %broadcast_in_dim3A_625, %broadcast_in_dim3A_626 : vector<16xi1>, vector<16xf32>
        %ne3A_628 = arith.constant 0 : i32
        %ne3A_629 = vector.broadcast %ne3A_628 : i32 to vector<16xi32>
        %ne3A_630 = arith.cmpi ne, %get3A_584, %ne3A_629 : vector<16xi32>
        %jit3A_631 = arith.constant 1.000000e+00 : f32
        %jit3A_632 = arith.constant 0.000000e+00 : f32
        %broadcast_in_dim3A_633 = vector.broadcast %jit3A_631 : f32 to vector<16xf32>
        %broadcast_in_dim3A_634 = vector.broadcast %jit3A_632 : f32 to vector<16xf32>
        %select_n3A_635 = arith.select %ne3A_630, %broadcast_in_dim3A_633, %broadcast_in_dim3A_634 : vector<16xi1>, vector<16xf32>
        %ne3A_636 = arith.constant 0 : i32
        %ne3A_637 = vector.broadcast %ne3A_636 : i32 to vector<16xi32>
        %ne3A_638 = arith.cmpi ne, %get3A_588, %ne3A_637 : vector<16xi32>
        %jit3A_639 = arith.constant 1.000000e+00 : f32
        %jit3A_640 = arith.constant 0.000000e+00 : f32
        %broadcast_in_dim3A_641 = vector.broadcast %jit3A_639 : f32 to vector<16xf32>
        %broadcast_in_dim3A_642 = vector.broadcast %jit3A_640 : f32 to vector<16xf32>
        %select_n3A_643 = arith.select %ne3A_638, %broadcast_in_dim3A_641, %broadcast_in_dim3A_642 : vector<16xi1>, vector<16xf32>
        %ne3A_644 = arith.constant 0 : i32
        %ne3A_645 = vector.broadcast %ne3A_644 : i32 to vector<16xi32>
        %ne3A_646 = arith.cmpi ne, %get3A_592, %ne3A_645 : vector<16xi32>
        %jit3A_647 = arith.constant 1.000000e+00 : f32
        %jit3A_648 = arith.constant 0.000000e+00 : f32
        %broadcast_in_dim3A_649 = vector.broadcast %jit3A_647 : f32 to vector<16xf32>
        %broadcast_in_dim3A_650 = vector.broadcast %jit3A_648 : f32 to vector<16xf32>
        %select_n3A_651 = arith.select %ne3A_646, %broadcast_in_dim3A_649, %broadcast_in_dim3A_650 : vector<16xi1>, vector<16xf32>
        %ne3A_652 = arith.constant 0 : i32
        %ne3A_653 = vector.broadcast %ne3A_652 : i32 to vector<16xi32>
        %ne3A_654 = arith.cmpi ne, %get3A_596, %ne3A_653 : vector<16xi32>
        %jit3A_655 = arith.constant 1.000000e+00 : f32
        %jit3A_656 = arith.constant 0.000000e+00 : f32
        %broadcast_in_dim3A_657 = vector.broadcast %jit3A_655 : f32 to vector<16xf32>
        %broadcast_in_dim3A_658 = vector.broadcast %jit3A_656 : f32 to vector<16xf32>
        %select_n3A_659 = arith.select %ne3A_654, %broadcast_in_dim3A_657, %broadcast_in_dim3A_658 : vector<16xi1>, vector<16xf32>
        %add3A_660 = arith.constant 0 : i32
        %add3A_661 = arith.addi %mul3A_564, %add3A_660 : i32
        %swap3A = arith.index_cast %add3A_661 : i32 to index
        %swap3A_662 = tpu.vector_load %arg5[%swap3A] {strides = array<i32>} : memref<32768xf32, #tpu.memory_space<vmem>>, vector<16xf32>,
        tpu.vector_store %arg5[%swap3A], %select_n3A_603 {strides = array<i32>} : memref<32768xf32, #tpu.memory_space<vmem>>, vector<16xf32>,
        %add3A_663 = arith.constant 16 : i32
        %add3A_664 = arith.addi %mul3A_564, %add3A_663 : i32
        %swap3A_665 = arith.index_cast %add3A_664 : i32 to index
        %swap3A_666 = tpu.vector_load %arg5[%swap3A_665] {strides = array<i32>} : memref<32768xf32, #tpu.memory_space<vmem>>, vector<16xf32>,
        tpu.vector_store %arg5[%swap3A_665], %select_n3A_611 {strides = array<i32>} : memref<32768xf32, #tpu.memory_space<vmem>>, vector<16xf32>,
        %add3A_667 = arith.constant 32 : i32
        %add3A_668 = arith.addi %mul3A_564, %add3A_667 : i32
        %swap3A_669 = arith.index_cast %add3A_668 : i32 to index
        %swap3A_670 = tpu.vector_load %arg5[%swap3A_669] {strides = array<i32>} : memref<32768xf32, #tpu.memory_space<vmem>>, vector<16xf32>,
        tpu.vector_store %arg5[%swap3A_669], %select_n3A_619 {strides = array<i32>} : memref<32768xf32, #tpu.memory_space<vmem>>, vector<16xf32>,
        %add3A_671 = arith.constant 48 : i32
        %add3A_672 = arith.addi %mul3A_564, %add3A_671 : i32
        %swap3A_673 = arith.index_cast %add3A_672 : i32 to index
        %swap3A_674 = tpu.vector_load %arg5[%swap3A_673] {strides = array<i32>} : memref<32768xf32, #tpu.memory_space<vmem>>, vector<16xf32>,
        tpu.vector_store %arg5[%swap3A_673], %select_n3A_627 {strides = array<i32>} : memref<32768xf32, #tpu.memory_space<vmem>>, vector<16xf32>,
        %add3A_675 = arith.constant 64 : i32
        %add3A_676 = arith.addi %mul3A_564, %add3A_675 : i32
        %swap3A_677 = arith.index_cast %add3A_676 : i32 to index
        %swap3A_678 = tpu.vector_load %arg5[%swap3A_677] {strides = array<i32>} : memref<32768xf32, #tpu.memory_space<vmem>>, vector<16xf32>,
        tpu.vector_store %arg5[%swap3A_677], %select_n3A_635 {strides = array<i32>} : memref<32768xf32, #tpu.memory_space<vmem>>, vector<16xf32>,
        %add3A_679 = arith.constant 80 : i32
        %add3A_680 = arith.addi %mul3A_564, %add3A_679 : i32
        %swap3A_681 = arith.index_cast %add3A_680 : i32 to index
        %swap3A_682 = tpu.vector_load %arg5[%swap3A_681] {strides = array<i32>} : memref<32768xf32, #tpu.memory_space<vmem>>, vector<16xf32>,
        tpu.vector_store %arg5[%swap3A_681], %select_n3A_643 {strides = array<i32>} : memref<32768xf32, #tpu.memory_space<vmem>>, vector<16xf32>,
        %add3A_683 = arith.constant 96 : i32
        %add3A_684 = arith.addi %mul3A_564, %add3A_683 : i32
        %swap3A_685 = arith.index_cast %add3A_684 : i32 to index
        %swap3A_686 = tpu.vector_load %arg5[%swap3A_685] {strides = array<i32>} : memref<32768xf32, #tpu.memory_space<vmem>>, vector<16xf32>,
        tpu.vector_store %arg5[%swap3A_685], %select_n3A_651 {strides = array<i32>} : memref<32768xf32, #tpu.memory_space<vmem>>, vector<16xf32>,
        %add3A_687 = arith.constant 112 : i32
        %add3A_688 = arith.addi %mul3A_564, %add3A_687 : i32
        %swap3A_689 = arith.index_cast %add3A_688 : i32 to index
        %swap3A_690 = tpu.vector_load %arg5[%swap3A_689] {strides = array<i32>} : memref<32768xf32, #tpu.memory_space<vmem>>, vector<16xf32>,
        tpu.vector_store %arg5[%swap3A_689], %select_n3A_659 {strides = array<i32>} : memref<32768xf32, #tpu.memory_space<vmem>>, vector<16xf32>,
        %scan3A_691 = arith.constant 0 : i32
        scf.yield %scan3A_691 : i32
      }
      %scan3A_557 = arith.constant 256 : i32
      %cond3A_558 = arith.constant 0 : i32
      scf.yield %cond3A_558 : i32
    } else {
      %convert_element_type3A_551 = arith.extui %and3A : i1 to i32
      %cond3A_552 = arith.constant 0 : i32
      %cond3A_553 = arith.constant 0 : i32
      %cond3A_554 = arith.cmpi ne, %convert_element_type3A_551, %cond3A_553 : i32
      %cond3A_555 = scf.if %cond3A_554 -> (i32) {
        %broadcast_in_dim3A_557 = arith.constant 0 : i32
        %broadcast_in_dim3A_558 = vector.broadcast %broadcast_in_dim3A_557 : i32 to vector<16xi32>
        %scan3A_559 = arith.constant 0 : i32
        %scan3A_560 = arith.constant 256 : i32
        %scan3A_561 = arith.addi %scan3A_559, %scan3A_560 : i32
        %scan3A_562 = arith.constant 1 : i32
        %scan3A_563 = scf.for %scan3A_566 = %scan3A_559 to %scan3A_561 step %scan3A_562 iter_args(%scan3A_567 = %broadcast_in_dim3A_558) -> (vector<16xi32>)  : i32 {
          %mul3A_568 = arith.constant 8 : i32
          %mul3A_569 = arith.muli %scan3A_566, %mul3A_568 : i32
          %mul3A_570 = arith.constant 16 : i32
          %mul3A_571 = arith.muli %mul3A_569, %mul3A_570 : i32
          %add3A_572 = arith.constant 0 : i32
          %add3A_573 = arith.addi %mul3A_571, %add3A_572 : i32
          %get3A_574 = arith.index_cast %add3A_573 : i32 to index
          %get3A_575 = tpu.vector_load %arg5[%get3A_574] {strides = array<i32>} : memref<32768xf32, #tpu.memory_space<vmem>>, vector<16xf32>,
          %add3A_576 = arith.constant 16 : i32
          %add3A_577 = arith.addi %mul3A_571, %add3A_576 : i32
          %get3A_578 = arith.index_cast %add3A_577 : i32 to index
          %get3A_579 = tpu.vector_load %arg5[%get3A_578] {strides = array<i32>} : memref<32768xf32, #tpu.memory_space<vmem>>, vector<16xf32>,
          %add3A_580 = arith.constant 32 : i32
          %add3A_581 = arith.addi %mul3A_571, %add3A_580 : i32
          %get3A_582 = arith.index_cast %add3A_581 : i32 to index
          %get3A_583 = tpu.vector_load %arg5[%get3A_582] {strides = array<i32>} : memref<32768xf32, #tpu.memory_space<vmem>>, vector<16xf32>,
          %add3A_584 = arith.constant 48 : i32
          %add3A_585 = arith.addi %mul3A_571, %add3A_584 : i32
          %get3A_586 = arith.index_cast %add3A_585 : i32 to index
          %get3A_587 = tpu.vector_load %arg5[%get3A_586] {strides = array<i32>} : memref<32768xf32, #tpu.memory_space<vmem>>, vector<16xf32>,
          %add3A_588 = arith.constant 64 : i32
          %add3A_589 = arith.addi %mul3A_571, %add3A_588 : i32
          %get3A_590 = arith.index_cast %add3A_589 : i32 to index
          %get3A_591 = tpu.vector_load %arg5[%get3A_590] {strides = array<i32>} : memref<32768xf32, #tpu.memory_space<vmem>>, vector<16xf32>,
          %add3A_592 = arith.constant 80 : i32
          %add3A_593 = arith.addi %mul3A_571, %add3A_592 : i32
          %get3A_594 = arith.index_cast %add3A_593 : i32 to index
          %get3A_595 = tpu.vector_load %arg5[%get3A_594] {strides = array<i32>} : memref<32768xf32, #tpu.memory_space<vmem>>, vector<16xf32>,
          %add3A_596 = arith.constant 96 : i32
          %add3A_597 = arith.addi %mul3A_571, %add3A_596 : i32
          %get3A_598 = arith.index_cast %add3A_597 : i32 to index
          %get3A_599 = tpu.vector_load %arg5[%get3A_598] {strides = array<i32>} : memref<32768xf32, #tpu.memory_space<vmem>>, vector<16xf32>,
          %add3A_600 = arith.constant 112 : i32
          %add3A_601 = arith.addi %mul3A_571, %add3A_600 : i32
          %get3A_602 = arith.index_cast %add3A_601 : i32 to index
          %get3A_603 = tpu.vector_load %arg5[%get3A_602] {strides = array<i32>} : memref<32768xf32, #tpu.memory_space<vmem>>, vector<16xf32>,
          %bitcast3A_604 = vector.bitcast %get3A_575 : vector<16xf32> to vector<16xi32>
          %bitcast3A_605 = vector.bitcast %get3A_579 : vector<16xf32> to vector<16xi32>
          %bitcast3A_606 = vector.bitcast %get3A_583 : vector<16xf32> to vector<16xi32>
          %bitcast3A_607 = vector.bitcast %get3A_587 : vector<16xf32> to vector<16xi32>
          %bitcast3A_608 = vector.bitcast %get3A_591 : vector<16xf32> to vector<16xi32>
          %bitcast3A_609 = vector.bitcast %get3A_595 : vector<16xf32> to vector<16xi32>
          %bitcast3A_610 = vector.bitcast %get3A_599 : vector<16xf32> to vector<16xi32>
          %bitcast3A_611 = vector.bitcast %get3A_603 : vector<16xf32> to vector<16xi32>
          %gt3A_612 = arith.cmpi sgt, %bitcast3A_604, %broadcast_in_dim3A_205 : vector<16xi32>
          %gt3A_613 = arith.cmpi sgt, %bitcast3A_605, %broadcast_in_dim3A_205 : vector<16xi32>
          %gt3A_614 = arith.cmpi sgt, %bitcast3A_606, %broadcast_in_dim3A_205 : vector<16xi32>
          %gt3A_615 = arith.cmpi sgt, %bitcast3A_607, %broadcast_in_dim3A_205 : vector<16xi32>
          %gt3A_616 = arith.cmpi sgt, %bitcast3A_608, %broadcast_in_dim3A_205 : vector<16xi32>
          %gt3A_617 = arith.cmpi sgt, %bitcast3A_609, %broadcast_in_dim3A_205 : vector<16xi32>
          %gt3A_618 = arith.cmpi sgt, %bitcast3A_610, %broadcast_in_dim3A_205 : vector<16xi32>
          %gt3A_619 = arith.cmpi sgt, %bitcast3A_611, %broadcast_in_dim3A_205 : vector<16xi32>
          %gt3A_620 = arith.cmpi sgt, %bitcast3A_604, %broadcast_in_dim3A_206 : vector<16xi32>
          %not3A_621 = arith.constant dense<true> : vector<16xi1>
          %not3A_622 = arith.xori %gt3A_612, %not3A_621 : vector<16xi1>
          %and3A_623 = arith.andi %gt3A_620, %not3A_622 : vector<16xi1>
          %gt3A_624 = arith.cmpi sgt, %bitcast3A_605, %broadcast_in_dim3A_206 : vector<16xi32>
          %not3A_625 = arith.constant dense<true> : vector<16xi1>
          %not3A_626 = arith.xori %gt3A_613, %not3A_625 : vector<16xi1>
          %and3A_627 = arith.andi %gt3A_624, %not3A_626 : vector<16xi1>
          %gt3A_628 = arith.cmpi sgt, %bitcast3A_606, %broadcast_in_dim3A_206 : vector<16xi32>
          %not3A_629 = arith.constant dense<true> : vector<16xi1>
          %not3A_630 = arith.xori %gt3A_614, %not3A_629 : vector<16xi1>
          %and3A_631 = arith.andi %gt3A_628, %not3A_630 : vector<16xi1>
          %gt3A_632 = arith.cmpi sgt, %bitcast3A_607, %broadcast_in_dim3A_206 : vector<16xi32>
          %not3A_633 = arith.constant dense<true> : vector<16xi1>
          %not3A_634 = arith.xori %gt3A_615, %not3A_633 : vector<16xi1>
          %and3A_635 = arith.andi %gt3A_632, %not3A_634 : vector<16xi1>
          %gt3A_636 = arith.cmpi sgt, %bitcast3A_608, %broadcast_in_dim3A_206 : vector<16xi32>
          %not3A_637 = arith.constant dense<true> : vector<16xi1>
          %not3A_638 = arith.xori %gt3A_616, %not3A_637 : vector<16xi1>
          %and3A_639 = arith.andi %gt3A_636, %not3A_638 : vector<16xi1>
          %gt3A_640 = arith.cmpi sgt, %bitcast3A_609, %broadcast_in_dim3A_206 : vector<16xi32>
          %not3A_641 = arith.constant dense<true> : vector<16xi1>
          %not3A_642 = arith.xori %gt3A_617, %not3A_641 : vector<16xi1>
          %and3A_643 = arith.andi %gt3A_640, %not3A_642 : vector<16xi1>
          %gt3A_644 = arith.cmpi sgt, %bitcast3A_610, %broadcast_in_dim3A_206 : vector<16xi32>
          %not3A_645 = arith.constant dense<true> : vector<16xi1>
          %not3A_646 = arith.xori %gt3A_618, %not3A_645 : vector<16xi1>
          %and3A_647 = arith.andi %gt3A_644, %not3A_646 : vector<16xi1>
          %gt3A_648 = arith.cmpi sgt, %bitcast3A_611, %broadcast_in_dim3A_206 : vector<16xi32>
          %not3A_649 = arith.constant dense<true> : vector<16xi1>
          %not3A_650 = arith.xori %gt3A_619, %not3A_649 : vector<16xi1>
          %and3A_651 = arith.andi %gt3A_648, %not3A_650 : vector<16xi1>
          %jit3A_652 = arith.constant 1 : i32
          %jit3A_653 = arith.constant 0 : i32
          %broadcast_in_dim3A_654 = vector.broadcast %jit3A_652 : i32 to vector<16xi32>
          %broadcast_in_dim3A_655 = vector.broadcast %jit3A_653 : i32 to vector<16xi32>
          %select_n3A_656 = arith.select %and3A_623, %broadcast_in_dim3A_654, %broadcast_in_dim3A_655 : vector<16xi1>, vector<16xi32>
          %broadcast_in_dim3A_657 = arith.constant true
          %broadcast_in_dim3A_658 = vector.broadcast %broadcast_in_dim3A_657 : i1 to vector<16xi1>
          %masked_cumsum3A_659 = tpu.scan <sum>, %select_n3A_656 masked %broadcast_in_dim3A_658 : vector<16xi32>, vector<16xi1> -> vector<16xi32>
          %jit3A_660 = arith.constant 1 : i32
          %jit3A_661 = arith.constant 0 : i32
          %broadcast_in_dim3A_662 = vector.broadcast %jit3A_660 : i32 to vector<16xi32>
          %broadcast_in_dim3A_663 = vector.broadcast %jit3A_661 : i32 to vector<16xi32>
          %select_n3A_664 = arith.select %and3A_627, %broadcast_in_dim3A_662, %broadcast_in_dim3A_663 : vector<16xi1>, vector<16xi32>
          %broadcast_in_dim3A_665 = arith.constant true
          %broadcast_in_dim3A_666 = vector.broadcast %broadcast_in_dim3A_665 : i1 to vector<16xi1>
          %masked_cumsum3A_667 = tpu.scan <sum>, %select_n3A_664 masked %broadcast_in_dim3A_666 : vector<16xi32>, vector<16xi1> -> vector<16xi32>
          %jit3A_668 = arith.constant 1 : i32
          %jit3A_669 = arith.constant 0 : i32
          %broadcast_in_dim3A_670 = vector.broadcast %jit3A_668 : i32 to vector<16xi32>
          %broadcast_in_dim3A_671 = vector.broadcast %jit3A_669 : i32 to vector<16xi32>
          %select_n3A_672 = arith.select %and3A_631, %broadcast_in_dim3A_670, %broadcast_in_dim3A_671 : vector<16xi1>, vector<16xi32>
          %broadcast_in_dim3A_673 = arith.constant true
          %broadcast_in_dim3A_674 = vector.broadcast %broadcast_in_dim3A_673 : i1 to vector<16xi1>
          %masked_cumsum3A_675 = tpu.scan <sum>, %select_n3A_672 masked %broadcast_in_dim3A_674 : vector<16xi32>, vector<16xi1> -> vector<16xi32>
          %jit3A_676 = arith.constant 1 : i32
          %jit3A_677 = arith.constant 0 : i32
          %broadcast_in_dim3A_678 = vector.broadcast %jit3A_676 : i32 to vector<16xi32>
          %broadcast_in_dim3A_679 = vector.broadcast %jit3A_677 : i32 to vector<16xi32>
          %select_n3A_680 = arith.select %and3A_635, %broadcast_in_dim3A_678, %broadcast_in_dim3A_679 : vector<16xi1>, vector<16xi32>
          %broadcast_in_dim3A_681 = arith.constant true
          %broadcast_in_dim3A_682 = vector.broadcast %broadcast_in_dim3A_681 : i1 to vector<16xi1>
          %masked_cumsum3A_683 = tpu.scan <sum>, %select_n3A_680 masked %broadcast_in_dim3A_682 : vector<16xi32>, vector<16xi1> -> vector<16xi32>
          %jit3A_684 = arith.constant 1 : i32
          %jit3A_685 = arith.constant 0 : i32
          %broadcast_in_dim3A_686 = vector.broadcast %jit3A_684 : i32 to vector<16xi32>
          %broadcast_in_dim3A_687 = vector.broadcast %jit3A_685 : i32 to vector<16xi32>
          %select_n3A_688 = arith.select %and3A_639, %broadcast_in_dim3A_686, %broadcast_in_dim3A_687 : vector<16xi1>, vector<16xi32>
          %broadcast_in_dim3A_689 = arith.constant true
          %broadcast_in_dim3A_690 = vector.broadcast %broadcast_in_dim3A_689 : i1 to vector<16xi1>
          %masked_cumsum3A_691 = tpu.scan <sum>, %select_n3A_688 masked %broadcast_in_dim3A_690 : vector<16xi32>, vector<16xi1> -> vector<16xi32>
          %jit3A_692 = arith.constant 1 : i32
          %jit3A_693 = arith.constant 0 : i32
          %broadcast_in_dim3A_694 = vector.broadcast %jit3A_692 : i32 to vector<16xi32>
          %broadcast_in_dim3A_695 = vector.broadcast %jit3A_693 : i32 to vector<16xi32>
          %select_n3A_696 = arith.select %and3A_643, %broadcast_in_dim3A_694, %broadcast_in_dim3A_695 : vector<16xi1>, vector<16xi32>
          %broadcast_in_dim3A_697 = arith.constant true
          %broadcast_in_dim3A_698 = vector.broadcast %broadcast_in_dim3A_697 : i1 to vector<16xi1>
          %masked_cumsum3A_699 = tpu.scan <sum>, %select_n3A_696 masked %broadcast_in_dim3A_698 : vector<16xi32>, vector<16xi1> -> vector<16xi32>
          %jit3A_700 = arith.constant 1 : i32
          %jit3A_701 = arith.constant 0 : i32
          %broadcast_in_dim3A_702 = vector.broadcast %jit3A_700 : i32 to vector<16xi32>
          %broadcast_in_dim3A_703 = vector.broadcast %jit3A_701 : i32 to vector<16xi32>
          %select_n3A_704 = arith.select %and3A_647, %broadcast_in_dim3A_702, %broadcast_in_dim3A_703 : vector<16xi1>, vector<16xi32>
          %broadcast_in_dim3A_705 = arith.constant true
          %broadcast_in_dim3A_706 = vector.broadcast %broadcast_in_dim3A_705 : i1 to vector<16xi1>
          %masked_cumsum3A_707 = tpu.scan <sum>, %select_n3A_704 masked %broadcast_in_dim3A_706 : vector<16xi32>, vector<16xi1> -> vector<16xi32>
          %jit3A_708 = arith.constant 1 : i32
          %jit3A_709 = arith.constant 0 : i32
          %broadcast_in_dim3A_710 = vector.broadcast %jit3A_708 : i32 to vector<16xi32>
          %broadcast_in_dim3A_711 = vector.broadcast %jit3A_709 : i32 to vector<16xi32>
          %select_n3A_712 = arith.select %and3A_651, %broadcast_in_dim3A_710, %broadcast_in_dim3A_711 : vector<16xi1>, vector<16xi32>
          %broadcast_in_dim3A_713 = arith.constant true
          %broadcast_in_dim3A_714 = vector.broadcast %broadcast_in_dim3A_713 : i1 to vector<16xi1>
          %masked_cumsum3A_715 = tpu.scan <sum>, %select_n3A_712 masked %broadcast_in_dim3A_714 : vector<16xi32>, vector<16xi1> -> vector<16xi32>
          %all_reduce_population_count3A = tpu.all_reduce %and3A_623 {dim = 0 : i64, kind = #tpu.reduction_kind<sum>} : vector<16xi1> -> vector<16xi32>
          %all_reduce_population_count3A_716 = tpu.all_reduce %and3A_627 {dim = 0 : i64, kind = #tpu.reduction_kind<sum>} : vector<16xi1> -> vector<16xi32>
          %all_reduce_population_count3A_717 = tpu.all_reduce %and3A_631 {dim = 0 : i64, kind = #tpu.reduction_kind<sum>} : vector<16xi1> -> vector<16xi32>
          %all_reduce_population_count3A_718 = tpu.all_reduce %and3A_635 {dim = 0 : i64, kind = #tpu.reduction_kind<sum>} : vector<16xi1> -> vector<16xi32>
          %all_reduce_population_count3A_719 = tpu.all_reduce %and3A_639 {dim = 0 : i64, kind = #tpu.reduction_kind<sum>} : vector<16xi1> -> vector<16xi32>
          %all_reduce_population_count3A_720 = tpu.all_reduce %and3A_643 {dim = 0 : i64, kind = #tpu.reduction_kind<sum>} : vector<16xi1> -> vector<16xi32>
          %all_reduce_population_count3A_721 = tpu.all_reduce %and3A_647 {dim = 0 : i64, kind = #tpu.reduction_kind<sum>} : vector<16xi1> -> vector<16xi32>
          %all_reduce_population_count3A_722 = tpu.all_reduce %and3A_651 {dim = 0 : i64, kind = #tpu.reduction_kind<sum>} : vector<16xi1> -> vector<16xi32>
          %add3A_723 = arith.addi %masked_cumsum3A_659, %scan3A_567 : vector<16xi32>
          %le3A = arith.cmpi sle, %add3A_723, %select_n3A_227 : vector<16xi32>
          %and3A_724 = arith.andi %and3A_623, %le3A : vector<16xi1>
          %or3A_725 = arith.ori %gt3A_612, %and3A_724 : vector<16xi1>
          %jit3A_726 = arith.constant 1.000000e+00 : f32
          %jit3A_727 = arith.constant 0.000000e+00 : f32
          %broadcast_in_dim3A_728 = vector.broadcast %jit3A_726 : f32 to vector<16xf32>
          %broadcast_in_dim3A_729 = vector.broadcast %jit3A_727 : f32 to vector<16xf32>
          %select_n3A_730 = arith.select %or3A_725, %broadcast_in_dim3A_728, %broadcast_in_dim3A_729 : vector<16xi1>, vector<16xf32>
          %add3A_731 = arith.addi %scan3A_567, %all_reduce_population_count3A : vector<16xi32>
          %add3A_732 = arith.addi %masked_cumsum3A_667, %add3A_731 : vector<16xi32>
          %le3A_733 = arith.cmpi sle, %add3A_732, %select_n3A_227 : vector<16xi32>
          %and3A_734 = arith.andi %and3A_627, %le3A_733 : vector<16xi1>
          %or3A_735 = arith.ori %gt3A_613, %and3A_734 : vector<16xi1>
          %jit3A_736 = arith.constant 1.000000e+00 : f32
          %jit3A_737 = arith.constant 0.000000e+00 : f32
          %broadcast_in_dim3A_738 = vector.broadcast %jit3A_736 : f32 to vector<16xf32>
          %broadcast_in_dim3A_739 = vector.broadcast %jit3A_737 : f32 to vector<16xf32>
          %select_n3A_740 = arith.select %or3A_735, %broadcast_in_dim3A_738, %broadcast_in_dim3A_739 : vector<16xi1>, vector<16xf32>
          %add3A_741 = arith.addi %add3A_731, %all_reduce_population_count3A_716 : vector<16xi32>
          %add3A_742 = arith.addi %masked_cumsum3A_675, %add3A_741 : vector<16xi32>
          %le3A_743 = arith.cmpi sle, %add3A_742, %select_n3A_227 : vector<16xi32>
          %and3A_744 = arith.andi %and3A_631, %le3A_743 : vector<16xi1>
          %or3A_745 = arith.ori %gt3A_614, %and3A_744 : vector<16xi1>
          %jit3A_746 = arith.constant 1.000000e+00 : f32
          %jit3A_747 = arith.constant 0.000000e+00 : f32
          %broadcast_in_dim3A_748 = vector.broadcast %jit3A_746 : f32 to vector<16xf32>
          %broadcast_in_dim3A_749 = vector.broadcast %jit3A_747 : f32 to vector<16xf32>
          %select_n3A_750 = arith.select %or3A_745, %broadcast_in_dim3A_748, %broadcast_in_dim3A_749 : vector<16xi1>, vector<16xf32>
          %add3A_751 = arith.addi %add3A_741, %all_reduce_population_count3A_717 : vector<16xi32>
          %add3A_752 = arith.addi %masked_cumsum3A_683, %add3A_751 : vector<16xi32>
          %le3A_753 = arith.cmpi sle, %add3A_752, %select_n3A_227 : vector<16xi32>
          %and3A_754 = arith.andi %and3A_635, %le3A_753 : vector<16xi1>
          %or3A_755 = arith.ori %gt3A_615, %and3A_754 : vector<16xi1>
          %jit3A_756 = arith.constant 1.000000e+00 : f32
          %jit3A_757 = arith.constant 0.000000e+00 : f32
          %broadcast_in_dim3A_758 = vector.broadcast %jit3A_756 : f32 to vector<16xf32>
          %broadcast_in_dim3A_759 = vector.broadcast %jit3A_757 : f32 to vector<16xf32>
          %select_n3A_760 = arith.select %or3A_755, %broadcast_in_dim3A_758, %broadcast_in_dim3A_759 : vector<16xi1>, vector<16xf32>
          %add3A_761 = arith.addi %add3A_751, %all_reduce_population_count3A_718 : vector<16xi32>
          %add3A_762 = arith.addi %masked_cumsum3A_691, %add3A_761 : vector<16xi32>
          %le3A_763 = arith.cmpi sle, %add3A_762, %select_n3A_227 : vector<16xi32>
          %and3A_764 = arith.andi %and3A_639, %le3A_763 : vector<16xi1>
          %or3A_765 = arith.ori %gt3A_616, %and3A_764 : vector<16xi1>
          %jit3A_766 = arith.constant 1.000000e+00 : f32
          %jit3A_767 = arith.constant 0.000000e+00 : f32
          %broadcast_in_dim3A_768 = vector.broadcast %jit3A_766 : f32 to vector<16xf32>
          %broadcast_in_dim3A_769 = vector.broadcast %jit3A_767 : f32 to vector<16xf32>
          %select_n3A_770 = arith.select %or3A_765, %broadcast_in_dim3A_768, %broadcast_in_dim3A_769 : vector<16xi1>, vector<16xf32>
          %add3A_771 = arith.addi %add3A_761, %all_reduce_population_count3A_719 : vector<16xi32>
          %add3A_772 = arith.addi %masked_cumsum3A_699, %add3A_771 : vector<16xi32>
          %le3A_773 = arith.cmpi sle, %add3A_772, %select_n3A_227 : vector<16xi32>
          %and3A_774 = arith.andi %and3A_643, %le3A_773 : vector<16xi1>
          %or3A_775 = arith.ori %gt3A_617, %and3A_774 : vector<16xi1>
          %jit3A_776 = arith.constant 1.000000e+00 : f32
          %jit3A_777 = arith.constant 0.000000e+00 : f32
          %broadcast_in_dim3A_778 = vector.broadcast %jit3A_776 : f32 to vector<16xf32>
          %broadcast_in_dim3A_779 = vector.broadcast %jit3A_777 : f32 to vector<16xf32>
          %select_n3A_780 = arith.select %or3A_775, %broadcast_in_dim3A_778, %broadcast_in_dim3A_779 : vector<16xi1>, vector<16xf32>
          %add3A_781 = arith.addi %add3A_771, %all_reduce_population_count3A_720 : vector<16xi32>
          %add3A_782 = arith.addi %masked_cumsum3A_707, %add3A_781 : vector<16xi32>
          %le3A_783 = arith.cmpi sle, %add3A_782, %select_n3A_227 : vector<16xi32>
          %and3A_784 = arith.andi %and3A_647, %le3A_783 : vector<16xi1>
          %or3A_785 = arith.ori %gt3A_618, %and3A_784 : vector<16xi1>
          %jit3A_786 = arith.constant 1.000000e+00 : f32
          %jit3A_787 = arith.constant 0.000000e+00 : f32
          %broadcast_in_dim3A_788 = vector.broadcast %jit3A_786 : f32 to vector<16xf32>
          %broadcast_in_dim3A_789 = vector.broadcast %jit3A_787 : f32 to vector<16xf32>
          %select_n3A_790 = arith.select %or3A_785, %broadcast_in_dim3A_788, %broadcast_in_dim3A_789 : vector<16xi1>, vector<16xf32>
          %add3A_791 = arith.addi %add3A_781, %all_reduce_population_count3A_721 : vector<16xi32>
          %add3A_792 = arith.addi %masked_cumsum3A_715, %add3A_791 : vector<16xi32>
          %le3A_793 = arith.cmpi sle, %add3A_792, %select_n3A_227 : vector<16xi32>
          %and3A_794 = arith.andi %and3A_651, %le3A_793 : vector<16xi1>
          %or3A_795 = arith.ori %gt3A_619, %and3A_794 : vector<16xi1>
          %jit3A_796 = arith.constant 1.000000e+00 : f32
          %jit3A_797 = arith.constant 0.000000e+00 : f32
          %broadcast_in_dim3A_798 = vector.broadcast %jit3A_796 : f32 to vector<16xf32>
          %broadcast_in_dim3A_799 = vector.broadcast %jit3A_797 : f32 to vector<16xf32>
          %select_n3A_800 = arith.select %or3A_795, %broadcast_in_dim3A_798, %broadcast_in_dim3A_799 : vector<16xi1>, vector<16xf32>
          %add3A_801 = arith.addi %add3A_791, %all_reduce_population_count3A_722 : vector<16xi32>
          %add3A_802 = arith.constant 0 : i32
          %add3A_803 = arith.addi %mul3A_571, %add3A_802 : i32
          %swap3A = arith.index_cast %add3A_803 : i32 to index
          %swap3A_804 = tpu.vector_load %arg5[%swap3A] {strides = array<i32>} : memref<32768xf32, #tpu.memory_space<vmem>>, vector<16xf32>,
          tpu.vector_store %arg5[%swap3A], %select_n3A_730 {strides = array<i32>} : memref<32768xf32, #tpu.memory_space<vmem>>, vector<16xf32>,
          %add3A_805 = arith.constant 16 : i32
          %add3A_806 = arith.addi %mul3A_571, %add3A_805 : i32
          %swap3A_807 = arith.index_cast %add3A_806 : i32 to index
          %swap3A_808 = tpu.vector_load %arg5[%swap3A_807] {strides = array<i32>} : memref<32768xf32, #tpu.memory_space<vmem>>, vector<16xf32>,
          tpu.vector_store %arg5[%swap3A_807], %select_n3A_740 {strides = array<i32>} : memref<32768xf32, #tpu.memory_space<vmem>>, vector<16xf32>,
          %add3A_809 = arith.constant 32 : i32
          %add3A_810 = arith.addi %mul3A_571, %add3A_809 : i32
          %swap3A_811 = arith.index_cast %add3A_810 : i32 to index
          %swap3A_812 = tpu.vector_load %arg5[%swap3A_811] {strides = array<i32>} : memref<32768xf32, #tpu.memory_space<vmem>>, vector<16xf32>,
          tpu.vector_store %arg5[%swap3A_811], %select_n3A_750 {strides = array<i32>} : memref<32768xf32, #tpu.memory_space<vmem>>, vector<16xf32>,
          %add3A_813 = arith.constant 48 : i32
          %add3A_814 = arith.addi %mul3A_571, %add3A_813 : i32
          %swap3A_815 = arith.index_cast %add3A_814 : i32 to index
          %swap3A_816 = tpu.vector_load %arg5[%swap3A_815] {strides = array<i32>} : memref<32768xf32, #tpu.memory_space<vmem>>, vector<16xf32>,
          tpu.vector_store %arg5[%swap3A_815], %select_n3A_760 {strides = array<i32>} : memref<32768xf32, #tpu.memory_space<vmem>>, vector<16xf32>,
          %add3A_817 = arith.constant 64 : i32
          %add3A_818 = arith.addi %mul3A_571, %add3A_817 : i32
          %swap3A_819 = arith.index_cast %add3A_818 : i32 to index
          %swap3A_820 = tpu.vector_load %arg5[%swap3A_819] {strides = array<i32>} : memref<32768xf32, #tpu.memory_space<vmem>>, vector<16xf32>,
          tpu.vector_store %arg5[%swap3A_819], %select_n3A_770 {strides = array<i32>} : memref<32768xf32, #tpu.memory_space<vmem>>, vector<16xf32>,
          %add3A_821 = arith.constant 80 : i32
          %add3A_822 = arith.addi %mul3A_571, %add3A_821 : i32
          %swap3A_823 = arith.index_cast %add3A_822 : i32 to index
          %swap3A_824 = tpu.vector_load %arg5[%swap3A_823] {strides = array<i32>} : memref<32768xf32, #tpu.memory_space<vmem>>, vector<16xf32>,
          tpu.vector_store %arg5[%swap3A_823], %select_n3A_780 {strides = array<i32>} : memref<32768xf32, #tpu.memory_space<vmem>>, vector<16xf32>,
          %add3A_825 = arith.constant 96 : i32
          %add3A_826 = arith.addi %mul3A_571, %add3A_825 : i32
          %swap3A_827 = arith.index_cast %add3A_826 : i32 to index
          %swap3A_828 = tpu.vector_load %arg5[%swap3A_827] {strides = array<i32>} : memref<32768xf32, #tpu.memory_space<vmem>>, vector<16xf32>,
          tpu.vector_store %arg5[%swap3A_827], %select_n3A_790 {strides = array<i32>} : memref<32768xf32, #tpu.memory_space<vmem>>, vector<16xf32>,
          %add3A_829 = arith.constant 112 : i32
          %add3A_830 = arith.addi %mul3A_571, %add3A_829 : i32
          %swap3A_831 = arith.index_cast %add3A_830 : i32 to index
          %swap3A_832 = tpu.vector_load %arg5[%swap3A_831] {strides = array<i32>} : memref<32768xf32, #tpu.memory_space<vmem>>, vector<16xf32>,
          tpu.vector_store %arg5[%swap3A_831], %select_n3A_800 {strides = array<i32>} : memref<32768xf32, #tpu.memory_space<vmem>>, vector<16xf32>,
          scf.yield %add3A_801 : vector<16xi32>
        }
        %scan3A_564 = arith.constant 256 : i32
        %cond3A_565 = arith.constant 0 : i32
        scf.yield %cond3A_565 : i32
      } else {
        %ge3A = arith.cmpi sge, %select_n3A_227, %cond3A_204#4 : vector<16xi32>
        %scan3A_557 = arith.constant 0 : i32
        %scan3A_558 = arith.constant 0 : i32
        %scan3A_559 = arith.constant 256 : i32
        %scan3A_560 = arith.addi %scan3A_558, %scan3A_559 : i32
        %scan3A_561 = arith.constant 1 : i32
        %scan3A_562 = scf.for %scan3A_565 = %scan3A_558 to %scan3A_560 step %scan3A_561 iter_args(%scan3A_566 = %scan3A_557) -> (i32)  : i32 {
          %mul3A_567 = arith.constant 8 : i32
          %mul3A_568 = arith.muli %scan3A_565, %mul3A_567 : i32
          %mul3A_569 = arith.constant 16 : i32
          %mul3A_570 = arith.muli %mul3A_568, %mul3A_569 : i32
          %add3A_571 = arith.constant 0 : i32
          %add3A_572 = arith.addi %mul3A_570, %add3A_571 : i32
          %get3A_573 = arith.index_cast %add3A_572 : i32 to index
          %get3A_574 = tpu.vector_load %arg5[%get3A_573] {strides = array<i32>} : memref<32768xf32, #tpu.memory_space<vmem>>, vector<16xf32>,
          %add3A_575 = arith.constant 16 : i32
          %add3A_576 = arith.addi %mul3A_570, %add3A_575 : i32
          %get3A_577 = arith.index_cast %add3A_576 : i32 to index
          %get3A_578 = tpu.vector_load %arg5[%get3A_577] {strides = array<i32>} : memref<32768xf32, #tpu.memory_space<vmem>>, vector<16xf32>,
          %add3A_579 = arith.constant 32 : i32
          %add3A_580 = arith.addi %mul3A_570, %add3A_579 : i32
          %get3A_581 = arith.index_cast %add3A_580 : i32 to index
          %get3A_582 = tpu.vector_load %arg5[%get3A_581] {strides = array<i32>} : memref<32768xf32, #tpu.memory_space<vmem>>, vector<16xf32>,
          %add3A_583 = arith.constant 48 : i32
          %add3A_584 = arith.addi %mul3A_570, %add3A_583 : i32
          %get3A_585 = arith.index_cast %add3A_584 : i32 to index
          %get3A_586 = tpu.vector_load %arg5[%get3A_585] {strides = array<i32>} : memref<32768xf32, #tpu.memory_space<vmem>>, vector<16xf32>,
          %add3A_587 = arith.constant 64 : i32
          %add3A_588 = arith.addi %mul3A_570, %add3A_587 : i32
          %get3A_589 = arith.index_cast %add3A_588 : i32 to index
          %get3A_590 = tpu.vector_load %arg5[%get3A_589] {strides = array<i32>} : memref<32768xf32, #tpu.memory_space<vmem>>, vector<16xf32>,
          %add3A_591 = arith.constant 80 : i32
          %add3A_592 = arith.addi %mul3A_570, %add3A_591 : i32
          %get3A_593 = arith.index_cast %add3A_592 : i32 to index
          %get3A_594 = tpu.vector_load %arg5[%get3A_593] {strides = array<i32>} : memref<32768xf32, #tpu.memory_space<vmem>>, vector<16xf32>,
          %add3A_595 = arith.constant 96 : i32
          %add3A_596 = arith.addi %mul3A_570, %add3A_595 : i32
          %get3A_597 = arith.index_cast %add3A_596 : i32 to index
          %get3A_598 = tpu.vector_load %arg5[%get3A_597] {strides = array<i32>} : memref<32768xf32, #tpu.memory_space<vmem>>, vector<16xf32>,
          %add3A_599 = arith.constant 112 : i32
          %add3A_600 = arith.addi %mul3A_570, %add3A_599 : i32
          %get3A_601 = arith.index_cast %add3A_600 : i32 to index
          %get3A_602 = tpu.vector_load %arg5[%get3A_601] {strides = array<i32>} : memref<32768xf32, #tpu.memory_space<vmem>>, vector<16xf32>,
          %bitcast3A_603 = vector.bitcast %get3A_574 : vector<16xf32> to vector<16xi32>
          %gt3A_604 = arith.cmpi sgt, %bitcast3A_603, %broadcast_in_dim3A_205 : vector<16xi32>
          %gt3A_605 = arith.cmpi sgt, %bitcast3A_603, %broadcast_in_dim3A_206 : vector<16xi32>
          %not3A_606 = arith.constant dense<true> : vector<16xi1>
          %not3A_607 = arith.xori %gt3A_604, %not3A_606 : vector<16xi1>
          %and3A_608 = arith.andi %gt3A_605, %not3A_607 : vector<16xi1>
          %and3A_609 = arith.andi %and3A_608, %ge3A : vector<16xi1>
          %or3A_610 = arith.ori %gt3A_604, %and3A_609 : vector<16xi1>
          %jit3A_611 = arith.constant 1.000000e+00 : f32
          %jit3A_612 = arith.constant 0.000000e+00 : f32
          %broadcast_in_dim3A_613 = vector.broadcast %jit3A_611 : f32 to vector<16xf32>
          %broadcast_in_dim3A_614 = vector.broadcast %jit3A_612 : f32 to vector<16xf32>
          %select_n3A_615 = arith.select %or3A_610, %broadcast_in_dim3A_613, %broadcast_in_dim3A_614 : vector<16xi1>, vector<16xf32>
          %bitcast3A_616 = vector.bitcast %get3A_578 : vector<16xf32> to vector<16xi32>
          %gt3A_617 = arith.cmpi sgt, %bitcast3A_616, %broadcast_in_dim3A_205 : vector<16xi32>
          %gt3A_618 = arith.cmpi sgt, %bitcast3A_616, %broadcast_in_dim3A_206 : vector<16xi32>
          %not3A_619 = arith.constant dense<true> : vector<16xi1>
          %not3A_620 = arith.xori %gt3A_617, %not3A_619 : vector<16xi1>
          %and3A_621 = arith.andi %gt3A_618, %not3A_620 : vector<16xi1>
          %and3A_622 = arith.andi %and3A_621, %ge3A : vector<16xi1>
          %or3A_623 = arith.ori %gt3A_617, %and3A_622 : vector<16xi1>
          %jit3A_624 = arith.constant 1.000000e+00 : f32
          %jit3A_625 = arith.constant 0.000000e+00 : f32
          %broadcast_in_dim3A_626 = vector.broadcast %jit3A_624 : f32 to vector<16xf32>
          %broadcast_in_dim3A_627 = vector.broadcast %jit3A_625 : f32 to vector<16xf32>
          %select_n3A_628 = arith.select %or3A_623, %broadcast_in_dim3A_626, %broadcast_in_dim3A_627 : vector<16xi1>, vector<16xf32>
          %bitcast3A_629 = vector.bitcast %get3A_582 : vector<16xf32> to vector<16xi32>
          %gt3A_630 = arith.cmpi sgt, %bitcast3A_629, %broadcast_in_dim3A_205 : vector<16xi32>
          %gt3A_631 = arith.cmpi sgt, %bitcast3A_629, %broadcast_in_dim3A_206 : vector<16xi32>
          %not3A_632 = arith.constant dense<true> : vector<16xi1>
          %not3A_633 = arith.xori %gt3A_630, %not3A_632 : vector<16xi1>
          %and3A_634 = arith.andi %gt3A_631, %not3A_633 : vector<16xi1>
          %and3A_635 = arith.andi %and3A_634, %ge3A : vector<16xi1>
          %or3A_636 = arith.ori %gt3A_630, %and3A_635 : vector<16xi1>
          %jit3A_637 = arith.constant 1.000000e+00 : f32
          %jit3A_638 = arith.constant 0.000000e+00 : f32
          %broadcast_in_dim3A_639 = vector.broadcast %jit3A_637 : f32 to vector<16xf32>
          %broadcast_in_dim3A_640 = vector.broadcast %jit3A_638 : f32 to vector<16xf32>
          %select_n3A_641 = arith.select %or3A_636, %broadcast_in_dim3A_639, %broadcast_in_dim3A_640 : vector<16xi1>, vector<16xf32>
          %bitcast3A_642 = vector.bitcast %get3A_586 : vector<16xf32> to vector<16xi32>
          %gt3A_643 = arith.cmpi sgt, %bitcast3A_642, %broadcast_in_dim3A_205 : vector<16xi32>
          %gt3A_644 = arith.cmpi sgt, %bitcast3A_642, %broadcast_in_dim3A_206 : vector<16xi32>
          %not3A_645 = arith.constant dense<true> : vector<16xi1>
          %not3A_646 = arith.xori %gt3A_643, %not3A_645 : vector<16xi1>
          %and3A_647 = arith.andi %gt3A_644, %not3A_646 : vector<16xi1>
          %and3A_648 = arith.andi %and3A_647, %ge3A : vector<16xi1>
          %or3A_649 = arith.ori %gt3A_643, %and3A_648 : vector<16xi1>
          %jit3A_650 = arith.constant 1.000000e+00 : f32
          %jit3A_651 = arith.constant 0.000000e+00 : f32
          %broadcast_in_dim3A_652 = vector.broadcast %jit3A_650 : f32 to vector<16xf32>
          %broadcast_in_dim3A_653 = vector.broadcast %jit3A_651 : f32 to vector<16xf32>
          %select_n3A_654 = arith.select %or3A_649, %broadcast_in_dim3A_652, %broadcast_in_dim3A_653 : vector<16xi1>, vector<16xf32>
          %bitcast3A_655 = vector.bitcast %get3A_590 : vector<16xf32> to vector<16xi32>
          %gt3A_656 = arith.cmpi sgt, %bitcast3A_655, %broadcast_in_dim3A_205 : vector<16xi32>
          %gt3A_657 = arith.cmpi sgt, %bitcast3A_655, %broadcast_in_dim3A_206 : vector<16xi32>
          %not3A_658 = arith.constant dense<true> : vector<16xi1>
          %not3A_659 = arith.xori %gt3A_656, %not3A_658 : vector<16xi1>
          %and3A_660 = arith.andi %gt3A_657, %not3A_659 : vector<16xi1>
          %and3A_661 = arith.andi %and3A_660, %ge3A : vector<16xi1>
          %or3A_662 = arith.ori %gt3A_656, %and3A_661 : vector<16xi1>
          %jit3A_663 = arith.constant 1.000000e+00 : f32
          %jit3A_664 = arith.constant 0.000000e+00 : f32
          %broadcast_in_dim3A_665 = vector.broadcast %jit3A_663 : f32 to vector<16xf32>
          %broadcast_in_dim3A_666 = vector.broadcast %jit3A_664 : f32 to vector<16xf32>
          %select_n3A_667 = arith.select %or3A_662, %broadcast_in_dim3A_665, %broadcast_in_dim3A_666 : vector<16xi1>, vector<16xf32>
          %bitcast3A_668 = vector.bitcast %get3A_594 : vector<16xf32> to vector<16xi32>
          %gt3A_669 = arith.cmpi sgt, %bitcast3A_668, %broadcast_in_dim3A_205 : vector<16xi32>
          %gt3A_670 = arith.cmpi sgt, %bitcast3A_668, %broadcast_in_dim3A_206 : vector<16xi32>
          %not3A_671 = arith.constant dense<true> : vector<16xi1>
          %not3A_672 = arith.xori %gt3A_669, %not3A_671 : vector<16xi1>
          %and3A_673 = arith.andi %gt3A_670, %not3A_672 : vector<16xi1>
          %and3A_674 = arith.andi %and3A_673, %ge3A : vector<16xi1>
          %or3A_675 = arith.ori %gt3A_669, %and3A_674 : vector<16xi1>
          %jit3A_676 = arith.constant 1.000000e+00 : f32
          %jit3A_677 = arith.constant 0.000000e+00 : f32
          %broadcast_in_dim3A_678 = vector.broadcast %jit3A_676 : f32 to vector<16xf32>
          %broadcast_in_dim3A_679 = vector.broadcast %jit3A_677 : f32 to vector<16xf32>
          %select_n3A_680 = arith.select %or3A_675, %broadcast_in_dim3A_678, %broadcast_in_dim3A_679 : vector<16xi1>, vector<16xf32>
          %bitcast3A_681 = vector.bitcast %get3A_598 : vector<16xf32> to vector<16xi32>
          %gt3A_682 = arith.cmpi sgt, %bitcast3A_681, %broadcast_in_dim3A_205 : vector<16xi32>
          %gt3A_683 = arith.cmpi sgt, %bitcast3A_681, %broadcast_in_dim3A_206 : vector<16xi32>
          %not3A_684 = arith.constant dense<true> : vector<16xi1>
          %not3A_685 = arith.xori %gt3A_682, %not3A_684 : vector<16xi1>
          %and3A_686 = arith.andi %gt3A_683, %not3A_685 : vector<16xi1>
          %and3A_687 = arith.andi %and3A_686, %ge3A : vector<16xi1>
          %or3A_688 = arith.ori %gt3A_682, %and3A_687 : vector<16xi1>
          %jit3A_689 = arith.constant 1.000000e+00 : f32
          %jit3A_690 = arith.constant 0.000000e+00 : f32
          %broadcast_in_dim3A_691 = vector.broadcast %jit3A_689 : f32 to vector<16xf32>
          %broadcast_in_dim3A_692 = vector.broadcast %jit3A_690 : f32 to vector<16xf32>
          %select_n3A_693 = arith.select %or3A_688, %broadcast_in_dim3A_691, %broadcast_in_dim3A_692 : vector<16xi1>, vector<16xf32>
          %bitcast3A_694 = vector.bitcast %get3A_602 : vector<16xf32> to vector<16xi32>
          %gt3A_695 = arith.cmpi sgt, %bitcast3A_694, %broadcast_in_dim3A_205 : vector<16xi32>
          %gt3A_696 = arith.cmpi sgt, %bitcast3A_694, %broadcast_in_dim3A_206 : vector<16xi32>
          %not3A_697 = arith.constant dense<true> : vector<16xi1>
          %not3A_698 = arith.xori %gt3A_695, %not3A_697 : vector<16xi1>
          %and3A_699 = arith.andi %gt3A_696, %not3A_698 : vector<16xi1>
          %and3A_700 = arith.andi %and3A_699, %ge3A : vector<16xi1>
          %or3A_701 = arith.ori %gt3A_695, %and3A_700 : vector<16xi1>
          %jit3A_702 = arith.constant 1.000000e+00 : f32
          %jit3A_703 = arith.constant 0.000000e+00 : f32
          %broadcast_in_dim3A_704 = vector.broadcast %jit3A_702 : f32 to vector<16xf32>
          %broadcast_in_dim3A_705 = vector.broadcast %jit3A_703 : f32 to vector<16xf32>
          %select_n3A_706 = arith.select %or3A_701, %broadcast_in_dim3A_704, %broadcast_in_dim3A_705 : vector<16xi1>, vector<16xf32>
          %add3A_707 = arith.constant 0 : i32
          %add3A_708 = arith.addi %mul3A_570, %add3A_707 : i32
          %swap3A = arith.index_cast %add3A_708 : i32 to index
          %swap3A_709 = tpu.vector_load %arg5[%swap3A] {strides = array<i32>} : memref<32768xf32, #tpu.memory_space<vmem>>, vector<16xf32>,
          tpu.vector_store %arg5[%swap3A], %select_n3A_615 {strides = array<i32>} : memref<32768xf32, #tpu.memory_space<vmem>>, vector<16xf32>,
          %add3A_710 = arith.constant 16 : i32
          %add3A_711 = arith.addi %mul3A_570, %add3A_710 : i32
          %swap3A_712 = arith.index_cast %add3A_711 : i32 to index
          %swap3A_713 = tpu.vector_load %arg5[%swap3A_712] {strides = array<i32>} : memref<32768xf32, #tpu.memory_space<vmem>>, vector<16xf32>,
          tpu.vector_store %arg5[%swap3A_712], %select_n3A_628 {strides = array<i32>} : memref<32768xf32, #tpu.memory_space<vmem>>, vector<16xf32>,
          %add3A_714 = arith.constant 32 : i32
          %add3A_715 = arith.addi %mul3A_570, %add3A_714 : i32
          %swap3A_716 = arith.index_cast %add3A_715 : i32 to index
          %swap3A_717 = tpu.vector_load %arg5[%swap3A_716] {strides = array<i32>} : memref<32768xf32, #tpu.memory_space<vmem>>, vector<16xf32>,
          tpu.vector_store %arg5[%swap3A_716], %select_n3A_641 {strides = array<i32>} : memref<32768xf32, #tpu.memory_space<vmem>>, vector<16xf32>,
          %add3A_718 = arith.constant 48 : i32
          %add3A_719 = arith.addi %mul3A_570, %add3A_718 : i32
          %swap3A_720 = arith.index_cast %add3A_719 : i32 to index
          %swap3A_721 = tpu.vector_load %arg5[%swap3A_720] {strides = array<i32>} : memref<32768xf32, #tpu.memory_space<vmem>>, vector<16xf32>,
          tpu.vector_store %arg5[%swap3A_720], %select_n3A_654 {strides = array<i32>} : memref<32768xf32, #tpu.memory_space<vmem>>, vector<16xf32>,
          %add3A_722 = arith.constant 64 : i32
          %add3A_723 = arith.addi %mul3A_570, %add3A_722 : i32
          %swap3A_724 = arith.index_cast %add3A_723 : i32 to index
          %swap3A_725 = tpu.vector_load %arg5[%swap3A_724] {strides = array<i32>} : memref<32768xf32, #tpu.memory_space<vmem>>, vector<16xf32>,
          tpu.vector_store %arg5[%swap3A_724], %select_n3A_667 {strides = array<i32>} : memref<32768xf32, #tpu.memory_space<vmem>>, vector<16xf32>,
          %add3A_726 = arith.constant 80 : i32
          %add3A_727 = arith.addi %mul3A_570, %add3A_726 : i32
          %swap3A_728 = arith.index_cast %add3A_727 : i32 to index
          %swap3A_729 = tpu.vector_load %arg5[%swap3A_728] {strides = array<i32>} : memref<32768xf32, #tpu.memory_space<vmem>>, vector<16xf32>,
          tpu.vector_store %arg5[%swap3A_728], %select_n3A_680 {strides = array<i32>} : memref<32768xf32, #tpu.memory_space<vmem>>, vector<16xf32>,
          %add3A_730 = arith.constant 96 : i32
          %add3A_731 = arith.addi %mul3A_570, %add3A_730 : i32
          %swap3A_732 = arith.index_cast %add3A_731 : i32 to index
          %swap3A_733 = tpu.vector_load %arg5[%swap3A_732] {strides = array<i32>} : memref<32768xf32, #tpu.memory_space<vmem>>, vector<16xf32>,
          tpu.vector_store %arg5[%swap3A_732], %select_n3A_693 {strides = array<i32>} : memref<32768xf32, #tpu.memory_space<vmem>>, vector<16xf32>,
          %add3A_734 = arith.constant 112 : i32
          %add3A_735 = arith.addi %mul3A_570, %add3A_734 : i32
          %swap3A_736 = arith.index_cast %add3A_735 : i32 to index
          %swap3A_737 = tpu.vector_load %arg5[%swap3A_736] {strides = array<i32>} : memref<32768xf32, #tpu.memory_space<vmem>>, vector<16xf32>,
          tpu.vector_store %arg5[%swap3A_736], %select_n3A_706 {strides = array<i32>} : memref<32768xf32, #tpu.memory_space<vmem>>, vector<16xf32>,
          %scan3A_738 = arith.constant 0 : i32
          scf.yield %scan3A_738 : i32
        }
        %scan3A_563 = arith.constant 256 : i32
        %cond3A_564 = arith.constant 0 : i32
        scf.yield %cond3A_564 : i32
      }
      %cond3A_556 = arith.constant 0 : i32
      scf.yield %cond3A_556 : i32
    }
    %dma_start3A_259 = arith.constant 0 : i32
    %dma_start3A_260 = tpu.memref_slice %arg4[%mul3A_2, %dma_start3A_259] : memref<64x32768xf32, #tpu.memory_space<hbm>> -> memref<1x32768xf32, #tpu.memory_space<hbm>>
    %dma_start3A_261 = tpu.memref_squeeze %dma_start3A_260 : memref<1x32768xf32, #tpu.memory_space<hbm>> -> memref<32768xf32, #tpu.memory_space<hbm>>
    %dma_start3A_262 = arith.constant 0 : i32
    %dma_start3A_263 = tpu.memref_slice %arg4[%mul3A_2, %dma_start3A_262] : memref<64x32768xf32, #tpu.memory_space<hbm>> -> memref<1x32768xf32, #tpu.memory_space<hbm>>
    %dma_start3A_264 = tpu.memref_squeeze %dma_start3A_263 : memref<1x32768xf32, #tpu.memory_space<hbm>> -> memref<32768xf32, #tpu.memory_space<hbm>>
    tpu.enqueue_dma source(%arg5 : memref<32768xf32, #tpu.memory_space<vmem>>) target(%dma_start3A_264 : memref<32768xf32, #tpu.memory_space<hbm>>) target_semaphore(%arg11 : memref<!tpu.dma_semaphore, #tpu.memory_space<semaphore_mem>>)
    "tpu.region"() ({
      %run_scoped3A = tpu.sem_alloc : memref<!tpu.dma_semaphore, #tpu.memory_space<semaphore_mem>>
      %dma_start3A_551 = arith.constant 0 : i32
      %dma_start3A_552 = tpu.memref_slice %arg3[%add3A_4, %dma_start3A_551] : memref<64x32768xi32, #tpu.memory_space<hbm>> -> memref<1x32768xi32, #tpu.memory_space<hbm>>
      %dma_start3A_553 = tpu.memref_squeeze %dma_start3A_552 : memref<1x32768xi32, #tpu.memory_space<hbm>> -> memref<32768xi32, #tpu.memory_space<hbm>>
      %dma_start3A_554 = arith.constant 0 : i32
      %dma_start3A_555 = tpu.memref_slice %arg3[%add3A_4, %dma_start3A_554] : memref<64x32768xi32, #tpu.memory_space<hbm>> -> memref<1x32768xi32, #tpu.memory_space<hbm>>
      %dma_start3A_556 = tpu.memref_squeeze %dma_start3A_555 : memref<1x32768xi32, #tpu.memory_space<hbm>> -> memref<32768xi32, #tpu.memory_space<hbm>>
      tpu.enqueue_dma source(%dma_start3A_556 : memref<32768xi32, #tpu.memory_space<hbm>>) target(%arg7 : memref<32768xi32, #tpu.memory_space<vmem>>) target_semaphore(%run_scoped3A : memref<!tpu.dma_semaphore, #tpu.memory_space<semaphore_mem>>)
      %dma_wait3A_557 = arith.constant 0 : i32
      %dma_wait3A_558 = tpu.memref_slice %arg3[%add3A_4, %dma_wait3A_557] : memref<64x32768xi32, #tpu.memory_space<hbm>> -> memref<1x32768xi32, #tpu.memory_space<hbm>>
      %dma_wait3A_559 = tpu.memref_squeeze %dma_wait3A_558 : memref<1x32768xi32, #tpu.memory_space<hbm>> -> memref<32768xi32, #tpu.memory_space<hbm>>
      %dma_wait3A_560 = arith.constant 0 : i32
      %dma_wait3A_561 = tpu.memref_slice %arg3[%add3A_4, %dma_wait3A_560] : memref<64x32768xi32, #tpu.memory_space<hbm>> -> memref<1x32768xi32, #tpu.memory_space<hbm>>
      %dma_wait3A_562 = tpu.memref_squeeze %dma_wait3A_561 : memref<1x32768xi32, #tpu.memory_space<hbm>> -> memref<32768xi32, #tpu.memory_space<hbm>>
      tpu.wait_dma2 semaphore(%run_scoped3A : memref<!tpu.dma_semaphore, #tpu.memory_space<semaphore_mem>>) src(%dma_wait3A_562 : memref<32768xi32, #tpu.memory_space<hbm>>) dst(%arg7 : memref<32768xi32, #tpu.memory_space<vmem>>)
      tpu.yield
    }) : () -> ()
    %dma_wait3A = arith.constant 0 : i32
    %dma_wait3A_265 = tpu.memref_slice %arg2[%add3A_4, %dma_wait3A] : memref<64x32768xf32, #tpu.memory_space<hbm>> -> memref<1x32768xf32, #tpu.memory_space<hbm>>
    %dma_wait3A_266 = tpu.memref_squeeze %dma_wait3A_265 : memref<1x32768xf32, #tpu.memory_space<hbm>> -> memref<32768xf32, #tpu.memory_space<hbm>>
    %dma_wait3A_267 = arith.constant 0 : i32
    %dma_wait3A_268 = tpu.memref_slice %arg2[%add3A_4, %dma_wait3A_267] : memref<64x32768xf32, #tpu.memory_space<hbm>> -> memref<1x32768xf32, #tpu.memory_space<hbm>>
    %dma_wait3A_269 = tpu.memref_squeeze %dma_wait3A_268 : memref<1x32768xf32, #tpu.memory_space<hbm>> -> memref<32768xf32, #tpu.memory_space<hbm>>
    tpu.wait_dma2 semaphore(%arg10 : memref<!tpu.dma_semaphore, #tpu.memory_space<semaphore_mem>>) src(%dma_wait3A_269 : memref<32768xf32, #tpu.memory_space<hbm>>) dst(%arg6 : memref<32768xf32, #tpu.memory_space<vmem>>)
    %broadcast_in_dim3A_270 = arith.constant 0.000000e+00 : f32
    %broadcast_in_dim3A_271 = vector.broadcast %broadcast_in_dim3A_270 : f32 to vector<16xf32>
    %scan3A_272 = arith.constant 0 : i32
    %scan3A_273 = arith.constant 0 : i32
    %scan3A_274 = arith.constant 32 : i32
    %scan3A_275 = arith.addi %scan3A_273, %scan3A_274 : i32
    %scan3A_276 = arith.constant 1 : i32
    %scan3A_277 = scf.for %scan3A_551 = %scan3A_273 to %scan3A_275 step %scan3A_276 iter_args(%scan3A_552 = %scan3A_272) -> (i32)  : i32 {
      %mul3A_553 = arith.constant 8 : i32
      %mul3A_554 = arith.muli %scan3A_551, %mul3A_553 : i32
      %mul3A_555 = arith.constant 16 : i32
      %mul3A_556 = arith.muli %mul3A_554, %mul3A_555 : i32
      %add3A_557 = arith.constant 0 : i32
      %add3A_558 = arith.addi %mul3A_556, %add3A_557 : i32
      %swap3A = arith.index_cast %add3A_558 : i32 to index
      %swap3A_559 = tpu.vector_load %arg8[%swap3A] {strides = array<i32>} : memref<4096xf32, #tpu.memory_space<vmem>>, vector<16xf32>,
      tpu.vector_store %arg8[%swap3A], %broadcast_in_dim3A_271 {strides = array<i32>} : memref<4096xf32, #tpu.memory_space<vmem>>, vector<16xf32>,
      %add3A_560 = arith.constant 16 : i32
      %add3A_561 = arith.addi %mul3A_556, %add3A_560 : i32
      %swap3A_562 = arith.index_cast %add3A_561 : i32 to index
      %swap3A_563 = tpu.vector_load %arg8[%swap3A_562] {strides = array<i32>} : memref<4096xf32, #tpu.memory_space<vmem>>, vector<16xf32>,
      tpu.vector_store %arg8[%swap3A_562], %broadcast_in_dim3A_271 {strides = array<i32>} : memref<4096xf32, #tpu.memory_space<vmem>>, vector<16xf32>,
      %add3A_564 = arith.constant 32 : i32
      %add3A_565 = arith.addi %mul3A_556, %add3A_564 : i32
      %swap3A_566 = arith.index_cast %add3A_565 : i32 to index
      %swap3A_567 = tpu.vector_load %arg8[%swap3A_566] {strides = array<i32>} : memref<4096xf32, #tpu.memory_space<vmem>>, vector<16xf32>,
      tpu.vector_store %arg8[%swap3A_566], %broadcast_in_dim3A_271 {strides = array<i32>} : memref<4096xf32, #tpu.memory_space<vmem>>, vector<16xf32>,
      %add3A_568 = arith.constant 48 : i32
      %add3A_569 = arith.addi %mul3A_556, %add3A_568 : i32
      %swap3A_570 = arith.index_cast %add3A_569 : i32 to index
      %swap3A_571 = tpu.vector_load %arg8[%swap3A_570] {strides = array<i32>} : memref<4096xf32, #tpu.memory_space<vmem>>, vector<16xf32>,
      tpu.vector_store %arg8[%swap3A_570], %broadcast_in_dim3A_271 {strides = array<i32>} : memref<4096xf32, #tpu.memory_space<vmem>>, vector<16xf32>,
      %add3A_572 = arith.constant 64 : i32
      %add3A_573 = arith.addi %mul3A_556, %add3A_572 : i32
      %swap3A_574 = arith.index_cast %add3A_573 : i32 to index
      %swap3A_575 = tpu.vector_load %arg8[%swap3A_574] {strides = array<i32>} : memref<4096xf32, #tpu.memory_space<vmem>>, vector<16xf32>,
      tpu.vector_store %arg8[%swap3A_574], %broadcast_in_dim3A_271 {strides = array<i32>} : memref<4096xf32, #tpu.memory_space<vmem>>, vector<16xf32>,
      %add3A_576 = arith.constant 80 : i32
      %add3A_577 = arith.addi %mul3A_556, %add3A_576 : i32
      %swap3A_578 = arith.index_cast %add3A_577 : i32 to index
      %swap3A_579 = tpu.vector_load %arg8[%swap3A_578] {strides = array<i32>} : memref<4096xf32, #tpu.memory_space<vmem>>, vector<16xf32>,
      tpu.vector_store %arg8[%swap3A_578], %broadcast_in_dim3A_271 {strides = array<i32>} : memref<4096xf32, #tpu.memory_space<vmem>>, vector<16xf32>,
      %add3A_580 = arith.constant 96 : i32
      %add3A_581 = arith.addi %mul3A_556, %add3A_580 : i32
      %swap3A_582 = arith.index_cast %add3A_581 : i32 to index
      %swap3A_583 = tpu.vector_load %arg8[%swap3A_582] {strides = array<i32>} : memref<4096xf32, #tpu.memory_space<vmem>>, vector<16xf32>,
      tpu.vector_store %arg8[%swap3A_582], %broadcast_in_dim3A_271 {strides = array<i32>} : memref<4096xf32, #tpu.memory_space<vmem>>, vector<16xf32>,
      %add3A_584 = arith.constant 112 : i32
      %add3A_585 = arith.addi %mul3A_556, %add3A_584 : i32
      %swap3A_586 = arith.index_cast %add3A_585 : i32 to index
      %swap3A_587 = tpu.vector_load %arg8[%swap3A_586] {strides = array<i32>} : memref<4096xf32, #tpu.memory_space<vmem>>, vector<16xf32>,
      tpu.vector_store %arg8[%swap3A_586], %broadcast_in_dim3A_271 {strides = array<i32>} : memref<4096xf32, #tpu.memory_space<vmem>>, vector<16xf32>,
      %scan3A_588 = arith.constant 0 : i32
      scf.yield %scan3A_588 : i32
    }
    %scan3A_278 = arith.constant 32 : i32
    %broadcast_in_dim3A_279 = arith.constant 0.000000e+00 : f32
    %broadcast_in_dim3A_280 = vector.broadcast %broadcast_in_dim3A_279 : f32 to vector<16xf32>
    %scan3A_281 = arith.constant 0 : i32
    %scan3A_282 = arith.constant 256 : i32
    %scan3A_283 = arith.addi %scan3A_281, %scan3A_282 : i32
    %scan3A_284 = arith.constant 1 : i32
    %scan3A_285 = scf.for %scan3A_551 = %scan3A_281 to %scan3A_283 step %scan3A_284 iter_args(%scan3A_552 = %broadcast_in_dim3A_280) -> (vector<16xf32>)  : i32 {
      %mul3A_553 = arith.constant 8 : i32
      %mul3A_554 = arith.muli %scan3A_551, %mul3A_553 : i32
      %mul3A_555 = arith.constant 16 : i32
      %mul3A_556 = arith.muli %mul3A_554, %mul3A_555 : i32
      %add3A_557 = arith.constant 0 : i32
      %add3A_558 = arith.addi %mul3A_556, %add3A_557 : i32
      %get3A_559 = arith.index_cast %add3A_558 : i32 to index
      %get3A_560 = tpu.vector_load %arg6[%get3A_559] {strides = array<i32>} : memref<32768xf32, #tpu.memory_space<vmem>>, vector<16xf32>,
      %add3A_561 = arith.constant 16 : i32
      %add3A_562 = arith.addi %mul3A_556, %add3A_561 : i32
      %get3A_563 = arith.index_cast %add3A_562 : i32 to index
      %get3A_564 = tpu.vector_load %arg6[%get3A_563] {strides = array<i32>} : memref<32768xf32, #tpu.memory_space<vmem>>, vector<16xf32>,
      %add3A_565 = arith.constant 32 : i32
      %add3A_566 = arith.addi %mul3A_556, %add3A_565 : i32
      %get3A_567 = arith.index_cast %add3A_566 : i32 to index
      %get3A_568 = tpu.vector_load %arg6[%get3A_567] {strides = array<i32>} : memref<32768xf32, #tpu.memory_space<vmem>>, vector<16xf32>,
      %add3A_569 = arith.constant 48 : i32
      %add3A_570 = arith.addi %mul3A_556, %add3A_569 : i32
      %get3A_571 = arith.index_cast %add3A_570 : i32 to index
      %get3A_572 = tpu.vector_load %arg6[%get3A_571] {strides = array<i32>} : memref<32768xf32, #tpu.memory_space<vmem>>, vector<16xf32>,
      %add3A_573 = arith.constant 64 : i32
      %add3A_574 = arith.addi %mul3A_556, %add3A_573 : i32
      %get3A_575 = arith.index_cast %add3A_574 : i32 to index
      %get3A_576 = tpu.vector_load %arg6[%get3A_575] {strides = array<i32>} : memref<32768xf32, #tpu.memory_space<vmem>>, vector<16xf32>,
      %add3A_577 = arith.constant 80 : i32
      %add3A_578 = arith.addi %mul3A_556, %add3A_577 : i32
      %get3A_579 = arith.index_cast %add3A_578 : i32 to index
      %get3A_580 = tpu.vector_load %arg6[%get3A_579] {strides = array<i32>} : memref<32768xf32, #tpu.memory_space<vmem>>, vector<16xf32>,
      %add3A_581 = arith.constant 96 : i32
      %add3A_582 = arith.addi %mul3A_556, %add3A_581 : i32
      %get3A_583 = arith.index_cast %add3A_582 : i32 to index
      %get3A_584 = tpu.vector_load %arg6[%get3A_583] {strides = array<i32>} : memref<32768xf32, #tpu.memory_space<vmem>>, vector<16xf32>,
      %add3A_585 = arith.constant 112 : i32
      %add3A_586 = arith.addi %mul3A_556, %add3A_585 : i32
      %get3A_587 = arith.index_cast %add3A_586 : i32 to index
      %get3A_588 = tpu.vector_load %arg6[%get3A_587] {strides = array<i32>} : memref<32768xf32, #tpu.memory_space<vmem>>, vector<16xf32>,
      %add3A_589 = arith.constant 0 : i32
      %add3A_590 = arith.addi %mul3A_556, %add3A_589 : i32
      %get3A_591 = arith.index_cast %add3A_590 : i32 to index
      %get3A_592 = tpu.vector_load %arg7[%get3A_591] {strides = array<i32>} : memref<32768xi32, #tpu.memory_space<vmem>>, vector<16xi32>,
      %add3A_593 = arith.constant 16 : i32
      %add3A_594 = arith.addi %mul3A_556, %add3A_593 : i32
      %get3A_595 = arith.index_cast %add3A_594 : i32 to index
      %get3A_596 = tpu.vector_load %arg7[%get3A_595] {strides = array<i32>} : memref<32768xi32, #tpu.memory_space<vmem>>, vector<16xi32>,
      %add3A_597 = arith.constant 32 : i32
      %add3A_598 = arith.addi %mul3A_556, %add3A_597 : i32
      %get3A_599 = arith.index_cast %add3A_598 : i32 to index
      %get3A_600 = tpu.vector_load %arg7[%get3A_599] {strides = array<i32>} : memref<32768xi32, #tpu.memory_space<vmem>>, vector<16xi32>,
      %add3A_601 = arith.constant 48 : i32
      %add3A_602 = arith.addi %mul3A_556, %add3A_601 : i32
      %get3A_603 = arith.index_cast %add3A_602 : i32 to index
      %get3A_604 = tpu.vector_load %arg7[%get3A_603] {strides = array<i32>} : memref<32768xi32, #tpu.memory_space<vmem>>, vector<16xi32>,
      %add3A_605 = arith.constant 64 : i32
      %add3A_606 = arith.addi %mul3A_556, %add3A_605 : i32
      %get3A_607 = arith.index_cast %add3A_606 : i32 to index
      %get3A_608 = tpu.vector_load %arg7[%get3A_607] {strides = array<i32>} : memref<32768xi32, #tpu.memory_space<vmem>>, vector<16xi32>,
      %add3A_609 = arith.constant 80 : i32
      %add3A_610 = arith.addi %mul3A_556, %add3A_609 : i32
      %get3A_611 = arith.index_cast %add3A_610 : i32 to index
      %get3A_612 = tpu.vector_load %arg7[%get3A_611] {strides = array<i32>} : memref<32768xi32, #tpu.memory_space<vmem>>, vector<16xi32>,
      %add3A_613 = arith.constant 96 : i32
      %add3A_614 = arith.addi %mul3A_556, %add3A_613 : i32
      %get3A_615 = arith.index_cast %add3A_614 : i32 to index
      %get3A_616 = tpu.vector_load %arg7[%get3A_615] {strides = array<i32>} : memref<32768xi32, #tpu.memory_space<vmem>>, vector<16xi32>,
      %add3A_617 = arith.constant 112 : i32
      %add3A_618 = arith.addi %mul3A_556, %add3A_617 : i32
      %get3A_619 = arith.index_cast %add3A_618 : i32 to index
      %get3A_620 = tpu.vector_load %arg7[%get3A_619] {strides = array<i32>} : memref<32768xi32, #tpu.memory_space<vmem>>, vector<16xi32>,
      %ne3A = arith.constant 0 : i32
      %ne3A_621 = vector.broadcast %ne3A : i32 to vector<16xi32>
      %ne3A_622 = arith.cmpi ne, %get3A_592, %ne3A_621 : vector<16xi32>
      %jit3A_623 = arith.constant 0.000000e+00 : f32
      %broadcast_in_dim3A_624 = vector.broadcast %jit3A_623 : f32 to vector<16xf32>
      %select_n3A_625 = arith.select %ne3A_622, %get3A_560, %broadcast_in_dim3A_624 : vector<16xi1>, vector<16xf32>
      %ne3A_626 = arith.constant 0 : i32
      %ne3A_627 = vector.broadcast %ne3A_626 : i32 to vector<16xi32>
      %ne3A_628 = arith.cmpi ne, %get3A_596, %ne3A_627 : vector<16xi32>
      %jit3A_629 = arith.constant 0.000000e+00 : f32
      %broadcast_in_dim3A_630 = vector.broadcast %jit3A_629 : f32 to vector<16xf32>
      %select_n3A_631 = arith.select %ne3A_628, %get3A_564, %broadcast_in_dim3A_630 : vector<16xi1>, vector<16xf32>
      %ne3A_632 = arith.constant 0 : i32
      %ne3A_633 = vector.broadcast %ne3A_632 : i32 to vector<16xi32>
      %ne3A_634 = arith.cmpi ne, %get3A_600, %ne3A_633 : vector<16xi32>
      %jit3A_635 = arith.constant 0.000000e+00 : f32
      %broadcast_in_dim3A_636 = vector.broadcast %jit3A_635 : f32 to vector<16xf32>
      %select_n3A_637 = arith.select %ne3A_634, %get3A_568, %broadcast_in_dim3A_636 : vector<16xi1>, vector<16xf32>
      %ne3A_638 = arith.constant 0 : i32
      %ne3A_639 = vector.broadcast %ne3A_638 : i32 to vector<16xi32>
      %ne3A_640 = arith.cmpi ne, %get3A_604, %ne3A_639 : vector<16xi32>
      %jit3A_641 = arith.constant 0.000000e+00 : f32
      %broadcast_in_dim3A_642 = vector.broadcast %jit3A_641 : f32 to vector<16xf32>
      %select_n3A_643 = arith.select %ne3A_640, %get3A_572, %broadcast_in_dim3A_642 : vector<16xi1>, vector<16xf32>
      %ne3A_644 = arith.constant 0 : i32
      %ne3A_645 = vector.broadcast %ne3A_644 : i32 to vector<16xi32>
      %ne3A_646 = arith.cmpi ne, %get3A_608, %ne3A_645 : vector<16xi32>
      %jit3A_647 = arith.constant 0.000000e+00 : f32
      %broadcast_in_dim3A_648 = vector.broadcast %jit3A_647 : f32 to vector<16xf32>
      %select_n3A_649 = arith.select %ne3A_646, %get3A_576, %broadcast_in_dim3A_648 : vector<16xi1>, vector<16xf32>
      %ne3A_650 = arith.constant 0 : i32
      %ne3A_651 = vector.broadcast %ne3A_650 : i32 to vector<16xi32>
      %ne3A_652 = arith.cmpi ne, %get3A_612, %ne3A_651 : vector<16xi32>
      %jit3A_653 = arith.constant 0.000000e+00 : f32
      %broadcast_in_dim3A_654 = vector.broadcast %jit3A_653 : f32 to vector<16xf32>
      %select_n3A_655 = arith.select %ne3A_652, %get3A_580, %broadcast_in_dim3A_654 : vector<16xi1>, vector<16xf32>
      %ne3A_656 = arith.constant 0 : i32
      %ne3A_657 = vector.broadcast %ne3A_656 : i32 to vector<16xi32>
      %ne3A_658 = arith.cmpi ne, %get3A_616, %ne3A_657 : vector<16xi32>
      %jit3A_659 = arith.constant 0.000000e+00 : f32
      %broadcast_in_dim3A_660 = vector.broadcast %jit3A_659 : f32 to vector<16xf32>
      %select_n3A_661 = arith.select %ne3A_658, %get3A_584, %broadcast_in_dim3A_660 : vector<16xi1>, vector<16xf32>
      %ne3A_662 = arith.constant 0 : i32
      %ne3A_663 = vector.broadcast %ne3A_662 : i32 to vector<16xi32>
      %ne3A_664 = arith.cmpi ne, %get3A_620, %ne3A_663 : vector<16xi32>
      %jit3A_665 = arith.constant 0.000000e+00 : f32
      %broadcast_in_dim3A_666 = vector.broadcast %jit3A_665 : f32 to vector<16xf32>
      %select_n3A_667 = arith.select %ne3A_664, %get3A_588, %broadcast_in_dim3A_666 : vector<16xi1>, vector<16xf32>
      %bitcast3A_668 = vector.bitcast %select_n3A_625 : vector<16xf32> to vector<16xi32>
      %bitcast3A_669 = vector.bitcast %select_n3A_631 : vector<16xf32> to vector<16xi32>
      %bitcast3A_670 = vector.bitcast %select_n3A_637 : vector<16xf32> to vector<16xi32>
      %bitcast3A_671 = vector.bitcast %select_n3A_643 : vector<16xf32> to vector<16xi32>
      %bitcast3A_672 = vector.bitcast %select_n3A_649 : vector<16xf32> to vector<16xi32>
      %bitcast3A_673 = vector.bitcast %select_n3A_655 : vector<16xf32> to vector<16xi32>
      %bitcast3A_674 = vector.bitcast %select_n3A_661 : vector<16xf32> to vector<16xi32>
      %bitcast3A_675 = vector.bitcast %select_n3A_667 : vector<16xf32> to vector<16xi32>
      %add3A_676 = arith.constant 0 : i32
      %add3A_677 = arith.addi %mul3A_556, %add3A_676 : i32
      %swap3A = arith.index_cast %add3A_677 : i32 to index
      %swap3A_678 = tpu.vector_load %arg6[%swap3A] {strides = array<i32>} : memref<32768xf32, #tpu.memory_space<vmem>>, vector<16xf32>,
      tpu.vector_store %arg6[%swap3A], %select_n3A_625 {strides = array<i32>} : memref<32768xf32, #tpu.memory_space<vmem>>, vector<16xf32>,
      %add3A_679 = arith.constant 16 : i32
      %add3A_680 = arith.addi %mul3A_556, %add3A_679 : i32
      %swap3A_681 = arith.index_cast %add3A_680 : i32 to index
      %swap3A_682 = tpu.vector_load %arg6[%swap3A_681] {strides = array<i32>} : memref<32768xf32, #tpu.memory_space<vmem>>, vector<16xf32>,
      tpu.vector_store %arg6[%swap3A_681], %select_n3A_631 {strides = array<i32>} : memref<32768xf32, #tpu.memory_space<vmem>>, vector<16xf32>,
      %add3A_683 = arith.constant 32 : i32
      %add3A_684 = arith.addi %mul3A_556, %add3A_683 : i32
      %swap3A_685 = arith.index_cast %add3A_684 : i32 to index
      %swap3A_686 = tpu.vector_load %arg6[%swap3A_685] {strides = array<i32>} : memref<32768xf32, #tpu.memory_space<vmem>>, vector<16xf32>,
      tpu.vector_store %arg6[%swap3A_685], %select_n3A_637 {strides = array<i32>} : memref<32768xf32, #tpu.memory_space<vmem>>, vector<16xf32>,
      %add3A_687 = arith.constant 48 : i32
      %add3A_688 = arith.addi %mul3A_556, %add3A_687 : i32
      %swap3A_689 = arith.index_cast %add3A_688 : i32 to index
      %swap3A_690 = tpu.vector_load %arg6[%swap3A_689] {strides = array<i32>} : memref<32768xf32, #tpu.memory_space<vmem>>, vector<16xf32>,
      tpu.vector_store %arg6[%swap3A_689], %select_n3A_643 {strides = array<i32>} : memref<32768xf32, #tpu.memory_space<vmem>>, vector<16xf32>,
      %add3A_691 = arith.constant 64 : i32
      %add3A_692 = arith.addi %mul3A_556, %add3A_691 : i32
      %swap3A_693 = arith.index_cast %add3A_692 : i32 to index
      %swap3A_694 = tpu.vector_load %arg6[%swap3A_693] {strides = array<i32>} : memref<32768xf32, #tpu.memory_space<vmem>>, vector<16xf32>,
      tpu.vector_store %arg6[%swap3A_693], %select_n3A_649 {strides = array<i32>} : memref<32768xf32, #tpu.memory_space<vmem>>, vector<16xf32>,
      %add3A_695 = arith.constant 80 : i32
      %add3A_696 = arith.addi %mul3A_556, %add3A_695 : i32
      %swap3A_697 = arith.index_cast %add3A_696 : i32 to index
      %swap3A_698 = tpu.vector_load %arg6[%swap3A_697] {strides = array<i32>} : memref<32768xf32, #tpu.memory_space<vmem>>, vector<16xf32>,
      tpu.vector_store %arg6[%swap3A_697], %select_n3A_655 {strides = array<i32>} : memref<32768xf32, #tpu.memory_space<vmem>>, vector<16xf32>,
      %add3A_699 = arith.constant 96 : i32
      %add3A_700 = arith.addi %mul3A_556, %add3A_699 : i32
      %swap3A_701 = arith.index_cast %add3A_700 : i32 to index
      %swap3A_702 = tpu.vector_load %arg6[%swap3A_701] {strides = array<i32>} : memref<32768xf32, #tpu.memory_space<vmem>>, vector<16xf32>,
      tpu.vector_store %arg6[%swap3A_701], %select_n3A_661 {strides = array<i32>} : memref<32768xf32, #tpu.memory_space<vmem>>, vector<16xf32>,
      %add3A_703 = arith.constant 112 : i32
      %add3A_704 = arith.addi %mul3A_556, %add3A_703 : i32
      %swap3A_705 = arith.index_cast %add3A_704 : i32 to index
      %swap3A_706 = tpu.vector_load %arg6[%swap3A_705] {strides = array<i32>} : memref<32768xf32, #tpu.memory_space<vmem>>, vector<16xf32>,
      tpu.vector_store %arg6[%swap3A_705], %select_n3A_667 {strides = array<i32>} : memref<32768xf32, #tpu.memory_space<vmem>>, vector<16xf32>,
      %shift_right_logical3A = arith.constant 18 : i32
      %shift_right_logical3A_707 = vector.broadcast %shift_right_logical3A : i32 to vector<16xi32>
      %shift_right_logical3A_708 = arith.shrui %bitcast3A_668, %shift_right_logical3A_707 : vector<16xi32>
      %gt3A_709 = arith.constant 0 : i32
      %gt3A_710 = vector.broadcast %gt3A_709 : i32 to vector<16xi32>
      %gt3A_711 = arith.cmpi sgt, %bitcast3A_668, %gt3A_710 : vector<16xi32>
      tpu.vector_store_idx %arg8[%shift_right_logical3A_708], %select_n3A_625 masked %gt3A_711 {add = true} : memref<4096xf32, #tpu.memory_space<vmem>>[vector<16xi32>], vector<16xf32>, vector<16xi1>
      %shift_right_logical3A_712 = arith.constant 18 : i32
      %shift_right_logical3A_713 = vector.broadcast %shift_right_logical3A_712 : i32 to vector<16xi32>
      %shift_right_logical3A_714 = arith.shrui %bitcast3A_669, %shift_right_logical3A_713 : vector<16xi32>
      %gt3A_715 = arith.constant 0 : i32
      %gt3A_716 = vector.broadcast %gt3A_715 : i32 to vector<16xi32>
      %gt3A_717 = arith.cmpi sgt, %bitcast3A_669, %gt3A_716 : vector<16xi32>
      tpu.vector_store_idx %arg8[%shift_right_logical3A_714], %select_n3A_631 masked %gt3A_717 {add = true} : memref<4096xf32, #tpu.memory_space<vmem>>[vector<16xi32>], vector<16xf32>, vector<16xi1>
      %shift_right_logical3A_718 = arith.constant 18 : i32
      %shift_right_logical3A_719 = vector.broadcast %shift_right_logical3A_718 : i32 to vector<16xi32>
      %shift_right_logical3A_720 = arith.shrui %bitcast3A_670, %shift_right_logical3A_719 : vector<16xi32>
      %gt3A_721 = arith.constant 0 : i32
      %gt3A_722 = vector.broadcast %gt3A_721 : i32 to vector<16xi32>
      %gt3A_723 = arith.cmpi sgt, %bitcast3A_670, %gt3A_722 : vector<16xi32>
      tpu.vector_store_idx %arg8[%shift_right_logical3A_720], %select_n3A_637 masked %gt3A_723 {add = true} : memref<4096xf32, #tpu.memory_space<vmem>>[vector<16xi32>], vector<16xf32>, vector<16xi1>
      %shift_right_logical3A_724 = arith.constant 18 : i32
      %shift_right_logical3A_725 = vector.broadcast %shift_right_logical3A_724 : i32 to vector<16xi32>
      %shift_right_logical3A_726 = arith.shrui %bitcast3A_671, %shift_right_logical3A_725 : vector<16xi32>
      %gt3A_727 = arith.constant 0 : i32
      %gt3A_728 = vector.broadcast %gt3A_727 : i32 to vector<16xi32>
      %gt3A_729 = arith.cmpi sgt, %bitcast3A_671, %gt3A_728 : vector<16xi32>
      tpu.vector_store_idx %arg8[%shift_right_logical3A_726], %select_n3A_643 masked %gt3A_729 {add = true} : memref<4096xf32, #tpu.memory_space<vmem>>[vector<16xi32>], vector<16xf32>, vector<16xi1>
      %shift_right_logical3A_730 = arith.constant 18 : i32
      %shift_right_logical3A_731 = vector.broadcast %shift_right_logical3A_730 : i32 to vector<16xi32>
      %shift_right_logical3A_732 = arith.shrui %bitcast3A_672, %shift_right_logical3A_731 : vector<16xi32>
      %gt3A_733 = arith.constant 0 : i32
      %gt3A_734 = vector.broadcast %gt3A_733 : i32 to vector<16xi32>
      %gt3A_735 = arith.cmpi sgt, %bitcast3A_672, %gt3A_734 : vector<16xi32>
      tpu.vector_store_idx %arg8[%shift_right_logical3A_732], %select_n3A_649 masked %gt3A_735 {add = true} : memref<4096xf32, #tpu.memory_space<vmem>>[vector<16xi32>], vector<16xf32>, vector<16xi1>
      %shift_right_logical3A_736 = arith.constant 18 : i32
      %shift_right_logical3A_737 = vector.broadcast %shift_right_logical3A_736 : i32 to vector<16xi32>
      %shift_right_logical3A_738 = arith.shrui %bitcast3A_673, %shift_right_logical3A_737 : vector<16xi32>
      %gt3A_739 = arith.constant 0 : i32
      %gt3A_740 = vector.broadcast %gt3A_739 : i32 to vector<16xi32>
      %gt3A_741 = arith.cmpi sgt, %bitcast3A_673, %gt3A_740 : vector<16xi32>
      tpu.vector_store_idx %arg8[%shift_right_logical3A_738], %select_n3A_655 masked %gt3A_741 {add = true} : memref<4096xf32, #tpu.memory_space<vmem>>[vector<16xi32>], vector<16xf32>, vector<16xi1>
      %shift_right_logical3A_742 = arith.constant 18 : i32
      %shift_right_logical3A_743 = vector.broadcast %shift_right_logical3A_742 : i32 to vector<16xi32>
      %shift_right_logical3A_744 = arith.shrui %bitcast3A_674, %shift_right_logical3A_743 : vector<16xi32>
      %gt3A_745 = arith.constant 0 : i32
      %gt3A_746 = vector.broadcast %gt3A_745 : i32 to vector<16xi32>
      %gt3A_747 = arith.cmpi sgt, %bitcast3A_674, %gt3A_746 : vector<16xi32>
      tpu.vector_store_idx %arg8[%shift_right_logical3A_744], %select_n3A_661 masked %gt3A_747 {add = true} : memref<4096xf32, #tpu.memory_space<vmem>>[vector<16xi32>], vector<16xf32>, vector<16xi1>
      %shift_right_logical3A_748 = arith.constant 18 : i32
      %shift_right_logical3A_749 = vector.broadcast %shift_right_logical3A_748 : i32 to vector<16xi32>
      %shift_right_logical3A_750 = arith.shrui %bitcast3A_675, %shift_right_logical3A_749 : vector<16xi32>
      %gt3A_751 = arith.constant 0 : i32
      %gt3A_752 = vector.broadcast %gt3A_751 : i32 to vector<16xi32>
      %gt3A_753 = arith.cmpi sgt, %bitcast3A_675, %gt3A_752 : vector<16xi32>
      tpu.vector_store_idx %arg8[%shift_right_logical3A_750], %select_n3A_667 masked %gt3A_753 {add = true} : memref<4096xf32, #tpu.memory_space<vmem>>[vector<16xi32>], vector<16xf32>, vector<16xi1>
      %add3A_754 = arith.addf %scan3A_552, %select_n3A_625 : vector<16xf32>
      %add3A_755 = arith.addf %add3A_754, %select_n3A_631 : vector<16xf32>
      %add3A_756 = arith.addf %add3A_755, %select_n3A_637 : vector<16xf32>
      %add3A_757 = arith.addf %add3A_756, %select_n3A_643 : vector<16xf32>
      %add3A_758 = arith.addf %add3A_757, %select_n3A_649 : vector<16xf32>
      %add3A_759 = arith.addf %add3A_758, %select_n3A_655 : vector<16xf32>
      %add3A_760 = arith.addf %add3A_759, %select_n3A_661 : vector<16xf32>
      %add3A_761 = arith.addf %add3A_760, %select_n3A_667 : vector<16xf32>
      scf.yield %add3A_761 : vector<16xf32>
    }
    %scan3A_286 = arith.constant 256 : i32
    %reduce_sum3A_287 = arith.constant true
    %reduce_sum3A_288 = vector.broadcast %reduce_sum3A_287 : i1 to vector<16xi1>
    %reduce_sum3A_289 = tpu.scan <sum>, %scan3A_285 masked %reduce_sum3A_288 : vector<16xf32>, vector<16xi1> -> vector<16xf32>
    %reduce_sum3A_290 = vector.extract %reduce_sum3A_289[15] : f32 from vector<16xf32>
    %max3A_291 = arith.constant 9.99999996E-13 : f32
    %max3A_292 = arith.maximumf %reduce_sum3A_290, %max3A_291 : f32
    %mul3A_293 = arith.constant 0.899999976 : f32
    %mul3A_294 = arith.mulf %mul3A_293, %max3A_292 : f32
    %while3A_295 = arith.constant 0 : i32
    %while3A_296 = arith.constant 0.000000e+00 : f32
    %while3A_297 = arith.constant false
    %while3A_298:3 = scf.while (%while3A_551 = %while3A_295, %while3A_552 = %while3A_296, %while3A_553 = %while3A_297) : (i32, f32, i1) -> (i32, f32, i1) {
      %lt3A_554 = arith.constant 32 : i32
      %lt3A_555 = arith.cmpi slt, %while3A_551, %lt3A_554 : i32
      %not3A_556 = arith.constant true
      %not3A_557 = arith.xori %while3A_553, %not3A_556 : i1
      %and3A_558 = arith.andi %lt3A_555, %not3A_557 : i1
      scf.condition(%and3A_558) %while3A_551, %while3A_552, %while3A_553 : i32, f32, i1
    } do {
    ^bb0(%while3A_551: i32, %while3A_552: f32, %while3A_553: i1):
      %sub3A_554 = arith.constant 31 : i32
      %sub3A_555 = arith.subi %sub3A_554, %while3A_551 : i32
      %mul3A_556 = arith.constant 8 : i32
      %mul3A_557 = arith.muli %sub3A_555, %mul3A_556 : i32
      %mul3A_558 = arith.constant 16 : i32
      %mul3A_559 = arith.muli %mul3A_557, %mul3A_558 : i32
      %get3A_560 = arith.index_cast %mul3A_559 : i32 to index
      %get3A_561 = tpu.vector_load %arg8[%get3A_560] {strides = array<i32>} : memref<4096xf32, #tpu.memory_space<vmem>>, vector<16xf32>,
      %add3A_562 = arith.constant 16 : i32
      %add3A_563 = arith.addi %mul3A_559, %add3A_562 : i32
      %get3A_564 = arith.index_cast %add3A_563 : i32 to index
      %get3A_565 = tpu.vector_load %arg8[%get3A_564] {strides = array<i32>} : memref<4096xf32, #tpu.memory_space<vmem>>, vector<16xf32>,
      %add3A_566 = arith.addf %get3A_561, %get3A_565 : vector<16xf32>
      %add3A_567 = arith.constant 32 : i32
      %add3A_568 = arith.addi %mul3A_559, %add3A_567 : i32
      %get3A_569 = arith.index_cast %add3A_568 : i32 to index
      %get3A_570 = tpu.vector_load %arg8[%get3A_569] {strides = array<i32>} : memref<4096xf32, #tpu.memory_space<vmem>>, vector<16xf32>,
      %add3A_571 = arith.addf %add3A_566, %get3A_570 : vector<16xf32>
      %add3A_572 = arith.constant 48 : i32
      %add3A_573 = arith.addi %mul3A_559, %add3A_572 : i32
      %get3A_574 = arith.index_cast %add3A_573 : i32 to index
      %get3A_575 = tpu.vector_load %arg8[%get3A_574] {strides = array<i32>} : memref<4096xf32, #tpu.memory_space<vmem>>, vector<16xf32>,
      %add3A_576 = arith.addf %add3A_571, %get3A_575 : vector<16xf32>
      %add3A_577 = arith.constant 64 : i32
      %add3A_578 = arith.addi %mul3A_559, %add3A_577 : i32
      %get3A_579 = arith.index_cast %add3A_578 : i32 to index
      %get3A_580 = tpu.vector_load %arg8[%get3A_579] {strides = array<i32>} : memref<4096xf32, #tpu.memory_space<vmem>>, vector<16xf32>,
      %add3A_581 = arith.addf %add3A_576, %get3A_580 : vector<16xf32>
      %add3A_582 = arith.constant 80 : i32
      %add3A_583 = arith.addi %mul3A_559, %add3A_582 : i32
      %get3A_584 = arith.index_cast %add3A_583 : i32 to index
      %get3A_585 = tpu.vector_load %arg8[%get3A_584] {strides = array<i32>} : memref<4096xf32, #tpu.memory_space<vmem>>, vector<16xf32>,
      %add3A_586 = arith.addf %add3A_581, %get3A_585 : vector<16xf32>
      %add3A_587 = arith.constant 96 : i32
      %add3A_588 = arith.addi %mul3A_559, %add3A_587 : i32
      %get3A_589 = arith.index_cast %add3A_588 : i32 to index
      %get3A_590 = tpu.vector_load %arg8[%get3A_589] {strides = array<i32>} : memref<4096xf32, #tpu.memory_space<vmem>>, vector<16xf32>,
      %add3A_591 = arith.addf %add3A_586, %get3A_590 : vector<16xf32>
      %add3A_592 = arith.constant 112 : i32
      %add3A_593 = arith.addi %mul3A_559, %add3A_592 : i32
      %get3A_594 = arith.index_cast %add3A_593 : i32 to index
      %get3A_595 = tpu.vector_load %arg8[%get3A_594] {strides = array<i32>} : memref<4096xf32, #tpu.memory_space<vmem>>, vector<16xf32>,
      %add3A_596 = arith.addf %add3A_591, %get3A_595 : vector<16xf32>
      %reduce_sum3A_597 = arith.constant true
      %reduce_sum3A_598 = vector.broadcast %reduce_sum3A_597 : i1 to vector<16xi1>
      %reduce_sum3A_599 = tpu.scan <sum>, %add3A_596 masked %reduce_sum3A_598 : vector<16xf32>, vector<16xi1> -> vector<16xf32>
      %reduce_sum3A_600 = vector.extract %reduce_sum3A_599[15] : f32 from vector<16xf32>
      %add3A_601 = arith.addf %while3A_552, %reduce_sum3A_600 : f32
      %gt3A_602 = arith.cmpf ogt, %add3A_601, %mul3A_294 : f32
      %add3A_603 = arith.constant 1 : i32
      %add3A_604 = arith.addi %while3A_551, %add3A_603 : i32
      %select_n3A_605 = arith.select %gt3A_602, %while3A_551, %add3A_604 : i32
      %add3A_606 = arith.addf %while3A_552, %reduce_sum3A_600 : f32
      %select_n3A_607 = arith.select %gt3A_602, %while3A_552, %add3A_606 : f32
      scf.yield %select_n3A_605, %select_n3A_607, %gt3A_602 : i32, f32, i1
    }
    %min3A_299 = arith.constant 31 : i32
    %min3A_300 = arith.minsi %while3A_298#0, %min3A_299 : i32
    %sub3A_301 = arith.constant 31 : i32
    %sub3A_302 = arith.subi %sub3A_301, %min3A_300 : i32
    %mul3A_303 = arith.constant 8 : i32
    %mul3A_304 = arith.muli %sub3A_302, %mul3A_303 : i32
    %add3A_305 = arith.constant 8 : i32
    %add3A_306 = arith.addi %mul3A_304, %add3A_305 : i32
    %jit3A_307 = arith.constant 0 : i32
    %select_n3A_308 = arith.select %while3A_298#2, %jit3A_307, %add3A_306 : i32
    %while3A_309 = arith.constant false
    %while3A_310:3 = scf.while (%while3A_551 = %select_n3A_308, %while3A_552 = %while3A_298#1, %while3A_553 = %while3A_309) : (i32, f32, i1) -> (i32, f32, i1) {
      %lt3A_554 = arith.cmpi slt, %while3A_551, %add3A_306 : i32
      %not3A_555 = arith.constant true
      %not3A_556 = arith.xori %while3A_553, %not3A_555 : i1
      %and3A_557 = arith.andi %lt3A_554, %not3A_556 : i1
      scf.condition(%and3A_557) %while3A_551, %while3A_552, %while3A_553 : i32, f32, i1
    } do {
    ^bb0(%while3A_551: i32, %while3A_552: f32, %while3A_553: i1):
      %sub3A_554 = arith.constant 1 : i32
      %sub3A_555 = arith.subi %add3A_306, %sub3A_554 : i32
      %sub3A_556 = arith.subi %sub3A_555, %while3A_551 : i32
      %mul3A_557 = arith.constant 16 : i32
      %mul3A_558 = arith.muli %sub3A_556, %mul3A_557 : i32
      %get3A_559 = arith.index_cast %mul3A_558 : i32 to index
      %get3A_560 = tpu.vector_load %arg8[%get3A_559] {strides = array<i32>} : memref<4096xf32, #tpu.memory_space<vmem>>, vector<16xf32>,
      %reduce_sum3A_561 = arith.constant true
      %reduce_sum3A_562 = vector.broadcast %reduce_sum3A_561 : i1 to vector<16xi1>
      %reduce_sum3A_563 = tpu.scan <sum>, %get3A_560 masked %reduce_sum3A_562 : vector<16xf32>, vector<16xi1> -> vector<16xf32>
      %reduce_sum3A_564 = vector.extract %reduce_sum3A_563[15] : f32 from vector<16xf32>
      %add3A_565 = arith.addf %while3A_552, %reduce_sum3A_564 : f32
      %gt3A_566 = arith.cmpf ogt, %add3A_565, %mul3A_294 : f32
      %add3A_567 = arith.constant 1 : i32
      %add3A_568 = arith.addi %while3A_551, %add3A_567 : i32
      %select_n3A_569 = arith.select %gt3A_566, %while3A_551, %add3A_568 : i32
      %add3A_570 = arith.addf %while3A_552, %reduce_sum3A_564 : f32
      %select_n3A_571 = arith.select %gt3A_566, %while3A_552, %add3A_570 : f32
      scf.yield %select_n3A_569, %select_n3A_571, %gt3A_566 : i32, f32, i1
    }
    %sub3A_311 = arith.constant 1 : i32
    %sub3A_312 = arith.subi %add3A_306, %sub3A_311 : i32
    %sub3A_313 = arith.constant 1 : i32
    %sub3A_314 = arith.subi %add3A_306, %sub3A_313 : i32
    %min3A_315 = arith.minsi %while3A_310#0, %sub3A_314 : i32
    %sub3A_316 = arith.subi %sub3A_312, %min3A_315 : i32
    %mul3A_317 = arith.constant 16 : i32
    %mul3A_318 = arith.muli %sub3A_316, %mul3A_317 : i32
    %get3A_319 = arith.index_cast %mul3A_318 : i32 to index
    %get3A_320 = tpu.vector_load %arg8[%get3A_319] {strides = array<i32>} : memref<4096xf32, #tpu.memory_space<vmem>>, vector<16xf32>,
    %rev3A_321 = arith.constant 15 : i32
    %rev3A_322 = vector.broadcast %rev3A_321 : i32 to vector<16xi32>
    %rev3A_323 = tpu.iota {dimensions = array<i32: 0>} : vector<16xi32>
    %rev3A_324 = arith.subi %rev3A_322, %rev3A_323 : vector<16xi32>
    %rev3A_325 = tpu.dynamic_gather %get3A_320[%rev3A_324] in [0] : vector<16xf32>, vector<16xi32> -> vector<16xf32>
    %broadcast_in_dim3A_326 = arith.constant true
    %broadcast_in_dim3A_327 = vector.broadcast %broadcast_in_dim3A_326 : i1 to vector<16xi1>
    %masked_cumsum3A_328 = tpu.scan <sum>, %rev3A_325 masked %broadcast_in_dim3A_327 : vector<16xf32>, vector<16xi1> -> vector<16xf32>
    %add3A_329 = vector.broadcast %while3A_310#1 : f32 to vector<16xf32>
    %add3A_330 = arith.addf %add3A_329, %masked_cumsum3A_328 : vector<16xf32>
    %gt3A_331 = vector.broadcast %mul3A_294 : f32 to vector<16xf32>
    %gt3A_332 = arith.cmpf ogt, %add3A_330, %gt3A_331 : vector<16xf32>
    %all_reduce_ffs3A_333 = tpu.all_reduce %gt3A_332 {dim = 0 : i64, kind = #tpu.reduction_kind<find_first_set>} : vector<16xi1> -> vector<16xi32>
    %reduce_max3A_334 = arith.constant true
    %reduce_max3A_335 = vector.broadcast %reduce_max3A_334 : i1 to vector<16xi1>
    %reduce_max3A_336 = arith.constant -2147483648 : i32
    %reduce_max3A_337 = vector.broadcast %reduce_max3A_336 : i32 to vector<16xi32>
    %reduce_max3A_338 = arith.xori %all_reduce_ffs3A_333, %reduce_max3A_337 : vector<16xi32>
    %reduce_max3A_339 = tpu.scan <max>, %reduce_max3A_338 masked %reduce_max3A_335 : vector<16xi32>, vector<16xi1> -> vector<16xi32>
    %reduce_max3A_340 = arith.xori %reduce_max3A_339, %reduce_max3A_337 : vector<16xi32>
    %reduce_max3A_341 = vector.extract %reduce_max3A_340[15] : i32 from vector<16xi32>
    %iota3A_342 = tpu.iota {dimensions = array<i32: 0>} : vector<16xi32>
    %eq3A_343 = vector.broadcast %reduce_max3A_341 : i32 to vector<16xi32>
    %eq3A_344 = arith.cmpi eq, %iota3A_342, %eq3A_343 : vector<16xi32>
    %sub3A_345 = arith.subf %add3A_330, %rev3A_325 : vector<16xf32>
    %jit3A_346 = arith.constant 0.000000e+00 : f32
    %broadcast_in_dim3A_347 = vector.broadcast %jit3A_346 : f32 to vector<16xf32>
    %select_n3A_348 = arith.select %eq3A_344, %sub3A_345, %broadcast_in_dim3A_347 : vector<16xi1>, vector<16xf32>
    %reduce_sum3A_349 = arith.constant true
    %reduce_sum3A_350 = vector.broadcast %reduce_sum3A_349 : i1 to vector<16xi1>
    %reduce_sum3A_351 = tpu.scan <sum>, %select_n3A_348 masked %reduce_sum3A_350 : vector<16xf32>, vector<16xi1> -> vector<16xf32>
    %reduce_sum3A_352 = vector.extract %reduce_sum3A_351[15] : f32 from vector<16xf32>
    %eq3A_353 = vector.broadcast %reduce_max3A_341 : i32 to vector<16xi32>
    %eq3A_354 = arith.cmpi eq, %iota3A_342, %eq3A_353 : vector<16xi32>
    %jit3A_355 = arith.constant 0.000000e+00 : f32
    %broadcast_in_dim3A_356 = vector.broadcast %jit3A_355 : f32 to vector<16xf32>
    %select_n3A_357 = arith.select %eq3A_354, %rev3A_325, %broadcast_in_dim3A_356 : vector<16xi1>, vector<16xf32>
    %reduce_sum3A_358 = arith.constant true
    %reduce_sum3A_359 = vector.broadcast %reduce_sum3A_358 : i1 to vector<16xi1>
    %reduce_sum3A_360 = tpu.scan <sum>, %select_n3A_357 masked %reduce_sum3A_359 : vector<16xf32>, vector<16xi1> -> vector<16xf32>
    %reduce_sum3A_361 = vector.extract %reduce_sum3A_360[15] : f32 from vector<16xf32>
    %mul3A_362 = arith.constant 16 : i32
    %mul3A_363 = arith.muli %sub3A_316, %mul3A_362 : i32
    %add3A_364 = arith.constant 15 : i32
    %add3A_365 = arith.addi %mul3A_363, %add3A_364 : i32
    %sub3A_366 = arith.subi %add3A_365, %reduce_max3A_341 : i32
    %not3A_367 = arith.constant true
    %not3A_368 = arith.xori %while3A_310#2, %not3A_367 : i1
    %broadcast_in_dim3A_369 = arith.constant 0.000000e+00 : f32
    %broadcast_in_dim3A_370 = vector.broadcast %broadcast_in_dim3A_369 : f32 to vector<16xf32>
    %scan3A_371 = arith.constant 0 : i32
    %scan3A_372 = arith.constant 0 : i32
    %scan3A_373 = arith.constant 32 : i32
    %scan3A_374 = arith.addi %scan3A_372, %scan3A_373 : i32
    %scan3A_375 = arith.constant 1 : i32
    %scan3A_376 = scf.for %scan3A_551 = %scan3A_372 to %scan3A_374 step %scan3A_375 iter_args(%scan3A_552 = %scan3A_371) -> (i32)  : i32 {
      %mul3A_553 = arith.constant 8 : i32
      %mul3A_554 = arith.muli %scan3A_551, %mul3A_553 : i32
      %mul3A_555 = arith.constant 16 : i32
      %mul3A_556 = arith.muli %mul3A_554, %mul3A_555 : i32
      %add3A_557 = arith.constant 0 : i32
      %add3A_558 = arith.addi %mul3A_556, %add3A_557 : i32
      %swap3A = arith.index_cast %add3A_558 : i32 to index
      %swap3A_559 = tpu.vector_load %arg8[%swap3A] {strides = array<i32>} : memref<4096xf32, #tpu.memory_space<vmem>>, vector<16xf32>,
      tpu.vector_store %arg8[%swap3A], %broadcast_in_dim3A_370 {strides = array<i32>} : memref<4096xf32, #tpu.memory_space<vmem>>, vector<16xf32>,
      %add3A_560 = arith.constant 16 : i32
      %add3A_561 = arith.addi %mul3A_556, %add3A_560 : i32
      %swap3A_562 = arith.index_cast %add3A_561 : i32 to index
      %swap3A_563 = tpu.vector_load %arg8[%swap3A_562] {strides = array<i32>} : memref<4096xf32, #tpu.memory_space<vmem>>, vector<16xf32>,
      tpu.vector_store %arg8[%swap3A_562], %broadcast_in_dim3A_370 {strides = array<i32>} : memref<4096xf32, #tpu.memory_space<vmem>>, vector<16xf32>,
      %add3A_564 = arith.constant 32 : i32
      %add3A_565 = arith.addi %mul3A_556, %add3A_564 : i32
      %swap3A_566 = arith.index_cast %add3A_565 : i32 to index
      %swap3A_567 = tpu.vector_load %arg8[%swap3A_566] {strides = array<i32>} : memref<4096xf32, #tpu.memory_space<vmem>>, vector<16xf32>,
      tpu.vector_store %arg8[%swap3A_566], %broadcast_in_dim3A_370 {strides = array<i32>} : memref<4096xf32, #tpu.memory_space<vmem>>, vector<16xf32>,
      %add3A_568 = arith.constant 48 : i32
      %add3A_569 = arith.addi %mul3A_556, %add3A_568 : i32
      %swap3A_570 = arith.index_cast %add3A_569 : i32 to index
      %swap3A_571 = tpu.vector_load %arg8[%swap3A_570] {strides = array<i32>} : memref<4096xf32, #tpu.memory_space<vmem>>, vector<16xf32>,
      tpu.vector_store %arg8[%swap3A_570], %broadcast_in_dim3A_370 {strides = array<i32>} : memref<4096xf32, #tpu.memory_space<vmem>>, vector<16xf32>,
      %add3A_572 = arith.constant 64 : i32
      %add3A_573 = arith.addi %mul3A_556, %add3A_572 : i32
      %swap3A_574 = arith.index_cast %add3A_573 : i32 to index
      %swap3A_575 = tpu.vector_load %arg8[%swap3A_574] {strides = array<i32>} : memref<4096xf32, #tpu.memory_space<vmem>>, vector<16xf32>,
      tpu.vector_store %arg8[%swap3A_574], %broadcast_in_dim3A_370 {strides = array<i32>} : memref<4096xf32, #tpu.memory_space<vmem>>, vector<16xf32>,
      %add3A_576 = arith.constant 80 : i32
      %add3A_577 = arith.addi %mul3A_556, %add3A_576 : i32
      %swap3A_578 = arith.index_cast %add3A_577 : i32 to index
      %swap3A_579 = tpu.vector_load %arg8[%swap3A_578] {strides = array<i32>} : memref<4096xf32, #tpu.memory_space<vmem>>, vector<16xf32>,
      tpu.vector_store %arg8[%swap3A_578], %broadcast_in_dim3A_370 {strides = array<i32>} : memref<4096xf32, #tpu.memory_space<vmem>>, vector<16xf32>,
      %add3A_580 = arith.constant 96 : i32
      %add3A_581 = arith.addi %mul3A_556, %add3A_580 : i32
      %swap3A_582 = arith.index_cast %add3A_581 : i32 to index
      %swap3A_583 = tpu.vector_load %arg8[%swap3A_582] {strides = array<i32>} : memref<4096xf32, #tpu.memory_space<vmem>>, vector<16xf32>,
      tpu.vector_store %arg8[%swap3A_582], %broadcast_in_dim3A_370 {strides = array<i32>} : memref<4096xf32, #tpu.memory_space<vmem>>, vector<16xf32>,
      %add3A_584 = arith.constant 112 : i32
      %add3A_585 = arith.addi %mul3A_556, %add3A_584 : i32
      %swap3A_586 = arith.index_cast %add3A_585 : i32 to index
      %swap3A_587 = tpu.vector_load %arg8[%swap3A_586] {strides = array<i32>} : memref<4096xf32, #tpu.memory_space<vmem>>, vector<16xf32>,
      tpu.vector_store %arg8[%swap3A_586], %broadcast_in_dim3A_370 {strides = array<i32>} : memref<4096xf32, #tpu.memory_space<vmem>>, vector<16xf32>,
      %scan3A_588 = arith.constant 0 : i32
      scf.yield %scan3A_588 : i32
    }
    %scan3A_377 = arith.constant 32 : i32
    %scan3A_378 = arith.constant 0 : i32
    %scan3A_379 = arith.constant 0 : i32
    %scan3A_380 = arith.constant 256 : i32
    %scan3A_381 = arith.addi %scan3A_379, %scan3A_380 : i32
    %scan3A_382 = arith.constant 1 : i32
    %scan3A_383 = scf.for %scan3A_551 = %scan3A_379 to %scan3A_381 step %scan3A_382 iter_args(%scan3A_552 = %scan3A_378) -> (i32)  : i32 {
      %mul3A_553 = arith.constant 8 : i32
      %mul3A_554 = arith.muli %scan3A_551, %mul3A_553 : i32
      %mul3A_555 = arith.constant 16 : i32
      %mul3A_556 = arith.muli %mul3A_554, %mul3A_555 : i32
      %add3A_557 = arith.constant 0 : i32
      %add3A_558 = arith.addi %mul3A_556, %add3A_557 : i32
      %get3A_559 = arith.index_cast %add3A_558 : i32 to index
      %get3A_560 = tpu.vector_load %arg6[%get3A_559] {strides = array<i32>} : memref<32768xf32, #tpu.memory_space<vmem>>, vector<16xf32>,
      %add3A_561 = arith.constant 16 : i32
      %add3A_562 = arith.addi %mul3A_556, %add3A_561 : i32
      %get3A_563 = arith.index_cast %add3A_562 : i32 to index
      %get3A_564 = tpu.vector_load %arg6[%get3A_563] {strides = array<i32>} : memref<32768xf32, #tpu.memory_space<vmem>>, vector<16xf32>,
      %add3A_565 = arith.constant 32 : i32
      %add3A_566 = arith.addi %mul3A_556, %add3A_565 : i32
      %get3A_567 = arith.index_cast %add3A_566 : i32 to index
      %get3A_568 = tpu.vector_load %arg6[%get3A_567] {strides = array<i32>} : memref<32768xf32, #tpu.memory_space<vmem>>, vector<16xf32>,
      %add3A_569 = arith.constant 48 : i32
      %add3A_570 = arith.addi %mul3A_556, %add3A_569 : i32
      %get3A_571 = arith.index_cast %add3A_570 : i32 to index
      %get3A_572 = tpu.vector_load %arg6[%get3A_571] {strides = array<i32>} : memref<32768xf32, #tpu.memory_space<vmem>>, vector<16xf32>,
      %add3A_573 = arith.constant 64 : i32
      %add3A_574 = arith.addi %mul3A_556, %add3A_573 : i32
      %get3A_575 = arith.index_cast %add3A_574 : i32 to index
      %get3A_576 = tpu.vector_load %arg6[%get3A_575] {strides = array<i32>} : memref<32768xf32, #tpu.memory_space<vmem>>, vector<16xf32>,
      %add3A_577 = arith.constant 80 : i32
      %add3A_578 = arith.addi %mul3A_556, %add3A_577 : i32
      %get3A_579 = arith.index_cast %add3A_578 : i32 to index
      %get3A_580 = tpu.vector_load %arg6[%get3A_579] {strides = array<i32>} : memref<32768xf32, #tpu.memory_space<vmem>>, vector<16xf32>,
      %add3A_581 = arith.constant 96 : i32
      %add3A_582 = arith.addi %mul3A_556, %add3A_581 : i32
      %get3A_583 = arith.index_cast %add3A_582 : i32 to index
      %get3A_584 = tpu.vector_load %arg6[%get3A_583] {strides = array<i32>} : memref<32768xf32, #tpu.memory_space<vmem>>, vector<16xf32>,
      %add3A_585 = arith.constant 112 : i32
      %add3A_586 = arith.addi %mul3A_556, %add3A_585 : i32
      %get3A_587 = arith.index_cast %add3A_586 : i32 to index
      %get3A_588 = tpu.vector_load %arg6[%get3A_587] {strides = array<i32>} : memref<32768xf32, #tpu.memory_space<vmem>>, vector<16xf32>,
      %bitcast3A_589 = vector.bitcast %get3A_560 : vector<16xf32> to vector<16xi32>
      %bitcast3A_590 = vector.bitcast %get3A_564 : vector<16xf32> to vector<16xi32>
      %bitcast3A_591 = vector.bitcast %get3A_568 : vector<16xf32> to vector<16xi32>
      %bitcast3A_592 = vector.bitcast %get3A_572 : vector<16xf32> to vector<16xi32>
      %bitcast3A_593 = vector.bitcast %get3A_576 : vector<16xf32> to vector<16xi32>
      %bitcast3A_594 = vector.bitcast %get3A_580 : vector<16xf32> to vector<16xi32>
      %bitcast3A_595 = vector.bitcast %get3A_584 : vector<16xf32> to vector<16xi32>
      %bitcast3A_596 = vector.bitcast %get3A_588 : vector<16xf32> to vector<16xi32>
      %shift_right_logical3A = arith.constant 18 : i32
      %shift_right_logical3A_597 = vector.broadcast %shift_right_logical3A : i32 to vector<16xi32>
      %shift_right_logical3A_598 = arith.shrui %bitcast3A_589, %shift_right_logical3A_597 : vector<16xi32>
      %eq3A_599 = vector.broadcast %sub3A_366 : i32 to vector<16xi32>
      %eq3A_600 = arith.cmpi eq, %shift_right_logical3A_598, %eq3A_599 : vector<16xi32>
      %shift_right_logical3A_601 = arith.constant 18 : i32
      %shift_right_logical3A_602 = vector.broadcast %shift_right_logical3A_601 : i32 to vector<16xi32>
      %shift_right_logical3A_603 = arith.shrui %bitcast3A_590, %shift_right_logical3A_602 : vector<16xi32>
      %eq3A_604 = vector.broadcast %sub3A_366 : i32 to vector<16xi32>
      %eq3A_605 = arith.cmpi eq, %shift_right_logical3A_603, %eq3A_604 : vector<16xi32>
      %shift_right_logical3A_606 = arith.constant 18 : i32
      %shift_right_logical3A_607 = vector.broadcast %shift_right_logical3A_606 : i32 to vector<16xi32>
      %shift_right_logical3A_608 = arith.shrui %bitcast3A_591, %shift_right_logical3A_607 : vector<16xi32>
      %eq3A_609 = vector.broadcast %sub3A_366 : i32 to vector<16xi32>
      %eq3A_610 = arith.cmpi eq, %shift_right_logical3A_608, %eq3A_609 : vector<16xi32>
      %shift_right_logical3A_611 = arith.constant 18 : i32
      %shift_right_logical3A_612 = vector.broadcast %shift_right_logical3A_611 : i32 to vector<16xi32>
      %shift_right_logical3A_613 = arith.shrui %bitcast3A_592, %shift_right_logical3A_612 : vector<16xi32>
      %eq3A_614 = vector.broadcast %sub3A_366 : i32 to vector<16xi32>
      %eq3A_615 = arith.cmpi eq, %shift_right_logical3A_613, %eq3A_614 : vector<16xi32>
      %shift_right_logical3A_616 = arith.constant 18 : i32
      %shift_right_logical3A_617 = vector.broadcast %shift_right_logical3A_616 : i32 to vector<16xi32>
      %shift_right_logical3A_618 = arith.shrui %bitcast3A_593, %shift_right_logical3A_617 : vector<16xi32>
      %eq3A_619 = vector.broadcast %sub3A_366 : i32 to vector<16xi32>
      %eq3A_620 = arith.cmpi eq, %shift_right_logical3A_618, %eq3A_619 : vector<16xi32>
      %shift_right_logical3A_621 = arith.constant 18 : i32
      %shift_right_logical3A_622 = vector.broadcast %shift_right_logical3A_621 : i32 to vector<16xi32>
      %shift_right_logical3A_623 = arith.shrui %bitcast3A_594, %shift_right_logical3A_622 : vector<16xi32>
      %eq3A_624 = vector.broadcast %sub3A_366 : i32 to vector<16xi32>
      %eq3A_625 = arith.cmpi eq, %shift_right_logical3A_623, %eq3A_624 : vector<16xi32>
      %shift_right_logical3A_626 = arith.constant 18 : i32
      %shift_right_logical3A_627 = vector.broadcast %shift_right_logical3A_626 : i32 to vector<16xi32>
      %shift_right_logical3A_628 = arith.shrui %bitcast3A_595, %shift_right_logical3A_627 : vector<16xi32>
      %eq3A_629 = vector.broadcast %sub3A_366 : i32 to vector<16xi32>
      %eq3A_630 = arith.cmpi eq, %shift_right_logical3A_628, %eq3A_629 : vector<16xi32>
      %shift_right_logical3A_631 = arith.constant 18 : i32
      %shift_right_logical3A_632 = vector.broadcast %shift_right_logical3A_631 : i32 to vector<16xi32>
      %shift_right_logical3A_633 = arith.shrui %bitcast3A_596, %shift_right_logical3A_632 : vector<16xi32>
      %eq3A_634 = vector.broadcast %sub3A_366 : i32 to vector<16xi32>
      %eq3A_635 = arith.cmpi eq, %shift_right_logical3A_633, %eq3A_634 : vector<16xi32>
      %shift_right_logical3A_636 = arith.constant 6 : i32
      %shift_right_logical3A_637 = vector.broadcast %shift_right_logical3A_636 : i32 to vector<16xi32>
      %shift_right_logical3A_638 = arith.shrui %bitcast3A_589, %shift_right_logical3A_637 : vector<16xi32>
      %and3A_639 = arith.constant 4095 : i32
      %and3A_640 = vector.broadcast %and3A_639 : i32 to vector<16xi32>
      %and3A_641 = arith.andi %shift_right_logical3A_638, %and3A_640 : vector<16xi32>
      %shift_right_logical3A_642 = arith.constant 6 : i32
      %shift_right_logical3A_643 = vector.broadcast %shift_right_logical3A_642 : i32 to vector<16xi32>
      %shift_right_logical3A_644 = arith.shrui %bitcast3A_590, %shift_right_logical3A_643 : vector<16xi32>
      %and3A_645 = arith.constant 4095 : i32
      %and3A_646 = vector.broadcast %and3A_645 : i32 to vector<16xi32>
      %and3A_647 = arith.andi %shift_right_logical3A_644, %and3A_646 : vector<16xi32>
      %shift_right_logical3A_648 = arith.constant 6 : i32
      %shift_right_logical3A_649 = vector.broadcast %shift_right_logical3A_648 : i32 to vector<16xi32>
      %shift_right_logical3A_650 = arith.shrui %bitcast3A_591, %shift_right_logical3A_649 : vector<16xi32>
      %and3A_651 = arith.constant 4095 : i32
      %and3A_652 = vector.broadcast %and3A_651 : i32 to vector<16xi32>
      %and3A_653 = arith.andi %shift_right_logical3A_650, %and3A_652 : vector<16xi32>
      %shift_right_logical3A_654 = arith.constant 6 : i32
      %shift_right_logical3A_655 = vector.broadcast %shift_right_logical3A_654 : i32 to vector<16xi32>
      %shift_right_logical3A_656 = arith.shrui %bitcast3A_592, %shift_right_logical3A_655 : vector<16xi32>
      %and3A_657 = arith.constant 4095 : i32
      %and3A_658 = vector.broadcast %and3A_657 : i32 to vector<16xi32>
      %and3A_659 = arith.andi %shift_right_logical3A_656, %and3A_658 : vector<16xi32>
      %shift_right_logical3A_660 = arith.constant 6 : i32
      %shift_right_logical3A_661 = vector.broadcast %shift_right_logical3A_660 : i32 to vector<16xi32>
      %shift_right_logical3A_662 = arith.shrui %bitcast3A_593, %shift_right_logical3A_661 : vector<16xi32>
      %and3A_663 = arith.constant 4095 : i32
      %and3A_664 = vector.broadcast %and3A_663 : i32 to vector<16xi32>
      %and3A_665 = arith.andi %shift_right_logical3A_662, %and3A_664 : vector<16xi32>
      %shift_right_logical3A_666 = arith.constant 6 : i32
      %shift_right_logical3A_667 = vector.broadcast %shift_right_logical3A_666 : i32 to vector<16xi32>
      %shift_right_logical3A_668 = arith.shrui %bitcast3A_594, %shift_right_logical3A_667 : vector<16xi32>
      %and3A_669 = arith.constant 4095 : i32
      %and3A_670 = vector.broadcast %and3A_669 : i32 to vector<16xi32>
      %and3A_671 = arith.andi %shift_right_logical3A_668, %and3A_670 : vector<16xi32>
      %shift_right_logical3A_672 = arith.constant 6 : i32
      %shift_right_logical3A_673 = vector.broadcast %shift_right_logical3A_672 : i32 to vector<16xi32>
      %shift_right_logical3A_674 = arith.shrui %bitcast3A_595, %shift_right_logical3A_673 : vector<16xi32>
      %and3A_675 = arith.constant 4095 : i32
      %and3A_676 = vector.broadcast %and3A_675 : i32 to vector<16xi32>
      %and3A_677 = arith.andi %shift_right_logical3A_674, %and3A_676 : vector<16xi32>
      %shift_right_logical3A_678 = arith.constant 6 : i32
      %shift_right_logical3A_679 = vector.broadcast %shift_right_logical3A_678 : i32 to vector<16xi32>
      %shift_right_logical3A_680 = arith.shrui %bitcast3A_596, %shift_right_logical3A_679 : vector<16xi32>
      %and3A_681 = arith.constant 4095 : i32
      %and3A_682 = vector.broadcast %and3A_681 : i32 to vector<16xi32>
      %and3A_683 = arith.andi %shift_right_logical3A_680, %and3A_682 : vector<16xi32>
      tpu.vector_store_idx %arg8[%and3A_641], %get3A_560 masked %eq3A_600 {add = true} : memref<4096xf32, #tpu.memory_space<vmem>>[vector<16xi32>], vector<16xf32>, vector<16xi1>
      tpu.vector_store_idx %arg8[%and3A_647], %get3A_564 masked %eq3A_605 {add = true} : memref<4096xf32, #tpu.memory_space<vmem>>[vector<16xi32>], vector<16xf32>, vector<16xi1>
      tpu.vector_store_idx %arg8[%and3A_653], %get3A_568 masked %eq3A_610 {add = true} : memref<4096xf32, #tpu.memory_space<vmem>>[vector<16xi32>], vector<16xf32>, vector<16xi1>
      tpu.vector_store_idx %arg8[%and3A_659], %get3A_572 masked %eq3A_615 {add = true} : memref<4096xf32, #tpu.memory_space<vmem>>[vector<16xi32>], vector<16xf32>, vector<16xi1>
      tpu.vector_store_idx %arg8[%and3A_665], %get3A_576 masked %eq3A_620 {add = true} : memref<4096xf32, #tpu.memory_space<vmem>>[vector<16xi32>], vector<16xf32>, vector<16xi1>
      tpu.vector_store_idx %arg8[%and3A_671], %get3A_580 masked %eq3A_625 {add = true} : memref<4096xf32, #tpu.memory_space<vmem>>[vector<16xi32>], vector<16xf32>, vector<16xi1>
      tpu.vector_store_idx %arg8[%and3A_677], %get3A_584 masked %eq3A_630 {add = true} : memref<4096xf32, #tpu.memory_space<vmem>>[vector<16xi32>], vector<16xf32>, vector<16xi1>
      tpu.vector_store_idx %arg8[%and3A_683], %get3A_588 masked %eq3A_635 {add = true} : memref<4096xf32, #tpu.memory_space<vmem>>[vector<16xi32>], vector<16xf32>, vector<16xi1>
      %scan3A_684 = arith.constant 0 : i32
      scf.yield %scan3A_684 : i32
    }
    %scan3A_384 = arith.constant 256 : i32
    %while3A_385 = arith.constant 0 : i32
    %while3A_386 = arith.constant false
    %while3A_387:3 = scf.while (%while3A_551 = %while3A_385, %while3A_552 = %reduce_sum3A_352, %while3A_553 = %while3A_386) : (i32, f32, i1) -> (i32, f32, i1) {
      %lt3A_554 = arith.constant 32 : i32
      %lt3A_555 = arith.cmpi slt, %while3A_551, %lt3A_554 : i32
      %not3A_556 = arith.constant true
      %not3A_557 = arith.xori %while3A_553, %not3A_556 : i1
      %and3A_558 = arith.andi %lt3A_555, %not3A_557 : i1
      scf.condition(%and3A_558) %while3A_551, %while3A_552, %while3A_553 : i32, f32, i1
    } do {
    ^bb0(%while3A_551: i32, %while3A_552: f32, %while3A_553: i1):
      %sub3A_554 = arith.constant 31 : i32
      %sub3A_555 = arith.subi %sub3A_554, %while3A_551 : i32
      %mul3A_556 = arith.constant 8 : i32
      %mul3A_557 = arith.muli %sub3A_555, %mul3A_556 : i32
      %mul3A_558 = arith.constant 16 : i32
      %mul3A_559 = arith.muli %mul3A_557, %mul3A_558 : i32
      %get3A_560 = arith.index_cast %mul3A_559 : i32 to index
      %get3A_561 = tpu.vector_load %arg8[%get3A_560] {strides = array<i32>} : memref<4096xf32, #tpu.memory_space<vmem>>, vector<16xf32>,
      %add3A_562 = arith.constant 16 : i32
      %add3A_563 = arith.addi %mul3A_559, %add3A_562 : i32
      %get3A_564 = arith.index_cast %add3A_563 : i32 to index
      %get3A_565 = tpu.vector_load %arg8[%get3A_564] {strides = array<i32>} : memref<4096xf32, #tpu.memory_space<vmem>>, vector<16xf32>,
      %add3A_566 = arith.addf %get3A_561, %get3A_565 : vector<16xf32>
      %add3A_567 = arith.constant 32 : i32
      %add3A_568 = arith.addi %mul3A_559, %add3A_567 : i32
      %get3A_569 = arith.index_cast %add3A_568 : i32 to index
      %get3A_570 = tpu.vector_load %arg8[%get3A_569] {strides = array<i32>} : memref<4096xf32, #tpu.memory_space<vmem>>, vector<16xf32>,
      %add3A_571 = arith.addf %add3A_566, %get3A_570 : vector<16xf32>
      %add3A_572 = arith.constant 48 : i32
      %add3A_573 = arith.addi %mul3A_559, %add3A_572 : i32
      %get3A_574 = arith.index_cast %add3A_573 : i32 to index
      %get3A_575 = tpu.vector_load %arg8[%get3A_574] {strides = array<i32>} : memref<4096xf32, #tpu.memory_space<vmem>>, vector<16xf32>,
      %add3A_576 = arith.addf %add3A_571, %get3A_575 : vector<16xf32>
      %add3A_577 = arith.constant 64 : i32
      %add3A_578 = arith.addi %mul3A_559, %add3A_577 : i32
      %get3A_579 = arith.index_cast %add3A_578 : i32 to index
      %get3A_580 = tpu.vector_load %arg8[%get3A_579] {strides = array<i32>} : memref<4096xf32, #tpu.memory_space<vmem>>, vector<16xf32>,
      %add3A_581 = arith.addf %add3A_576, %get3A_580 : vector<16xf32>
      %add3A_582 = arith.constant 80 : i32
      %add3A_583 = arith.addi %mul3A_559, %add3A_582 : i32
      %get3A_584 = arith.index_cast %add3A_583 : i32 to index
      %get3A_585 = tpu.vector_load %arg8[%get3A_584] {strides = array<i32>} : memref<4096xf32, #tpu.memory_space<vmem>>, vector<16xf32>,
      %add3A_586 = arith.addf %add3A_581, %get3A_585 : vector<16xf32>
      %add3A_587 = arith.constant 96 : i32
      %add3A_588 = arith.addi %mul3A_559, %add3A_587 : i32
      %get3A_589 = arith.index_cast %add3A_588 : i32 to index
      %get3A_590 = tpu.vector_load %arg8[%get3A_589] {strides = array<i32>} : memref<4096xf32, #tpu.memory_space<vmem>>, vector<16xf32>,
      %add3A_591 = arith.addf %add3A_586, %get3A_590 : vector<16xf32>
      %add3A_592 = arith.constant 112 : i32
      %add3A_593 = arith.addi %mul3A_559, %add3A_592 : i32
      %get3A_594 = arith.index_cast %add3A_593 : i32 to index
      %get3A_595 = tpu.vector_load %arg8[%get3A_594] {strides = array<i32>} : memref<4096xf32, #tpu.memory_space<vmem>>, vector<16xf32>,
      %add3A_596 = arith.addf %add3A_591, %get3A_595 : vector<16xf32>
      %reduce_sum3A_597 = arith.constant true
      %reduce_sum3A_598 = vector.broadcast %reduce_sum3A_597 : i1 to vector<16xi1>
      %reduce_sum3A_599 = tpu.scan <sum>, %add3A_596 masked %reduce_sum3A_598 : vector<16xf32>, vector<16xi1> -> vector<16xf32>
      %reduce_sum3A_600 = vector.extract %reduce_sum3A_599[15] : f32 from vector<16xf32>
      %add3A_601 = arith.addf %while3A_552, %reduce_sum3A_600 : f32
      %gt3A_602 = arith.cmpf ogt, %add3A_601, %mul3A_294 : f32
      %add3A_603 = arith.constant 1 : i32
      %add3A_604 = arith.addi %while3A_551, %add3A_603 : i32
      %select_n3A_605 = arith.select %gt3A_602, %while3A_551, %add3A_604 : i32
      %add3A_606 = arith.addf %while3A_552, %reduce_sum3A_600 : f32
      %select_n3A_607 = arith.select %gt3A_602, %while3A_552, %add3A_606 : f32
      scf.yield %select_n3A_605, %select_n3A_607, %gt3A_602 : i32, f32, i1
    }
    %min3A_388 = arith.constant 31 : i32
    %min3A_389 = arith.minsi %while3A_387#0, %min3A_388 : i32
    %sub3A_390 = arith.constant 31 : i32
    %sub3A_391 = arith.subi %sub3A_390, %min3A_389 : i32
    %mul3A_392 = arith.constant 8 : i32
    %mul3A_393 = arith.muli %sub3A_391, %mul3A_392 : i32
    %add3A_394 = arith.constant 8 : i32
    %add3A_395 = arith.addi %mul3A_393, %add3A_394 : i32
    %jit3A_396 = arith.constant 0 : i32
    %select_n3A_397 = arith.select %while3A_387#2, %jit3A_396, %add3A_395 : i32
    %while3A_398 = arith.constant false
    %while3A_399:3 = scf.while (%while3A_551 = %select_n3A_397, %while3A_552 = %while3A_387#1, %while3A_553 = %while3A_398) : (i32, f32, i1) -> (i32, f32, i1) {
      %lt3A_554 = arith.cmpi slt, %while3A_551, %add3A_395 : i32
      %not3A_555 = arith.constant true
      %not3A_556 = arith.xori %while3A_553, %not3A_555 : i1
      %and3A_557 = arith.andi %lt3A_554, %not3A_556 : i1
      scf.condition(%and3A_557) %while3A_551, %while3A_552, %while3A_553 : i32, f32, i1
    } do {
    ^bb0(%while3A_551: i32, %while3A_552: f32, %while3A_553: i1):
      %sub3A_554 = arith.constant 1 : i32
      %sub3A_555 = arith.subi %add3A_395, %sub3A_554 : i32
      %sub3A_556 = arith.subi %sub3A_555, %while3A_551 : i32
      %mul3A_557 = arith.constant 16 : i32
      %mul3A_558 = arith.muli %sub3A_556, %mul3A_557 : i32
      %get3A_559 = arith.index_cast %mul3A_558 : i32 to index
      %get3A_560 = tpu.vector_load %arg8[%get3A_559] {strides = array<i32>} : memref<4096xf32, #tpu.memory_space<vmem>>, vector<16xf32>,
      %reduce_sum3A_561 = arith.constant true
      %reduce_sum3A_562 = vector.broadcast %reduce_sum3A_561 : i1 to vector<16xi1>
      %reduce_sum3A_563 = tpu.scan <sum>, %get3A_560 masked %reduce_sum3A_562 : vector<16xf32>, vector<16xi1> -> vector<16xf32>
      %reduce_sum3A_564 = vector.extract %reduce_sum3A_563[15] : f32 from vector<16xf32>
      %add3A_565 = arith.addf %while3A_552, %reduce_sum3A_564 : f32
      %gt3A_566 = arith.cmpf ogt, %add3A_565, %mul3A_294 : f32
      %add3A_567 = arith.constant 1 : i32
      %add3A_568 = arith.addi %while3A_551, %add3A_567 : i32
      %select_n3A_569 = arith.select %gt3A_566, %while3A_551, %add3A_568 : i32
      %add3A_570 = arith.addf %while3A_552, %reduce_sum3A_564 : f32
      %select_n3A_571 = arith.select %gt3A_566, %while3A_552, %add3A_570 : f32
      scf.yield %select_n3A_569, %select_n3A_571, %gt3A_566 : i32, f32, i1
    }
    %sub3A_400 = arith.constant 1 : i32
    %sub3A_401 = arith.subi %add3A_395, %sub3A_400 : i32
    %sub3A_402 = arith.constant 1 : i32
    %sub3A_403 = arith.subi %add3A_395, %sub3A_402 : i32
    %min3A_404 = arith.minsi %while3A_399#0, %sub3A_403 : i32
    %sub3A_405 = arith.subi %sub3A_401, %min3A_404 : i32
    %mul3A_406 = arith.constant 16 : i32
    %mul3A_407 = arith.muli %sub3A_405, %mul3A_406 : i32
    %get3A_408 = arith.index_cast %mul3A_407 : i32 to index
    %get3A_409 = tpu.vector_load %arg8[%get3A_408] {strides = array<i32>} : memref<4096xf32, #tpu.memory_space<vmem>>, vector<16xf32>,
    %rev3A_410 = arith.constant 15 : i32
    %rev3A_411 = vector.broadcast %rev3A_410 : i32 to vector<16xi32>
    %rev3A_412 = tpu.iota {dimensions = array<i32: 0>} : vector<16xi32>
    %rev3A_413 = arith.subi %rev3A_411, %rev3A_412 : vector<16xi32>
    %rev3A_414 = tpu.dynamic_gather %get3A_409[%rev3A_413] in [0] : vector<16xf32>, vector<16xi32> -> vector<16xf32>
    %broadcast_in_dim3A_415 = arith.constant true
    %broadcast_in_dim3A_416 = vector.broadcast %broadcast_in_dim3A_415 : i1 to vector<16xi1>
    %masked_cumsum3A_417 = tpu.scan <sum>, %rev3A_414 masked %broadcast_in_dim3A_416 : vector<16xf32>, vector<16xi1> -> vector<16xf32>
    %add3A_418 = vector.broadcast %while3A_399#1 : f32 to vector<16xf32>
    %add3A_419 = arith.addf %add3A_418, %masked_cumsum3A_417 : vector<16xf32>
    %gt3A_420 = vector.broadcast %mul3A_294 : f32 to vector<16xf32>
    %gt3A_421 = arith.cmpf ogt, %add3A_419, %gt3A_420 : vector<16xf32>
    %all_reduce_ffs3A_422 = tpu.all_reduce %gt3A_421 {dim = 0 : i64, kind = #tpu.reduction_kind<find_first_set>} : vector<16xi1> -> vector<16xi32>
    %reduce_max3A_423 = arith.constant true
    %reduce_max3A_424 = vector.broadcast %reduce_max3A_423 : i1 to vector<16xi1>
    %reduce_max3A_425 = arith.constant -2147483648 : i32
    %reduce_max3A_426 = vector.broadcast %reduce_max3A_425 : i32 to vector<16xi32>
    %reduce_max3A_427 = arith.xori %all_reduce_ffs3A_422, %reduce_max3A_426 : vector<16xi32>
    %reduce_max3A_428 = tpu.scan <max>, %reduce_max3A_427 masked %reduce_max3A_424 : vector<16xi32>, vector<16xi1> -> vector<16xi32>
    %reduce_max3A_429 = arith.xori %reduce_max3A_428, %reduce_max3A_426 : vector<16xi32>
    %reduce_max3A_430 = vector.extract %reduce_max3A_429[15] : i32 from vector<16xi32>
    %iota3A_431 = tpu.iota {dimensions = array<i32: 0>} : vector<16xi32>
    %eq3A_432 = vector.broadcast %reduce_max3A_430 : i32 to vector<16xi32>
    %eq3A_433 = arith.cmpi eq, %iota3A_431, %eq3A_432 : vector<16xi32>
    %sub3A_434 = arith.subf %add3A_419, %rev3A_414 : vector<16xf32>
    %jit3A_435 = arith.constant 0.000000e+00 : f32
    %broadcast_in_dim3A_436 = vector.broadcast %jit3A_435 : f32 to vector<16xf32>
    %select_n3A_437 = arith.select %eq3A_433, %sub3A_434, %broadcast_in_dim3A_436 : vector<16xi1>, vector<16xf32>
    %reduce_sum3A_438 = arith.constant true
    %reduce_sum3A_439 = vector.broadcast %reduce_sum3A_438 : i1 to vector<16xi1>
    %reduce_sum3A_440 = tpu.scan <sum>, %select_n3A_437 masked %reduce_sum3A_439 : vector<16xf32>, vector<16xi1> -> vector<16xf32>
    %reduce_sum3A_441 = vector.extract %reduce_sum3A_440[15] : f32 from vector<16xf32>
    %eq3A_442 = vector.broadcast %reduce_max3A_430 : i32 to vector<16xi32>
    %eq3A_443 = arith.cmpi eq, %iota3A_431, %eq3A_442 : vector<16xi32>
    %jit3A_444 = arith.constant 0.000000e+00 : f32
    %broadcast_in_dim3A_445 = vector.broadcast %jit3A_444 : f32 to vector<16xf32>
    %select_n3A_446 = arith.select %eq3A_443, %rev3A_414, %broadcast_in_dim3A_445 : vector<16xi1>, vector<16xf32>
    %reduce_sum3A_447 = arith.constant true
    %reduce_sum3A_448 = vector.broadcast %reduce_sum3A_447 : i1 to vector<16xi1>
    %reduce_sum3A_449 = tpu.scan <sum>, %select_n3A_446 masked %reduce_sum3A_448 : vector<16xf32>, vector<16xi1> -> vector<16xf32>
    %reduce_sum3A_450 = vector.extract %reduce_sum3A_449[15] : f32 from vector<16xf32>
    %mul3A_451 = arith.constant 16 : i32
    %mul3A_452 = arith.muli %sub3A_405, %mul3A_451 : i32
    %add3A_453 = arith.constant 15 : i32
    %add3A_454 = arith.addi %mul3A_452, %add3A_453 : i32
    %sub3A_455 = arith.subi %add3A_454, %reduce_max3A_430 : i32
    %shift_left3A_456 = arith.constant 12 : i32
    %shift_left3A_457 = arith.shli %sub3A_366, %shift_left3A_456 : i32
    %or3A_458 = arith.ori %shift_left3A_457, %sub3A_455 : i32
    %shift_left3A_459 = arith.constant 6 : i32
    %shift_left3A_460 = arith.shli %or3A_458, %shift_left3A_459 : i32
    %or3A_461 = arith.constant 32 : i32
    %or3A_462 = arith.ori %shift_left3A_460, %or3A_461 : i32
    %broadcast_in_dim3A_463 = vector.broadcast %or3A_462 : i32 to vector<16xi32>
    %bitcast3A_464 = vector.bitcast %broadcast_in_dim3A_463 : vector<16xi32> to vector<16xf32>
    %broadcast_in_dim3A_465 = vector.broadcast %reduce_sum3A_450 : f32 to vector<16xf32>
    %max3A_466 = arith.constant 1.000000e-30 : f32
    %max3A_467 = vector.broadcast %max3A_466 : f32 to vector<16xf32>
    %max3A_468 = arith.maximumf %bitcast3A_464, %max3A_467 : vector<16xf32>
    %div3A_469 = arith.divf %broadcast_in_dim3A_465, %max3A_468 : vector<16xf32>
    %add3A_470 = arith.constant 5.000000e-01 : f32
    %add3A_471 = vector.broadcast %add3A_470 : f32 to vector<16xf32>
    %add3A_472 = arith.addf %div3A_469, %add3A_471 : vector<16xf32>
    %convert_element_type3A_473 = arith.fptosi %add3A_472 : vector<16xf32> to vector<16xi32>
    %reduce_max3A_474 = arith.constant true
    %reduce_max3A_475 = vector.broadcast %reduce_max3A_474 : i1 to vector<16xi1>
    %reduce_max3A_476 = arith.constant -2147483648 : i32
    %reduce_max3A_477 = vector.broadcast %reduce_max3A_476 : i32 to vector<16xi32>
    %reduce_max3A_478 = arith.xori %convert_element_type3A_473, %reduce_max3A_477 : vector<16xi32>
    %reduce_max3A_479 = tpu.scan <max>, %reduce_max3A_478 masked %reduce_max3A_475 : vector<16xi32>, vector<16xi1> -> vector<16xi32>
    %reduce_max3A_480 = arith.xori %reduce_max3A_479, %reduce_max3A_477 : vector<16xi32>
    %reduce_max3A_481 = vector.extract %reduce_max3A_480[15] : i32 from vector<16xi32>
    %gt3A_482 = arith.constant 1 : i32
    %gt3A_483 = arith.cmpi sgt, %reduce_max3A_481, %gt3A_482 : i32
    %convert_element_type3A_484 = arith.extui %gt3A_483 : i1 to i32
    %cond3A_485 = arith.constant 0 : i32
    %cond3A_486 = arith.constant 0 : i32
    %cond3A_487 = arith.cmpi ne, %convert_element_type3A_484, %cond3A_486 : i32
    %cond3A_488:5 = scf.if %cond3A_487 -> (i32, i32, f32, vector<16xf32>, vector<16xi32>) {
      %broadcast_in_dim3A_551 = arith.constant 0.000000e+00 : f32
      %broadcast_in_dim3A_552 = vector.broadcast %broadcast_in_dim3A_551 : f32 to vector<16xf32>
      %swap3A = arith.constant 0 : index
      %swap3A_553 = tpu.vector_load %arg9[%swap3A] {strides = array<i32>} : memref<64xf32, #tpu.memory_space<vmem>>, vector<16xf32>,
      tpu.vector_store %arg9[%swap3A], %broadcast_in_dim3A_552 {strides = array<i32>} : memref<64xf32, #tpu.memory_space<vmem>>, vector<16xf32>,
      %swap3A_554 = arith.constant 16 : index
      %swap3A_555 = tpu.vector_load %arg9[%swap3A_554] {strides = array<i32>} : memref<64xf32, #tpu.memory_space<vmem>>, vector<16xf32>,
      tpu.vector_store %arg9[%swap3A_554], %broadcast_in_dim3A_552 {strides = array<i32>} : memref<64xf32, #tpu.memory_space<vmem>>, vector<16xf32>,
      %swap3A_556 = arith.constant 32 : index
      %swap3A_557 = tpu.vector_load %arg9[%swap3A_556] {strides = array<i32>} : memref<64xf32, #tpu.memory_space<vmem>>, vector<16xf32>,
      tpu.vector_store %arg9[%swap3A_556], %broadcast_in_dim3A_552 {strides = array<i32>} : memref<64xf32, #tpu.memory_space<vmem>>, vector<16xf32>,
      %swap3A_558 = arith.constant 48 : index
      %swap3A_559 = tpu.vector_load %arg9[%swap3A_558] {strides = array<i32>} : memref<64xf32, #tpu.memory_space<vmem>>, vector<16xf32>,
      tpu.vector_store %arg9[%swap3A_558], %broadcast_in_dim3A_552 {strides = array<i32>} : memref<64xf32, #tpu.memory_space<vmem>>, vector<16xf32>,
      %scan3A_560 = arith.constant 0 : i32
      %scan3A_561 = arith.constant 0 : i32
      %scan3A_562 = arith.constant 256 : i32
      %scan3A_563 = arith.addi %scan3A_561, %scan3A_562 : i32
      %scan3A_564 = arith.constant 1 : i32
      %scan3A_565 = scf.for %scan3A_646 = %scan3A_561 to %scan3A_563 step %scan3A_564 iter_args(%scan3A_647 = %scan3A_560) -> (i32)  : i32 {
        %mul3A_648 = arith.constant 8 : i32
        %mul3A_649 = arith.muli %scan3A_646, %mul3A_648 : i32
        %mul3A_650 = arith.constant 16 : i32
        %mul3A_651 = arith.muli %mul3A_649, %mul3A_650 : i32
        %add3A_652 = arith.constant 0 : i32
        %add3A_653 = arith.addi %mul3A_651, %add3A_652 : i32
        %get3A_654 = arith.index_cast %add3A_653 : i32 to index
        %get3A_655 = tpu.vector_load %arg6[%get3A_654] {strides = array<i32>} : memref<32768xf32, #tpu.memory_space<vmem>>, vector<16xf32>,
        %add3A_656 = arith.constant 16 : i32
        %add3A_657 = arith.addi %mul3A_651, %add3A_656 : i32
        %get3A_658 = arith.index_cast %add3A_657 : i32 to index
        %get3A_659 = tpu.vector_load %arg6[%get3A_658] {strides = array<i32>} : memref<32768xf32, #tpu.memory_space<vmem>>, vector<16xf32>,
        %add3A_660 = arith.constant 32 : i32
        %add3A_661 = arith.addi %mul3A_651, %add3A_660 : i32
        %get3A_662 = arith.index_cast %add3A_661 : i32 to index
        %get3A_663 = tpu.vector_load %arg6[%get3A_662] {strides = array<i32>} : memref<32768xf32, #tpu.memory_space<vmem>>, vector<16xf32>,
        %add3A_664 = arith.constant 48 : i32
        %add3A_665 = arith.addi %mul3A_651, %add3A_664 : i32
        %get3A_666 = arith.index_cast %add3A_665 : i32 to index
        %get3A_667 = tpu.vector_load %arg6[%get3A_666] {strides = array<i32>} : memref<32768xf32, #tpu.memory_space<vmem>>, vector<16xf32>,
        %add3A_668 = arith.constant 64 : i32
        %add3A_669 = arith.addi %mul3A_651, %add3A_668 : i32
        %get3A_670 = arith.index_cast %add3A_669 : i32 to index
        %get3A_671 = tpu.vector_load %arg6[%get3A_670] {strides = array<i32>} : memref<32768xf32, #tpu.memory_space<vmem>>, vector<16xf32>,
        %add3A_672 = arith.constant 80 : i32
        %add3A_673 = arith.addi %mul3A_651, %add3A_672 : i32
        %get3A_674 = arith.index_cast %add3A_673 : i32 to index
        %get3A_675 = tpu.vector_load %arg6[%get3A_674] {strides = array<i32>} : memref<32768xf32, #tpu.memory_space<vmem>>, vector<16xf32>,
        %add3A_676 = arith.constant 96 : i32
        %add3A_677 = arith.addi %mul3A_651, %add3A_676 : i32
        %get3A_678 = arith.index_cast %add3A_677 : i32 to index
        %get3A_679 = tpu.vector_load %arg6[%get3A_678] {strides = array<i32>} : memref<32768xf32, #tpu.memory_space<vmem>>, vector<16xf32>,
        %add3A_680 = arith.constant 112 : i32
        %add3A_681 = arith.addi %mul3A_651, %add3A_680 : i32
        %get3A_682 = arith.index_cast %add3A_681 : i32 to index
        %get3A_683 = tpu.vector_load %arg6[%get3A_682] {strides = array<i32>} : memref<32768xf32, #tpu.memory_space<vmem>>, vector<16xf32>,
        %bitcast3A_684 = vector.bitcast %get3A_655 : vector<16xf32> to vector<16xi32>
        %bitcast3A_685 = vector.bitcast %get3A_659 : vector<16xf32> to vector<16xi32>
        %bitcast3A_686 = vector.bitcast %get3A_663 : vector<16xf32> to vector<16xi32>
        %bitcast3A_687 = vector.bitcast %get3A_667 : vector<16xf32> to vector<16xi32>
        %bitcast3A_688 = vector.bitcast %get3A_671 : vector<16xf32> to vector<16xi32>
        %bitcast3A_689 = vector.bitcast %get3A_675 : vector<16xf32> to vector<16xi32>
        %bitcast3A_690 = vector.bitcast %get3A_679 : vector<16xf32> to vector<16xi32>
        %bitcast3A_691 = vector.bitcast %get3A_683 : vector<16xf32> to vector<16xi32>
        %shift_right_logical3A = arith.constant 6 : i32
        %shift_right_logical3A_692 = vector.broadcast %shift_right_logical3A : i32 to vector<16xi32>
        %shift_right_logical3A_693 = arith.shrui %bitcast3A_684, %shift_right_logical3A_692 : vector<16xi32>
        %eq3A_694 = vector.broadcast %or3A_458 : i32 to vector<16xi32>
        %eq3A_695 = arith.cmpi eq, %shift_right_logical3A_693, %eq3A_694 : vector<16xi32>
        %shift_right_logical3A_696 = arith.constant 6 : i32
        %shift_right_logical3A_697 = vector.broadcast %shift_right_logical3A_696 : i32 to vector<16xi32>
        %shift_right_logical3A_698 = arith.shrui %bitcast3A_685, %shift_right_logical3A_697 : vector<16xi32>
        %eq3A_699 = vector.broadcast %or3A_458 : i32 to vector<16xi32>
        %eq3A_700 = arith.cmpi eq, %shift_right_logical3A_698, %eq3A_699 : vector<16xi32>
        %shift_right_logical3A_701 = arith.constant 6 : i32
        %shift_right_logical3A_702 = vector.broadcast %shift_right_logical3A_701 : i32 to vector<16xi32>
        %shift_right_logical3A_703 = arith.shrui %bitcast3A_686, %shift_right_logical3A_702 : vector<16xi32>
        %eq3A_704 = vector.broadcast %or3A_458 : i32 to vector<16xi32>
        %eq3A_705 = arith.cmpi eq, %shift_right_logical3A_703, %eq3A_704 : vector<16xi32>
        %shift_right_logical3A_706 = arith.constant 6 : i32
        %shift_right_logical3A_707 = vector.broadcast %shift_right_logical3A_706 : i32 to vector<16xi32>
        %shift_right_logical3A_708 = arith.shrui %bitcast3A_687, %shift_right_logical3A_707 : vector<16xi32>
        %eq3A_709 = vector.broadcast %or3A_458 : i32 to vector<16xi32>
        %eq3A_710 = arith.cmpi eq, %shift_right_logical3A_708, %eq3A_709 : vector<16xi32>
        %shift_right_logical3A_711 = arith.constant 6 : i32
        %shift_right_logical3A_712 = vector.broadcast %shift_right_logical3A_711 : i32 to vector<16xi32>
        %shift_right_logical3A_713 = arith.shrui %bitcast3A_688, %shift_right_logical3A_712 : vector<16xi32>
        %eq3A_714 = vector.broadcast %or3A_458 : i32 to vector<16xi32>
        %eq3A_715 = arith.cmpi eq, %shift_right_logical3A_713, %eq3A_714 : vector<16xi32>
        %shift_right_logical3A_716 = arith.constant 6 : i32
        %shift_right_logical3A_717 = vector.broadcast %shift_right_logical3A_716 : i32 to vector<16xi32>
        %shift_right_logical3A_718 = arith.shrui %bitcast3A_689, %shift_right_logical3A_717 : vector<16xi32>
        %eq3A_719 = vector.broadcast %or3A_458 : i32 to vector<16xi32>
        %eq3A_720 = arith.cmpi eq, %shift_right_logical3A_718, %eq3A_719 : vector<16xi32>
        %shift_right_logical3A_721 = arith.constant 6 : i32
        %shift_right_logical3A_722 = vector.broadcast %shift_right_logical3A_721 : i32 to vector<16xi32>
        %shift_right_logical3A_723 = arith.shrui %bitcast3A_690, %shift_right_logical3A_722 : vector<16xi32>
        %eq3A_724 = vector.broadcast %or3A_458 : i32 to vector<16xi32>
        %eq3A_725 = arith.cmpi eq, %shift_right_logical3A_723, %eq3A_724 : vector<16xi32>
        %shift_right_logical3A_726 = arith.constant 6 : i32
        %shift_right_logical3A_727 = vector.broadcast %shift_right_logical3A_726 : i32 to vector<16xi32>
        %shift_right_logical3A_728 = arith.shrui %bitcast3A_691, %shift_right_logical3A_727 : vector<16xi32>
        %eq3A_729 = vector.broadcast %or3A_458 : i32 to vector<16xi32>
        %eq3A_730 = arith.cmpi eq, %shift_right_logical3A_728, %eq3A_729 : vector<16xi32>
        %and3A_731 = arith.constant 63 : i32
        %and3A_732 = vector.broadcast %and3A_731 : i32 to vector<16xi32>
        %and3A_733 = arith.andi %bitcast3A_684, %and3A_732 : vector<16xi32>
        %and3A_734 = arith.constant 63 : i32
        %and3A_735 = vector.broadcast %and3A_734 : i32 to vector<16xi32>
        %and3A_736 = arith.andi %bitcast3A_685, %and3A_735 : vector<16xi32>
        %and3A_737 = arith.constant 63 : i32
        %and3A_738 = vector.broadcast %and3A_737 : i32 to vector<16xi32>
        %and3A_739 = arith.andi %bitcast3A_686, %and3A_738 : vector<16xi32>
        %and3A_740 = arith.constant 63 : i32
        %and3A_741 = vector.broadcast %and3A_740 : i32 to vector<16xi32>
        %and3A_742 = arith.andi %bitcast3A_687, %and3A_741 : vector<16xi32>
        %and3A_743 = arith.constant 63 : i32
        %and3A_744 = vector.broadcast %and3A_743 : i32 to vector<16xi32>
        %and3A_745 = arith.andi %bitcast3A_688, %and3A_744 : vector<16xi32>
        %and3A_746 = arith.constant 63 : i32
        %and3A_747 = vector.broadcast %and3A_746 : i32 to vector<16xi32>
        %and3A_748 = arith.andi %bitcast3A_689, %and3A_747 : vector<16xi32>
        %and3A_749 = arith.constant 63 : i32
        %and3A_750 = vector.broadcast %and3A_749 : i32 to vector<16xi32>
        %and3A_751 = arith.andi %bitcast3A_690, %and3A_750 : vector<16xi32>
        %and3A_752 = arith.constant 63 : i32
        %and3A_753 = vector.broadcast %and3A_752 : i32 to vector<16xi32>
        %and3A_754 = arith.andi %bitcast3A_691, %and3A_753 : vector<16xi32>
        tpu.vector_store_idx %arg9[%and3A_733], %get3A_655 masked %eq3A_695 {add = true} : memref<64xf32, #tpu.memory_space<vmem>>[vector<16xi32>], vector<16xf32>, vector<16xi1>
        tpu.vector_store_idx %arg9[%and3A_736], %get3A_659 masked %eq3A_700 {add = true} : memref<64xf32, #tpu.memory_space<vmem>>[vector<16xi32>], vector<16xf32>, vector<16xi1>
        tpu.vector_store_idx %arg9[%and3A_739], %get3A_663 masked %eq3A_705 {add = true} : memref<64xf32, #tpu.memory_space<vmem>>[vector<16xi32>], vector<16xf32>, vector<16xi1>
        tpu.vector_store_idx %arg9[%and3A_742], %get3A_667 masked %eq3A_710 {add = true} : memref<64xf32, #tpu.memory_space<vmem>>[vector<16xi32>], vector<16xf32>, vector<16xi1>
        tpu.vector_store_idx %arg9[%and3A_745], %get3A_671 masked %eq3A_715 {add = true} : memref<64xf32, #tpu.memory_space<vmem>>[vector<16xi32>], vector<16xf32>, vector<16xi1>
        tpu.vector_store_idx %arg9[%and3A_748], %get3A_675 masked %eq3A_720 {add = true} : memref<64xf32, #tpu.memory_space<vmem>>[vector<16xi32>], vector<16xf32>, vector<16xi1>
        tpu.vector_store_idx %arg9[%and3A_751], %get3A_679 masked %eq3A_725 {add = true} : memref<64xf32, #tpu.memory_space<vmem>>[vector<16xi32>], vector<16xf32>, vector<16xi1>
        tpu.vector_store_idx %arg9[%and3A_754], %get3A_683 masked %eq3A_730 {add = true} : memref<64xf32, #tpu.memory_space<vmem>>[vector<16xi32>], vector<16xf32>, vector<16xi1>
        %scan3A_755 = arith.constant 0 : i32
        scf.yield %scan3A_755 : i32
      }
      %scan3A_566 = arith.constant 256 : i32
      %while3A_567 = arith.constant 4 : i32
      %while3A_568 = arith.constant 4 : i32
      %while3A_569 = arith.constant 0 : i32
      %while3A_570 = arith.constant false
      %while3A_571:3 = scf.while (%while3A_646 = %while3A_569, %while3A_647 = %reduce_sum3A_441, %while3A_648 = %while3A_570) : (i32, f32, i1) -> (i32, f32, i1) {
        %lt3A_649 = arith.cmpi slt, %while3A_646, %while3A_567 : i32
        %not3A_650 = arith.constant true
        %not3A_651 = arith.xori %while3A_648, %not3A_650 : i1
        %and3A_652 = arith.andi %lt3A_649, %not3A_651 : i1
        scf.condition(%and3A_652) %while3A_646, %while3A_647, %while3A_648 : i32, f32, i1
      } do {
      ^bb0(%while3A_646: i32, %while3A_647: f32, %while3A_648: i1):
        %sub3A_649 = arith.constant 1 : i32
        %sub3A_650 = arith.subi %while3A_568, %sub3A_649 : i32
        %sub3A_651 = arith.subi %sub3A_650, %while3A_646 : i32
        %mul3A_652 = arith.constant 16 : i32
        %mul3A_653 = arith.muli %sub3A_651, %mul3A_652 : i32
        %get3A_654 = arith.index_cast %mul3A_653 : i32 to index
        %get3A_655 = tpu.vector_load %arg9[%get3A_654] {strides = array<i32>} : memref<64xf32, #tpu.memory_space<vmem>>, vector<16xf32>,
        %reduce_sum3A_656 = arith.constant true
        %reduce_sum3A_657 = vector.broadcast %reduce_sum3A_656 : i1 to vector<16xi1>
        %reduce_sum3A_658 = tpu.scan <sum>, %get3A_655 masked %reduce_sum3A_657 : vector<16xf32>, vector<16xi1> -> vector<16xf32>
        %reduce_sum3A_659 = vector.extract %reduce_sum3A_658[15] : f32 from vector<16xf32>
        %add3A_660 = arith.addf %while3A_647, %reduce_sum3A_659 : f32
        %gt3A_661 = arith.cmpf ogt, %add3A_660, %mul3A_294 : f32
        %add3A_662 = arith.constant 1 : i32
        %add3A_663 = arith.addi %while3A_646, %add3A_662 : i32
        %select_n3A_664 = arith.select %gt3A_661, %while3A_646, %add3A_663 : i32
        %add3A_665 = arith.addf %while3A_647, %reduce_sum3A_659 : f32
        %select_n3A_666 = arith.select %gt3A_661, %while3A_647, %add3A_665 : f32
        scf.yield %select_n3A_664, %select_n3A_666, %gt3A_661 : i32, f32, i1
      }
      %sub3A_572 = arith.constant 4 : i32
      %sub3A_573 = arith.constant 1 : i32
      %sub3A_574 = arith.subi %sub3A_572, %sub3A_573 : i32
      %sub3A_575 = arith.constant 4 : i32
      %sub3A_576 = arith.constant 1 : i32
      %sub3A_577 = arith.subi %sub3A_575, %sub3A_576 : i32
      %min3A_578 = arith.minsi %while3A_571#0, %sub3A_577 : i32
      %sub3A_579 = arith.subi %sub3A_574, %min3A_578 : i32
      %mul3A_580 = arith.constant 16 : i32
      %mul3A_581 = arith.muli %sub3A_579, %mul3A_580 : i32
      %get3A_582 = arith.index_cast %mul3A_581 : i32 to index
      %get3A_583 = tpu.vector_load %arg9[%get3A_582] {strides = array<i32>} : memref<64xf32, #tpu.memory_space<vmem>>, vector<16xf32>,
      %rev3A_584 = arith.constant 15 : i32
      %rev3A_585 = vector.broadcast %rev3A_584 : i32 to vector<16xi32>
      %rev3A_586 = tpu.iota {dimensions = array<i32: 0>} : vector<16xi32>
      %rev3A_587 = arith.subi %rev3A_585, %rev3A_586 : vector<16xi32>
      %rev3A_588 = tpu.dynamic_gather %get3A_583[%rev3A_587] in [0] : vector<16xf32>, vector<16xi32> -> vector<16xf32>
      %broadcast_in_dim3A_589 = arith.constant true
      %broadcast_in_dim3A_590 = vector.broadcast %broadcast_in_dim3A_589 : i1 to vector<16xi1>
      %masked_cumsum3A_591 = tpu.scan <sum>, %rev3A_588 masked %broadcast_in_dim3A_590 : vector<16xf32>, vector<16xi1> -> vector<16xf32>
      %add3A_592 = vector.broadcast %while3A_571#1 : f32 to vector<16xf32>
      %add3A_593 = arith.addf %add3A_592, %masked_cumsum3A_591 : vector<16xf32>
      %gt3A_594 = vector.broadcast %mul3A_294 : f32 to vector<16xf32>
      %gt3A_595 = arith.cmpf ogt, %add3A_593, %gt3A_594 : vector<16xf32>
      %all_reduce_ffs3A_596 = tpu.all_reduce %gt3A_595 {dim = 0 : i64, kind = #tpu.reduction_kind<find_first_set>} : vector<16xi1> -> vector<16xi32>
      %reduce_max3A_597 = arith.constant true
      %reduce_max3A_598 = vector.broadcast %reduce_max3A_597 : i1 to vector<16xi1>
      %reduce_max3A_599 = arith.constant -2147483648 : i32
      %reduce_max3A_600 = vector.broadcast %reduce_max3A_599 : i32 to vector<16xi32>
      %reduce_max3A_601 = arith.xori %all_reduce_ffs3A_596, %reduce_max3A_600 : vector<16xi32>
      %reduce_max3A_602 = tpu.scan <max>, %reduce_max3A_601 masked %reduce_max3A_598 : vector<16xi32>, vector<16xi1> -> vector<16xi32>
      %reduce_max3A_603 = arith.xori %reduce_max3A_602, %reduce_max3A_600 : vector<16xi32>
      %reduce_max3A_604 = vector.extract %reduce_max3A_603[15] : i32 from vector<16xi32>
      %iota3A_605 = tpu.iota {dimensions = array<i32: 0>} : vector<16xi32>
      %eq3A_606 = vector.broadcast %reduce_max3A_604 : i32 to vector<16xi32>
      %eq3A_607 = arith.cmpi eq, %iota3A_605, %eq3A_606 : vector<16xi32>
      %sub3A_608 = arith.subf %add3A_593, %rev3A_588 : vector<16xf32>
      %jit3A_609 = arith.constant 0.000000e+00 : f32
      %broadcast_in_dim3A_610 = vector.broadcast %jit3A_609 : f32 to vector<16xf32>
      %select_n3A_611 = arith.select %eq3A_607, %sub3A_608, %broadcast_in_dim3A_610 : vector<16xi1>, vector<16xf32>
      %reduce_sum3A_612 = arith.constant true
      %reduce_sum3A_613 = vector.broadcast %reduce_sum3A_612 : i1 to vector<16xi1>
      %reduce_sum3A_614 = tpu.scan <sum>, %select_n3A_611 masked %reduce_sum3A_613 : vector<16xf32>, vector<16xi1> -> vector<16xf32>
      %reduce_sum3A_615 = vector.extract %reduce_sum3A_614[15] : f32 from vector<16xf32>
      %eq3A_616 = vector.broadcast %reduce_max3A_604 : i32 to vector<16xi32>
      %eq3A_617 = arith.cmpi eq, %iota3A_605, %eq3A_616 : vector<16xi32>
      %jit3A_618 = arith.constant 0.000000e+00 : f32
      %broadcast_in_dim3A_619 = vector.broadcast %jit3A_618 : f32 to vector<16xf32>
      %select_n3A_620 = arith.select %eq3A_617, %rev3A_588, %broadcast_in_dim3A_619 : vector<16xi1>, vector<16xf32>
      %reduce_sum3A_621 = arith.constant true
      %reduce_sum3A_622 = vector.broadcast %reduce_sum3A_621 : i1 to vector<16xi1>
      %reduce_sum3A_623 = tpu.scan <sum>, %select_n3A_620 masked %reduce_sum3A_622 : vector<16xf32>, vector<16xi1> -> vector<16xf32>
      %reduce_sum3A_624 = vector.extract %reduce_sum3A_623[15] : f32 from vector<16xf32>
      %mul3A_625 = arith.constant 16 : i32
      %mul3A_626 = arith.muli %sub3A_579, %mul3A_625 : i32
      %add3A_627 = arith.constant 15 : i32
      %add3A_628 = arith.addi %mul3A_626, %add3A_627 : i32
      %sub3A_629 = arith.subi %add3A_628, %reduce_max3A_604 : i32
      %shift_left3A_630 = arith.constant 6 : i32
      %shift_left3A_631 = arith.shli %or3A_458, %shift_left3A_630 : i32
      %or3A_632 = arith.ori %shift_left3A_631, %sub3A_629 : i32
      %broadcast_in_dim3A_633 = vector.broadcast %or3A_632 : i32 to vector<16xi32>
      %bitcast3A_634 = vector.bitcast %broadcast_in_dim3A_633 : vector<16xi32> to vector<16xf32>
      %broadcast_in_dim3A_635 = vector.broadcast %reduce_sum3A_624 : f32 to vector<16xf32>
      %max3A_636 = arith.constant 1.000000e-30 : f32
      %max3A_637 = vector.broadcast %max3A_636 : f32 to vector<16xf32>
      %max3A_638 = arith.maximumf %bitcast3A_634, %max3A_637 : vector<16xf32>
      %div3A_639 = arith.divf %broadcast_in_dim3A_635, %max3A_638 : vector<16xf32>
      %add3A_640 = arith.constant 5.000000e-01 : f32
      %add3A_641 = vector.broadcast %add3A_640 : f32 to vector<16xf32>
      %add3A_642 = arith.addf %div3A_639, %add3A_641 : vector<16xf32>
      %convert_element_type3A_643 = arith.fptosi %add3A_642 : vector<16xf32> to vector<16xi32>
      %sub3A_644 = arith.constant 1 : i32
      %sub3A_645 = arith.subi %or3A_632, %sub3A_644 : i32
      scf.yield %or3A_632, %sub3A_645, %reduce_sum3A_615, %bitcast3A_634, %convert_element_type3A_643 : i32, i32, f32, vector<16xf32>, vector<16xi32>
    } else {
      %shift_left3A_551 = arith.constant 6 : i32
      %shift_left3A_552 = arith.shli %or3A_458, %shift_left3A_551 : i32
      %or3A_553 = arith.constant 63 : i32
      %or3A_554 = arith.ori %shift_left3A_552, %or3A_553 : i32
      %shift_left3A_555 = arith.constant 6 : i32
      %shift_left3A_556 = arith.shli %or3A_458, %shift_left3A_555 : i32
      %sub3A_557 = arith.constant 1 : i32
      %sub3A_558 = arith.subi %shift_left3A_556, %sub3A_557 : i32
      %broadcast_in_dim3A_559 = vector.broadcast %reduce_sum3A_450 : f32 to vector<16xf32>
      %broadcast_in_dim3A_560 = arith.constant 1 : i32
      %broadcast_in_dim3A_561 = vector.broadcast %broadcast_in_dim3A_560 : i32 to vector<16xi32>
      scf.yield %or3A_554, %sub3A_558, %reduce_sum3A_441, %broadcast_in_dim3A_559, %broadcast_in_dim3A_561 : i32, i32, f32, vector<16xf32>, vector<16xi32>
    }
    %broadcast_in_dim3A_489 = vector.broadcast %cond3A_488#0 : i32 to vector<16xi32>
    %broadcast_in_dim3A_490 = vector.broadcast %cond3A_488#1 : i32 to vector<16xi32>
    %sub3A_491 = arith.subf %mul3A_294, %cond3A_488#2 : f32
    %broadcast_in_dim3A_492 = vector.broadcast %sub3A_491 : f32 to vector<16xf32>
    %max3A_493 = arith.constant 1.000000e-30 : f32
    %max3A_494 = vector.broadcast %max3A_493 : f32 to vector<16xf32>
    %max3A_495 = arith.maximumf %cond3A_488#3, %max3A_494 : vector<16xf32>
    %div3A_496 = arith.divf %broadcast_in_dim3A_492, %max3A_495 : vector<16xf32>
    %jit3A_497 = arith.constant 0.000000e+00 : f32
    %jit3A_498 = arith.constant 3.276800e+04 : f32
    %max3A_499 = vector.broadcast %jit3A_497 : f32 to vector<16xf32>
    %max3A_500 = arith.maximumf %max3A_499, %div3A_496 : vector<16xf32>
    %min3A_501 = vector.broadcast %jit3A_498 : f32 to vector<16xf32>
    %min3A_502 = arith.minimumf %min3A_501, %max3A_500 : vector<16xf32>
    %convert_element_type3A_503 = arith.fptosi %min3A_502 : vector<16xf32> to vector<16xi32>
    %broadcast_in_dim3A_504 = vector.broadcast %cond3A_488#2 : f32 to vector<16xf32>
    %eq3A_505 = arith.constant 0.000000e+00 : f32
    %eq3A_506 = vector.broadcast %eq3A_505 : f32 to vector<16xf32>
    %eq3A_507 = arith.cmpf oeq, %broadcast_in_dim3A_504, %eq3A_506 : vector<16xf32>
    %max3A_508 = arith.constant 1 : i32
    %max3A_509 = vector.broadcast %max3A_508 : i32 to vector<16xi32>
    %max3A_510 = arith.maxsi %convert_element_type3A_503, %max3A_509 : vector<16xi32>
    %select_n3A_511 = arith.select %eq3A_507, %max3A_510, %convert_element_type3A_503 : vector<16xi1>, vector<16xi32>
    %reduce_max3A_512 = arith.constant true
    %reduce_max3A_513 = vector.broadcast %reduce_max3A_512 : i1 to vector<16xi1>
    %reduce_max3A_514 = arith.constant -2147483648 : i32
    %reduce_max3A_515 = vector.broadcast %reduce_max3A_514 : i32 to vector<16xi32>
    %reduce_max3A_516 = arith.xori %select_n3A_511, %reduce_max3A_515 : vector<16xi32>
    %reduce_max3A_517 = tpu.scan <max>, %reduce_max3A_516 masked %reduce_max3A_513 : vector<16xi32>, vector<16xi1> -> vector<16xi32>
    %reduce_max3A_518 = arith.xori %reduce_max3A_517, %reduce_max3A_515 : vector<16xi32>
    %reduce_max3A_519 = vector.extract %reduce_max3A_518[15] : i32 from vector<16xi32>
    %gt3A_520 = arith.constant 0 : i32
    %gt3A_521 = arith.cmpi sgt, %reduce_max3A_519, %gt3A_520 : i32
    %reduce_max3A_522 = arith.constant true
    %reduce_max3A_523 = vector.broadcast %reduce_max3A_522 : i1 to vector<16xi1>
    %reduce_max3A_524 = arith.constant -2147483648 : i32
    %reduce_max3A_525 = vector.broadcast %reduce_max3A_524 : i32 to vector<16xi32>
    %reduce_max3A_526 = arith.xori %select_n3A_511, %reduce_max3A_525 : vector<16xi32>
    %reduce_max3A_527 = tpu.scan <max>, %reduce_max3A_526 masked %reduce_max3A_523 : vector<16xi32>, vector<16xi1> -> vector<16xi32>
    %reduce_max3A_528 = arith.xori %reduce_max3A_527, %reduce_max3A_525 : vector<16xi32>
    %reduce_max3A_529 = vector.extract %reduce_max3A_528[15] : i32 from vector<16xi32>
    %reduce_max3A_530 = arith.constant true
    %reduce_max3A_531 = vector.broadcast %reduce_max3A_530 : i1 to vector<16xi1>
    %reduce_max3A_532 = arith.constant -2147483648 : i32
    %reduce_max3A_533 = vector.broadcast %reduce_max3A_532 : i32 to vector<16xi32>
    %reduce_max3A_534 = arith.xori %cond3A_488#4, %reduce_max3A_533 : vector<16xi32>
    %reduce_max3A_535 = tpu.scan <max>, %reduce_max3A_534 masked %reduce_max3A_531 : vector<16xi32>, vector<16xi1> -> vector<16xi32>
    %reduce_max3A_536 = arith.xori %reduce_max3A_535, %reduce_max3A_533 : vector<16xi32>
    %reduce_max3A_537 = vector.extract %reduce_max3A_536[15] : i32 from vector<16xi32>
    %lt3A_538 = arith.cmpi slt, %reduce_max3A_529, %reduce_max3A_537 : i32
    %and3A_539 = arith.andi %gt3A_521, %lt3A_538 : i1
    %convert_element_type3A_540 = arith.extui %not3A_368 : i1 to i32
    %cond3A_541 = arith.constant 0 : i32
    %cond3A_542 = arith.constant 0 : i32
    %cond3A_543 = arith.cmpi ne, %convert_element_type3A_540, %cond3A_542 : i32
    %cond3A_544 = scf.if %cond3A_543 -> (i32) {
      %scan3A_551 = arith.constant 0 : i32
      %scan3A_552 = arith.constant 0 : i32
      %scan3A_553 = arith.constant 256 : i32
      %scan3A_554 = arith.addi %scan3A_552, %scan3A_553 : i32
      %scan3A_555 = arith.constant 1 : i32
      %scan3A_556 = scf.for %scan3A_559 = %scan3A_552 to %scan3A_554 step %scan3A_555 iter_args(%scan3A_560 = %scan3A_551) -> (i32)  : i32 {
        %mul3A_561 = arith.constant 8 : i32
        %mul3A_562 = arith.muli %scan3A_559, %mul3A_561 : i32
        %mul3A_563 = arith.constant 16 : i32
        %mul3A_564 = arith.muli %mul3A_562, %mul3A_563 : i32
        %add3A_565 = arith.constant 0 : i32
        %add3A_566 = arith.addi %mul3A_564, %add3A_565 : i32
        %get3A_567 = arith.index_cast %add3A_566 : i32 to index
        %get3A_568 = tpu.vector_load %arg7[%get3A_567] {strides = array<i32>} : memref<32768xi32, #tpu.memory_space<vmem>>, vector<16xi32>,
        %add3A_569 = arith.constant 16 : i32
        %add3A_570 = arith.addi %mul3A_564, %add3A_569 : i32
        %get3A_571 = arith.index_cast %add3A_570 : i32 to index
        %get3A_572 = tpu.vector_load %arg7[%get3A_571] {strides = array<i32>} : memref<32768xi32, #tpu.memory_space<vmem>>, vector<16xi32>,
        %add3A_573 = arith.constant 32 : i32
        %add3A_574 = arith.addi %mul3A_564, %add3A_573 : i32
        %get3A_575 = arith.index_cast %add3A_574 : i32 to index
        %get3A_576 = tpu.vector_load %arg7[%get3A_575] {strides = array<i32>} : memref<32768xi32, #tpu.memory_space<vmem>>, vector<16xi32>,
        %add3A_577 = arith.constant 48 : i32
        %add3A_578 = arith.addi %mul3A_564, %add3A_577 : i32
        %get3A_579 = arith.index_cast %add3A_578 : i32 to index
        %get3A_580 = tpu.vector_load %arg7[%get3A_579] {strides = array<i32>} : memref<32768xi32, #tpu.memory_space<vmem>>, vector<16xi32>,
        %add3A_581 = arith.constant 64 : i32
        %add3A_582 = arith.addi %mul3A_564, %add3A_581 : i32
        %get3A_583 = arith.index_cast %add3A_582 : i32 to index
        %get3A_584 = tpu.vector_load %arg7[%get3A_583] {strides = array<i32>} : memref<32768xi32, #tpu.memory_space<vmem>>, vector<16xi32>,
        %add3A_585 = arith.constant 80 : i32
        %add3A_586 = arith.addi %mul3A_564, %add3A_585 : i32
        %get3A_587 = arith.index_cast %add3A_586 : i32 to index
        %get3A_588 = tpu.vector_load %arg7[%get3A_587] {strides = array<i32>} : memref<32768xi32, #tpu.memory_space<vmem>>, vector<16xi32>,
        %add3A_589 = arith.constant 96 : i32
        %add3A_590 = arith.addi %mul3A_564, %add3A_589 : i32
        %get3A_591 = arith.index_cast %add3A_590 : i32 to index
        %get3A_592 = tpu.vector_load %arg7[%get3A_591] {strides = array<i32>} : memref<32768xi32, #tpu.memory_space<vmem>>, vector<16xi32>,
        %add3A_593 = arith.constant 112 : i32
        %add3A_594 = arith.addi %mul3A_564, %add3A_593 : i32
        %get3A_595 = arith.index_cast %add3A_594 : i32 to index
        %get3A_596 = tpu.vector_load %arg7[%get3A_595] {strides = array<i32>} : memref<32768xi32, #tpu.memory_space<vmem>>, vector<16xi32>,
        %ne3A = arith.constant 0 : i32
        %ne3A_597 = vector.broadcast %ne3A : i32 to vector<16xi32>
        %ne3A_598 = arith.cmpi ne, %get3A_568, %ne3A_597 : vector<16xi32>
        %jit3A_599 = arith.constant 1.000000e+00 : f32
        %jit3A_600 = arith.constant 0.000000e+00 : f32
        %broadcast_in_dim3A_601 = vector.broadcast %jit3A_599 : f32 to vector<16xf32>
        %broadcast_in_dim3A_602 = vector.broadcast %jit3A_600 : f32 to vector<16xf32>
        %select_n3A_603 = arith.select %ne3A_598, %broadcast_in_dim3A_601, %broadcast_in_dim3A_602 : vector<16xi1>, vector<16xf32>
        %ne3A_604 = arith.constant 0 : i32
        %ne3A_605 = vector.broadcast %ne3A_604 : i32 to vector<16xi32>
        %ne3A_606 = arith.cmpi ne, %get3A_572, %ne3A_605 : vector<16xi32>
        %jit3A_607 = arith.constant 1.000000e+00 : f32
        %jit3A_608 = arith.constant 0.000000e+00 : f32
        %broadcast_in_dim3A_609 = vector.broadcast %jit3A_607 : f32 to vector<16xf32>
        %broadcast_in_dim3A_610 = vector.broadcast %jit3A_608 : f32 to vector<16xf32>
        %select_n3A_611 = arith.select %ne3A_606, %broadcast_in_dim3A_609, %broadcast_in_dim3A_610 : vector<16xi1>, vector<16xf32>
        %ne3A_612 = arith.constant 0 : i32
        %ne3A_613 = vector.broadcast %ne3A_612 : i32 to vector<16xi32>
        %ne3A_614 = arith.cmpi ne, %get3A_576, %ne3A_613 : vector<16xi32>
        %jit3A_615 = arith.constant 1.000000e+00 : f32
        %jit3A_616 = arith.constant 0.000000e+00 : f32
        %broadcast_in_dim3A_617 = vector.broadcast %jit3A_615 : f32 to vector<16xf32>
        %broadcast_in_dim3A_618 = vector.broadcast %jit3A_616 : f32 to vector<16xf32>
        %select_n3A_619 = arith.select %ne3A_614, %broadcast_in_dim3A_617, %broadcast_in_dim3A_618 : vector<16xi1>, vector<16xf32>
        %ne3A_620 = arith.constant 0 : i32
        %ne3A_621 = vector.broadcast %ne3A_620 : i32 to vector<16xi32>
        %ne3A_622 = arith.cmpi ne, %get3A_580, %ne3A_621 : vector<16xi32>
        %jit3A_623 = arith.constant 1.000000e+00 : f32
        %jit3A_624 = arith.constant 0.000000e+00 : f32
        %broadcast_in_dim3A_625 = vector.broadcast %jit3A_623 : f32 to vector<16xf32>
        %broadcast_in_dim3A_626 = vector.broadcast %jit3A_624 : f32 to vector<16xf32>
        %select_n3A_627 = arith.select %ne3A_622, %broadcast_in_dim3A_625, %broadcast_in_dim3A_626 : vector<16xi1>, vector<16xf32>
        %ne3A_628 = arith.constant 0 : i32
        %ne3A_629 = vector.broadcast %ne3A_628 : i32 to vector<16xi32>
        %ne3A_630 = arith.cmpi ne, %get3A_584, %ne3A_629 : vector<16xi32>
        %jit3A_631 = arith.constant 1.000000e+00 : f32
        %jit3A_632 = arith.constant 0.000000e+00 : f32
        %broadcast_in_dim3A_633 = vector.broadcast %jit3A_631 : f32 to vector<16xf32>
        %broadcast_in_dim3A_634 = vector.broadcast %jit3A_632 : f32 to vector<16xf32>
        %select_n3A_635 = arith.select %ne3A_630, %broadcast_in_dim3A_633, %broadcast_in_dim3A_634 : vector<16xi1>, vector<16xf32>
        %ne3A_636 = arith.constant 0 : i32
        %ne3A_637 = vector.broadcast %ne3A_636 : i32 to vector<16xi32>
        %ne3A_638 = arith.cmpi ne, %get3A_588, %ne3A_637 : vector<16xi32>
        %jit3A_639 = arith.constant 1.000000e+00 : f32
        %jit3A_640 = arith.constant 0.000000e+00 : f32
        %broadcast_in_dim3A_641 = vector.broadcast %jit3A_639 : f32 to vector<16xf32>
        %broadcast_in_dim3A_642 = vector.broadcast %jit3A_640 : f32 to vector<16xf32>
        %select_n3A_643 = arith.select %ne3A_638, %broadcast_in_dim3A_641, %broadcast_in_dim3A_642 : vector<16xi1>, vector<16xf32>
        %ne3A_644 = arith.constant 0 : i32
        %ne3A_645 = vector.broadcast %ne3A_644 : i32 to vector<16xi32>
        %ne3A_646 = arith.cmpi ne, %get3A_592, %ne3A_645 : vector<16xi32>
        %jit3A_647 = arith.constant 1.000000e+00 : f32
        %jit3A_648 = arith.constant 0.000000e+00 : f32
        %broadcast_in_dim3A_649 = vector.broadcast %jit3A_647 : f32 to vector<16xf32>
        %broadcast_in_dim3A_650 = vector.broadcast %jit3A_648 : f32 to vector<16xf32>
        %select_n3A_651 = arith.select %ne3A_646, %broadcast_in_dim3A_649, %broadcast_in_dim3A_650 : vector<16xi1>, vector<16xf32>
        %ne3A_652 = arith.constant 0 : i32
        %ne3A_653 = vector.broadcast %ne3A_652 : i32 to vector<16xi32>
        %ne3A_654 = arith.cmpi ne, %get3A_596, %ne3A_653 : vector<16xi32>
        %jit3A_655 = arith.constant 1.000000e+00 : f32
        %jit3A_656 = arith.constant 0.000000e+00 : f32
        %broadcast_in_dim3A_657 = vector.broadcast %jit3A_655 : f32 to vector<16xf32>
        %broadcast_in_dim3A_658 = vector.broadcast %jit3A_656 : f32 to vector<16xf32>
        %select_n3A_659 = arith.select %ne3A_654, %broadcast_in_dim3A_657, %broadcast_in_dim3A_658 : vector<16xi1>, vector<16xf32>
        %add3A_660 = arith.constant 0 : i32
        %add3A_661 = arith.addi %mul3A_564, %add3A_660 : i32
        %swap3A = arith.index_cast %add3A_661 : i32 to index
        %swap3A_662 = tpu.vector_load %arg6[%swap3A] {strides = array<i32>} : memref<32768xf32, #tpu.memory_space<vmem>>, vector<16xf32>,
        tpu.vector_store %arg6[%swap3A], %select_n3A_603 {strides = array<i32>} : memref<32768xf32, #tpu.memory_space<vmem>>, vector<16xf32>,
        %add3A_663 = arith.constant 16 : i32
        %add3A_664 = arith.addi %mul3A_564, %add3A_663 : i32
        %swap3A_665 = arith.index_cast %add3A_664 : i32 to index
        %swap3A_666 = tpu.vector_load %arg6[%swap3A_665] {strides = array<i32>} : memref<32768xf32, #tpu.memory_space<vmem>>, vector<16xf32>,
        tpu.vector_store %arg6[%swap3A_665], %select_n3A_611 {strides = array<i32>} : memref<32768xf32, #tpu.memory_space<vmem>>, vector<16xf32>,
        %add3A_667 = arith.constant 32 : i32
        %add3A_668 = arith.addi %mul3A_564, %add3A_667 : i32
        %swap3A_669 = arith.index_cast %add3A_668 : i32 to index
        %swap3A_670 = tpu.vector_load %arg6[%swap3A_669] {strides = array<i32>} : memref<32768xf32, #tpu.memory_space<vmem>>, vector<16xf32>,
        tpu.vector_store %arg6[%swap3A_669], %select_n3A_619 {strides = array<i32>} : memref<32768xf32, #tpu.memory_space<vmem>>, vector<16xf32>,
        %add3A_671 = arith.constant 48 : i32
        %add3A_672 = arith.addi %mul3A_564, %add3A_671 : i32
        %swap3A_673 = arith.index_cast %add3A_672 : i32 to index
        %swap3A_674 = tpu.vector_load %arg6[%swap3A_673] {strides = array<i32>} : memref<32768xf32, #tpu.memory_space<vmem>>, vector<16xf32>,
        tpu.vector_store %arg6[%swap3A_673], %select_n3A_627 {strides = array<i32>} : memref<32768xf32, #tpu.memory_space<vmem>>, vector<16xf32>,
        %add3A_675 = arith.constant 64 : i32
        %add3A_676 = arith.addi %mul3A_564, %add3A_675 : i32
        %swap3A_677 = arith.index_cast %add3A_676 : i32 to index
        %swap3A_678 = tpu.vector_load %arg6[%swap3A_677] {strides = array<i32>} : memref<32768xf32, #tpu.memory_space<vmem>>, vector<16xf32>,
        tpu.vector_store %arg6[%swap3A_677], %select_n3A_635 {strides = array<i32>} : memref<32768xf32, #tpu.memory_space<vmem>>, vector<16xf32>,
        %add3A_679 = arith.constant 80 : i32
        %add3A_680 = arith.addi %mul3A_564, %add3A_679 : i32
        %swap3A_681 = arith.index_cast %add3A_680 : i32 to index
        %swap3A_682 = tpu.vector_load %arg6[%swap3A_681] {strides = array<i32>} : memref<32768xf32, #tpu.memory_space<vmem>>, vector<16xf32>,
        tpu.vector_store %arg6[%swap3A_681], %select_n3A_643 {strides = array<i32>} : memref<32768xf32, #tpu.memory_space<vmem>>, vector<16xf32>,
        %add3A_683 = arith.constant 96 : i32
        %add3A_684 = arith.addi %mul3A_564, %add3A_683 : i32
        %swap3A_685 = arith.index_cast %add3A_684 : i32 to index
        %swap3A_686 = tpu.vector_load %arg6[%swap3A_685] {strides = array<i32>} : memref<32768xf32, #tpu.memory_space<vmem>>, vector<16xf32>,
        tpu.vector_store %arg6[%swap3A_685], %select_n3A_651 {strides = array<i32>} : memref<32768xf32, #tpu.memory_space<vmem>>, vector<16xf32>,
        %add3A_687 = arith.constant 112 : i32
        %add3A_688 = arith.addi %mul3A_564, %add3A_687 : i32
        %swap3A_689 = arith.index_cast %add3A_688 : i32 to index
        %swap3A_690 = tpu.vector_load %arg6[%swap3A_689] {strides = array<i32>} : memref<32768xf32, #tpu.memory_space<vmem>>, vector<16xf32>,
        tpu.vector_store %arg6[%swap3A_689], %select_n3A_659 {strides = array<i32>} : memref<32768xf32, #tpu.memory_space<vmem>>, vector<16xf32>,
        %scan3A_691 = arith.constant 0 : i32
        scf.yield %scan3A_691 : i32
      }
      %scan3A_557 = arith.constant 256 : i32
      %cond3A_558 = arith.constant 0 : i32
      scf.yield %cond3A_558 : i32
    } else {
      %convert_element_type3A_551 = arith.extui %and3A_539 : i1 to i32
      %cond3A_552 = arith.constant 0 : i32
      %cond3A_553 = arith.constant 0 : i32
      %cond3A_554 = arith.cmpi ne, %convert_element_type3A_551, %cond3A_553 : i32
      %cond3A_555 = scf.if %cond3A_554 -> (i32) {
        %broadcast_in_dim3A_557 = arith.constant 0 : i32
        %broadcast_in_dim3A_558 = vector.broadcast %broadcast_in_dim3A_557 : i32 to vector<16xi32>
        %scan3A_559 = arith.constant 0 : i32
        %scan3A_560 = arith.constant 256 : i32
        %scan3A_561 = arith.addi %scan3A_559, %scan3A_560 : i32
        %scan3A_562 = arith.constant 1 : i32
        %scan3A_563 = scf.for %scan3A_566 = %scan3A_559 to %scan3A_561 step %scan3A_562 iter_args(%scan3A_567 = %broadcast_in_dim3A_558) -> (vector<16xi32>)  : i32 {
          %mul3A_568 = arith.constant 8 : i32
          %mul3A_569 = arith.muli %scan3A_566, %mul3A_568 : i32
          %mul3A_570 = arith.constant 16 : i32
          %mul3A_571 = arith.muli %mul3A_569, %mul3A_570 : i32
          %add3A_572 = arith.constant 0 : i32
          %add3A_573 = arith.addi %mul3A_571, %add3A_572 : i32
          %get3A_574 = arith.index_cast %add3A_573 : i32 to index
          %get3A_575 = tpu.vector_load %arg6[%get3A_574] {strides = array<i32>} : memref<32768xf32, #tpu.memory_space<vmem>>, vector<16xf32>,
          %add3A_576 = arith.constant 16 : i32
          %add3A_577 = arith.addi %mul3A_571, %add3A_576 : i32
          %get3A_578 = arith.index_cast %add3A_577 : i32 to index
          %get3A_579 = tpu.vector_load %arg6[%get3A_578] {strides = array<i32>} : memref<32768xf32, #tpu.memory_space<vmem>>, vector<16xf32>,
          %add3A_580 = arith.constant 32 : i32
          %add3A_581 = arith.addi %mul3A_571, %add3A_580 : i32
          %get3A_582 = arith.index_cast %add3A_581 : i32 to index
          %get3A_583 = tpu.vector_load %arg6[%get3A_582] {strides = array<i32>} : memref<32768xf32, #tpu.memory_space<vmem>>, vector<16xf32>,
          %add3A_584 = arith.constant 48 : i32
          %add3A_585 = arith.addi %mul3A_571, %add3A_584 : i32
          %get3A_586 = arith.index_cast %add3A_585 : i32 to index
          %get3A_587 = tpu.vector_load %arg6[%get3A_586] {strides = array<i32>} : memref<32768xf32, #tpu.memory_space<vmem>>, vector<16xf32>,
          %add3A_588 = arith.constant 64 : i32
          %add3A_589 = arith.addi %mul3A_571, %add3A_588 : i32
          %get3A_590 = arith.index_cast %add3A_589 : i32 to index
          %get3A_591 = tpu.vector_load %arg6[%get3A_590] {strides = array<i32>} : memref<32768xf32, #tpu.memory_space<vmem>>, vector<16xf32>,
          %add3A_592 = arith.constant 80 : i32
          %add3A_593 = arith.addi %mul3A_571, %add3A_592 : i32
          %get3A_594 = arith.index_cast %add3A_593 : i32 to index
          %get3A_595 = tpu.vector_load %arg6[%get3A_594] {strides = array<i32>} : memref<32768xf32, #tpu.memory_space<vmem>>, vector<16xf32>,
          %add3A_596 = arith.constant 96 : i32
          %add3A_597 = arith.addi %mul3A_571, %add3A_596 : i32
          %get3A_598 = arith.index_cast %add3A_597 : i32 to index
          %get3A_599 = tpu.vector_load %arg6[%get3A_598] {strides = array<i32>} : memref<32768xf32, #tpu.memory_space<vmem>>, vector<16xf32>,
          %add3A_600 = arith.constant 112 : i32
          %add3A_601 = arith.addi %mul3A_571, %add3A_600 : i32
          %get3A_602 = arith.index_cast %add3A_601 : i32 to index
          %get3A_603 = tpu.vector_load %arg6[%get3A_602] {strides = array<i32>} : memref<32768xf32, #tpu.memory_space<vmem>>, vector<16xf32>,
          %bitcast3A_604 = vector.bitcast %get3A_575 : vector<16xf32> to vector<16xi32>
          %bitcast3A_605 = vector.bitcast %get3A_579 : vector<16xf32> to vector<16xi32>
          %bitcast3A_606 = vector.bitcast %get3A_583 : vector<16xf32> to vector<16xi32>
          %bitcast3A_607 = vector.bitcast %get3A_587 : vector<16xf32> to vector<16xi32>
          %bitcast3A_608 = vector.bitcast %get3A_591 : vector<16xf32> to vector<16xi32>
          %bitcast3A_609 = vector.bitcast %get3A_595 : vector<16xf32> to vector<16xi32>
          %bitcast3A_610 = vector.bitcast %get3A_599 : vector<16xf32> to vector<16xi32>
          %bitcast3A_611 = vector.bitcast %get3A_603 : vector<16xf32> to vector<16xi32>
          %gt3A_612 = arith.cmpi sgt, %bitcast3A_604, %broadcast_in_dim3A_489 : vector<16xi32>
          %gt3A_613 = arith.cmpi sgt, %bitcast3A_605, %broadcast_in_dim3A_489 : vector<16xi32>
          %gt3A_614 = arith.cmpi sgt, %bitcast3A_606, %broadcast_in_dim3A_489 : vector<16xi32>
          %gt3A_615 = arith.cmpi sgt, %bitcast3A_607, %broadcast_in_dim3A_489 : vector<16xi32>
          %gt3A_616 = arith.cmpi sgt, %bitcast3A_608, %broadcast_in_dim3A_489 : vector<16xi32>
          %gt3A_617 = arith.cmpi sgt, %bitcast3A_609, %broadcast_in_dim3A_489 : vector<16xi32>
          %gt3A_618 = arith.cmpi sgt, %bitcast3A_610, %broadcast_in_dim3A_489 : vector<16xi32>
          %gt3A_619 = arith.cmpi sgt, %bitcast3A_611, %broadcast_in_dim3A_489 : vector<16xi32>
          %gt3A_620 = arith.cmpi sgt, %bitcast3A_604, %broadcast_in_dim3A_490 : vector<16xi32>
          %not3A_621 = arith.constant dense<true> : vector<16xi1>
          %not3A_622 = arith.xori %gt3A_612, %not3A_621 : vector<16xi1>
          %and3A_623 = arith.andi %gt3A_620, %not3A_622 : vector<16xi1>
          %gt3A_624 = arith.cmpi sgt, %bitcast3A_605, %broadcast_in_dim3A_490 : vector<16xi32>
          %not3A_625 = arith.constant dense<true> : vector<16xi1>
          %not3A_626 = arith.xori %gt3A_613, %not3A_625 : vector<16xi1>
          %and3A_627 = arith.andi %gt3A_624, %not3A_626 : vector<16xi1>
          %gt3A_628 = arith.cmpi sgt, %bitcast3A_606, %broadcast_in_dim3A_490 : vector<16xi32>
          %not3A_629 = arith.constant dense<true> : vector<16xi1>
          %not3A_630 = arith.xori %gt3A_614, %not3A_629 : vector<16xi1>
          %and3A_631 = arith.andi %gt3A_628, %not3A_630 : vector<16xi1>
          %gt3A_632 = arith.cmpi sgt, %bitcast3A_607, %broadcast_in_dim3A_490 : vector<16xi32>
          %not3A_633 = arith.constant dense<true> : vector<16xi1>
          %not3A_634 = arith.xori %gt3A_615, %not3A_633 : vector<16xi1>
          %and3A_635 = arith.andi %gt3A_632, %not3A_634 : vector<16xi1>
          %gt3A_636 = arith.cmpi sgt, %bitcast3A_608, %broadcast_in_dim3A_490 : vector<16xi32>
          %not3A_637 = arith.constant dense<true> : vector<16xi1>
          %not3A_638 = arith.xori %gt3A_616, %not3A_637 : vector<16xi1>
          %and3A_639 = arith.andi %gt3A_636, %not3A_638 : vector<16xi1>
          %gt3A_640 = arith.cmpi sgt, %bitcast3A_609, %broadcast_in_dim3A_490 : vector<16xi32>
          %not3A_641 = arith.constant dense<true> : vector<16xi1>
          %not3A_642 = arith.xori %gt3A_617, %not3A_641 : vector<16xi1>
          %and3A_643 = arith.andi %gt3A_640, %not3A_642 : vector<16xi1>
          %gt3A_644 = arith.cmpi sgt, %bitcast3A_610, %broadcast_in_dim3A_490 : vector<16xi32>
          %not3A_645 = arith.constant dense<true> : vector<16xi1>
          %not3A_646 = arith.xori %gt3A_618, %not3A_645 : vector<16xi1>
          %and3A_647 = arith.andi %gt3A_644, %not3A_646 : vector<16xi1>
          %gt3A_648 = arith.cmpi sgt, %bitcast3A_611, %broadcast_in_dim3A_490 : vector<16xi32>
          %not3A_649 = arith.constant dense<true> : vector<16xi1>
          %not3A_650 = arith.xori %gt3A_619, %not3A_649 : vector<16xi1>
          %and3A_651 = arith.andi %gt3A_648, %not3A_650 : vector<16xi1>
          %jit3A_652 = arith.constant 1 : i32
          %jit3A_653 = arith.constant 0 : i32
          %broadcast_in_dim3A_654 = vector.broadcast %jit3A_652 : i32 to vector<16xi32>
          %broadcast_in_dim3A_655 = vector.broadcast %jit3A_653 : i32 to vector<16xi32>
          %select_n3A_656 = arith.select %and3A_623, %broadcast_in_dim3A_654, %broadcast_in_dim3A_655 : vector<16xi1>, vector<16xi32>
          %broadcast_in_dim3A_657 = arith.constant true
          %broadcast_in_dim3A_658 = vector.broadcast %broadcast_in_dim3A_657 : i1 to vector<16xi1>
          %masked_cumsum3A_659 = tpu.scan <sum>, %select_n3A_656 masked %broadcast_in_dim3A_658 : vector<16xi32>, vector<16xi1> -> vector<16xi32>
          %jit3A_660 = arith.constant 1 : i32
          %jit3A_661 = arith.constant 0 : i32
          %broadcast_in_dim3A_662 = vector.broadcast %jit3A_660 : i32 to vector<16xi32>
          %broadcast_in_dim3A_663 = vector.broadcast %jit3A_661 : i32 to vector<16xi32>
          %select_n3A_664 = arith.select %and3A_627, %broadcast_in_dim3A_662, %broadcast_in_dim3A_663 : vector<16xi1>, vector<16xi32>
          %broadcast_in_dim3A_665 = arith.constant true
          %broadcast_in_dim3A_666 = vector.broadcast %broadcast_in_dim3A_665 : i1 to vector<16xi1>
          %masked_cumsum3A_667 = tpu.scan <sum>, %select_n3A_664 masked %broadcast_in_dim3A_666 : vector<16xi32>, vector<16xi1> -> vector<16xi32>
          %jit3A_668 = arith.constant 1 : i32
          %jit3A_669 = arith.constant 0 : i32
          %broadcast_in_dim3A_670 = vector.broadcast %jit3A_668 : i32 to vector<16xi32>
          %broadcast_in_dim3A_671 = vector.broadcast %jit3A_669 : i32 to vector<16xi32>
          %select_n3A_672 = arith.select %and3A_631, %broadcast_in_dim3A_670, %broadcast_in_dim3A_671 : vector<16xi1>, vector<16xi32>
          %broadcast_in_dim3A_673 = arith.constant true
          %broadcast_in_dim3A_674 = vector.broadcast %broadcast_in_dim3A_673 : i1 to vector<16xi1>
          %masked_cumsum3A_675 = tpu.scan <sum>, %select_n3A_672 masked %broadcast_in_dim3A_674 : vector<16xi32>, vector<16xi1> -> vector<16xi32>
          %jit3A_676 = arith.constant 1 : i32
          %jit3A_677 = arith.constant 0 : i32
          %broadcast_in_dim3A_678 = vector.broadcast %jit3A_676 : i32 to vector<16xi32>
          %broadcast_in_dim3A_679 = vector.broadcast %jit3A_677 : i32 to vector<16xi32>
          %select_n3A_680 = arith.select %and3A_635, %broadcast_in_dim3A_678, %broadcast_in_dim3A_679 : vector<16xi1>, vector<16xi32>
          %broadcast_in_dim3A_681 = arith.constant true
          %broadcast_in_dim3A_682 = vector.broadcast %broadcast_in_dim3A_681 : i1 to vector<16xi1>
          %masked_cumsum3A_683 = tpu.scan <sum>, %select_n3A_680 masked %broadcast_in_dim3A_682 : vector<16xi32>, vector<16xi1> -> vector<16xi32>
          %jit3A_684 = arith.constant 1 : i32
          %jit3A_685 = arith.constant 0 : i32
          %broadcast_in_dim3A_686 = vector.broadcast %jit3A_684 : i32 to vector<16xi32>
          %broadcast_in_dim3A_687 = vector.broadcast %jit3A_685 : i32 to vector<16xi32>
          %select_n3A_688 = arith.select %and3A_639, %broadcast_in_dim3A_686, %broadcast_in_dim3A_687 : vector<16xi1>, vector<16xi32>
          %broadcast_in_dim3A_689 = arith.constant true
          %broadcast_in_dim3A_690 = vector.broadcast %broadcast_in_dim3A_689 : i1 to vector<16xi1>
          %masked_cumsum3A_691 = tpu.scan <sum>, %select_n3A_688 masked %broadcast_in_dim3A_690 : vector<16xi32>, vector<16xi1> -> vector<16xi32>
          %jit3A_692 = arith.constant 1 : i32
          %jit3A_693 = arith.constant 0 : i32
          %broadcast_in_dim3A_694 = vector.broadcast %jit3A_692 : i32 to vector<16xi32>
          %broadcast_in_dim3A_695 = vector.broadcast %jit3A_693 : i32 to vector<16xi32>
          %select_n3A_696 = arith.select %and3A_643, %broadcast_in_dim3A_694, %broadcast_in_dim3A_695 : vector<16xi1>, vector<16xi32>
          %broadcast_in_dim3A_697 = arith.constant true
          %broadcast_in_dim3A_698 = vector.broadcast %broadcast_in_dim3A_697 : i1 to vector<16xi1>
          %masked_cumsum3A_699 = tpu.scan <sum>, %select_n3A_696 masked %broadcast_in_dim3A_698 : vector<16xi32>, vector<16xi1> -> vector<16xi32>
          %jit3A_700 = arith.constant 1 : i32
          %jit3A_701 = arith.constant 0 : i32
          %broadcast_in_dim3A_702 = vector.broadcast %jit3A_700 : i32 to vector<16xi32>
          %broadcast_in_dim3A_703 = vector.broadcast %jit3A_701 : i32 to vector<16xi32>
          %select_n3A_704 = arith.select %and3A_647, %broadcast_in_dim3A_702, %broadcast_in_dim3A_703 : vector<16xi1>, vector<16xi32>
          %broadcast_in_dim3A_705 = arith.constant true
          %broadcast_in_dim3A_706 = vector.broadcast %broadcast_in_dim3A_705 : i1 to vector<16xi1>
          %masked_cumsum3A_707 = tpu.scan <sum>, %select_n3A_704 masked %broadcast_in_dim3A_706 : vector<16xi32>, vector<16xi1> -> vector<16xi32>
          %jit3A_708 = arith.constant 1 : i32
          %jit3A_709 = arith.constant 0 : i32
          %broadcast_in_dim3A_710 = vector.broadcast %jit3A_708 : i32 to vector<16xi32>
          %broadcast_in_dim3A_711 = vector.broadcast %jit3A_709 : i32 to vector<16xi32>
          %select_n3A_712 = arith.select %and3A_651, %broadcast_in_dim3A_710, %broadcast_in_dim3A_711 : vector<16xi1>, vector<16xi32>
          %broadcast_in_dim3A_713 = arith.constant true
          %broadcast_in_dim3A_714 = vector.broadcast %broadcast_in_dim3A_713 : i1 to vector<16xi1>
          %masked_cumsum3A_715 = tpu.scan <sum>, %select_n3A_712 masked %broadcast_in_dim3A_714 : vector<16xi32>, vector<16xi1> -> vector<16xi32>
          %all_reduce_population_count3A = tpu.all_reduce %and3A_623 {dim = 0 : i64, kind = #tpu.reduction_kind<sum>} : vector<16xi1> -> vector<16xi32>
          %all_reduce_population_count3A_716 = tpu.all_reduce %and3A_627 {dim = 0 : i64, kind = #tpu.reduction_kind<sum>} : vector<16xi1> -> vector<16xi32>
          %all_reduce_population_count3A_717 = tpu.all_reduce %and3A_631 {dim = 0 : i64, kind = #tpu.reduction_kind<sum>} : vector<16xi1> -> vector<16xi32>
          %all_reduce_population_count3A_718 = tpu.all_reduce %and3A_635 {dim = 0 : i64, kind = #tpu.reduction_kind<sum>} : vector<16xi1> -> vector<16xi32>
          %all_reduce_population_count3A_719 = tpu.all_reduce %and3A_639 {dim = 0 : i64, kind = #tpu.reduction_kind<sum>} : vector<16xi1> -> vector<16xi32>
          %all_reduce_population_count3A_720 = tpu.all_reduce %and3A_643 {dim = 0 : i64, kind = #tpu.reduction_kind<sum>} : vector<16xi1> -> vector<16xi32>
          %all_reduce_population_count3A_721 = tpu.all_reduce %and3A_647 {dim = 0 : i64, kind = #tpu.reduction_kind<sum>} : vector<16xi1> -> vector<16xi32>
          %all_reduce_population_count3A_722 = tpu.all_reduce %and3A_651 {dim = 0 : i64, kind = #tpu.reduction_kind<sum>} : vector<16xi1> -> vector<16xi32>
          %add3A_723 = arith.addi %masked_cumsum3A_659, %scan3A_567 : vector<16xi32>
          %le3A = arith.cmpi sle, %add3A_723, %select_n3A_511 : vector<16xi32>
          %and3A_724 = arith.andi %and3A_623, %le3A : vector<16xi1>
          %or3A_725 = arith.ori %gt3A_612, %and3A_724 : vector<16xi1>
          %jit3A_726 = arith.constant 1.000000e+00 : f32
          %jit3A_727 = arith.constant 0.000000e+00 : f32
          %broadcast_in_dim3A_728 = vector.broadcast %jit3A_726 : f32 to vector<16xf32>
          %broadcast_in_dim3A_729 = vector.broadcast %jit3A_727 : f32 to vector<16xf32>
          %select_n3A_730 = arith.select %or3A_725, %broadcast_in_dim3A_728, %broadcast_in_dim3A_729 : vector<16xi1>, vector<16xf32>
          %add3A_731 = arith.addi %scan3A_567, %all_reduce_population_count3A : vector<16xi32>
          %add3A_732 = arith.addi %masked_cumsum3A_667, %add3A_731 : vector<16xi32>
          %le3A_733 = arith.cmpi sle, %add3A_732, %select_n3A_511 : vector<16xi32>
          %and3A_734 = arith.andi %and3A_627, %le3A_733 : vector<16xi1>
          %or3A_735 = arith.ori %gt3A_613, %and3A_734 : vector<16xi1>
          %jit3A_736 = arith.constant 1.000000e+00 : f32
          %jit3A_737 = arith.constant 0.000000e+00 : f32
          %broadcast_in_dim3A_738 = vector.broadcast %jit3A_736 : f32 to vector<16xf32>
          %broadcast_in_dim3A_739 = vector.broadcast %jit3A_737 : f32 to vector<16xf32>
          %select_n3A_740 = arith.select %or3A_735, %broadcast_in_dim3A_738, %broadcast_in_dim3A_739 : vector<16xi1>, vector<16xf32>
          %add3A_741 = arith.addi %add3A_731, %all_reduce_population_count3A_716 : vector<16xi32>
          %add3A_742 = arith.addi %masked_cumsum3A_675, %add3A_741 : vector<16xi32>
          %le3A_743 = arith.cmpi sle, %add3A_742, %select_n3A_511 : vector<16xi32>
          %and3A_744 = arith.andi %and3A_631, %le3A_743 : vector<16xi1>
          %or3A_745 = arith.ori %gt3A_614, %and3A_744 : vector<16xi1>
          %jit3A_746 = arith.constant 1.000000e+00 : f32
          %jit3A_747 = arith.constant 0.000000e+00 : f32
          %broadcast_in_dim3A_748 = vector.broadcast %jit3A_746 : f32 to vector<16xf32>
          %broadcast_in_dim3A_749 = vector.broadcast %jit3A_747 : f32 to vector<16xf32>
          %select_n3A_750 = arith.select %or3A_745, %broadcast_in_dim3A_748, %broadcast_in_dim3A_749 : vector<16xi1>, vector<16xf32>
          %add3A_751 = arith.addi %add3A_741, %all_reduce_population_count3A_717 : vector<16xi32>
          %add3A_752 = arith.addi %masked_cumsum3A_683, %add3A_751 : vector<16xi32>
          %le3A_753 = arith.cmpi sle, %add3A_752, %select_n3A_511 : vector<16xi32>
          %and3A_754 = arith.andi %and3A_635, %le3A_753 : vector<16xi1>
          %or3A_755 = arith.ori %gt3A_615, %and3A_754 : vector<16xi1>
          %jit3A_756 = arith.constant 1.000000e+00 : f32
          %jit3A_757 = arith.constant 0.000000e+00 : f32
          %broadcast_in_dim3A_758 = vector.broadcast %jit3A_756 : f32 to vector<16xf32>
          %broadcast_in_dim3A_759 = vector.broadcast %jit3A_757 : f32 to vector<16xf32>
          %select_n3A_760 = arith.select %or3A_755, %broadcast_in_dim3A_758, %broadcast_in_dim3A_759 : vector<16xi1>, vector<16xf32>
          %add3A_761 = arith.addi %add3A_751, %all_reduce_population_count3A_718 : vector<16xi32>
          %add3A_762 = arith.addi %masked_cumsum3A_691, %add3A_761 : vector<16xi32>
          %le3A_763 = arith.cmpi sle, %add3A_762, %select_n3A_511 : vector<16xi32>
          %and3A_764 = arith.andi %and3A_639, %le3A_763 : vector<16xi1>
          %or3A_765 = arith.ori %gt3A_616, %and3A_764 : vector<16xi1>
          %jit3A_766 = arith.constant 1.000000e+00 : f32
          %jit3A_767 = arith.constant 0.000000e+00 : f32
          %broadcast_in_dim3A_768 = vector.broadcast %jit3A_766 : f32 to vector<16xf32>
          %broadcast_in_dim3A_769 = vector.broadcast %jit3A_767 : f32 to vector<16xf32>
          %select_n3A_770 = arith.select %or3A_765, %broadcast_in_dim3A_768, %broadcast_in_dim3A_769 : vector<16xi1>, vector<16xf32>
          %add3A_771 = arith.addi %add3A_761, %all_reduce_population_count3A_719 : vector<16xi32>
          %add3A_772 = arith.addi %masked_cumsum3A_699, %add3A_771 : vector<16xi32>
          %le3A_773 = arith.cmpi sle, %add3A_772, %select_n3A_511 : vector<16xi32>
          %and3A_774 = arith.andi %and3A_643, %le3A_773 : vector<16xi1>
          %or3A_775 = arith.ori %gt3A_617, %and3A_774 : vector<16xi1>
          %jit3A_776 = arith.constant 1.000000e+00 : f32
          %jit3A_777 = arith.constant 0.000000e+00 : f32
          %broadcast_in_dim3A_778 = vector.broadcast %jit3A_776 : f32 to vector<16xf32>
          %broadcast_in_dim3A_779 = vector.broadcast %jit3A_777 : f32 to vector<16xf32>
          %select_n3A_780 = arith.select %or3A_775, %broadcast_in_dim3A_778, %broadcast_in_dim3A_779 : vector<16xi1>, vector<16xf32>
          %add3A_781 = arith.addi %add3A_771, %all_reduce_population_count3A_720 : vector<16xi32>
          %add3A_782 = arith.addi %masked_cumsum3A_707, %add3A_781 : vector<16xi32>
          %le3A_783 = arith.cmpi sle, %add3A_782, %select_n3A_511 : vector<16xi32>
          %and3A_784 = arith.andi %and3A_647, %le3A_783 : vector<16xi1>
          %or3A_785 = arith.ori %gt3A_618, %and3A_784 : vector<16xi1>
          %jit3A_786 = arith.constant 1.000000e+00 : f32
          %jit3A_787 = arith.constant 0.000000e+00 : f32
          %broadcast_in_dim3A_788 = vector.broadcast %jit3A_786 : f32 to vector<16xf32>
          %broadcast_in_dim3A_789 = vector.broadcast %jit3A_787 : f32 to vector<16xf32>
          %select_n3A_790 = arith.select %or3A_785, %broadcast_in_dim3A_788, %broadcast_in_dim3A_789 : vector<16xi1>, vector<16xf32>
          %add3A_791 = arith.addi %add3A_781, %all_reduce_population_count3A_721 : vector<16xi32>
          %add3A_792 = arith.addi %masked_cumsum3A_715, %add3A_791 : vector<16xi32>
          %le3A_793 = arith.cmpi sle, %add3A_792, %select_n3A_511 : vector<16xi32>
          %and3A_794 = arith.andi %and3A_651, %le3A_793 : vector<16xi1>
          %or3A_795 = arith.ori %gt3A_619, %and3A_794 : vector<16xi1>
          %jit3A_796 = arith.constant 1.000000e+00 : f32
          %jit3A_797 = arith.constant 0.000000e+00 : f32
          %broadcast_in_dim3A_798 = vector.broadcast %jit3A_796 : f32 to vector<16xf32>
          %broadcast_in_dim3A_799 = vector.broadcast %jit3A_797 : f32 to vector<16xf32>
          %select_n3A_800 = arith.select %or3A_795, %broadcast_in_dim3A_798, %broadcast_in_dim3A_799 : vector<16xi1>, vector<16xf32>
          %add3A_801 = arith.addi %add3A_791, %all_reduce_population_count3A_722 : vector<16xi32>
          %add3A_802 = arith.constant 0 : i32
          %add3A_803 = arith.addi %mul3A_571, %add3A_802 : i32
          %swap3A = arith.index_cast %add3A_803 : i32 to index
          %swap3A_804 = tpu.vector_load %arg6[%swap3A] {strides = array<i32>} : memref<32768xf32, #tpu.memory_space<vmem>>, vector<16xf32>,
          tpu.vector_store %arg6[%swap3A], %select_n3A_730 {strides = array<i32>} : memref<32768xf32, #tpu.memory_space<vmem>>, vector<16xf32>,
          %add3A_805 = arith.constant 16 : i32
          %add3A_806 = arith.addi %mul3A_571, %add3A_805 : i32
          %swap3A_807 = arith.index_cast %add3A_806 : i32 to index
          %swap3A_808 = tpu.vector_load %arg6[%swap3A_807] {strides = array<i32>} : memref<32768xf32, #tpu.memory_space<vmem>>, vector<16xf32>,
          tpu.vector_store %arg6[%swap3A_807], %select_n3A_740 {strides = array<i32>} : memref<32768xf32, #tpu.memory_space<vmem>>, vector<16xf32>,
          %add3A_809 = arith.constant 32 : i32
          %add3A_810 = arith.addi %mul3A_571, %add3A_809 : i32
          %swap3A_811 = arith.index_cast %add3A_810 : i32 to index
          %swap3A_812 = tpu.vector_load %arg6[%swap3A_811] {strides = array<i32>} : memref<32768xf32, #tpu.memory_space<vmem>>, vector<16xf32>,
          tpu.vector_store %arg6[%swap3A_811], %select_n3A_750 {strides = array<i32>} : memref<32768xf32, #tpu.memory_space<vmem>>, vector<16xf32>,
          %add3A_813 = arith.constant 48 : i32
          %add3A_814 = arith.addi %mul3A_571, %add3A_813 : i32
          %swap3A_815 = arith.index_cast %add3A_814 : i32 to index
          %swap3A_816 = tpu.vector_load %arg6[%swap3A_815] {strides = array<i32>} : memref<32768xf32, #tpu.memory_space<vmem>>, vector<16xf32>,
          tpu.vector_store %arg6[%swap3A_815], %select_n3A_760 {strides = array<i32>} : memref<32768xf32, #tpu.memory_space<vmem>>, vector<16xf32>,
          %add3A_817 = arith.constant 64 : i32
          %add3A_818 = arith.addi %mul3A_571, %add3A_817 : i32
          %swap3A_819 = arith.index_cast %add3A_818 : i32 to index
          %swap3A_820 = tpu.vector_load %arg6[%swap3A_819] {strides = array<i32>} : memref<32768xf32, #tpu.memory_space<vmem>>, vector<16xf32>,
          tpu.vector_store %arg6[%swap3A_819], %select_n3A_770 {strides = array<i32>} : memref<32768xf32, #tpu.memory_space<vmem>>, vector<16xf32>,
          %add3A_821 = arith.constant 80 : i32
          %add3A_822 = arith.addi %mul3A_571, %add3A_821 : i32
          %swap3A_823 = arith.index_cast %add3A_822 : i32 to index
          %swap3A_824 = tpu.vector_load %arg6[%swap3A_823] {strides = array<i32>} : memref<32768xf32, #tpu.memory_space<vmem>>, vector<16xf32>,
          tpu.vector_store %arg6[%swap3A_823], %select_n3A_780 {strides = array<i32>} : memref<32768xf32, #tpu.memory_space<vmem>>, vector<16xf32>,
          %add3A_825 = arith.constant 96 : i32
          %add3A_826 = arith.addi %mul3A_571, %add3A_825 : i32
          %swap3A_827 = arith.index_cast %add3A_826 : i32 to index
          %swap3A_828 = tpu.vector_load %arg6[%swap3A_827] {strides = array<i32>} : memref<32768xf32, #tpu.memory_space<vmem>>, vector<16xf32>,
          tpu.vector_store %arg6[%swap3A_827], %select_n3A_790 {strides = array<i32>} : memref<32768xf32, #tpu.memory_space<vmem>>, vector<16xf32>,
          %add3A_829 = arith.constant 112 : i32
          %add3A_830 = arith.addi %mul3A_571, %add3A_829 : i32
          %swap3A_831 = arith.index_cast %add3A_830 : i32 to index
          %swap3A_832 = tpu.vector_load %arg6[%swap3A_831] {strides = array<i32>} : memref<32768xf32, #tpu.memory_space<vmem>>, vector<16xf32>,
          tpu.vector_store %arg6[%swap3A_831], %select_n3A_800 {strides = array<i32>} : memref<32768xf32, #tpu.memory_space<vmem>>, vector<16xf32>,
          scf.yield %add3A_801 : vector<16xi32>
        }
        %scan3A_564 = arith.constant 256 : i32
        %cond3A_565 = arith.constant 0 : i32
        scf.yield %cond3A_565 : i32
      } else {
        %ge3A = arith.cmpi sge, %select_n3A_511, %cond3A_488#4 : vector<16xi32>
        %scan3A_557 = arith.constant 0 : i32
        %scan3A_558 = arith.constant 0 : i32
        %scan3A_559 = arith.constant 256 : i32
        %scan3A_560 = arith.addi %scan3A_558, %scan3A_559 : i32
        %scan3A_561 = arith.constant 1 : i32
        %scan3A_562 = scf.for %scan3A_565 = %scan3A_558 to %scan3A_560 step %scan3A_561 iter_args(%scan3A_566 = %scan3A_557) -> (i32)  : i32 {
          %mul3A_567 = arith.constant 8 : i32
          %mul3A_568 = arith.muli %scan3A_565, %mul3A_567 : i32
          %mul3A_569 = arith.constant 16 : i32
          %mul3A_570 = arith.muli %mul3A_568, %mul3A_569 : i32
          %add3A_571 = arith.constant 0 : i32
          %add3A_572 = arith.addi %mul3A_570, %add3A_571 : i32
          %get3A_573 = arith.index_cast %add3A_572 : i32 to index
          %get3A_574 = tpu.vector_load %arg6[%get3A_573] {strides = array<i32>} : memref<32768xf32, #tpu.memory_space<vmem>>, vector<16xf32>,
          %add3A_575 = arith.constant 16 : i32
          %add3A_576 = arith.addi %mul3A_570, %add3A_575 : i32
          %get3A_577 = arith.index_cast %add3A_576 : i32 to index
          %get3A_578 = tpu.vector_load %arg6[%get3A_577] {strides = array<i32>} : memref<32768xf32, #tpu.memory_space<vmem>>, vector<16xf32>,
          %add3A_579 = arith.constant 32 : i32
          %add3A_580 = arith.addi %mul3A_570, %add3A_579 : i32
          %get3A_581 = arith.index_cast %add3A_580 : i32 to index
          %get3A_582 = tpu.vector_load %arg6[%get3A_581] {strides = array<i32>} : memref<32768xf32, #tpu.memory_space<vmem>>, vector<16xf32>,
          %add3A_583 = arith.constant 48 : i32
          %add3A_584 = arith.addi %mul3A_570, %add3A_583 : i32
          %get3A_585 = arith.index_cast %add3A_584 : i32 to index
          %get3A_586 = tpu.vector_load %arg6[%get3A_585] {strides = array<i32>} : memref<32768xf32, #tpu.memory_space<vmem>>, vector<16xf32>,
          %add3A_587 = arith.constant 64 : i32
          %add3A_588 = arith.addi %mul3A_570, %add3A_587 : i32
          %get3A_589 = arith.index_cast %add3A_588 : i32 to index
          %get3A_590 = tpu.vector_load %arg6[%get3A_589] {strides = array<i32>} : memref<32768xf32, #tpu.memory_space<vmem>>, vector<16xf32>,
          %add3A_591 = arith.constant 80 : i32
          %add3A_592 = arith.addi %mul3A_570, %add3A_591 : i32
          %get3A_593 = arith.index_cast %add3A_592 : i32 to index
          %get3A_594 = tpu.vector_load %arg6[%get3A_593] {strides = array<i32>} : memref<32768xf32, #tpu.memory_space<vmem>>, vector<16xf32>,
          %add3A_595 = arith.constant 96 : i32
          %add3A_596 = arith.addi %mul3A_570, %add3A_595 : i32
          %get3A_597 = arith.index_cast %add3A_596 : i32 to index
          %get3A_598 = tpu.vector_load %arg6[%get3A_597] {strides = array<i32>} : memref<32768xf32, #tpu.memory_space<vmem>>, vector<16xf32>,
          %add3A_599 = arith.constant 112 : i32
          %add3A_600 = arith.addi %mul3A_570, %add3A_599 : i32
          %get3A_601 = arith.index_cast %add3A_600 : i32 to index
          %get3A_602 = tpu.vector_load %arg6[%get3A_601] {strides = array<i32>} : memref<32768xf32, #tpu.memory_space<vmem>>, vector<16xf32>,
          %bitcast3A_603 = vector.bitcast %get3A_574 : vector<16xf32> to vector<16xi32>
          %gt3A_604 = arith.cmpi sgt, %bitcast3A_603, %broadcast_in_dim3A_489 : vector<16xi32>
          %gt3A_605 = arith.cmpi sgt, %bitcast3A_603, %broadcast_in_dim3A_490 : vector<16xi32>
          %not3A_606 = arith.constant dense<true> : vector<16xi1>
          %not3A_607 = arith.xori %gt3A_604, %not3A_606 : vector<16xi1>
          %and3A_608 = arith.andi %gt3A_605, %not3A_607 : vector<16xi1>
          %and3A_609 = arith.andi %and3A_608, %ge3A : vector<16xi1>
          %or3A_610 = arith.ori %gt3A_604, %and3A_609 : vector<16xi1>
          %jit3A_611 = arith.constant 1.000000e+00 : f32
          %jit3A_612 = arith.constant 0.000000e+00 : f32
          %broadcast_in_dim3A_613 = vector.broadcast %jit3A_611 : f32 to vector<16xf32>
          %broadcast_in_dim3A_614 = vector.broadcast %jit3A_612 : f32 to vector<16xf32>
          %select_n3A_615 = arith.select %or3A_610, %broadcast_in_dim3A_613, %broadcast_in_dim3A_614 : vector<16xi1>, vector<16xf32>
          %bitcast3A_616 = vector.bitcast %get3A_578 : vector<16xf32> to vector<16xi32>
          %gt3A_617 = arith.cmpi sgt, %bitcast3A_616, %broadcast_in_dim3A_489 : vector<16xi32>
          %gt3A_618 = arith.cmpi sgt, %bitcast3A_616, %broadcast_in_dim3A_490 : vector<16xi32>
          %not3A_619 = arith.constant dense<true> : vector<16xi1>
          %not3A_620 = arith.xori %gt3A_617, %not3A_619 : vector<16xi1>
          %and3A_621 = arith.andi %gt3A_618, %not3A_620 : vector<16xi1>
          %and3A_622 = arith.andi %and3A_621, %ge3A : vector<16xi1>
          %or3A_623 = arith.ori %gt3A_617, %and3A_622 : vector<16xi1>
          %jit3A_624 = arith.constant 1.000000e+00 : f32
          %jit3A_625 = arith.constant 0.000000e+00 : f32
          %broadcast_in_dim3A_626 = vector.broadcast %jit3A_624 : f32 to vector<16xf32>
          %broadcast_in_dim3A_627 = vector.broadcast %jit3A_625 : f32 to vector<16xf32>
          %select_n3A_628 = arith.select %or3A_623, %broadcast_in_dim3A_626, %broadcast_in_dim3A_627 : vector<16xi1>, vector<16xf32>
          %bitcast3A_629 = vector.bitcast %get3A_582 : vector<16xf32> to vector<16xi32>
          %gt3A_630 = arith.cmpi sgt, %bitcast3A_629, %broadcast_in_dim3A_489 : vector<16xi32>
          %gt3A_631 = arith.cmpi sgt, %bitcast3A_629, %broadcast_in_dim3A_490 : vector<16xi32>
          %not3A_632 = arith.constant dense<true> : vector<16xi1>
          %not3A_633 = arith.xori %gt3A_630, %not3A_632 : vector<16xi1>
          %and3A_634 = arith.andi %gt3A_631, %not3A_633 : vector<16xi1>
          %and3A_635 = arith.andi %and3A_634, %ge3A : vector<16xi1>
          %or3A_636 = arith.ori %gt3A_630, %and3A_635 : vector<16xi1>
          %jit3A_637 = arith.constant 1.000000e+00 : f32
          %jit3A_638 = arith.constant 0.000000e+00 : f32
          %broadcast_in_dim3A_639 = vector.broadcast %jit3A_637 : f32 to vector<16xf32>
          %broadcast_in_dim3A_640 = vector.broadcast %jit3A_638 : f32 to vector<16xf32>
          %select_n3A_641 = arith.select %or3A_636, %broadcast_in_dim3A_639, %broadcast_in_dim3A_640 : vector<16xi1>, vector<16xf32>
          %bitcast3A_642 = vector.bitcast %get3A_586 : vector<16xf32> to vector<16xi32>
          %gt3A_643 = arith.cmpi sgt, %bitcast3A_642, %broadcast_in_dim3A_489 : vector<16xi32>
          %gt3A_644 = arith.cmpi sgt, %bitcast3A_642, %broadcast_in_dim3A_490 : vector<16xi32>
          %not3A_645 = arith.constant dense<true> : vector<16xi1>
          %not3A_646 = arith.xori %gt3A_643, %not3A_645 : vector<16xi1>
          %and3A_647 = arith.andi %gt3A_644, %not3A_646 : vector<16xi1>
          %and3A_648 = arith.andi %and3A_647, %ge3A : vector<16xi1>
          %or3A_649 = arith.ori %gt3A_643, %and3A_648 : vector<16xi1>
          %jit3A_650 = arith.constant 1.000000e+00 : f32
          %jit3A_651 = arith.constant 0.000000e+00 : f32
          %broadcast_in_dim3A_652 = vector.broadcast %jit3A_650 : f32 to vector<16xf32>
          %broadcast_in_dim3A_653 = vector.broadcast %jit3A_651 : f32 to vector<16xf32>
          %select_n3A_654 = arith.select %or3A_649, %broadcast_in_dim3A_652, %broadcast_in_dim3A_653 : vector<16xi1>, vector<16xf32>
          %bitcast3A_655 = vector.bitcast %get3A_590 : vector<16xf32> to vector<16xi32>
          %gt3A_656 = arith.cmpi sgt, %bitcast3A_655, %broadcast_in_dim3A_489 : vector<16xi32>
          %gt3A_657 = arith.cmpi sgt, %bitcast3A_655, %broadcast_in_dim3A_490 : vector<16xi32>
          %not3A_658 = arith.constant dense<true> : vector<16xi1>
          %not3A_659 = arith.xori %gt3A_656, %not3A_658 : vector<16xi1>
          %and3A_660 = arith.andi %gt3A_657, %not3A_659 : vector<16xi1>
          %and3A_661 = arith.andi %and3A_660, %ge3A : vector<16xi1>
          %or3A_662 = arith.ori %gt3A_656, %and3A_661 : vector<16xi1>
          %jit3A_663 = arith.constant 1.000000e+00 : f32
          %jit3A_664 = arith.constant 0.000000e+00 : f32
          %broadcast_in_dim3A_665 = vector.broadcast %jit3A_663 : f32 to vector<16xf32>
          %broadcast_in_dim3A_666 = vector.broadcast %jit3A_664 : f32 to vector<16xf32>
          %select_n3A_667 = arith.select %or3A_662, %broadcast_in_dim3A_665, %broadcast_in_dim3A_666 : vector<16xi1>, vector<16xf32>
          %bitcast3A_668 = vector.bitcast %get3A_594 : vector<16xf32> to vector<16xi32>
          %gt3A_669 = arith.cmpi sgt, %bitcast3A_668, %broadcast_in_dim3A_489 : vector<16xi32>
          %gt3A_670 = arith.cmpi sgt, %bitcast3A_668, %broadcast_in_dim3A_490 : vector<16xi32>
          %not3A_671 = arith.constant dense<true> : vector<16xi1>
          %not3A_672 = arith.xori %gt3A_669, %not3A_671 : vector<16xi1>
          %and3A_673 = arith.andi %gt3A_670, %not3A_672 : vector<16xi1>
          %and3A_674 = arith.andi %and3A_673, %ge3A : vector<16xi1>
          %or3A_675 = arith.ori %gt3A_669, %and3A_674 : vector<16xi1>
          %jit3A_676 = arith.constant 1.000000e+00 : f32
          %jit3A_677 = arith.constant 0.000000e+00 : f32
          %broadcast_in_dim3A_678 = vector.broadcast %jit3A_676 : f32 to vector<16xf32>
          %broadcast_in_dim3A_679 = vector.broadcast %jit3A_677 : f32 to vector<16xf32>
          %select_n3A_680 = arith.select %or3A_675, %broadcast_in_dim3A_678, %broadcast_in_dim3A_679 : vector<16xi1>, vector<16xf32>
          %bitcast3A_681 = vector.bitcast %get3A_598 : vector<16xf32> to vector<16xi32>
          %gt3A_682 = arith.cmpi sgt, %bitcast3A_681, %broadcast_in_dim3A_489 : vector<16xi32>
          %gt3A_683 = arith.cmpi sgt, %bitcast3A_681, %broadcast_in_dim3A_490 : vector<16xi32>
          %not3A_684 = arith.constant dense<true> : vector<16xi1>
          %not3A_685 = arith.xori %gt3A_682, %not3A_684 : vector<16xi1>
          %and3A_686 = arith.andi %gt3A_683, %not3A_685 : vector<16xi1>
          %and3A_687 = arith.andi %and3A_686, %ge3A : vector<16xi1>
          %or3A_688 = arith.ori %gt3A_682, %and3A_687 : vector<16xi1>
          %jit3A_689 = arith.constant 1.000000e+00 : f32
          %jit3A_690 = arith.constant 0.000000e+00 : f32
          %broadcast_in_dim3A_691 = vector.broadcast %jit3A_689 : f32 to vector<16xf32>
          %broadcast_in_dim3A_692 = vector.broadcast %jit3A_690 : f32 to vector<16xf32>
          %select_n3A_693 = arith.select %or3A_688, %broadcast_in_dim3A_691, %broadcast_in_dim3A_692 : vector<16xi1>, vector<16xf32>
          %bitcast3A_694 = vector.bitcast %get3A_602 : vector<16xf32> to vector<16xi32>
          %gt3A_695 = arith.cmpi sgt, %bitcast3A_694, %broadcast_in_dim3A_489 : vector<16xi32>
          %gt3A_696 = arith.cmpi sgt, %bitcast3A_694, %broadcast_in_dim3A_490 : vector<16xi32>
          %not3A_697 = arith.constant dense<true> : vector<16xi1>
          %not3A_698 = arith.xori %gt3A_695, %not3A_697 : vector<16xi1>
          %and3A_699 = arith.andi %gt3A_696, %not3A_698 : vector<16xi1>
          %and3A_700 = arith.andi %and3A_699, %ge3A : vector<16xi1>
          %or3A_701 = arith.ori %gt3A_695, %and3A_700 : vector<16xi1>
          %jit3A_702 = arith.constant 1.000000e+00 : f32
          %jit3A_703 = arith.constant 0.000000e+00 : f32
          %broadcast_in_dim3A_704 = vector.broadcast %jit3A_702 : f32 to vector<16xf32>
          %broadcast_in_dim3A_705 = vector.broadcast %jit3A_703 : f32 to vector<16xf32>
          %select_n3A_706 = arith.select %or3A_701, %broadcast_in_dim3A_704, %broadcast_in_dim3A_705 : vector<16xi1>, vector<16xf32>
          %add3A_707 = arith.constant 0 : i32
          %add3A_708 = arith.addi %mul3A_570, %add3A_707 : i32
          %swap3A = arith.index_cast %add3A_708 : i32 to index
          %swap3A_709 = tpu.vector_load %arg6[%swap3A] {strides = array<i32>} : memref<32768xf32, #tpu.memory_space<vmem>>, vector<16xf32>,
          tpu.vector_store %arg6[%swap3A], %select_n3A_615 {strides = array<i32>} : memref<32768xf32, #tpu.memory_space<vmem>>, vector<16xf32>,
          %add3A_710 = arith.constant 16 : i32
          %add3A_711 = arith.addi %mul3A_570, %add3A_710 : i32
          %swap3A_712 = arith.index_cast %add3A_711 : i32 to index
          %swap3A_713 = tpu.vector_load %arg6[%swap3A_712] {strides = array<i32>} : memref<32768xf32, #tpu.memory_space<vmem>>, vector<16xf32>,
          tpu.vector_store %arg6[%swap3A_712], %select_n3A_628 {strides = array<i32>} : memref<32768xf32, #tpu.memory_space<vmem>>, vector<16xf32>,
          %add3A_714 = arith.constant 32 : i32
          %add3A_715 = arith.addi %mul3A_570, %add3A_714 : i32
          %swap3A_716 = arith.index_cast %add3A_715 : i32 to index
          %swap3A_717 = tpu.vector_load %arg6[%swap3A_716] {strides = array<i32>} : memref<32768xf32, #tpu.memory_space<vmem>>, vector<16xf32>,
          tpu.vector_store %arg6[%swap3A_716], %select_n3A_641 {strides = array<i32>} : memref<32768xf32, #tpu.memory_space<vmem>>, vector<16xf32>,
          %add3A_718 = arith.constant 48 : i32
          %add3A_719 = arith.addi %mul3A_570, %add3A_718 : i32
          %swap3A_720 = arith.index_cast %add3A_719 : i32 to index
          %swap3A_721 = tpu.vector_load %arg6[%swap3A_720] {strides = array<i32>} : memref<32768xf32, #tpu.memory_space<vmem>>, vector<16xf32>,
          tpu.vector_store %arg6[%swap3A_720], %select_n3A_654 {strides = array<i32>} : memref<32768xf32, #tpu.memory_space<vmem>>, vector<16xf32>,
          %add3A_722 = arith.constant 64 : i32
          %add3A_723 = arith.addi %mul3A_570, %add3A_722 : i32
          %swap3A_724 = arith.index_cast %add3A_723 : i32 to index
          %swap3A_725 = tpu.vector_load %arg6[%swap3A_724] {strides = array<i32>} : memref<32768xf32, #tpu.memory_space<vmem>>, vector<16xf32>,
          tpu.vector_store %arg6[%swap3A_724], %select_n3A_667 {strides = array<i32>} : memref<32768xf32, #tpu.memory_space<vmem>>, vector<16xf32>,
          %add3A_726 = arith.constant 80 : i32
          %add3A_727 = arith.addi %mul3A_570, %add3A_726 : i32
          %swap3A_728 = arith.index_cast %add3A_727 : i32 to index
          %swap3A_729 = tpu.vector_load %arg6[%swap3A_728] {strides = array<i32>} : memref<32768xf32, #tpu.memory_space<vmem>>, vector<16xf32>,
          tpu.vector_store %arg6[%swap3A_728], %select_n3A_680 {strides = array<i32>} : memref<32768xf32, #tpu.memory_space<vmem>>, vector<16xf32>,
          %add3A_730 = arith.constant 96 : i32
          %add3A_731 = arith.addi %mul3A_570, %add3A_730 : i32
          %swap3A_732 = arith.index_cast %add3A_731 : i32 to index
          %swap3A_733 = tpu.vector_load %arg6[%swap3A_732] {strides = array<i32>} : memref<32768xf32, #tpu.memory_space<vmem>>, vector<16xf32>,
          tpu.vector_store %arg6[%swap3A_732], %select_n3A_693 {strides = array<i32>} : memref<32768xf32, #tpu.memory_space<vmem>>, vector<16xf32>,
          %add3A_734 = arith.constant 112 : i32
          %add3A_735 = arith.addi %mul3A_570, %add3A_734 : i32
          %swap3A_736 = arith.index_cast %add3A_735 : i32 to index
          %swap3A_737 = tpu.vector_load %arg6[%swap3A_736] {strides = array<i32>} : memref<32768xf32, #tpu.memory_space<vmem>>, vector<16xf32>,
          tpu.vector_store %arg6[%swap3A_736], %select_n3A_706 {strides = array<i32>} : memref<32768xf32, #tpu.memory_space<vmem>>, vector<16xf32>,
          %scan3A_738 = arith.constant 0 : i32
          scf.yield %scan3A_738 : i32
        }
        %scan3A_563 = arith.constant 256 : i32
        %cond3A_564 = arith.constant 0 : i32
        scf.yield %cond3A_564 : i32
      }
      %cond3A_556 = arith.constant 0 : i32
      scf.yield %cond3A_556 : i32
    }
    "tpu.region"() ({
      %run_scoped3A = tpu.sem_alloc : memref<!tpu.dma_semaphore, #tpu.memory_space<semaphore_mem>>
      %dma_start3A_551 = arith.constant 0 : i32
      %dma_start3A_552 = tpu.memref_slice %arg4[%add3A_4, %dma_start3A_551] : memref<64x32768xf32, #tpu.memory_space<hbm>> -> memref<1x32768xf32, #tpu.memory_space<hbm>>
      %dma_start3A_553 = tpu.memref_squeeze %dma_start3A_552 : memref<1x32768xf32, #tpu.memory_space<hbm>> -> memref<32768xf32, #tpu.memory_space<hbm>>
      %dma_start3A_554 = arith.constant 0 : i32
      %dma_start3A_555 = tpu.memref_slice %arg4[%add3A_4, %dma_start3A_554] : memref<64x32768xf32, #tpu.memory_space<hbm>> -> memref<1x32768xf32, #tpu.memory_space<hbm>>
      %dma_start3A_556 = tpu.memref_squeeze %dma_start3A_555 : memref<1x32768xf32, #tpu.memory_space<hbm>> -> memref<32768xf32, #tpu.memory_space<hbm>>
      tpu.enqueue_dma source(%arg6 : memref<32768xf32, #tpu.memory_space<vmem>>) target(%dma_start3A_556 : memref<32768xf32, #tpu.memory_space<hbm>>) target_semaphore(%run_scoped3A : memref<!tpu.dma_semaphore, #tpu.memory_space<semaphore_mem>>)
      %dma_wait3A_557 = arith.constant 0 : i32
      %dma_wait3A_558 = tpu.memref_slice %arg4[%add3A_4, %dma_wait3A_557] : memref<64x32768xf32, #tpu.memory_space<hbm>> -> memref<1x32768xf32, #tpu.memory_space<hbm>>
      %dma_wait3A_559 = tpu.memref_squeeze %dma_wait3A_558 : memref<1x32768xf32, #tpu.memory_space<hbm>> -> memref<32768xf32, #tpu.memory_space<hbm>>
      %dma_wait3A_560 = arith.constant 0 : i32
      %dma_wait3A_561 = tpu.memref_slice %arg4[%add3A_4, %dma_wait3A_560] : memref<64x32768xf32, #tpu.memory_space<hbm>> -> memref<1x32768xf32, #tpu.memory_space<hbm>>
      %dma_wait3A_562 = tpu.memref_squeeze %dma_wait3A_561 : memref<1x32768xf32, #tpu.memory_space<hbm>> -> memref<32768xf32, #tpu.memory_space<hbm>>
      tpu.wait_dma2 semaphore(%run_scoped3A : memref<!tpu.dma_semaphore, #tpu.memory_space<semaphore_mem>>) src(%arg6 : memref<32768xf32, #tpu.memory_space<vmem>>) dst(%dma_wait3A_562 : memref<32768xf32, #tpu.memory_space<hbm>>)
      tpu.yield
    }) : () -> ()
    %dma_wait3A_545 = arith.constant 0 : i32
    %dma_wait3A_546 = tpu.memref_slice %arg4[%mul3A_2, %dma_wait3A_545] : memref<64x32768xf32, #tpu.memory_space<hbm>> -> memref<1x32768xf32, #tpu.memory_space<hbm>>
    %dma_wait3A_547 = tpu.memref_squeeze %dma_wait3A_546 : memref<1x32768xf32, #tpu.memory_space<hbm>> -> memref<32768xf32, #tpu.memory_space<hbm>>
    %dma_wait3A_548 = arith.constant 0 : i32
    %dma_wait3A_549 = tpu.memref_slice %arg4[%mul3A_2, %dma_wait3A_548] : memref<64x32768xf32, #tpu.memory_space<hbm>> -> memref<1x32768xf32, #tpu.memory_space<hbm>>
    %dma_wait3A_550 = tpu.memref_squeeze %dma_wait3A_549 : memref<1x32768xf32, #tpu.memory_space<hbm>> -> memref<32768xf32, #tpu.memory_space<hbm>>
    tpu.wait_dma2 semaphore(%arg11 : memref<!tpu.dma_semaphore, #tpu.memory_space<semaphore_mem>>) src(%arg5 : memref<32768xf32, #tpu.memory_space<vmem>>) dst(%dma_wait3A_550 : memref<32768xf32, #tpu.memory_space<hbm>>)
    return
  }
}

</mosaic_0001>

<sc_bundles>
// kernel: kernel.3.cloned.1.call-start
scs
__scs_entry_jumppad:
0x0: {  	(pc) =	sbr.rel $0x88, $3  }
0x1: {  	(tag) =	ssettag $0x0;
	lr =	simm.s32 $0x1  }
0x2: {  	[smem:$0x3F9F] =	sst lr;
	_ =	strace $0xD0000000  }
0x3: {  	_ = 	snop  }
0x4: {  	_ = 	snop  }
0x5: {  	_ = 	snop  }
0x6: {  	_ = 	snop  }
0x7: {  	_ = 	snop  }
__scs_overlays_trampoline_lowered:
0x8: {  	[smem:$0x3FAE] =	sst s0  }
0x9: {  	[smem:$0x3FAF] =	sst s1  }
0xa: {  	[smem:$0x3FB0] =	sst s2  }
0xb: {  	[smem:$0x3FB1] =	sst s3  }
0xc: {  	[smem:$0x3FB2] =	sst s4  }
0xd: {  	[smem:$0x3FB3] =	sst s5  }
0xe: {  	[smem:$0x3FB4] =	sst s6  }
0xf: {  	[smem:$0x3FB5] =	sst s7  }
0x10: {  	[smem:$0x3FB6] =	sst s8  }
0x11: {  	[smem:$0x3FB7] =	sst s9;
	s0 =	simm.s32 @!p0 $0x0  }
0x12: {  	s1 =	sld [smem:$0x3F9D];
	s0 =	simm.s32 @p0 $0x1  }
0x13: {  	[smem:$0x3FB8] =	sst s0;
	s0 =	simm.s32 @!p1 $0x0  }
0x14: {  	s2 =	sld [smem:$0x3F9C];
	s0 =	simm.s32 @p1 $0x1  }
0x15: {  	[smem:$0x3FB9] =	sst s0;
	s0 =	simm.s32 @!p2 $0x0  }
0x16: {  	s3 =	sld [smem:$0x3FDB];
	s0 =	simm.s32 @p2 $0x1  }
0x17: {  	s4 =	simm.s32 $0x1BF5;
	[smem:$0x3FBB] =	sst s0  }
0x18: {  	s0 =	sld [smem:$0x3F9E];
	_ =	swait.ge [sflag:s4], $0x0  }
0x19: {  	s7 =	sld [smem:$0x3F9F]  }
0x1a: {  	s8 =	sadd.s32 $0xFFFFE003, lr  }
0x1b: {  	s9 =	sadd.s32 $0xFFFFFEF7, lr;
	s5 =	simm.s32 $0xFFFFFFFF;
	p2 =	slt.u32 s8, $0xFFFFF086  }
0x1c: {  	p1 =	slt.u32 s9, $0xF7A;
	s5 =	simm.s32 @!p2 $0x0  }
0x1d: {  	s5 =	simm.s32 @p1 $0x1;
	p0 =	seq.s32 s7, s2  }
0x1e: {  	s7 =	smul.u32 @!p0 $0xF7A, s2;
	p2 =	seq.s32 @!p0 s5, $0x0  }
0x1f: {  	s9 =	smul.u32 $0xF7A, s1;
	s8 =	simm.s32 @!p0 $0x1BF5;
	p2 =	por !p2, p0  }
0x20: {  	[sflag:s8] =	ssyncset.s32 @!p0 $0xFFFFF086;
	s6 =	sadd.s32 @!p0 s3, s7;
	s7 =	simm.s32 @!p0 $0x108  }
0x21: {  	s3 =	sadd.s32 s3, s9;
	s6 =	sadd.s32 @!p0 $0x88, s6;
	s7 =	simm.s32 @p2 $0x1082  }
0x22: {  	[simem:s7], [sflag:s8] =	dma.local @!p0 [hbm:s6], $0xF7A  }
0x23: {  	s9 =	sor.u32 $0xD0000000, s2;
	s6 =	simm.s32 $0x108;
	_ =	swait.ge @!p0 [sflag:s8], $0x0  }
0x24: {  	s3 =	sadd.s32 $0x88, s3;
	s6 =	simm.s32 @!p1 $0x1082;
	[sflag:s4] =	ssyncset.s32 $0xFFFFF086  }
0x25: {  	[simem:s6], [sflag:s4] =	dma.local [hbm:s3], $0xF7A  }
0x26: {  	[smem:$0x3F9F] =	sst s1;
	(tag) =	ssettag s2;
	_ =	strace s9  }
0x27: {  	s1 =	sld [smem:$0x3FAF]  }
0x28: {  	s2 =	sld [smem:$0x3FB0]  }
0x29: {  	s4 =	sld [smem:$0x3FB2]  }
0x2a: {  	p0 =	seq.s32 s5, $0x0;
	s5 =	sld [smem:$0x3FB3]  }
0x2b: {  	s6 =	sld [smem:$0x3FB4]  }
0x2c: {  	s7 =	sld [smem:$0x3FB5]  }
0x2d: {  	s3 =	simm.s32 $0x108;
	s8 =	sld [smem:$0x3FB6]  }
0x2e: {  	s3 =	simm.s32 @!p0 $0x1082;
	s9 =	sld [smem:$0x3FB7]  }
0x2f: {  	lr =	sadd.s32 s0, s3;
	s0 =	sld [smem:$0x3FAE]  }
0x30: {  	s3 =	sld [smem:$0x3FB1]  }
0x31: {  	[smem:$0x3FBA] =	sst s10  }
0x32: {  	s10 =	sld [smem:$0x3FB8];
	_ =	sdelay $0x3  }
0x33: {  	p0 =	seq.s32 s10, $0x1;
	s10 =	sld [smem:$0x3FBA];
	_ =	sdelay $0x3  }
0x34: {  	[smem:$0x3FBA] =	sst s10  }
0x35: {  	s10 =	sld [smem:$0x3FB9];
	_ =	sdelay $0x3  }
0x36: {  	p1 =	seq.s32 s10, $0x1;
	s10 =	sld [smem:$0x3FBA];
	_ =	sdelay $0x3  }
0x37: {  	[smem:$0x3FBA] =	sst s10  }
0x38: {  	s10 =	sld [smem:$0x3FBB]  }
0x39: {  	_ = 	snop;
	(pc) =	sbr.ind lr, $3  }
0x3a: {  	_ = 	snop  }
0x3b: {  	_ = 	snop  }
0x3c: {  	p2 =	seq.s32 s10, $0x1;
	s10 =	sld [smem:$0x3FBA]  }
0x3d: {  	_ =	shalt  }
0x3e: {  	_ =	shalt  }
0x3f: {  	_ =	shalt  }
0x40: {  	_ =	shalt  }
0x41: {  	_ =	shalt  }
0x42: {  	_ =	shalt  }
0x43: {  	_ =	shalt  }
0x44: {  	_ =	shalt  }
0x45: {  	_ =	shalt  }
0x46: {  	_ =	shalt  }
0x47: {  	_ =	shalt  }
0x48: {  	_ =	shalt  }
0x49: {  	_ =	shalt  }
0x4a: {  	_ =	shalt  }
0x4b: {  	_ =	shalt  }
0x4c: {  	_ =	shalt  }
0x4d: {  	_ =	shalt  }
0x4e: {  	_ =	shalt  }
0x4f: {  	_ =	shalt  }
0x50: {  	_ =	shalt  }
0x51: {  	_ =	shalt  }
0x52: {  	_ =	shalt  }
0x53: {  	_ =	shalt  }
0x54: {  	_ =	shalt  }
0x55: {  	_ =	shalt  }
0x56: {  	_ =	shalt  }
0x57: {  	_ =	shalt  }
0x58: {  	_ =	shalt  }
0x59: {  	_ =	shalt  }
0x5a: {  	_ =	shalt  }
0x5b: {  	_ =	shalt  }
0x5c: {  	_ =	shalt  }
0x5d: {  	_ =	shalt  }
0x5e: {  	_ =	shalt  }
0x5f: {  	_ =	shalt  }
0x60: {  	_ =	shalt  }
0x61: {  	_ =	shalt  }
0x62: {  	_ =	shalt  }
0x63: {  	_ =	shalt  }
0x64: {  	_ =	shalt  }
0x65: {  	_ =	shalt  }
0x66: {  	_ =	shalt  }
0x67: {  	_ =	shalt  }
0x68: {  	_ =	shalt  }
0x69: {  	_ =	shalt  }
0x6a: {  	_ =	shalt  }
0x6b: {  	_ =	shalt  }
0x6c: {  	_ =	shalt  }
0x6d: {  	_ =	shalt  }
0x6e: {  	_ =	shalt  }
0x6f: {  	_ =	shalt  }
0x70: {  	_ =	shalt  }
0x71: {  	_ =	shalt  }
0x72: {  	_ =	shalt  }
0x73: {  	_ =	shalt  }
0x74: {  	_ =	shalt  }
0x75: {  	_ =	shalt  }
0x76: {  	_ =	shalt  }
0x77: {  	_ =	shalt  }
0x78: {  	_ =	shalt  }
0x79: {  	_ =	shalt  }
0x7a: {  	_ =	shalt  }
0x7b: {  	_ =	shalt  }
0x7c: {  	_ =	shalt  }
0x7d: {  	_ =	shalt  }
0x7e: {  	_ =	shalt  }
0x7f: {  	_ =	shalt  }
0x80: {  	_ =	shalt  }
0x81: {  	_ =	shalt  }
0x82: {  	_ =	shalt  }
0x83: {  	_ =	shalt  }
0x84: {  	_ =	shalt  }
0x85: {  	_ =	shalt  }
0x86: {  	_ =	shalt  }
0x87: {  	_ =	shalt  }
.Lfunc_end0:
.L_simem_size_0:
called_computation_lowered:
.L_overlay_start_0:
0x88: {  	s2 =	sld [smem:$0x3FD9]  }
0x89: {  	s3 =	sld [smem:$0x3FFE];
	_ =	sdelay $0x1  }
0x8a: {  	s1 =	srdreg.scid  }
0x8b: {  	s0 =	sand.u32 $0x1, s1  }
0x8c: {  	s17 =	sshll.u32 s0, $0xA;
	s2 =	sadd.s32 s3, s2  }
0x8d: {  	s2 =	sadd.s32 s2, s17  }
0x8e: {  	[smem:$0x3FC6] =	sst s2  }
0x8f: {  	_ = 	snop  }
0x90: {  	s2 =	sld [smem:$0x3FC9]  }
0x91: {  	s18 =	sld [smem:$0x3FC8];
	(tm) =	ssettm $0x1  }
0x92: {  	s4 =	sld [smem:$0x3FFB];
	_ =	sdelay $0x3  }
0x93: {  	_ =	strace s4  }
0x94: {  	s4 =	sld [smem:$0x3FFC];
	_ =	sdelay $0x3  }
0x95: {  	_ =	strace s4  }
0x96: {  	s4 =	sld [smem:$0x3FFD];
	_ =	sdelay $0x3  }
0x97: {  	_ =	strace s4  }
0x98: {  	_ =	strace $0x8FFFFFFF  }
0x99: {  	s19 =	sld [smem:$0x3FDB];
	_ =	sdelay $0x1  }
0x9a: {  	s5 =	simm.s32 $_scs_section_size  }
0x9b: {  	s6 =	simm.s32 $_size__tile_overlayer_lowered;
	s7 =	simm.s32 $_tile_overlayer_lowered  }
0x9c: {  	s22 =	simm.s32 $0x1BFF;
	s21 =	sshll.u32 s7, $0x1;
	s4 =	sadd.s32 s5, s19  }
0x9d: {  	s8 =	simm.s32 $0x0;
	s20 =	sshll.u32 s6, $0x1;
	s6 =	sadd.s32 s21, s4  }
0x9e: {  	[timem:s8], [sflag:s22] =	dma.local [hbm:s6], s20  }
0x9f: {  	_ =	swait.ge [sflag:s22], s20  }
0xa0: {  	s5 =	ssub.s32 $0x0, s20;
	[sflag:s22] =	ssyncset.done $0x0  }
0xa1: {  	[sflag:s22] =	ssyncadd.s32 s5;
	_ =	sdelay $0x1  }
0xa2: {  	s23 =	simm.s32 $0x1B8B  }
0xa3: {  	_ =	swait.ge [sflag:s23], $0x1  }
0xa4: {  	[sflag:s23] =	ssyncset.done $0x0  }
0xa5: {  	s25 =	simm.s32 $0x1B8E;
	s24 =	sld [smem:$0x3FFE];
	[sflag:s23] =	ssyncadd.s32 $0xFFFFFFFF  }
0xa6: {  	s26 =	simm.s32 $execute0_lowered;
	[smem:$0x3FD2] =	sst s25  }
0xa7: {  	s6 =	sshll.u32 s26, $0x1;
	_ =	strace $0x80000046;
	[dreg:$0x1] =	wrdreg $0xFFFFFFFF  }
0xa8: {  	s28 =	simm.s32 $_size_execute0_lowered;
	s4 =	sadd.s32 s4, s6;
	[dreg:$0x0] =	wrdreg $0x0  }
0xa9: {  	s6 =	sshll.u32 s28, $0x1;
	[dreg:$0x2] =	wrdreg s4  }
0xaa: {  	[dreg:$0x3] =	wrdreg s6  }
0xab: {  	[dreg:$0x4] =	wrdreg $0xC0  }
0xac: {  	_ =	task [dreg:s8], $0x5FFFF  }
0xad: {  	[dreg:$0x1] =	wrdreg $0xFFFFFFFF  }
0xae: {  	[dreg:$0x0] =	wrdreg $0x60  }
0xaf: {  	[dreg:$0x2] =	wrdreg s2  }
0xb0: {  	[dreg:$0x3] =	wrdreg s18  }
0xb1: {  	[dreg:$0x4] =	wrdreg s24  }
0xb2: {  	[dreg:$0x5] =	wrdreg $0x9  }
0xb3: {  	_ =	task.clear_ibuf [dreg:s8], $0x6FFFF;
	_ =	strace $0x90000046  }
0xb4: {  	s29 =	simm.s32 $0x9;
	_ =	strace $0x80000048  }
0xb5: {  	_ =	swait.ge [sflag:s29], $0x1  }
0xb6: {  	[sflag:s29] =	ssyncadd.s32 $0xFFFFFFFF  }
0xb7: {  	_ =	strace $0x90000048  }
0xb8: {  	_ =	sfence  }
0xb9: {  	s30 =	sld [smem:$0x0];
	_ =	sdelay $0x2  }
0xba: {  	s31 =	sshll.u32 s1, $0xD;
	s1 =	sshrl.u32 s1, $0x2  }
0xbb: {  	s3 =	sand.u32 $0x4000, s31;
	s1 =	sadd.s32 s1, s30  }
0xbc: {  	s0 =	sor.u32 s3, s0;
	s1 =	sshll.u32 s1, $0x11  }
0xbd: {  	s0 =	sor.u32 s1, s0  }
0xbe: {  	s0 =	sadd.s32 $0x8F2B, s0  }
0xbf: {  	[sflag:s0] =	ssyncadd.remote.s32 $0x1  }
0xc0: {  	_ =	sfence.sel $0xFFFF  }
0xc1: {  	[dreg:$0x0] =	wrdreg $0xFFFFFFFF;
	(pc) =	sbr.abs _section_cstart, $3  }
0xc2: {  	[dreg:$0x1] =	wrdreg $0xFFFFFFFF  }
0xc3: {  	_ =	task.clear_ibuf [dreg:s8], $0x2FFFF;
	_ =	strace $0x9FFFFFFF  }
0xc4: {  	(tm) =	ssettm $0x7FFFFFFF  }
0xc5: {  	_ =	shalt  }
tec
execute0_lowered:
.L_overlay_start_1:
0x0: {  	(tag) =	ssettag $0x1  }
0x1: {  	s4 =	rddreg [dreg:$0x0]  }
0x2: {  	s7 =	rddreg [dreg:$0x1]  }
0x3: {  	s3 =	rddreg [dreg:$0x2]  }
0x4: {  	s0 =	rddreg [dreg:$0x3]  }
0x5: {  	s5 =	srdreg.scid;
	s1 =	stileid.u32;
	s2 =	simm.s32 $0x0  }
0x6: {  	s11 =	simm.s32 $0x400;
	s12 =	simm.s32 $0x8000;
	s13 =	simm.s32 $0x3  }
0x7: {  	s14 =	simm.s32 $0x10000;
	s15 =	simm.s32 $0x18000;
	s16 =	simm.s32 $0x1  }
0x8: {  	s17 =	simm.s32 $0x19000;
	s18 =	simm.s32 $0x2;
	s19 =	simm.s32 $0x0  }
0x9: {  	s5 =	sand.u32 $0x1, s5;
	s6 =	sshll.u32 s1, $0x6;
	s9 =	sshll.u32 s1, $0xE  }
0xa: {  	[smem:$0x7FF] =	sst s2;
	s8 =	sshll.u32 s5, $0x5;
	s6 =	sand.u32 $0x40, s6  }
0xb: {  	s30 =	sadd.s32 $0x400, s3;
	s9 =	sand.u32 $0x38000, s9;
	s6 =	sor.u32 s8, s6  }
.Ltmp0:
0xc: {  	s5 =	ssub.s32 $0x2, s5;
	s6 =	sor.u32 s6, s9;
	(pc) =	sbr.rel .LBB2_1-.Ltmp0, $4  }
0xd: {  	v0 =	vlaneseq.u32;
	_ =	strace $0x80000047;
	s31 =	sshrl.u32 s5, $0x1;
	s9 =	sor.u32 $0x10, s6  }
0xe: {  	v1 =	vmul.u32 $0xFFFFFFFF, v0;
	s10 =	ssub.s32 s5, s31;
	s5 =	sadd.s32 s7, s6;
	s3 =	sadd.s32 s4, s9  }
0xf: {  	v2 =	vimm.f32 $0.0e+00;
	s4 =	sadd.s32 s4, s6;
	s6 =	sadd.s32 s30, s6;
	s7 =	sadd.s32 s7, s9  }
0x10: {  	v3 =	vimm.s32 $0x0;
	v4 =	vimm.f32 $1.000000000e+00;
	v1 =	vadd.s32 $0xF, v1;
	s8 =	sadd.s32 s30, s9;
	s9 =	smax.u32 s10, $0x1;
	s10 =	simm.s32 $0x80  }
.LBB2_66:
0x11: {  	v11 =	vld [tilespmem:s20+$0x8070];
	v12 =	vsel vm1, $0x3F800000, v2;
	v13 =	vsel vm2, $0x3F800000, v2;
	vm13 =	vmor vm3, vm4  }
0x12: {  	vm14 =	vgt.s32 v8, v5;
	vm15 =	vgt.s32 v8, v6;
	vm8 =	vgt.s32 v10, v6  }
0x13: {  	vm5 =	vgt.s32 v10, v5;
	[tilespmem:s20+$0x8000] =	vst v9;
	vm11 =	vgt.s32 v7, v6;
	vm12 =	vgt.s32 v7, v5  }
0x14: {  	vm3 =	vmand vm0, vm15;
	vm4 =	vmand vm0, vm8;
	v61 =	vsel vm13, $0x3F800000, v2;
	[tilespmem:s20+$0x8010] =	vst v12  }
0x15: {  	[tilespmem:s20+$0x8020] =	vst v13;
	vm1 =	vmand vm0, vm11;
	vm9 =	vmor vm14, vm3;
	vm10 =	vmor vm5, vm4  }
0x16: {  	[tilespmem:s20+$0x8030] =	vst v61;
	vm1 =	vmor vm12, vm1;
	v62 =	vsel vm9, $0x3F800000, v2;
	vm13 =	vgt.s32 v11, v6  }
0x17: {  	v63 =	vsel vm10, $0x3F800000, v2;
	[tilespmem:s20+$0x8040] =	vst v62;
	vm14 =	vgt.s32 v11, v5;
	vm15 =	vmand vm0, vm13  }
0x18: {  	[tilespmem:s20+$0x8050] =	vst v63;
	v5 =	vsel vm1, $0x3F800000, v2;
	vm0 =	vmor vm14, vm15  }
0x19: {  	[tilespmem:s20+$0x8060] =	vst v5;
	v6 =	vsel vm0, $0x3F800000, v2  }
0x1a: {  	[tilespmem:s20+$0x8070] =	vst v6  }
.LBB2_73:
0x1b: {  	[hbm4b:s8+s10] =	stream.strided.scatter [tilespmem:s12], [sflag:$0x3], $0x8000, s11, s10, $0x38;
	[tilespmem:$0x19080] =	vst v63  }
0x1c: {  	s19 =	sadd.s32 $0x1, s19  }
0x1d: {  	_ =	swait.ge [sflag:s13], $0x8000;
	p0 =	sne.s32 s19, s9  }
.Ltmp1:
0x1e: {  	[sflag:s13] =	ssyncset.done $0x0;
	(pc) =	sbr.rel @!p0 .LBB2_74-.Ltmp1, $4  }
0x1f: {  	[sflag:s13] =	ssyncadd.s32 $0xFFFF8000  }
0x20: {  	_ =	swait.ge [sflag:s18], $0x8000  }
0x21: {  	[sflag:s18] =	ssyncset.done $0x0  }
0x22: {  	[sflag:s18] =	ssyncadd.s32 $0xFFFF8000  }
.LBB2_1:
0x23: {  	[tilespmem:s12], [sflag:$0x1] =	stream.strided.gather [hbm4b:s3+s10], $0x8000, s11, s10, $0x38;
	[tilespmem:$0x19080] =	vst v63  }
0x24: {  	_ = 	snop  }
0x25: {  	[tilespmem:s2], [sflag:$0x3] =	stream.strided.gather [hbm4b:s4+s10], $0x8000, s11, s10, $0x38;
	[tilespmem:$0x19080] =	vst v63  }
0x26: {  	_ =	swait.ge [sflag:s13], $0x8000  }
0x27: {  	[sflag:s13] =	ssyncset.done $0x0  }
0x28: {  	[sflag:s13] =	ssyncadd.s32 $0xFFFF8000  }
0x29: {  	[tilespmem:s14], [sflag:$0x3] =	stream.strided.gather [hbm4b:s5+s10], $0x8000, s11, s10, $0x38;
	[tilespmem:$0x19080] =	vst v63  }
0x2a: {  	_ =	swait.ge [sflag:s13], $0x8000  }
0x2b: {  	[sflag:s13] =	ssyncset.done $0x0  }
0x2c: {  	s20 =	simm.s32 $0x0;
	s21 =	simm.s32 $0x200;
	v6 =	vimm.f32 $0.0e+00;
	[sflag:s13] =	ssyncadd.s32 $0xFFFF8000  }
.LBB2_2:
0x2d: {  	p0 =	sne.s32 s21, $0x3E00;
	[tilespmem:s20+$0x18070] =	vst v6  }
0x2e: {  	[tilespmem:s20+$0x18000] =	vst v6  }
0x2f: {  	[tilespmem:s20+$0x18010] =	vst v6  }
.Ltmp2:
0x30: {  	[tilespmem:s20+$0x18020] =	vst v6;
	(pc) =	sbr.rel @p0 .LBB2_2-.Ltmp2, $4  }
0x31: {  	[tilespmem:s20+$0x18030] =	vst v6  }
0x32: {  	[tilespmem:s20+$0x18040] =	vst v6  }
0x33: {  	[tilespmem:s20+$0x18050] =	vst v6  }
0x34: {  	[tilespmem:s20+$0x18060] =	vst v6;
	v6 =	vimm.f32 $0.0e+00;
	s20 =	sshra.s32 s21, $0x2;
	s21 =	sadd.s32 $0x200, s21  }
0x35: {  	[tilespmem:s20+$0x18070] =	vst v6  }
0x36: {  	[tilespmem:s20+$0x18000] =	vst v6  }
0x37: {  	[tilespmem:s20+$0x18010] =	vst v6  }
0x38: {  	[tilespmem:s20+$0x18020] =	vst v6  }
0x39: {  	[tilespmem:s20+$0x18030] =	vst v6  }
0x3a: {  	[tilespmem:s20+$0x18040] =	vst v6  }
0x3b: {  	[tilespmem:s20+$0x18050] =	vst v6  }
0x3c: {  	[tilespmem:s20+$0x18060] =	vst v6;
	s21 =	simm.s32 $0x0  }
0x3d: {  	v9 =	vld [tilespmem:s21+$0x70]  }
0x3e: {  	v12 =	vld [tilespmem:s21+$0x10070]  }
0x3f: {  	v5 =	vld [tilespmem:s21+$0x60]  }
0x40: {  	v8 =	vld [tilespmem:s21+$0x10060]  }
0x41: {  	v10 =	vld [tilespmem:s21+$0x10010]  }
0x42: {  	v7 =	vld [tilespmem:s21+$0x10020]  }
0x43: {  	v14 =	vld [tilespmem:s21+$0x10000]  }
0x44: {  	v13 =	vld [tilespmem:s21+$0x0]  }
0x45: {  	v11 =	vld [tilespmem:s21+$0x10];
	vm0 =	veq.s32 v8, $0x0  }
0x46: {  	s22 =	simm.s32 $0x400;
	s20 =	simm.s32 $0x80;
	v8 =	vld [tilespmem:s21+$0x20];
	v5 =	vsel vm0, $0x0, v5  }
.LBB2_4:
0x47: {  	p0 =	sne.s32 s22, $0x1FE00;
	v15 =	vld [tilespmem:s21+$0x10030];
	vm0 =	veq.s32 v12, $0x0;
	s23 =	smov.u32 s22;
	s22 =	sadd.s32 $0x200, s22  }
0x48: {  	vm2 =	veq.s32 v10, $0x0;
	v12 =	vld [tilespmem:s21+$0x10050];
	vm1 =	veq.s32 v14, $0x0;
	v9 =	vsel vm0, $0x0, v9;
	[tilespmem:s21+$0x60] =	vst v5  }
0x49: {  	vm0 =	vgt.s32 v5, $0x0;
	v10 =	vld [tilespmem:s21+$0x30];
	v13 =	vsel vm1, $0x0, v13  }
0x4a: {  	v16 =	vshrl.u32 v5, $0x12;
	v14 =	vld [tilespmem:s21+$0x10040];
	v11 =	vsel vm2, $0x0, v11;
	[tilespmem:s21+$0x70] =	vst v9;
	v6 =	vadd.f32 v13, v6  }
0x4b: {  	vm1 =	vgt.s32 v9, $0x0;
	v18 =	vshrl.u32 v13, $0x12;
	v17 =	vld [tilespmem:s21+$0x40];
	vm2 =	vgt.s32 v11, $0x0  }
0x4c: {  	vm3 =	veq.s32 v7, $0x0;
	v7 =	vshrl.u32 v9, $0x12;
	v19 =	vld [tilespmem:s21+$0x50];
	vm4 =	veq.s32 v15, $0x0  }
0x4d: {  	vm6 =	vgt.s32 v13, $0x0;
	vm5 =	veq.s32 v12, $0x0;
	[tilespmem:s21+$0x10] =	vst v11;
	v12 =	vshrl.u32 v11, $0x12  }
0x4e: {  	v8 =	vsel vm3, $0x0, v8;
	v6 =	vadd.f32 v11, v6;
	v10 =	vsel vm4, $0x0, v10;
	[tilespmem:s21+$0x0] =	vst v13  }
0x4f: {  	s23 =	sshra.s32 s23, $0x2;
	vm4 =	vgt.s32 v8, $0x0;
	vm3 =	veq.s32 v14, $0x0;
	[tilespmem:s21+$0x20] =	vst v8;
	v14 =	vshrl.u32 v8, $0x12  }
0x50: {  	v6 =	vadd.f32 v8, v6;
	v15 =	vsel vm3, $0x0, v17;
	[tilespmem:s21+$0x30] =	vst v10;
	vm3 =	vgt.s32 v10, $0x0  }
0x51: {  	v17 =	vsel vm5, $0x0, v19;
	[tilespmem:s21+$0x40] =	vst v15;
	v19 =	vshrl.u32 v10, $0x12;
	vm5 =	vgt.s32 v15, $0x0  }
0x52: {  	v6 =	vadd.f32 v10, v6;
	v20 =	vshrl.u32 v15, $0x12;
	[tilespmem:s21+$0x50] =	vst v17;
	vm7 =	vgt.s32 v17, $0x0;
	s21 =	smov.u32 s20;
	s20 =	smov.u32 s23  }
0x53: {  	[tilespmem:v18+s15+$0x0] =	vst.idx.add.f32.msk vm6, v13;
	v13 =	vshrl.u32 v17, $0x12  }
0x54: {  	v6 =	vadd.f32 v15, v6;
	[tilespmem:v12+s15+$0x0] =	vst.idx.add.f32.msk vm2, v11  }
0x55: {  	[tilespmem:v14+s15+$0x0] =	vst.idx.add.f32.msk vm4, v8  }
0x56: {  	v6 =	vadd.f32 v17, v6;
	[tilespmem:v19+s15+$0x0] =	vst.idx.add.f32.msk vm3, v10  }
0x57: {  	[tilespmem:v20+s15+$0x0] =	vst.idx.add.f32.msk vm5, v15  }
0x58: {  	v6 =	vadd.f32 v5, v6;
	[tilespmem:v13+s15+$0x0] =	vst.idx.add.f32.msk vm7, v17  }
0x59: {  	[tilespmem:v16+s15+$0x0] =	vst.idx.add.f32.msk vm0, v5  }
0x5a: {  	v6 =	vadd.f32 v9, v6;
	[tilespmem:v7+s15+$0x0] =	vst.idx.add.f32.msk vm1, v9  }
0x5b: {  	v9 =	vld [tilespmem:s21+$0x70]  }
0x5c: {  	v12 =	vld [tilespmem:s21+$0x10070]  }
0x5d: {  	v5 =	vld [tilespmem:s21+$0x60]  }
0x5e: {  	v8 =	vld [tilespmem:s21+$0x10060]  }
0x5f: {  	v10 =	vld [tilespmem:s21+$0x10010]  }
.Ltmp3:
0x60: {  	v7 =	vld [tilespmem:s21+$0x10020];
	(pc) =	sbr.rel @p0 .LBB2_4-.Ltmp3, $4  }
0x61: {  	v14 =	vld [tilespmem:s21+$0x10000]  }
0x62: {  	v13 =	vld [tilespmem:s21+$0x0]  }
0x63: {  	v11 =	vld [tilespmem:s21+$0x10];
	vm0 =	veq.s32 v8, $0x0  }
0x64: {  	v8 =	vld [tilespmem:s21+$0x20];
	v5 =	vsel vm0, $0x0, v5  }
0x65: {  	v15 =	vld [tilespmem:s21+$0x10030]  }
0x66: {  	v16 =	vld [tilespmem:s21+$0x10050]  }
0x67: {  	v36 =	vld [tilespmem:s21+$0x30]  }
0x68: {  	vm0 =	veq.s32 v12, $0x0;
	v17 =	vld [tilespmem:s21+$0x10040];
	vm8 =	veq.s32 v14, $0x0  }
0x69: {  	[tilespmem:s21+$0x60] =	vst v5;
	vm1 =	veq.s32 v10, $0x0;
	v38 =	vld [tilespmem:s21+$0x40];
	v9 =	vsel vm0, $0x0, v9;
	v37 =	vsel vm8, $0x0, v13  }
0x6a: {  	v18 =	vld [tilespmem:s21+$0x50];
	vm10 =	veq.s32 v7, $0x0;
	[tilespmem:s21+$0x70] =	vst v9;
	v11 =	vsel vm1, $0x0, v11;
	v39 =	vshrl.u32 v37, $0x12  }
0x6b: {  	vm3 =	vgt.s32 v37, $0x0;
	[tilespmem:s21+$0x0] =	vst v37;
	vm9 =	vgt.s32 v11, $0x0;
	v7 =	vshrl.u32 v11, $0x12  }
0x6c: {  	[tilespmem:s21+$0x10] =	vst v11;
	v8 =	vsel vm10, $0x0, v8;
	vm2 =	veq.s32 v15, $0x0;
	vm4 =	veq.s32 v16, $0x0  }
0x6d: {  	vm11 =	veq.s32 v17, $0x0;
	[tilespmem:s21+$0x20] =	vst v8;
	vm12 =	vgt.s32 v8, $0x0;
	v12 =	vsel vm2, $0x0, v36  }
0x6e: {  	v40 =	vshrl.u32 v8, $0x12;
	v13 =	vsel vm11, $0x0, v38;
	[tilespmem:s21+$0x30] =	vst v12;
	vm13 =	vgt.s32 v12, $0x0  }
0x6f: {  	v16 =	vsel vm4, $0x0, v18;
	[tilespmem:s21+$0x40] =	vst v13;
	v41 =	vshrl.u32 v12, $0x12;
	vm14 =	vgt.s32 v13, $0x0  }
0x70: {  	v6 =	vadd.f32 v37, v6;
	[tilespmem:s21+$0x50] =	vst v16;
	v42 =	vshrl.u32 v13, $0x12;
	vm5 =	vgt.s32 v16, $0x0  }
0x71: {  	vm6 =	vgt.s32 v5, $0x0;
	v43 =	vshrl.u32 v16, $0x12;
	[tilespmem:v39+s15+$0x0] =	vst.idx.add.f32.msk vm3, v37  }
0x72: {  	v19 =	vshrl.u32 v5, $0x12;
	vm15 =	vgt.s32 v9, $0x0;
	v6 =	vadd.f32 v11, v6;
	[tilespmem:v7+s15+$0x0] =	vst.idx.add.f32.msk vm9, v11  }
0x73: {  	v7 =	vshrl.u32 v9, $0x12;
	[tilespmem:v40+s15+$0x0] =	vst.idx.add.f32.msk vm12, v8  }
0x74: {  	v6 =	vadd.f32 v8, v6;
	[tilespmem:v41+s15+$0x0] =	vst.idx.add.f32.msk vm13, v12  }
0x75: {  	[tilespmem:v42+s15+$0x0] =	vst.idx.add.f32.msk vm14, v13  }
0x76: {  	v6 =	vadd.f32 v12, v6;
	[tilespmem:v43+s15+$0x0] =	vst.idx.add.f32.msk vm5, v16  }
0x77: {  	[tilespmem:v19+s15+$0x0] =	vst.idx.add.f32.msk vm6, v5  }
0x78: {  	v6 =	vadd.f32 v13, v6;
	[tilespmem:v7+s15+$0x0] =	vst.idx.add.f32.msk vm15, v9  }
0x79: {  	v48 =	vld [tilespmem:s20+$0x10000]  }
0x7a: {  	v6 =	vadd.f32 v16, v6;
	v15 =	vld [tilespmem:s20+$0x0]  }
0x7b: {  	v47 =	vld [tilespmem:s20+$0x10010]  }
0x7c: {  	v5 =	vadd.f32 v5, v6;
	v49 =	vld [tilespmem:s20+$0x10]  }
0x7d: {  	v14 =	vld [tilespmem:s20+$0x10020]  }
0x7e: {  	v17 =	vld [tilespmem:s20+$0x20];
	v5 =	vadd.f32 v9, v5;
	vm8 =	veq.s32 v48, $0x0  }
0x7f: {  	v6 =	vld [tilespmem:s20+$0x10030];
	v52 =	vsel vm8, $0x0, v15  }
0x80: {  	v51 =	vld [tilespmem:s20+$0x30];
	vm10 =	veq.s32 v47, $0x0;
	v5 =	vadd.f32 v52, v5  }
0x81: {  	v53 =	vld [tilespmem:s20+$0x10040];
	v54 =	vsel vm10, $0x0, v49  }
0x82: {  	v55 =	vld [tilespmem:s20+$0x40];
	vm11 =	veq.s32 v14, $0x0;
	v5 =	vadd.f32 v54, v5  }
0x83: {  	v50 =	vld [tilespmem:s20+$0x10050];
	v14 =	vsel vm11, $0x0, v17  }
0x84: {  	v56 =	vld [tilespmem:s20+$0x50];
	vm12 =	veq.s32 v6, $0x0;
	v5 =	vadd.f32 v14, v5  }
0x85: {  	v46 =	vld [tilespmem:s20+$0x10060];
	v6 =	vsel vm12, $0x0, v51  }
0x86: {  	v45 =	vld [tilespmem:s20+$0x60];
	vm13 =	veq.s32 v53, $0x0;
	v5 =	vadd.f32 v6, v5  }
0x87: {  	v44 =	vld [tilespmem:s20+$0x10070];
	v57 =	vsel vm13, $0x0, v55  }
0x88: {  	v7 =	vld [tilespmem:s20+$0x70];
	vm14 =	veq.s32 v50, $0x0;
	v5 =	vadd.f32 v57, v5  }
0x89: {  	v11 =	vsel vm14, $0x0, v56  }
0x8a: {  	vm7 =	veq.s32 v46, $0x0;
	v5 =	vadd.f32 v11, v5  }
0x8b: {  	v8 =	vsel vm7, $0x0, v45  }
0x8c: {  	vm9 =	veq.s32 v44, $0x0;
	v5 =	vadd.f32 v8, v5  }
0x8d: {  	v7 =	vsel vm9, $0x0, v7  }
0x8e: {  	v5 =	vadd.f32 v7, v5;
	_ =	sdelay $0x1  }
0x8f: {  	(xrf2) =	vadd.scan.msk.f32 $0xffff, v5;
	_ =	sdelay $0x9  }
0x90: {  	v5, _, _ =	vpop (xrf2)  }
0x91: {  	(v2sf) =	vpush v5, $0xF;
	_ =	sdelay $0x1  }
0x92: {  	[tilespmem:s20+$0x60] =	vst v8  }
0x93: {  	[tilespmem:s20+$0x70] =	vst v7  }
0x94: {  	[tilespmem:s20+$0x10] =	vst v54;
	vm15 =	vgt.s32 v52, $0x0  }
0x95: {  	vm9 =	vgt.s32 v54, $0x0;
	[tilespmem:s20+$0x0] =	vst v52;
	v5 =	vshrl.u32 v52, $0x12  }
0x96: {  	v58 =	vshrl.u32 v54, $0x12;
	[tilespmem:s20+$0x20] =	vst v14;
	vm10 =	vgt.s32 v14, $0x0  }
0x97: {  	v59 =	vshrl.u32 v14, $0x12;
	[tilespmem:s20+$0x30] =	vst v6;
	vm11 =	vgt.s32 v6, $0x0  }
0x98: {  	[tilespmem:s20+$0x40] =	vst v57;
	v60 =	vshrl.u32 v6, $0x12;
	vm12 =	vgt.s32 v57, $0x0  }
0x99: {  	[tilespmem:s20+$0x50] =	vst v11;
	v61 =	vshrl.u32 v57, $0x12;
	vm13 =	vgt.s32 v11, $0x0  }
0x9a: {  	vm14 =	vgt.s32 v8, $0x0;
	[tilespmem:v5+s15+$0x0] =	vst.idx.add.f32.msk vm15, v52;
	v5 =	vshrl.u32 v11, $0x12  }
0x9b: {  	v62 =	vshrl.u32 v8, $0x12;
	vm15 =	vgt.s32 v7, $0x0;
	[tilespmem:v58+s15+$0x0] =	vst.idx.add.f32.msk vm9, v54  }
0x9c: {  	v63 =	vshrl.u32 v7, $0x12;
	[tilespmem:v59+s15+$0x0] =	vst.idx.add.f32.msk vm10, v14  }
0x9d: {  	[tilespmem:v60+s15+$0x0] =	vst.idx.add.f32.msk vm11, v6  }
0x9e: {  	[tilespmem:v61+s15+$0x0] =	vst.idx.add.f32.msk vm12, v57  }
0x9f: {  	[tilespmem:v5+s15+$0x0] =	vst.idx.add.f32.msk vm13, v11;
	s31 =	spop (v2sf)  }
0xa0: {  	[tilespmem:v62+s15+$0x0] =	vst.idx.add.f32.msk vm14, v8;
	s20 =	smax.f32 s31, $9.999999960e-13  }
0xa1: {  	s23 =	simm.f32 $0.0e+00;
	s21 =	simm.s32 $0x0;
	[tilespmem:v63+s15+$0x0] =	vst.idx.add.f32.msk vm15, v7;
	s20 =	smul.f32 $8.999999760e-01, s20  }
.LBB2_6:
0xa2: {  	s22 =	sshll.u32 s21, $0x7  }
0xa3: {  	s24 =	ssub.s32 $0x18F80, s22  }
0xa4: {  	s31 =	ssub.s32 $0x18F90, s22;
	v5 =	vld [tilespmem:s24+$0x0]  }
0xa5: {  	v6 =	vld [tilespmem:s31+$0x0]  }
0xa6: {  	s25 =	ssub.s32 $0x18FA0, s22  }
0xa7: {  	v7 =	vld [tilespmem:s25+$0x0]  }
0xa8: {  	s26 =	ssub.s32 $0x18FB0, s22  }
0xa9: {  	v8 =	vld [tilespmem:s26+$0x0]  }
0xaa: {  	s28 =	ssub.s32 $0x18FC0, s22;
	v5 =	vadd.f32 v6, v5  }
0xab: {  	v6 =	vld [tilespmem:s28+$0x0]  }
0xac: {  	s29 =	ssub.s32 $0x18FD0, s22;
	v5 =	vadd.f32 v7, v5  }
0xad: {  	v7 =	vld [tilespmem:s29+$0x0]  }
0xae: {  	s30 =	ssub.s32 $0x18FE0, s22;
	v5 =	vadd.f32 v8, v5  }
0xaf: {  	v63 =	vld [tilespmem:s30+$0x0]  }
0xb0: {  	s22 =	ssub.s32 $0x18FF0, s22;
	v5 =	vadd.f32 v6, v5  }
0xb1: {  	v6 =	vld [tilespmem:s22+$0x0]  }
0xb2: {  	v5 =	vadd.f32 v7, v5;
	_ =	sdelay $0x1  }
0xb3: {  	v5 =	vadd.f32 v63, v5;
	_ =	sdelay $0x1  }
0xb4: {  	v5 =	vadd.f32 v6, v5;
	_ =	sdelay $0x1  }
0xb5: {  	(xrf2) =	vadd.scan.msk.f32 $0xffff, v5;
	_ =	sdelay $0x9  }
0xb6: {  	v5, _, _ =	vpop (xrf2)  }
0xb7: {  	(v2sf) =	vpush v5, $0xF;
	_ =	sdelay $0xe  }
0xb8: {  	s22 =	smov.u32 s23;
	s31 =	spop (v2sf)  }
0xb9: {  	s24 =	sadd.f32 s31, s22;
	_ =	sdelay $0x1  }
0xba: {  	p1 =	sgt.f32 s24, s20;
	_ =	sdelay $0x1  }
0xbb: {  	s23 =	simm.s32 $0x1;
	p0 =	por !p1, !p1  }
0xbc: {  	s23 =	simm.s32 @!p0 $0x0  }
0xbd: {  	s21 =	sadd.s32 s23, s21  }
0xbe: {  	p0 =	sgt.u32 s21, $0x1F  }
0xbf: {  	p2 =	sgt.f32 @!p0 s24, s20;
	_ =	sdelay $0x1  }
0xc0: {  	p0 =	por p0, p2  }
.Ltmp4:
0xc1: {  	_ = 	snop;
	(pc) =	sbr.rel @!p0 .LBB2_6-.Ltmp4, $3  }
0xc2: {  	_ =	sdelay $0x1  }
0xc3: {  	s23 =	smov.u32 s24  }
0xc4: {  	s23 =	smov.u32 @p1 s22  }
.Ltmp5:
0xc5: {  	(pc) =	sbr.rel @!p1 .LBB2_10-.Ltmp5, $4  }
0xc6: {  	_ = 	snop  }
0xc7: {  	s21 =	smin.u32 s21, $0x1F  }
0xc8: {  	s21 =	sshll.u32 s21, $0x3  }
0xc9: {  	p0 =	por $0x0, $0x0;
	s25 =	simm.s32 $0x0;
	s23 =	ssub.s32 $0x100, s21  }
.LBB2_8:
0xca: {  	s24 =	sadd.s32 s21, s25  }
0xcb: {  	s24 =	sshll.u32 s24, $0x4  }
0xcc: {  	s24 =	ssub.s32 $0x18FF0, s24  }
0xcd: {  	v5 =	vld [tilespmem:s24+$0x0];
	_ =	sdelay $0x4  }
0xce: {  	(xrf2) =	vadd.scan.msk.f32 $0xffff, v5;
	_ =	sdelay $0x9  }
0xcf: {  	v5, _, _ =	vpop (xrf2)  }
0xd0: {  	(v2sf) =	vpush v5, $0xF;
	_ =	sdelay $0xe  }
0xd1: {  	s24 =	smov.u32 s22;
	s31 =	spop (v2sf)  }
0xd2: {  	s22 =	sadd.f32 s31, s24;
	_ =	sdelay $0x1  }
0xd3: {  	p0 =	sgt.f32 s22, s20;
	_ =	sdelay $0x1  }
0xd4: {  	s26 =	simm.s32 $0x1;
	p1 =	por !p0, !p0  }
0xd5: {  	s26 =	simm.s32 @!p1 $0x0  }
0xd6: {  	s25 =	sadd.s32 s26, s25  }
0xd7: {  	p1 =	sge.u32 s25, s23  }
0xd8: {  	p2 =	sgt.f32 @!p1 s22, s20;
	_ =	sdelay $0x1  }
0xd9: {  	p2 =	por p1, p2  }
.Ltmp6:
0xda: {  	_ = 	snop;
	(pc) =	sbr.rel @!p2 .LBB2_8-.Ltmp6, $2  }
0xdb: {  	_ =	sdelay $0x2  }
0xdc: {  	s22 =	smov.u32 @p0 s24  }
0xdd: {  	s25 =	smov.u32 @p1 s25;
	s22 =	smov.u32 @p1 s22  }
0xde: {  	p0 =	por @!p1 p0, p0;
	s23 =	smov.u32 s25;
	s24 =	smov.u32 s22  }
.LBB2_10:
0xdf: {  	s21 =	sxor.u32 $0xFF, s21  }
0xe0: {  	s21 =	smax.u32 s21, s23  }
0xe1: {  	s21 =	ssub.s32 s21, s23  }
0xe2: {  	s21 =	sshll.u32 s21, $0x4  }
0xe3: {  	s22 =	sor.u32 $0x18000, s21  }
0xe4: {  	v5 =	vld [tilespmem:s22+$0x0];
	_ =	sdelay $0x4  }
0xe5: {  	v6 =	vperm.xlane v5, v1;
	_ =	sdelay $0x1  }
0xe6: {  	(xrf2) =	vadd.scan.msk.f32 $0xffff, v6;
	_ =	sdelay $0x9  }
0xe7: {  	v5, _, _ =	vpop (xrf2)  }
0xe8: {  	v7 =	vadd.f32 s24, v5;
	_ =	sdelay $0x1  }
0xe9: {  	vm0 =	vgt.f32 v7, s20  }
0xea: {  	s23 =	simm.s32 $0x200;
	s22 =	simm.s32 $0x0;
	v5 =	vmov s20;
	v8 =	vmctz.xlane vm0  }
.LBB2_11:
0xeb: {  	p1 =	seq.s32 s23, $0x3E00;
	[tilespmem:s22+$0x18070] =	vst v2  }
0xec: {  	[tilespmem:s22+$0x18000] =	vst v2  }
0xed: {  	[tilespmem:s22+$0x18010] =	vst v2  }
.Ltmp7:
0xee: {  	[tilespmem:s22+$0x18020] =	vst v2;
	(pc) =	sbr.rel @!p1 .LBB2_11-.Ltmp7, $4  }
0xef: {  	[tilespmem:s22+$0x18030] =	vst v2  }
0xf0: {  	[tilespmem:s22+$0x18040] =	vst v2  }
0xf1: {  	[tilespmem:s22+$0x18050] =	vst v2  }
0xf2: {  	[tilespmem:s22+$0x18060] =	vst v2;
	s22 =	sshra.s32 s23, $0x2;
	s23 =	sadd.s32 $0x200, s23  }
0xf3: {  	v8 =	vxor.u32 $0x80000000, v8  }
0xf4: {  	(xrf0) =	vmax.scan.msk.u32 $0xffff, v8;
	_ =	sdelay $0x5  }
0xf5: {  	v8, _, _ =	vpop (xrf0)  }
0xf6: {  	(v2sf) =	vpush v8, $0xF;
	_ =	sdelay $0x4  }
0xf7: {  	[tilespmem:s22+$0x18070] =	vst v2  }
0xf8: {  	[tilespmem:s22+$0x18000] =	vst v2  }
0xf9: {  	[tilespmem:s22+$0x18010] =	vst v2  }
0xfa: {  	[tilespmem:s22+$0x18020] =	vst v2  }
0xfb: {  	[tilespmem:s22+$0x18030] =	vst v2  }
0xfc: {  	[tilespmem:s22+$0x18040] =	vst v2  }
0xfd: {  	[tilespmem:s22+$0x18050] =	vst v2  }
0xfe: {  	[tilespmem:s22+$0x18060] =	vst v2;
	s23 =	simm.s32 $0x0  }
0xff: {  	v12 =	vld [tilespmem:s23+$0x0]  }
0x100: {  	v13 =	vld [tilespmem:s23+$0x10]  }
0x101: {  	s31 =	spop (v2sf)  }
0x102: {  	s21 =	sor.u32 $0xF, s21;
	v14 =	vld [tilespmem:s23+$0x20];
	s22 =	sxor.u32 $0x80000000, s31  }
0x103: {  	v15 =	vld [tilespmem:s23+$0x30];
	s21 =	ssub.s32 s21, s22  }
0x104: {  	v16 =	vld [tilespmem:s23+$0x40];
	v9 =	vshrl.u32 v12, $0x12;
	v10 =	vshrl.u32 v12, $0x6;
	v8 =	vmov s21  }
0x105: {  	v18 =	vand.u32 $0xFFF, v10;
	v10 =	vld [tilespmem:s23+$0x60];
	vm0 =	veq.s32 v9, v8;
	v9 =	vshrl.u32 v13, $0x12  }
0x106: {  	v11 =	vshrl.u32 v13, $0x6;
	vm1 =	veq.s32 v9, v8;
	v9 =	vld [tilespmem:s23+$0x50]  }
0x107: {  	v17 =	vshrl.u32 v14, $0x12;
	v59 =	vshrl.u32 v14, $0x6;
	v21 =	vand.u32 $0xFFF, v11  }
0x108: {  	v19 =	vshrl.u32 v15, $0x6;
	v20 =	vshrl.u32 v15, $0x12;
	v11 =	vld [tilespmem:s23+$0x70];
	vm2 =	veq.s32 v17, v8  }
0x109: {  	v60 =	vshrl.u32 v16, $0x12;
	v17 =	vand.u32 $0xFFF, v59;
	vm3 =	veq.s32 v20, v8  }
0x10a: {  	v61 =	vshrl.u32 v16, $0x6;
	v19 =	vand.u32 $0xFFF, v19;
	vm4 =	veq.s32 v60, v8  }
0x10b: {  	v62 =	vshrl.u32 v10, $0x6;
	v20 =	vand.u32 $0xFFF, v61;
	v22 =	vshrl.u32 v9, $0x12;
	[tilespmem:v18+s15+$0x0] =	vst.idx.add.f32.msk vm0, v12  }
0x10c: {  	v12 =	vshrl.u32 v10, $0x12;
	vm0 =	veq.s32 v22, v8;
	[tilespmem:v21+s15+$0x0] =	vst.idx.add.f32.msk vm1, v13;
	v13 =	vshrl.u32 v9, $0x6  }
0x10d: {  	v63 =	vshrl.u32 v11, $0x12;
	vm1 =	veq.s32 v12, v8;
	v12 =	vand.u32 $0xFFF, v13  }
0x10e: {  	[tilespmem:v17+s15+$0x0] =	vst.idx.add.f32.msk vm2, v14;
	v14 =	vshrl.u32 v11, $0x6;
	v13 =	vand.u32 $0xFFF, v62;
	vm2 =	veq.s32 v63, v8  }
0x10f: {  	[tilespmem:v19+s15+$0x0] =	vst.idx.add.f32.msk vm3, v15;
	v14 =	vand.u32 $0xFFF, v14  }
0x110: {  	s23 =	simm.s32 $0x200;
	[tilespmem:v20+s15+$0x0] =	vst.idx.add.f32.msk vm4, v16  }
.LBB2_13:
0x111: {  	_ = 	snop  }
0x112: {  	p1 =	sne.s32 s23, $0x1FE00;
	[tilespmem:v12+s15+$0x0] =	vst.idx.add.f32.msk vm0, v9;
	s24 =	smov.u32 s23;
	s23 =	sadd.s32 $0x200, s23  }
0x113: {  	[tilespmem:v13+s15+$0x0] =	vst.idx.add.f32.msk vm1, v10  }
0x114: {  	s24 =	sshra.s32 s24, $0x2;
	[tilespmem:v14+s15+$0x0] =	vst.idx.add.f32.msk vm2, v11  }
0x115: {  	v12 =	vld [tilespmem:s24+$0x0]  }
0x116: {  	v13 =	vld [tilespmem:s24+$0x10]  }
0x117: {  	v14 =	vld [tilespmem:s24+$0x20]  }
0x118: {  	v15 =	vld [tilespmem:s24+$0x30]  }
0x119: {  	v16 =	vld [tilespmem:s24+$0x40]  }
0x11a: {  	v10 =	vshrl.u32 v12, $0x12;
	v11 =	vshrl.u32 v12, $0x6  }
0x11b: {  	v9 =	vld [tilespmem:s24+$0x50];
	vm1 =	veq.s32 v10, v8;
	v17 =	vshrl.u32 v13, $0x12;
	v18 =	vshrl.u32 v13, $0x6  }
0x11c: {  	v19 =	vand.u32 $0xFFF, v11;
	v10 =	vld [tilespmem:s24+$0x60];
	vm2 =	veq.s32 v17, v8;
	v17 =	vshrl.u32 v14, $0x12  }
0x11d: {  	v11 =	vld [tilespmem:s24+$0x70];
	vm3 =	veq.s32 v17, v8;
	v17 =	vshrl.u32 v14, $0x6;
	v20 =	vshrl.u32 v15, $0x6  }
0x11e: {  	v18 =	vand.u32 $0xFFF, v18;
	v21 =	vshrl.u32 v15, $0x12;
	v17 =	vand.u32 $0xFFF, v17  }
0x11f: {  	vm4 =	veq.s32 v21, v8;
	v21 =	vshrl.u32 v16, $0x12;
	v20 =	vand.u32 $0xFFF, v20  }
0x120: {  	v22 =	vshrl.u32 v16, $0x6;
	vm5 =	veq.s32 v21, v8;
	v21 =	vshrl.u32 v9, $0x12  }
0x121: {  	vm0 =	veq.s32 v21, v8;
	v21 =	vshrl.u32 v10, $0x6;
	[tilespmem:v19+s15+$0x0] =	vst.idx.add.f32.msk vm1, v12;
	v19 =	vand.u32 $0xFFF, v22  }
.Ltmp8:
0x122: {  	v23 =	vshrl.u32 v9, $0x6;
	v12 =	vshrl.u32 v10, $0x12;
	v22 =	vshrl.u32 v11, $0x12;
	(pc) =	sbr.rel @p1 .LBB2_13-.Ltmp8, $4  }
0x123: {  	vm1 =	veq.s32 v12, v8;
	v12 =	vand.u32 $0xFFF, v23;
	[tilespmem:v18+s15+$0x0] =	vst.idx.add.f32.msk vm2, v13;
	v13 =	vand.u32 $0xFFF, v21  }
0x124: {  	vm2 =	veq.s32 v22, v8;
	v18 =	vshrl.u32 v11, $0x6;
	[tilespmem:v17+s15+$0x0] =	vst.idx.add.f32.msk vm3, v14  }
0x125: {  	v14 =	vand.u32 $0xFFF, v18;
	[tilespmem:v20+s15+$0x0] =	vst.idx.add.f32.msk vm4, v15  }
0x126: {  	[tilespmem:v19+s15+$0x0] =	vst.idx.add.f32.msk vm5, v16  }
0x127: {  	v8 =	vmov s22;
	v6 =	vsub.f32 v7, v6  }
0x128: {  	vm3 =	veq.s32 v8, v0  }
0x129: {  	v6 =	vnsel vm3, $0x0, v6  }
0x12a: {  	(xrf2) =	vadd.scan.msk.f32 $0xffff, v6;
	_ =	sdelay $0x9  }
0x12b: {  	v6, _, _ =	vpop (xrf2)  }
0x12c: {  	(v2sf) =	vpush v6, $0xF;
	_ =	sdelay $0xc  }
0x12d: {  	[tilespmem:v12+s15+$0x0] =	vst.idx.add.f32.msk vm0, v9  }
0x12e: {  	[tilespmem:v13+s15+$0x0] =	vst.idx.add.f32.msk vm1, v10  }
0x12f: {  	s22 =	simm.s32 $0x0;
	[tilespmem:v14+s15+$0x0] =	vst.idx.add.f32.msk vm2, v11;
	s24 =	spop (v2sf)  }
.LBB2_15:
0x130: {  	s23 =	sshll.u32 s22, $0x7  }
0x131: {  	s25 =	ssub.s32 $0x18F80, s23  }
0x132: {  	s30 =	ssub.s32 $0x18F90, s23;
	v6 =	vld [tilespmem:s25+$0x0]  }
0x133: {  	v7 =	vld [tilespmem:s30+$0x0]  }
0x134: {  	s31 =	ssub.s32 $0x18FA0, s23  }
0x135: {  	v8 =	vld [tilespmem:s31+$0x0]  }
0x136: {  	s26 =	ssub.s32 $0x18FB0, s23  }
0x137: {  	v9 =	vld [tilespmem:s26+$0x0]  }
0x138: {  	s28 =	ssub.s32 $0x18FC0, s23;
	v6 =	vadd.f32 v7, v6  }
0x139: {  	v7 =	vld [tilespmem:s28+$0x0]  }
0x13a: {  	s29 =	ssub.s32 $0x18FD0, s23;
	v6 =	vadd.f32 v8, v6  }
0x13b: {  	v62 =	vld [tilespmem:s29+$0x0]  }
0x13c: {  	s30 =	ssub.s32 $0x18FE0, s23;
	v6 =	vadd.f32 v9, v6  }
0x13d: {  	v63 =	vld [tilespmem:s30+$0x0]  }
0x13e: {  	s23 =	ssub.s32 $0x18FF0, s23;
	v6 =	vadd.f32 v7, v6  }
0x13f: {  	v7 =	vld [tilespmem:s23+$0x0]  }
0x140: {  	v6 =	vadd.f32 v62, v6;
	_ =	sdelay $0x1  }
0x141: {  	v6 =	vadd.f32 v63, v6;
	_ =	sdelay $0x1  }
0x142: {  	v6 =	vadd.f32 v7, v6;
	_ =	sdelay $0x1  }
0x143: {  	(xrf2) =	vadd.scan.msk.f32 $0xffff, v6;
	_ =	sdelay $0x9  }
0x144: {  	v6, _, _ =	vpop (xrf2)  }
0x145: {  	(v2sf) =	vpush v6, $0xF;
	_ =	sdelay $0xe  }
0x146: {  	s23 =	smov.u32 s24;
	s31 =	spop (v2sf)  }
0x147: {  	s25 =	sadd.f32 s31, s23;
	_ =	sdelay $0x1  }
0x148: {  	p1 =	sgt.f32 s25, s20;
	_ =	sdelay $0x1  }
0x149: {  	s24 =	simm.s32 $0x1;
	p2 =	por !p1, !p1  }
0x14a: {  	s24 =	simm.s32 @!p2 $0x0  }
0x14b: {  	s22 =	sadd.s32 s24, s22  }
0x14c: {  	p2 =	sgt.u32 s22, $0x1F  }
0x14d: {  	p3 =	sgt.f32 @!p2 s25, s20;
	_ =	sdelay $0x1  }
0x14e: {  	p2 =	por p2, p3  }
.Ltmp9:
0x14f: {  	_ = 	snop;
	(pc) =	sbr.rel @!p2 .LBB2_15-.Ltmp9, $3  }
0x150: {  	_ =	sdelay $0x1  }
0x151: {  	s24 =	smov.u32 s25  }
0x152: {  	s24 =	smov.u32 @p1 s23  }
.Ltmp10:
0x153: {  	(pc) =	sbr.rel @!p1 .LBB2_19-.Ltmp10, $4  }
0x154: {  	_ = 	snop  }
0x155: {  	s22 =	smin.u32 s22, $0x1F  }
0x156: {  	s22 =	sshll.u32 s22, $0x3  }
0x157: {  	s26 =	simm.s32 $0x0;
	s24 =	ssub.s32 $0x100, s22  }
.LBB2_17:
0x158: {  	s25 =	sadd.s32 s22, s26  }
0x159: {  	s25 =	sshll.u32 s25, $0x4  }
0x15a: {  	s25 =	ssub.s32 $0x18FF0, s25  }
0x15b: {  	v6 =	vld [tilespmem:s25+$0x0];
	_ =	sdelay $0x4  }
0x15c: {  	(xrf2) =	vadd.scan.msk.f32 $0xffff, v6;
	_ =	sdelay $0x9  }
0x15d: {  	v6, _, _ =	vpop (xrf2)  }
0x15e: {  	(v2sf) =	vpush v6, $0xF;
	_ =	sdelay $0xe  }
0x15f: {  	s25 =	smov.u32 s23;
	s31 =	spop (v2sf)  }
0x160: {  	s23 =	sadd.f32 s31, s25;
	_ =	sdelay $0x1  }
0x161: {  	p2 =	sgt.f32 s23, s20;
	_ =	sdelay $0x1  }
0x162: {  	s28 =	simm.s32 $0x1;
	p1 =	por !p2, !p2  }
0x163: {  	s28 =	simm.s32 @!p1 $0x0  }
0x164: {  	s26 =	sadd.s32 s28, s26  }
0x165: {  	p1 =	sge.u32 s26, s24  }
0x166: {  	p3 =	sgt.f32 @!p1 s23, s20;
	_ =	sdelay $0x1  }
0x167: {  	p3 =	por p1, p3  }
.Ltmp11:
0x168: {  	_ = 	snop;
	(pc) =	sbr.rel @!p3 .LBB2_17-.Ltmp11, $2  }
0x169: {  	_ =	sdelay $0x2  }
0x16a: {  	s23 =	smov.u32 @p2 s25  }
0x16b: {  	s26 =	smov.u32 @p1 s26;
	s23 =	smov.u32 @p1 s23  }
0x16c: {  	s24 =	smov.u32 s26;
	s25 =	smov.u32 s23  }
.LBB2_19:
0x16d: {  	s22 =	sxor.u32 $0xFF, s22  }
0x16e: {  	s22 =	smax.u32 s22, s24  }
0x16f: {  	s22 =	ssub.s32 s22, s24  }
0x170: {  	s23 =	sshll.u32 s22, $0x4  }
0x171: {  	s23 =	sor.u32 $0x18000, s23  }
0x172: {  	v6 =	vld [tilespmem:s23+$0x0];
	_ =	sdelay $0x4  }
0x173: {  	v6 =	vperm.xlane v6, v1;
	_ =	sdelay $0x1  }
0x174: {  	(xrf2) =	vadd.scan.msk.f32 $0xffff, v6;
	_ =	sdelay $0x9  }
0x175: {  	v7, _, _ =	vpop (xrf2)  }
0x176: {  	v7 =	vadd.f32 s25, v7;
	_ =	sdelay $0x1  }
0x177: {  	vm0 =	vgt.f32 v7, v5  }
0x178: {  	v8 =	vmctz.xlane vm0;
	_ =	sdelay $0x1  }
0x179: {  	v8 =	vxor.u32 $0x80000000, v8  }
0x17a: {  	(xrf0) =	vmax.scan.msk.u32 $0xffff, v8;
	_ =	sdelay $0x5  }
0x17b: {  	v8, _, _ =	vpop (xrf0)  }
0x17c: {  	(v2sf) =	vpush v8, $0xF;
	_ =	sdelay $0xe  }
0x17d: {  	s29 =	spop (v2sf)  }
0x17e: {  	s22 =	sshllo.u32 s22, $0x4;
	s23 =	sxor.u32 $0x80000000, s29  }
0x17f: {  	s21 =	sshll.u32 s21, $0xC;
	s22 =	ssub.s32 s22, s23  }
0x180: {  	v7 =	vsub.f32 v7, v6;
	v8 =	vmov s23;
	s23 =	sor.u32 s21, s22  }
0x181: {  	vm15 =	veq.s32 v8, v0;
	s21 =	sshll.u32 s23, $0x6  }
0x182: {  	v7 =	vnsel vm15, $0x0, v7;
	s30 =	sor.u32 $0x20, s21  }
0x183: {  	v6 =	vnsel vm15, $0x0, v6;
	(xrf2) =	vadd.scan.msk.f32 $0xffff, v7;
	v7 =	vmov s30  }
0x184: {  	(xrf2) =	vadd.scan.msk.f32 $0xffff, v6;
	v6 =	vmax.f32 v7, $1.000000000e-30  }
0x185: {  	v6 =	vbroadcast v6, $0x0;
	_ =	sdelay $0x1  }
0x186: {  	(erf) = vrcp.f32 v6;
	_ =	sdelay $0x5  }
0x187: {  	v7, _, _ =	vpop (xrf2)  }
0x188: {  	v6, _, _ =	vpop (xrf2)  }
0x189: {  	v6 =	vbroadcast v6, $0xF  }
0x18a: {  	v8 =	vpop (erf)  }
0x18b: {  	v8 =	vmul.f32 v8, v6;
	_ =	sdelay $0x1  }
0x18c: {  	v8 =	vadd.f32 $5.000000000e-01, v8;
	_ =	sdelay $0x1  }
0x18d: {  	v8 =	vtrunc.f32 v8  }
0x18e: {  	v8 =	vcvt.f32.s32 v8;
	_ =	sdelay $0x1  }
0x18f: {  	v8 =	vxor.u32 $0x80000000, v8  }
0x190: {  	(xrf0) =	vmax.scan.msk.u32 $0xffff, v8;
	_ =	sdelay $0x5  }
0x191: {  	(v2sf) =	vpush v7, $0xF;
	v7, _, _ =	vpop (xrf0)  }
0x192: {  	(v2sf) =	vpush v7, $0xF;
	_ =	sdelay $0xd  }
0x193: {  	s22 =	spop (v2sf)  }
0x194: {  	s31 =	spop (v2sf)  }
0x195: {  	p1 =	slt.u32 s31, $0x80000002  }
.Ltmp12:
0x196: {  	_ = 	snop;
	(pc) =	sbr.rel @p1 .LBB2_25-.Ltmp12, $1  }
0x197: {  	_ =	sdelay $0x3  }
0x198: {  	[tilespmem:$0x19000] =	vst v2  }
0x199: {  	[tilespmem:$0x19010] =	vst v2  }
0x19a: {  	[tilespmem:$0x19020] =	vst v2  }
0x19b: {  	[tilespmem:$0x19030] =	vst v2;
	s24 =	simm.s32 $0x0  }
0x19c: {  	v8 =	vld [tilespmem:s24+$0x0]  }
0x19d: {  	v9 =	vld [tilespmem:s24+$0x10]  }
0x19e: {  	v10 =	vld [tilespmem:s24+$0x20]  }
0x19f: {  	v11 =	vld [tilespmem:s24+$0x30]  }
0x1a0: {  	v12 =	vld [tilespmem:s24+$0x40]  }
0x1a1: {  	v6 =	vmov s23;
	v7 =	vshrl.u32 v8, $0x6  }
0x1a2: {  	vm0 =	veq.s32 v7, v6;
	v7 =	vshrl.u32 v9, $0x6  }
0x1a3: {  	v13 =	vld [tilespmem:s24+$0x50];
	vm1 =	veq.s32 v7, v6;
	v7 =	vshrl.u32 v10, $0x6  }
0x1a4: {  	v14 =	vld [tilespmem:s24+$0x60];
	vm2 =	veq.s32 v7, v6;
	v7 =	vshrl.u32 v11, $0x6  }
0x1a5: {  	v15 =	vand.u32 $0x3F, v8;
	vm3 =	veq.s32 v7, v6;
	v7 =	vshrl.u32 v12, $0x6  }
0x1a6: {  	v16 =	vand.u32 $0x3F, v9;
	vm4 =	veq.s32 v7, v6;
	v7 =	vld [tilespmem:s24+$0x70]  }
0x1a7: {  	v17 =	vand.u32 $0x3F, v10  }
0x1a8: {  	v18 =	vshrl.u32 v13, $0x6;
	v19 =	vand.u32 $0x3F, v11  }
0x1a9: {  	v61 =	vshrl.u32 v14, $0x6;
	v20 =	vand.u32 $0x3F, v12;
	vm5 =	veq.s32 v18, v6  }
0x1aa: {  	v62 =	vand.u32 $0x3F, v13;
	vm6 =	veq.s32 v61, v6;
	[tilespmem:v15+s17+$0x0] =	vst.idx.add.f32.msk vm0, v8  }
0x1ab: {  	v63 =	vand.u32 $0x3F, v14;
	[tilespmem:v16+s17+$0x0] =	vst.idx.add.f32.msk vm1, v9;
	v8 =	vshrl.u32 v7, $0x6  }
0x1ac: {  	[tilespmem:v17+s17+$0x0] =	vst.idx.add.f32.msk vm2, v10;
	vm0 =	veq.s32 v8, v6  }
0x1ad: {  	[tilespmem:v19+s17+$0x0] =	vst.idx.add.f32.msk vm3, v11;
	v8 =	vand.u32 $0x3F, v7  }
0x1ae: {  	[tilespmem:v20+s17+$0x0] =	vst.idx.add.f32.msk vm4, v12  }
0x1af: {  	[tilespmem:v62+s17+$0x0] =	vst.idx.add.f32.msk vm5, v13  }
0x1b0: {  	s23 =	simm.s32 $0x0;
	s25 =	simm.s32 $0x400;
	s24 =	simm.s32 $0x200;
	[tilespmem:v63+s17+$0x0] =	vst.idx.add.f32.msk vm6, v14  }
.LBB2_21:
0x1b1: {  	p1 =	sne.s32 s25, $0x1FE00  }
0x1b2: {  	s26 =	sshra.s32 s24, $0x2;
	[tilespmem:v8+s17+$0x0] =	vst.idx.add.f32.msk vm0, v7;
	s24 =	smov.u32 s25;
	s25 =	sadd.s32 $0x200, s25  }
0x1b3: {  	v8 =	vld [tilespmem:s26+$0x0]  }
0x1b4: {  	v9 =	vld [tilespmem:s26+$0x10]  }
0x1b5: {  	v10 =	vld [tilespmem:s26+$0x20]  }
0x1b6: {  	v11 =	vld [tilespmem:s26+$0x30]  }
0x1b7: {  	v12 =	vld [tilespmem:s26+$0x40]  }
0x1b8: {  	v13 =	vld [tilespmem:s26+$0x50];
	v7 =	vshrl.u32 v8, $0x6  }
0x1b9: {  	v14 =	vld [tilespmem:s26+$0x60];
	vm0 =	veq.s32 v7, v6;
	v15 =	vshrl.u32 v9, $0x6  }
0x1ba: {  	v16 =	vand.u32 $0x3F, v8;
	v7 =	vld [tilespmem:s26+$0x70];
	vm1 =	veq.s32 v15, v6;
	v15 =	vshrl.u32 v10, $0x6  }
0x1bb: {  	v17 =	vand.u32 $0x3F, v9;
	vm2 =	veq.s32 v15, v6;
	v15 =	vshrl.u32 v11, $0x6  }
0x1bc: {  	v18 =	vand.u32 $0x3F, v10;
	vm3 =	veq.s32 v15, v6;
	v15 =	vshrl.u32 v12, $0x6  }
0x1bd: {  	v19 =	vand.u32 $0x3F, v11;
	vm4 =	veq.s32 v15, v6;
	v15 =	vshrl.u32 v13, $0x6  }
0x1be: {  	v20 =	vand.u32 $0x3F, v12;
	vm5 =	veq.s32 v15, v6;
	v15 =	vshrl.u32 v14, $0x6  }
0x1bf: {  	v21 =	vand.u32 $0x3F, v13;
	vm6 =	veq.s32 v15, v6;
	v15 =	vshrl.u32 v7, $0x6;
	[tilespmem:v16+s17+$0x0] =	vst.idx.add.f32.msk vm0, v8  }
0x1c0: {  	vm0 =	veq.s32 v15, v6;
	v15 =	vand.u32 $0x3F, v14;
	[tilespmem:v17+s17+$0x0] =	vst.idx.add.f32.msk vm1, v9  }
.Ltmp13:
0x1c1: {  	v8 =	vand.u32 $0x3F, v7;
	[tilespmem:v18+s17+$0x0] =	vst.idx.add.f32.msk vm2, v10;
	(pc) =	sbr.rel @p1 .LBB2_21-.Ltmp13, $4  }
0x1c2: {  	[tilespmem:v19+s17+$0x0] =	vst.idx.add.f32.msk vm3, v11  }
0x1c3: {  	[tilespmem:v20+s17+$0x0] =	vst.idx.add.f32.msk vm4, v12  }
0x1c4: {  	[tilespmem:v21+s17+$0x0] =	vst.idx.add.f32.msk vm5, v13  }
0x1c5: {  	[tilespmem:v15+s17+$0x0] =	vst.idx.add.f32.msk vm6, v14  }
0x1c6: {  	_ =	sdelay $0x4  }
0x1c7: {  	s24 =	sshra.s32 s24, $0x2;
	[tilespmem:v8+s17+$0x0] =	vst.idx.add.f32.msk vm0, v7  }
0x1c8: {  	v7 =	vld [tilespmem:s24+$0x0]  }
0x1c9: {  	v8 =	vld [tilespmem:s24+$0x10]  }
0x1ca: {  	v9 =	vld [tilespmem:s24+$0x20]  }
0x1cb: {  	v10 =	vld [tilespmem:s24+$0x30]  }
0x1cc: {  	v11 =	vld [tilespmem:s24+$0x40]  }
0x1cd: {  	v12 =	vld [tilespmem:s24+$0x50];
	v13 =	vshrl.u32 v7, $0x6  }
0x1ce: {  	v14 =	vld [tilespmem:s24+$0x60];
	v57 =	vshrl.u32 v8, $0x6;
	vm14 =	veq.s32 v13, v6  }
0x1cf: {  	v15 =	vld [tilespmem:s24+$0x70];
	v58 =	vshrl.u32 v9, $0x6;
	v16 =	vand.u32 $0x3F, v7;
	vm1 =	veq.s32 v57, v6  }
0x1d0: {  	v59 =	vshrl.u32 v10, $0x6;
	v17 =	vand.u32 $0x3F, v8;
	vm2 =	veq.s32 v58, v6  }
0x1d1: {  	v60 =	vshrl.u32 v11, $0x6;
	v18 =	vand.u32 $0x3F, v9;
	vm3 =	veq.s32 v59, v6  }
0x1d2: {  	v61 =	vshrl.u32 v12, $0x6;
	v19 =	vand.u32 $0x3F, v10;
	vm4 =	veq.s32 v60, v6  }
0x1d3: {  	v62 =	vshrl.u32 v14, $0x6;
	v20 =	vand.u32 $0x3F, v11;
	vm5 =	veq.s32 v61, v6  }
0x1d4: {  	v63 =	vshrl.u32 v15, $0x6;
	v21 =	vand.u32 $0x3F, v12;
	vm6 =	veq.s32 v62, v6;
	[tilespmem:v16+s17+$0x0] =	vst.idx.add.f32.msk vm14, v7  }
0x1d5: {  	vm15 =	veq.s32 v63, v6;
	v6 =	vand.u32 $0x3F, v14;
	[tilespmem:v17+s17+$0x0] =	vst.idx.add.f32.msk vm1, v8  }
0x1d6: {  	v7 =	vand.u32 $0x3F, v15;
	[tilespmem:v18+s17+$0x0] =	vst.idx.add.f32.msk vm2, v9  }
0x1d7: {  	[tilespmem:v19+s17+$0x0] =	vst.idx.add.f32.msk vm3, v10  }
0x1d8: {  	[tilespmem:v20+s17+$0x0] =	vst.idx.add.f32.msk vm4, v11  }
0x1d9: {  	[tilespmem:v21+s17+$0x0] =	vst.idx.add.f32.msk vm5, v12  }
0x1da: {  	[tilespmem:v6+s17+$0x0] =	vst.idx.add.f32.msk vm6, v14  }
0x1db: {  	[tilespmem:v7+s17+$0x0] =	vst.idx.add.f32.msk vm15, v15  }
.LBB2_23:
0x1dc: {  	s24 =	sshll.u32 s23, $0x4  }
0x1dd: {  	s24 =	ssub.s32 $0x19030, s24  }
0x1de: {  	v6 =	vld [tilespmem:s24+$0x0];
	_ =	sdelay $0x4  }
0x1df: {  	(xrf2) =	vadd.scan.msk.f32 $0xffff, v6;
	_ =	sdelay $0x9  }
0x1e0: {  	v6, _, _ =	vpop (xrf2)  }
0x1e1: {  	(v2sf) =	vpush v6, $0xF;
	_ =	sdelay $0xe  }
0x1e2: {  	s24 =	smov.u32 s22;
	s31 =	spop (v2sf)  }
0x1e3: {  	s22 =	sadd.f32 s31, s24;
	_ =	sdelay $0x1  }
0x1e4: {  	p1 =	sgt.f32 s22, s20;
	_ =	sdelay $0x1  }
0x1e5: {  	s25 =	simm.s32 $0x1;
	p2 =	por !p1, !p1  }
0x1e6: {  	s25 =	simm.s32 @!p2 $0x0  }
0x1e7: {  	s23 =	sadd.s32 s25, s23  }
0x1e8: {  	p2 =	sgt.u32 s23, $0x3  }
0x1e9: {  	p3 =	sgt.f32 @!p2 s22, s20;
	_ =	sdelay $0x1  }
0x1ea: {  	p2 =	por p2, p3  }
.Ltmp14:
0x1eb: {  	_ = 	snop;
	(pc) =	sbr.rel @!p2 .LBB2_23-.Ltmp14, $2  }
0x1ec: {  	_ =	sdelay $0x2  }
0x1ed: {  	s22 =	smov.u32 @p1 s24  }
0x1ee: {  	s23 =	smin.u32 s23, $0x3  }
0x1ef: {  	s23 =	sshll.u32 s23, $0x4  }
0x1f0: {  	s24 =	sxor.u32 $0x19030, s23  }
0x1f1: {  	v6 =	vld [tilespmem:s24+$0x0];
	_ =	sdelay $0x4  }
0x1f2: {  	v6 =	vperm.xlane v6, v1;
	_ =	sdelay $0x1  }
0x1f3: {  	(xrf2) =	vadd.scan.msk.f32 $0xffff, v6;
	_ =	sdelay $0x9  }
0x1f4: {  	v7, _, _ =	vpop (xrf2)  }
0x1f5: {  	v7 =	vadd.f32 s22, v7;
	_ =	sdelay $0x1  }
0x1f6: {  	vm0 =	vgt.f32 v7, v5  }
0x1f7: {  	v5 =	vmctz.xlane vm0;
	_ =	sdelay $0x1  }
0x1f8: {  	v5 =	vxor.u32 $0x80000000, v5  }
0x1f9: {  	(xrf0) =	vmax.scan.msk.u32 $0xffff, v5;
	_ =	sdelay $0x5  }
0x1fa: {  	v5, _, _ =	vpop (xrf0)  }
0x1fb: {  	(v2sf) =	vpush v5, $0xF;
	_ =	sdelay $0xe  }
0x1fc: {  	s31 =	spop (v2sf)  }
0x1fd: {  	s22 =	sxor.u32 $0x80000000, s31  }
0x1fe: {  	v7 =	vsub.f32 v7, v6;
	v5 =	vmov s22  }
0x1ff: {  	vm15 =	veq.s32 v5, v0  }
0x200: {  	v5 =	vnsel vm15, $0x0, v7  }
0x201: {  	(xrf2) =	vadd.scan.msk.f32 $0xffff, v5;
	_ =	sdelay $0x3  }
0x202: {  	s23 =	sxor.u32 $0x3F, s23  }
0x203: {  	s22 =	ssub.s32 s23, s22  }
0x204: {  	s21 =	sor.u32 s21, s22  }
0x205: {  	v6 =	vnsel vm15, $0x0, v6;
	v5 =	vmov s21  }
0x206: {  	(xrf2) =	vadd.scan.msk.f32 $0xffff, v6;
	v6 =	vmax.f32 v5, $1.000000000e-30  }
0x207: {  	v6 =	vbroadcast v6, $0x0  }
0x208: {  	v7, _, _ =	vpop (xrf2)  }
0x209: {  	(erf) = vrcp.f32 v6;
	(v2sf) =	vpush v7, $0xF;
	_ =	sdelay $0x6  }
0x20a: {  	v6, _, _ =	vpop (xrf2)  }
0x20b: {  	v7 =	vbroadcast v6, $0xF  }
0x20c: {  	v6 =	vpop (erf)  }
0x20d: {  	v7 =	vmul.f32 v6, v7  }
.Ltmp15:
0x20e: {  	_ = 	snop;
	(pc) =	sbr.rel .LBB2_26-.Ltmp15, $3  }
0x20f: {  	v7 =	vadd.f32 $5.000000000e-01, v7;
	_ =	sdelay $0x1  }
0x210: {  	v7 =	vtrunc.f32 v7  }
0x211: {  	v8 =	vcvt.f32.s32 v7;
	s22 =	spop (v2sf)  }
.LBB2_25:
0x212: {  	v5 =	vmax.f32 v6, $1.000000000e-30  }
0x213: {  	(erf) = vrcp.f32 v5;
	_ =	sdelay $0x7  }
0x214: {  	s23 =	sor.u32 $0x3F, s21  }
0x215: {  	v8 =	vimm.s32 $0x1;
	v5 =	vmov s23;
	v6 =	vpop (erf)  }
.LBB2_26:
.Ltmp16:
0x216: {  	(pc) =	sbr.rel @!p0 .LBB2_34-.Ltmp16, $2  }
0x217: {  	_ =	sdelay $0x2  }
0x218: {  	s23 =	simm.s32 $0x0  }
0x219: {  	s20 =	ssub.f32 s20, s22;
	_ =	sdelay $0x1  }
0x21a: {  	v6 =	vmul.f32 s20, v6;
	_ =	sdelay $0x1  }
0x21b: {  	v7 =	vmov s22;
	v6 =	vmax.f32 v6, $0.0e+00  }
0x21c: {  	vm0 =	veq.f32 v7, $0.0e+00;
	v6 =	vmin.f32 v6, $3.276800000e+04  }
0x21d: {  	v7 =	vsel vm0, $0x1, v3;
	v6 =	vtrunc.f32 v6  }
0x21e: {  	v7 =	vbroadcast v7, $0x0;
	v6 =	vcvt.f32.s32 v6;
	_ =	sdelay $0x1  }
0x21f: {  	v7 =	vand.u32 $0x1, v7;
	vm15 =	vgt.s32 v6, $0x1  }
0x220: {  	vm1 =	veq.s32 v7, $0x1;
	v7 =	vnsel vm15, $0x1, v6  }
0x221: {  	v7 =	vsel vm1, v7, v6  }
0x222: {  	v6 =	vxor.u32 $0x80000000, v7  }
0x223: {  	(xrf0) =	vmax.scan.msk.u32 $0xffff, v6;
	v6 =	vxor.u32 $0x80000000, v8  }
0x224: {  	(xrf0) =	vmax.scan.msk.u32 $0xffff, v6;
	_ =	sdelay $0x4  }
0x225: {  	v6, _, _ =	vpop (xrf0)  }
0x226: {  	(v2sf) =	vpush v6, $0xF;
	v6, _, _ =	vpop (xrf0)  }
0x227: {  	(v2sf) =	vpush v6, $0xF;
	_ =	sdelay $0xd  }
0x228: {  	s20 =	spop (v2sf)  }
0x229: {  	p0 =	slt.u32 s20, $0x80000001;
	s22 =	spop (v2sf)  }
0x22a: {  	p1 =	sge.u32 @!p0 s20, s22  }
0x22b: {  	p1 =	por p0, p1  }
.Ltmp17:
0x22c: {  	_ = 	snop;
	(pc) =	sbr.rel @p1 .LBB2_28-.Ltmp17, $3  }
0x22d: {  	_ =	sdelay $0x1  }
0x22e: {  	s31 =	sadd.s32 $0xFFFFFFFF, s21  }
0x22f: {  	v5 =	vbroadcast v5, $0x0;
	v11 =	vimm.s32 $0x0;
	v6 =	vmov s31  }
0x230: {  	s20 =	simm.s32 $0x0  }
0x231: {  	v10 =	vld [tilespmem:s20+$0x10]  }
0x232: {  	v12 =	vld [tilespmem:s20+$0x50]  }
0x233: {  	v13 =	vld [tilespmem:s20+$0x70]  }
0x234: {  	v14 =	vld [tilespmem:s20+$0x0]  }
0x235: {  	v8 =	vld [tilespmem:s20+$0x30]  }
0x236: {  	v16 =	vld [tilespmem:s20+$0x20]  }
0x237: {  	v15 =	vld [tilespmem:s20+$0x40];
	vm0 =	vle.s32 v10, v5;
	vm4 =	vgt.s32 v10, v6  }
0x238: {  	vm1 =	vle.s32 v12, v5;
	vm3 =	vgt.s32 v12, v6;
	vm2 =	vle.s32 v13, v5  }
0x239: {  	vm7 =	vgt.s32 v13, v6;
	vm5 =	vgt.s32 v14, v6;
	vm0 =	vmand vm4, vm0  }
0x23a: {  	vm8 =	vle.s32 v14, v5;
	vm12 =	vgt.s32 v8, v6;
	v9 =	vsel vm0, $0x1, v3  }
0x23b: {  	vm9 =	vle.s32 v16, v5;
	vm6 =	vmand vm3, vm1;
	vm1 =	vmand vm7, vm2;
	(xrf0) =	vadd.scan.msk.s32 $0xffff, v9  }
0x23c: {  	vm2 =	vmand vm5, vm8;
	vm8 =	vle.s32 v15, v5;
	v17 =	vsel vm1, $0x1, v3  }
0x23d: {  	v18 =	vsel vm2, $0x1, v3;
	v19 =	vmpcnt.ones.xlane vm2;
	v20 =	vsel vm6, $0x1, v3  }
0x23e: {  	v21 =	vmpcnt.ones.xlane vm0;
	vm0 =	vle.s32 v8, v5;
	vm2 =	vgt.s32 v16, v6;
	(xrf0) =	vadd.scan.msk.s32 $0xffff, v18  }
0x23f: {  	v22 =	vld [tilespmem:s20+$0x60];
	v26 =	vmpcnt.ones.xlane vm6;
	vm6 =	vgt.s32 v10, v5;
	vm0 =	vmand vm12, vm0  }
0x240: {  	vm9 =	vmand vm2, vm9;
	v55 =	vadd.s32 v11, v19;
	v23 =	vsel vm0, $0x1, v3  }
0x241: {  	v24 =	vmpcnt.ones.xlane vm0;
	vm0 =	vgt.s32 v15, v6;
	v25 =	vmpcnt.ones.xlane vm9;
	v56, _, _ =	vpop (xrf0)  }
0x242: {  	(xrf0) =	vadd.scan.msk.s32 $0xffff, v17;
	v17 =	vsel vm9, $0x1, v3;
	vm8 =	vmand vm0, vm8;
	v19 =	vadd.s32 v56, v55  }
0x243: {  	(xrf0) =	vadd.scan.msk.s32 $0xffff, v20;
	v57 =	vmpcnt.ones.xlane vm8;
	v58 =	vsel vm8, $0x1, v3;
	vm9 =	vle.s32 v19, v7  }
0x244: {  	vm8 =	vle.s32 v22, v5;
	v27, _, _ =	vpop (xrf0);
	vm9 =	vmand vm4, vm9;
	vm4 =	vgt.s32 v22, v6  }
0x245: {  	v10 =	vadd.s32 v21, v55;
	v11 =	vadd.s32 v11, v27;
	vm8 =	vmand vm4, vm8  }
0x246: {  	(xrf0) =	vadd.scan.msk.s32 $0xffff, v23;
	vm6 =	vmor vm6, vm9;
	vm9 =	vle.s32 v11, v7;
	v59 =	vsel vm8, $0x1, v3  }
0x247: {  	v9 =	vmpcnt.ones.xlane vm1;
	v60 =	vadd.s32 v25, v10;
	vm9 =	vmand vm5, vm9;
	(xrf0) =	vadd.scan.msk.s32 $0xffff, v59  }
0x248: {  	v61, _, _ =	vpop (xrf0);
	v62 =	vsel vm6, $0x3F800000, v2;
	vm6 =	vgt.s32 v14, v5;
	(xrf0) =	vadd.scan.msk.s32 $0xffff, v17;
	v17 =	vadd.s32 v24, v60  }
0x249: {  	vm1 =	vgt.s32 v13, v5;
	v11, _, _ =	vpop (xrf0);
	vm9 =	vmor vm6, vm9;
	v13 =	vadd.s32 v57, v17  }
0x24a: {  	v14 =	vmpcnt.ones.xlane vm8;
	v63 =	vsel vm9, $0x3F800000, v2;
	(xrf0) =	vadd.scan.msk.s32 $0xffff, v58;
	v11 =	vadd.s32 v11, v13  }
0x24b: {  	vm9 =	vgt.s32 v12, v5;
	v12 =	vadd.s32 v26, v13;
	vm8 =	vle.s32 v11, v7  }
0x24c: {  	v11 =	vadd.s32 v14, v12;
	vm8 =	vmand vm3, vm8  }
0x24d: {  	v13, _, _ =	vpop (xrf0);
	vm8 =	vmor vm9, vm8;
	vm9 =	vgt.s32 v16, v5;
	v16 =	vadd.s32 v61, v11  }
0x24e: {  	v14, _, _ =	vpop (xrf0)  }
0x24f: {  	vm11 =	vgt.s32 v15, v5;
	vm6 =	vgt.s32 v22, v5;
	v13 =	vadd.s32 v13, v60;
	v15, _, _ =	vpop (xrf0)  }
0x250: {  	[tilespmem:s20+$0x10] =	vst v62;
	v12 =	vadd.s32 v14, v12;
	v14 =	vsel vm8, $0x3F800000, v2;
	vm8 =	vle.s32 v16, v7;
	v16, _, _ =	vpop (xrf0)  }
0x251: {  	s21 =	simm.s32 $0x200;
	[tilespmem:s20+$0x0] =	vst v63;
	vm7 =	vmand vm7, vm8;
	vm8 =	vle.s32 v12, v7;
	v12 =	vadd.s32 v16, v17  }
.LBB2_32:
0x252: {  	v10 =	vadd.s32 v15, v10  }
0x253: {  	s22 =	sshra.s32 s21, $0x2;
	vm10 =	vle.s32 v13, v7;
	vm4 =	vmand vm4, vm8;
	vm8 =	vgt.s32 v8, v5  }
0x254: {  	vm5 =	vmor vm1, vm7;
	v11 =	vadd.s32 v9, v11;
	v13 =	vld [tilespmem:s22+$0x10];
	vm4 =	vmor vm6, vm4;
	[tilespmem:s20+$0x50] =	vst v14  }
0x255: {  	vm6 =	vle.s32 v10, v7;
	v10 =	vsel vm5, $0x3F800000, v2;
	vm1 =	vmand vm12, vm10;
	v14 =	vld [tilespmem:s22+$0x50]  }
0x256: {  	v8 =	vsel vm4, $0x3F800000, v2;
	v15 =	vld [tilespmem:s22+$0x0];
	vm2 =	vmand vm2, vm6;
	[tilespmem:s20+$0x70] =	vst v10;
	vm4 =	vle.s32 v12, v7  }
0x257: {  	vm1 =	vmor vm8, vm1;
	v9 =	vld [tilespmem:s22+$0x70];
	vm2 =	vmor vm9, vm2;
	vm0 =	vmand vm0, vm4  }
0x258: {  	[tilespmem:s20+$0x60] =	vst v8;
	v10 =	vsel vm1, $0x3F800000, v2;
	v8 =	vsel vm2, $0x3F800000, v2;
	vm2 =	vmor vm11, vm0  }
0x259: {  	v16 =	vimm.s32 $0x0;
	[tilespmem:s20+$0x30] =	vst v10;
	v10 =	vsel vm2, $0x3F800000, v2  }
0x25a: {  	vm1 =	vle.s32 v13, v5;
	vm10 =	vgt.s32 v13, v6;
	vm9 =	vgt.s32 v13, v5  }
0x25b: {  	vm0 =	vmand vm10, vm1;
	vm1 =	vle.s32 v14, v5;
	vm8 =	vgt.s32 v14, v6  }
0x25c: {  	v12 =	vld [tilespmem:s22+$0x60];
	[tilespmem:s20+$0x20] =	vst v8;
	vm13 =	vgt.s32 v15, v6;
	v8 =	vsel vm0, $0x1, v3;
	vm2 =	vle.s32 v9, v5  }
0x25d: {  	v13 =	vld [tilespmem:s22+$0x20];
	[tilespmem:s20+$0x40] =	vst v10;
	vm11 =	vmand vm8, vm1;
	vm1 =	vgt.s32 v9, v6;
	vm7 =	vgt.s32 v9, v5  }
0x25e: {  	s20 =	smov.u32 s22;
	v19 =	vmpcnt.ones.xlane vm0;
	v16 =	vsel vm1, $0xFFFFFFFF, v16;
	(xrf0) =	vadd.scan.msk.s32 $0xffff, v8;
	vm1 =	vmand vm1, vm2  }
0x25f: {  	v10 =	vld [tilespmem:s20+$0x40];
	vm2 =	vle.s32 v15, v5;
	v18 =	vsel vm11, $0x1, v3;
	[tilespmem:$0x1FFF0] =	vst v16;
	v16 =	vsel vm1, $0x1, v3  }
0x260: {  	v9 =	vmpcnt.ones.xlane vm1;
	vm1 =	vgt.s32 v15, v5;
	v15 =	vimm.s32 $0x0  }
0x261: {  	v8 =	vld [tilespmem:s20+$0x30];
	vm4 =	vgt.s32 v12, v6;
	v15 =	vsel vm1, $0xFFFFFFFF, v15;
	vm1 =	vmand vm13, vm2  }
0x262: {  	vm6 =	vgt.s32 v12, v5;
	vm5 =	vle.s32 v12, v5;
	[tilespmem:$0x1FFE0] =	vst v15;
	v15 =	vsel vm1, $0x1, v3  }
0x263: {  	vm15 =	vle.s32 v13, v5;
	vm2 =	vgt.s32 v13, v6;
	v20 =	vmpcnt.ones.xlane vm1;
	(xrf0) =	vadd.scan.msk.s32 $0xffff, v15  }
0x264: {  	vm5 =	vmand vm4, vm5;
	vm1 =	vgt.s32 v10, v5;
	vm14 =	vle.s32 v10, v5  }
0x265: {  	vm0 =	vgt.s32 v10, v6;
	vm15 =	vmand vm2, vm15;
	v15 =	vadd.s32 v11, v20;
	v17, _, _ =	vpop (xrf0);
	(xrf0) =	vadd.scan.msk.s32 $0xffff, v16  }
0x266: {  	vm12 =	vgt.s32 v8, v6;
	vm3 =	vle.s32 v8, v5;
	v16 =	vadd.s32 v17, v15  }
0x267: {  	v58 =	vsel vm5, $0x1, v3;
	vm14 =	vmand vm0, vm14;
	v21 =	vld [tilespmem:$0x1FFE0];
	vm3 =	vmand vm12, vm3  }
0x268: {  	v59 =	vmpcnt.ones.xlane vm15;
	v10 =	vadd.s32 v19, v15;
	(xrf0) =	vadd.scan.msk.s32 $0xffff, v18;
	v57 =	vsel vm3, $0x1, v3  }
0x269: {  	v15 =	vsel vm15, $0x1, v3;
	v17 =	vmpcnt.ones.xlane vm3;
	vm3 =	vle.s32 v16, v7;
	v16, _, _ =	vpop (xrf0)  }
0x26a: {  	v19 =	vadd.s32 v59, v10;
	vm3 =	vmand vm10, vm3;
	(xrf0) =	vadd.scan.msk.s32 $0xffff, v57;
	v11 =	vadd.s32 v11, v16  }
0x26b: {  	vm3 =	vmor vm9, vm3;
	v16 =	vmpcnt.ones.xlane vm14;
	v12, _, _ =	vpop (xrf0);
	vm15 =	vle.s32 v11, v7;
	(xrf0) =	vadd.scan.msk.s32 $0xffff, v58  }
0x26c: {  	(xrf0) =	vadd.scan.msk.s32 $0xffff, v15;
	vm9 =	vmand vm13, vm15;
	v15 =	vsel vm3, $0x3F800000, v2;
	vm3 =	vnez.u8 v21  }
0x26d: {  	v61 =	vmpcnt.ones.xlane vm11;
	v17 =	vadd.s32 v17, v19;
	vm3 =	vmor vm3, vm9  }
0x26e: {  	v62 =	vmpcnt.ones.xlane vm5;
	v16 =	vadd.s32 v16, v17;
	v11, _, _ =	vpop (xrf0);
	v63 =	vsel vm3, $0x3F800000, v2  }
0x26f: {  	vm3 =	vgt.s32 v14, v5;
	v11 =	vadd.s32 v11, v16;
	v14 =	vadd.s32 v61, v16  }
0x270: {  	v60 =	vsel vm14, $0x1, v3;
	vm5 =	vle.s32 v11, v7;
	v11 =	vadd.s32 v62, v14  }
0x271: {  	(xrf0) =	vadd.scan.msk.s32 $0xffff, v60;
	vm5 =	vmand vm8, vm5;
	v16 =	vadd.s32 v12, v11  }
0x272: {  	vm3 =	vmor vm3, vm5;
	vm5 =	vle.s32 v16, v7;
	v16 =	vld [tilespmem:$0x1FFF0]  }
0x273: {  	p0 =	seq.s32 s21, $0x1FE00  }
.Ltmp18:
0x274: {  	vm9 =	vgt.s32 v13, v5;
	v13, _, _ =	vpop (xrf0);
	(pc) =	sbr.rel @!p0 .LBB2_32-.Ltmp18, $4  }
0x275: {  	[tilespmem:s20+$0x10] =	vst v15;
	v15, _, _ =	vpop (xrf0)  }
0x276: {  	vm11 =	vmmov vm1;
	vm1 =	vmmov vm7;
	v14 =	vadd.s32 v15, v14;
	v15, _, _ =	vpop (xrf0)  }
0x277: {  	vm8 =	vle.s32 v14, v7;
	v12, _, _ =	vpop (xrf0);
	v14 =	vsel vm3, $0x3F800000, v2;
	vm3 =	vnez.u8 v16  }
0x278: {  	s21 =	sadd.s32 $0x200, s21;
	[tilespmem:s20+$0x0] =	vst v63;
	v13 =	vadd.s32 v13, v19;
	v12 =	vadd.s32 v12, v17;
	vm7 =	vmand vm3, vm5  }
0x279: {  	v6 =	vadd.s32 v15, v10  }
0x27a: {  	vm3 =	vle.s32 v13, v7;
	vm4 =	vmand vm4, vm8;
	vm5 =	vgt.s32 v8, v5  }
0x27b: {  	vm10 =	vmor vm1, vm7;
	vm15 =	vle.s32 v12, v7;
	vm4 =	vmor vm6, vm4  }
0x27c: {  	[tilespmem:s20+$0x50] =	vst v14;
	vm13 =	vle.s32 v6, v7;
	v6 =	vsel vm10, $0x3F800000, v2;
	vm14 =	vmand vm12, vm3  }
.Ltmp19:
0x27d: {  	v5 =	vsel vm4, $0x3F800000, v2;
	vm2 =	vmand vm2, vm13;
	[tilespmem:s20+$0x70] =	vst v6;
	vm1 =	vmor vm5, vm14;
	(pc) =	sbr.rel .LBB2_37-.Ltmp19, $4  }
0x27e: {  	vm0 =	vmand vm0, vm15;
	vm2 =	vmor vm9, vm2;
	[tilespmem:s20+$0x60] =	vst v5;
	v5 =	vsel vm1, $0x3F800000, v2  }
0x27f: {  	vm0 =	vmor vm11, vm0;
	v6 =	vsel vm2, $0x3F800000, v2;
	[tilespmem:s20+$0x30] =	vst v5  }
0x280: {  	v5 =	vsel vm0, $0x3F800000, v2;
	[tilespmem:s20+$0x20] =	vst v6  }
0x281: {  	[tilespmem:s20+$0x40] =	vst v5  }
.LBB2_34:
0x282: {  	s21 =	simm.s32 $0x0  }
0x283: {  	v5 =	vld [tilespmem:s21+$0x10070]  }
0x284: {  	v7 =	vld [tilespmem:s21+$0x10000]  }
0x285: {  	v11 =	vld [tilespmem:s21+$0x10010]  }
0x286: {  	v9 =	vld [tilespmem:s21+$0x10020]  }
0x287: {  	v8 =	vld [tilespmem:s21+$0x10030]  }
0x288: {  	v6 =	vld [tilespmem:s21+$0x10040];
	vm0 =	veq.s32 v5, $0x0  }
0x289: {  	v5 =	vld [tilespmem:s21+$0x10050];
	vm1 =	veq.s32 v7, $0x0;
	v12 =	vsel vm0, $0x0, v4  }
0x28a: {  	s20 =	simm.s32 $0x80;
	s22 =	simm.s32 $0x400;
	v7 =	vld [tilespmem:s21+$0x10060];
	v10 =	vsel vm1, $0x0, v4;
	vm0 =	veq.s32 v11, $0x0;
	[tilespmem:s21+$0x70] =	vst v12  }
.LBB2_35:
0x28b: {  	p0 =	sne.s32 s22, $0x1FE00;
	v11 =	vld [tilespmem:s20+$0x10070];
	v12 =	vsel vm0, $0x0, v4;
	vm0 =	veq.s32 v9, $0x0;
	[tilespmem:s21+$0x0] =	vst v10  }
0x28c: {  	v10 =	vld [tilespmem:s20+$0x10000];
	v9 =	vsel vm0, $0x0, v4;
	vm0 =	veq.s32 v8, $0x0;
	[tilespmem:s21+$0x10] =	vst v12  }
0x28d: {  	v12 =	vld [tilespmem:s20+$0x10010];
	v8 =	vsel vm0, $0x0, v4;
	vm0 =	veq.s32 v6, $0x0;
	[tilespmem:s21+$0x20] =	vst v9  }
.Ltmp20:
0x28e: {  	v9 =	vld [tilespmem:s20+$0x10020];
	v6 =	vsel vm0, $0x0, v4;
	vm0 =	veq.s32 v5, $0x0;
	[tilespmem:s21+$0x30] =	vst v8;
	(pc) =	sbr.rel @p0 .LBB2_35-.Ltmp20, $4  }
0x28f: {  	v8 =	vld [tilespmem:s20+$0x10030];
	v5 =	vsel vm0, $0x0, v4;
	vm0 =	veq.s32 v7, $0x0;
	[tilespmem:s21+$0x40] =	vst v6  }
0x290: {  	v6 =	vld [tilespmem:s20+$0x10040];
	vm1 =	veq.s32 v11, $0x0;
	v7 =	vsel vm0, $0x0, v4;
	[tilespmem:s21+$0x50] =	vst v5  }
0x291: {  	v5 =	vld [tilespmem:s20+$0x10050];
	vm0 =	veq.s32 v10, $0x0;
	v11 =	vsel vm1, $0x0, v4;
	[tilespmem:s21+$0x60] =	vst v7;
	s21 =	smov.u32 s20  }
0x292: {  	s20 =	sshra.s32 s22, $0x2;
	s22 =	sadd.s32 $0x200, s22;
	v7 =	vld [tilespmem:s21+$0x10060];
	v10 =	vsel vm0, $0x0, v4;
	vm0 =	veq.s32 v12, $0x0;
	[tilespmem:s21+$0x70] =	vst v11  }
0x293: {  	v11 =	vld [tilespmem:s20+$0x10070];
	[tilespmem:s21+$0x0] =	vst v10;
	v62 =	vsel vm0, $0x0, v4;
	vm4 =	veq.s32 v9, $0x0  }
0x294: {  	v12 =	vld [tilespmem:s20+$0x10000];
	[tilespmem:s21+$0x10] =	vst v62;
	v9 =	vsel vm4, $0x0, v4;
	vm5 =	veq.s32 v8, $0x0  }
0x295: {  	v10 =	vld [tilespmem:s20+$0x10010];
	[tilespmem:s21+$0x20] =	vst v9;
	v8 =	vsel vm5, $0x0, v4;
	vm6 =	veq.s32 v6, $0x0  }
0x296: {  	v9 =	vld [tilespmem:s20+$0x10020];
	[tilespmem:s21+$0x30] =	vst v8;
	v6 =	vsel vm6, $0x0, v4;
	vm7 =	veq.s32 v5, $0x0  }
0x297: {  	v8 =	vld [tilespmem:s20+$0x10030];
	[tilespmem:s21+$0x40] =	vst v6;
	v5 =	vsel vm7, $0x0, v4;
	vm8 =	veq.s32 v7, $0x0  }
0x298: {  	v6 =	vld [tilespmem:s20+$0x10040];
	[tilespmem:s21+$0x50] =	vst v5;
	v5 =	vsel vm8, $0x0, v4;
	vm9 =	veq.s32 v11, $0x0  }
0x299: {  	v7 =	vld [tilespmem:s20+$0x10050];
	[tilespmem:s21+$0x60] =	vst v5;
	vm1 =	veq.s32 v12, $0x0;
	v5 =	vsel vm9, $0x0, v4  }
0x29a: {  	v63 =	vld [tilespmem:s20+$0x10060];
	v12 =	vsel vm1, $0x0, v4;
	vm10 =	veq.s32 v10, $0x0;
	[tilespmem:s20+$0x70] =	vst v5  }
0x29b: {  	v5 =	vsel vm10, $0x0, v4;
	vm11 =	veq.s32 v9, $0x0;
	[tilespmem:s20+$0x0] =	vst v12  }
0x29c: {  	v9 =	vsel vm11, $0x0, v4;
	vm12 =	veq.s32 v8, $0x0;
	[tilespmem:s20+$0x10] =	vst v5  }
.Ltmp21:
0x29d: {  	v5 =	vsel vm12, $0x0, v4;
	vm13 =	veq.s32 v6, $0x0;
	[tilespmem:s20+$0x20] =	vst v9;
	(pc) =	sbr.rel .LBB2_37-.Ltmp21, $4  }
0x29e: {  	v6 =	vsel vm13, $0x0, v4;
	vm14 =	veq.s32 v7, $0x0;
	[tilespmem:s20+$0x30] =	vst v5  }
0x29f: {  	v5 =	vsel vm14, $0x0, v4;
	vm15 =	veq.s32 v63, $0x0;
	[tilespmem:s20+$0x40] =	vst v6  }
0x2a0: {  	v6 =	vsel vm15, $0x0, v4;
	[tilespmem:s20+$0x50] =	vst v5  }
0x2a1: {  	[tilespmem:s20+$0x60] =	vst v6  }
.LBB2_28:
0x2a2: {  	s23 =	simm.s32 @p0 $0x0  }
0x2a3: {  	s20 =	sshra.s32 s23, $0x2  }
0x2a4: {  	v9 =	vld [tilespmem:s20+$0x0]  }
0x2a5: {  	v10 =	vld [tilespmem:s20+$0x10];
	_ =	sdelay $0x1  }
0x2a6: {  	v11 =	vld [tilespmem:s20+$0x20]  }
0x2a7: {  	v12 =	vld [tilespmem:s20+$0x30]  }
0x2a8: {  	vm0 =	vge.s32 v7, v8;
	p0 =	seq.s32 s23, $0x1FE00;
	vm1 =	vgt.s32 v9, v6  }
.Ltmp22:
0x2a9: {  	v8 =	vld [tilespmem:s20+$0x40];
	vm2 =	vgt.s32 v9, v5;
	vm3 =	vgt.s32 v10, v6;
	vm1 =	vmand vm0, vm1;
	(pc) =	sbr.rel @p0 .LBB2_30-.Ltmp22, $4  }
0x2aa: {  	vm3 =	vmand vm0, vm3;
	vm1 =	vmor vm2, vm1;
	vm2 =	vgt.s32 v10, v5;
	v10 =	vld [tilespmem:s20+$0x50]  }
0x2ab: {  	v9 =	vsel vm1, $0x3F800000, v2;
	vm1 =	vmor vm2, vm3;
	vm2 =	vgt.s32 v11, v6  }
0x2ac: {  	vm4 =	vgt.s32 v12, v6;
	vm3 =	vgt.s32 v11, v5;
	vm2 =	vmand vm0, vm2  }
0x2ad: {  	s21 =	sadd.s32 $0x200, s23;
	v7 =	vld [tilespmem:s20+$0x60];
	vm4 =	vmand vm0, vm4;
	vm2 =	vmor vm3, vm2;
	vm3 =	vgt.s32 v12, v5  }
.LBB2_29:
0x2ae: {  	p0 =	seq.s32 s21, $0x1FE00;
	v11 =	vld [tilespmem:s20+$0x70];
	v12 =	vsel vm1, $0x3F800000, v2;
	v13 =	vsel vm2, $0x3F800000, v2;
	vm1 =	vmor vm3, vm4  }
0x2af: {  	vm2 =	vgt.s32 v8, v5;
	vm3 =	vgt.s32 v8, v6;
	vm4 =	vgt.s32 v10, v6  }
0x2b0: {  	s22 =	sshra.s32 s21, $0x2;
	vm3 =	vmand vm0, vm3;
	vm5 =	vgt.s32 v10, v5;
	vm4 =	vmand vm0, vm4;
	[tilespmem:s20+$0x0] =	vst v9  }
0x2b1: {  	v8 =	vsel vm1, $0x3F800000, v2;
	vm1 =	vmor vm2, vm3;
	v9 =	vld [tilespmem:s22+$0x0];
	vm2 =	vmor vm5, vm4;
	[tilespmem:s20+$0x10] =	vst v12  }
0x2b2: {  	v10 =	vsel vm1, $0x3F800000, v2;
	v12 =	vld [tilespmem:s22+$0x10];
	v14 =	vsel vm2, $0x3F800000, v2;
	vm1 =	vgt.s32 v7, v6;
	[tilespmem:s20+$0x20] =	vst v13  }
0x2b3: {  	vm2 =	vgt.s32 v7, v5;
	vm1 =	vmand vm0, vm1;
	vm3 =	vgt.s32 v11, v6;
	[tilespmem:s20+$0x30] =	vst v8  }
0x2b4: {  	v7 =	vld [tilespmem:s22+$0x20];
	vm1 =	vmor vm2, vm1;
	vm2 =	vgt.s32 v11, v5;
	vm3 =	vmand vm0, vm3;
	[tilespmem:s20+$0x40] =	vst v10  }
0x2b5: {  	v11 =	vld [tilespmem:s22+$0x30];
	v8 =	vsel vm1, $0x3F800000, v2;
	vm1 =	vmor vm2, vm3;
	[tilespmem:s20+$0x50] =	vst v14  }
0x2b6: {  	vm2 =	vgt.s32 v9, v6;
	v10 =	vsel vm1, $0x3F800000, v2;
	[tilespmem:s20+$0x60] =	vst v8  }
.Ltmp23:
0x2b7: {  	vm1 =	vgt.s32 v9, v5;
	v8 =	vld [tilespmem:s22+$0x40];
	vm2 =	vmand vm0, vm2;
	vm3 =	vgt.s32 v12, v6;
	[tilespmem:s20+$0x70] =	vst v10;
	s20 =	smov.u32 s22;
	(pc) =	sbr.rel @!p0 .LBB2_29-.Ltmp23, $4  }
0x2b8: {  	v10 =	vld [tilespmem:s20+$0x50];
	vm1 =	vmor vm1, vm2;
	vm2 =	vgt.s32 v12, v5;
	vm3 =	vmand vm0, vm3  }
0x2b9: {  	v9 =	vsel vm1, $0x3F800000, v2;
	vm1 =	vmor vm2, vm3;
	vm2 =	vgt.s32 v7, v6  }
0x2ba: {  	vm3 =	vgt.s32 v7, v5;
	vm2 =	vmand vm0, vm2;
	vm4 =	vgt.s32 v11, v6  }
0x2bb: {  	s21 =	sadd.s32 $0x200, s21;
	v7 =	vld [tilespmem:s20+$0x60];
	vm2 =	vmor vm3, vm2;
	vm3 =	vgt.s32 v11, v5;
	vm4 =	vmand vm0, vm4  }
.LBB2_30:
0x2bc: {  	v11 =	vld [tilespmem:s20+$0x70];
	v12 =	vsel vm1, $0x3F800000, v2;
	v13 =	vsel vm2, $0x3F800000, v2;
	vm13 =	vmor vm3, vm4  }
0x2bd: {  	vm14 =	vgt.s32 v8, v5;
	vm15 =	vgt.s32 v8, v6;
	vm8 =	vgt.s32 v10, v6  }
0x2be: {  	[tilespmem:s20+$0x0] =	vst v9;
	vm3 =	vmand vm0, vm15;
	vm5 =	vgt.s32 v10, v5;
	vm4 =	vmand vm0, vm8  }
0x2bf: {  	v61 =	vsel vm13, $0x3F800000, v2;
	[tilespmem:s20+$0x10] =	vst v12;
	vm9 =	vmor vm14, vm3;
	vm10 =	vmor vm5, vm4  }
0x2c0: {  	[tilespmem:s20+$0x20] =	vst v13;
	v62 =	vsel vm9, $0x3F800000, v2;
	v63 =	vsel vm10, $0x3F800000, v2;
	vm11 =	vgt.s32 v7, v6  }
0x2c1: {  	[tilespmem:s20+$0x30] =	vst v61;
	vm12 =	vgt.s32 v7, v5;
	vm1 =	vmand vm0, vm11;
	vm13 =	vgt.s32 v11, v6  }
0x2c2: {  	[tilespmem:s20+$0x40] =	vst v62;
	vm14 =	vgt.s32 v11, v5;
	vm1 =	vmor vm12, vm1;
	vm15 =	vmand vm0, vm13  }
0x2c3: {  	[tilespmem:s20+$0x50] =	vst v63;
	v5 =	vsel vm1, $0x3F800000, v2;
	vm0 =	vmor vm14, vm15  }
0x2c4: {  	v6 =	vsel vm0, $0x3F800000, v2;
	[tilespmem:s20+$0x60] =	vst v5  }
0x2c5: {  	[tilespmem:s20+$0x70] =	vst v6  }
.LBB2_37:
0x2c6: {  	s20 =	simm.s32 $0x0  }
0x2c7: {  	[hbm4b:s6+s10] =	stream.strided.scatter [tilespmem:s20], [sflag:$0x2], $0x8000, s11, s10, $0x38;
	[tilespmem:$0x19080] =	vst v63  }
0x2c8: {  	_ = 	snop  }
0x2c9: {  	[tilespmem:s14], [sflag:$0x3] =	stream.strided.gather [hbm4b:s7+s10], $0x8000, s11, s10, $0x38;
	[tilespmem:$0x19080] =	vst v63  }
0x2ca: {  	_ =	swait.ge [sflag:s13], $0x8000  }
0x2cb: {  	[sflag:s13] =	ssyncset.done $0x0  }
0x2cc: {  	[sflag:s13] =	ssyncadd.s32 $0xFFFF8000  }
0x2cd: {  	_ =	swait.ge [sflag:s16], $0x8000  }
0x2ce: {  	[sflag:s16] =	ssyncset.done $0x0  }
0x2cf: {  	v6 =	vimm.f32 $0.0e+00;
	s21 =	simm.s32 $0x200;
	s20 =	simm.s32 $0x0;
	[sflag:s16] =	ssyncadd.s32 $0xFFFF8000  }
.LBB2_38:
0x2d0: {  	p0 =	sne.s32 s21, $0x3E00;
	[tilespmem:s20+$0x18070] =	vst v6  }
0x2d1: {  	[tilespmem:s20+$0x18000] =	vst v6  }
0x2d2: {  	[tilespmem:s20+$0x18010] =	vst v6  }
.Ltmp24:
0x2d3: {  	[tilespmem:s20+$0x18020] =	vst v6;
	(pc) =	sbr.rel @p0 .LBB2_38-.Ltmp24, $4  }
0x2d4: {  	[tilespmem:s20+$0x18030] =	vst v6  }
0x2d5: {  	[tilespmem:s20+$0x18040] =	vst v6  }
0x2d6: {  	[tilespmem:s20+$0x18050] =	vst v6  }
0x2d7: {  	[tilespmem:s20+$0x18060] =	vst v6;
	s20 =	sshra.s32 s21, $0x2;
	s21 =	sadd.s32 $0x200, s21  }
0x2d8: {  	[tilespmem:s20+$0x18070] =	vst v6  }
0x2d9: {  	[tilespmem:s20+$0x18000] =	vst v6  }
0x2da: {  	[tilespmem:s20+$0x18010] =	vst v6  }
0x2db: {  	[tilespmem:s20+$0x18020] =	vst v6  }
0x2dc: {  	[tilespmem:s20+$0x18030] =	vst v6  }
0x2dd: {  	[tilespmem:s20+$0x18040] =	vst v6  }
0x2de: {  	[tilespmem:s20+$0x18050] =	vst v6  }
0x2df: {  	[tilespmem:s20+$0x18060] =	vst v6;
	s21 =	simm.s32 $0x0  }
0x2e0: {  	v9 =	vld [tilespmem:s21+$0x8070]  }
0x2e1: {  	v12 =	vld [tilespmem:s21+$0x10070]  }
0x2e2: {  	v5 =	vld [tilespmem:s21+$0x8060]  }
0x2e3: {  	v8 =	vld [tilespmem:s21+$0x10060]  }
0x2e4: {  	v10 =	vld [tilespmem:s21+$0x10010]  }
0x2e5: {  	v7 =	vld [tilespmem:s21+$0x10020]  }
0x2e6: {  	v14 =	vld [tilespmem:s21+$0x10000]  }
0x2e7: {  	v13 =	vld [tilespmem:s21+$0x8000]  }
0x2e8: {  	v11 =	vld [tilespmem:s21+$0x8010];
	vm0 =	veq.s32 v8, $0x0  }
0x2e9: {  	s22 =	simm.s32 $0x400;
	s20 =	simm.s32 $0x80;
	v8 =	vld [tilespmem:s21+$0x8020];
	v5 =	vsel vm0, $0x0, v5  }
.LBB2_40:
0x2ea: {  	p0 =	sne.s32 s22, $0x1FE00;
	v15 =	vld [tilespmem:s21+$0x10030];
	vm0 =	veq.s32 v12, $0x0;
	s23 =	smov.u32 s22;
	s22 =	sadd.s32 $0x200, s22  }
0x2eb: {  	vm2 =	veq.s32 v10, $0x0;
	v12 =	vld [tilespmem:s21+$0x10050];
	vm1 =	veq.s32 v14, $0x0;
	v9 =	vsel vm0, $0x0, v9;
	[tilespmem:s21+$0x8060] =	vst v5  }
0x2ec: {  	vm0 =	vgt.s32 v5, $0x0;
	v10 =	vld [tilespmem:s21+$0x8030];
	v13 =	vsel vm1, $0x0, v13  }
0x2ed: {  	v16 =	vshrl.u32 v5, $0x12;
	v14 =	vld [tilespmem:s21+$0x10040];
	v11 =	vsel vm2, $0x0, v11;
	[tilespmem:s21+$0x8070] =	vst v9;
	v6 =	vadd.f32 v13, v6  }
0x2ee: {  	vm1 =	vgt.s32 v9, $0x0;
	v18 =	vshrl.u32 v13, $0x12;
	v17 =	vld [tilespmem:s21+$0x8040];
	vm2 =	vgt.s32 v11, $0x0  }
0x2ef: {  	vm3 =	veq.s32 v7, $0x0;
	v7 =	vshrl.u32 v9, $0x12;
	v19 =	vld [tilespmem:s21+$0x8050];
	vm4 =	veq.s32 v15, $0x0  }
0x2f0: {  	vm6 =	vgt.s32 v13, $0x0;
	vm5 =	veq.s32 v12, $0x0;
	[tilespmem:s21+$0x8010] =	vst v11;
	v12 =	vshrl.u32 v11, $0x12  }
0x2f1: {  	v8 =	vsel vm3, $0x0, v8;
	v6 =	vadd.f32 v11, v6;
	v10 =	vsel vm4, $0x0, v10;
	[tilespmem:s21+$0x8000] =	vst v13  }
0x2f2: {  	s23 =	sshra.s32 s23, $0x2;
	vm4 =	vgt.s32 v8, $0x0;
	vm3 =	veq.s32 v14, $0x0;
	[tilespmem:s21+$0x8020] =	vst v8;
	v14 =	vshrl.u32 v8, $0x12  }
0x2f3: {  	v6 =	vadd.f32 v8, v6;
	v15 =	vsel vm3, $0x0, v17;
	[tilespmem:s21+$0x8030] =	vst v10;
	vm3 =	vgt.s32 v10, $0x0  }
0x2f4: {  	v17 =	vsel vm5, $0x0, v19;
	[tilespmem:s21+$0x8040] =	vst v15;
	v19 =	vshrl.u32 v10, $0x12;
	vm5 =	vgt.s32 v15, $0x0  }
0x2f5: {  	v6 =	vadd.f32 v10, v6;
	v20 =	vshrl.u32 v15, $0x12;
	[tilespmem:s21+$0x8050] =	vst v17;
	vm7 =	vgt.s32 v17, $0x0;
	s21 =	smov.u32 s20;
	s20 =	smov.u32 s23  }
0x2f6: {  	[tilespmem:v18+s15+$0x0] =	vst.idx.add.f32.msk vm6, v13;
	v13 =	vshrl.u32 v17, $0x12  }
0x2f7: {  	v6 =	vadd.f32 v15, v6;
	[tilespmem:v12+s15+$0x0] =	vst.idx.add.f32.msk vm2, v11  }
0x2f8: {  	[tilespmem:v14+s15+$0x0] =	vst.idx.add.f32.msk vm4, v8  }
0x2f9: {  	v6 =	vadd.f32 v17, v6;
	[tilespmem:v19+s15+$0x0] =	vst.idx.add.f32.msk vm3, v10  }
0x2fa: {  	[tilespmem:v20+s15+$0x0] =	vst.idx.add.f32.msk vm5, v15  }
0x2fb: {  	v6 =	vadd.f32 v5, v6;
	[tilespmem:v13+s15+$0x0] =	vst.idx.add.f32.msk vm7, v17  }
0x2fc: {  	[tilespmem:v16+s15+$0x0] =	vst.idx.add.f32.msk vm0, v5  }
0x2fd: {  	v6 =	vadd.f32 v9, v6;
	[tilespmem:v7+s15+$0x0] =	vst.idx.add.f32.msk vm1, v9  }
0x2fe: {  	v9 =	vld [tilespmem:s21+$0x8070]  }
0x2ff: {  	v12 =	vld [tilespmem:s21+$0x10070]  }
0x300: {  	v5 =	vld [tilespmem:s21+$0x8060]  }
0x301: {  	v8 =	vld [tilespmem:s21+$0x10060]  }
0x302: {  	v10 =	vld [tilespmem:s21+$0x10010]  }
.Ltmp25:
0x303: {  	v7 =	vld [tilespmem:s21+$0x10020];
	(pc) =	sbr.rel @p0 .LBB2_40-.Ltmp25, $4  }
0x304: {  	v14 =	vld [tilespmem:s21+$0x10000]  }
0x305: {  	v13 =	vld [tilespmem:s21+$0x8000]  }
0x306: {  	v11 =	vld [tilespmem:s21+$0x8010];
	vm0 =	veq.s32 v8, $0x0  }
0x307: {  	v8 =	vld [tilespmem:s21+$0x8020];
	v5 =	vsel vm0, $0x0, v5  }
0x308: {  	v15 =	vld [tilespmem:s21+$0x10030]  }
0x309: {  	v16 =	vld [tilespmem:s21+$0x10050]  }
0x30a: {  	v36 =	vld [tilespmem:s21+$0x8030]  }
0x30b: {  	vm0 =	veq.s32 v12, $0x0;
	v17 =	vld [tilespmem:s21+$0x10040];
	vm8 =	veq.s32 v14, $0x0  }
0x30c: {  	[tilespmem:s21+$0x8060] =	vst v5;
	vm1 =	veq.s32 v10, $0x0;
	v38 =	vld [tilespmem:s21+$0x8040];
	v9 =	vsel vm0, $0x0, v9;
	v37 =	vsel vm8, $0x0, v13  }
0x30d: {  	v18 =	vld [tilespmem:s21+$0x8050];
	vm10 =	veq.s32 v7, $0x0;
	[tilespmem:s21+$0x8070] =	vst v9;
	v11 =	vsel vm1, $0x0, v11;
	v39 =	vshrl.u32 v37, $0x12  }
0x30e: {  	vm3 =	vgt.s32 v37, $0x0;
	[tilespmem:s21+$0x8000] =	vst v37;
	vm9 =	vgt.s32 v11, $0x0;
	v7 =	vshrl.u32 v11, $0x12  }
0x30f: {  	[tilespmem:s21+$0x8010] =	vst v11;
	v8 =	vsel vm10, $0x0, v8;
	vm2 =	veq.s32 v15, $0x0;
	vm4 =	veq.s32 v16, $0x0  }
0x310: {  	vm11 =	veq.s32 v17, $0x0;
	[tilespmem:s21+$0x8020] =	vst v8;
	vm12 =	vgt.s32 v8, $0x0;
	v12 =	vsel vm2, $0x0, v36  }
0x311: {  	v40 =	vshrl.u32 v8, $0x12;
	v13 =	vsel vm11, $0x0, v38;
	[tilespmem:s21+$0x8030] =	vst v12;
	vm13 =	vgt.s32 v12, $0x0  }
0x312: {  	v16 =	vsel vm4, $0x0, v18;
	[tilespmem:s21+$0x8040] =	vst v13;
	v41 =	vshrl.u32 v12, $0x12;
	vm14 =	vgt.s32 v13, $0x0  }
0x313: {  	v6 =	vadd.f32 v37, v6;
	[tilespmem:s21+$0x8050] =	vst v16;
	v42 =	vshrl.u32 v13, $0x12;
	vm5 =	vgt.s32 v16, $0x0  }
0x314: {  	vm6 =	vgt.s32 v5, $0x0;
	v43 =	vshrl.u32 v16, $0x12;
	[tilespmem:v39+s15+$0x0] =	vst.idx.add.f32.msk vm3, v37  }
0x315: {  	v19 =	vshrl.u32 v5, $0x12;
	vm15 =	vgt.s32 v9, $0x0;
	v6 =	vadd.f32 v11, v6;
	[tilespmem:v7+s15+$0x0] =	vst.idx.add.f32.msk vm9, v11  }
0x316: {  	v7 =	vshrl.u32 v9, $0x12;
	[tilespmem:v40+s15+$0x0] =	vst.idx.add.f32.msk vm12, v8  }
0x317: {  	v6 =	vadd.f32 v8, v6;
	[tilespmem:v41+s15+$0x0] =	vst.idx.add.f32.msk vm13, v12  }
0x318: {  	[tilespmem:v42+s15+$0x0] =	vst.idx.add.f32.msk vm14, v13  }
0x319: {  	v6 =	vadd.f32 v12, v6;
	[tilespmem:v43+s15+$0x0] =	vst.idx.add.f32.msk vm5, v16  }
0x31a: {  	[tilespmem:v19+s15+$0x0] =	vst.idx.add.f32.msk vm6, v5  }
0x31b: {  	v6 =	vadd.f32 v13, v6;
	[tilespmem:v7+s15+$0x0] =	vst.idx.add.f32.msk vm15, v9  }
0x31c: {  	v48 =	vld [tilespmem:s20+$0x10000]  }
0x31d: {  	v6 =	vadd.f32 v16, v6;
	v15 =	vld [tilespmem:s20+$0x8000]  }
0x31e: {  	v47 =	vld [tilespmem:s20+$0x10010]  }
0x31f: {  	v5 =	vadd.f32 v5, v6;
	v49 =	vld [tilespmem:s20+$0x8010]  }
0x320: {  	v14 =	vld [tilespmem:s20+$0x10020]  }
0x321: {  	v17 =	vld [tilespmem:s20+$0x8020];
	v5 =	vadd.f32 v9, v5;
	vm8 =	veq.s32 v48, $0x0  }
0x322: {  	v6 =	vld [tilespmem:s20+$0x10030];
	v52 =	vsel vm8, $0x0, v15  }
0x323: {  	v51 =	vld [tilespmem:s20+$0x8030];
	vm10 =	veq.s32 v47, $0x0;
	v5 =	vadd.f32 v52, v5  }
0x324: {  	v53 =	vld [tilespmem:s20+$0x10040];
	v54 =	vsel vm10, $0x0, v49  }
0x325: {  	v55 =	vld [tilespmem:s20+$0x8040];
	vm11 =	veq.s32 v14, $0x0;
	v5 =	vadd.f32 v54, v5  }
0x326: {  	v50 =	vld [tilespmem:s20+$0x10050];
	v14 =	vsel vm11, $0x0, v17  }
0x327: {  	v56 =	vld [tilespmem:s20+$0x8050];
	vm12 =	veq.s32 v6, $0x0;
	v5 =	vadd.f32 v14, v5  }
0x328: {  	v46 =	vld [tilespmem:s20+$0x10060];
	v6 =	vsel vm12, $0x0, v51  }
0x329: {  	v45 =	vld [tilespmem:s20+$0x8060];
	vm13 =	veq.s32 v53, $0x0;
	v5 =	vadd.f32 v6, v5  }
0x32a: {  	v44 =	vld [tilespmem:s20+$0x10070];
	v57 =	vsel vm13, $0x0, v55  }
0x32b: {  	v7 =	vld [tilespmem:s20+$0x8070];
	vm14 =	veq.s32 v50, $0x0;
	v5 =	vadd.f32 v57, v5  }
0x32c: {  	v11 =	vsel vm14, $0x0, v56  }
0x32d: {  	vm7 =	veq.s32 v46, $0x0;
	v5 =	vadd.f32 v11, v5  }
0x32e: {  	v8 =	vsel vm7, $0x0, v45  }
0x32f: {  	vm9 =	veq.s32 v44, $0x0;
	v5 =	vadd.f32 v8, v5  }
0x330: {  	v7 =	vsel vm9, $0x0, v7  }
0x331: {  	v5 =	vadd.f32 v7, v5;
	_ =	sdelay $0x1  }
0x332: {  	(xrf2) =	vadd.scan.msk.f32 $0xffff, v5;
	_ =	sdelay $0x9  }
0x333: {  	v5, _, _ =	vpop (xrf2)  }
0x334: {  	(v2sf) =	vpush v5, $0xF;
	_ =	sdelay $0x1  }
0x335: {  	[tilespmem:s20+$0x8060] =	vst v8  }
0x336: {  	[tilespmem:s20+$0x8070] =	vst v7  }
0x337: {  	[tilespmem:s20+$0x8010] =	vst v54;
	vm15 =	vgt.s32 v52, $0x0  }
0x338: {  	vm9 =	vgt.s32 v54, $0x0;
	[tilespmem:s20+$0x8000] =	vst v52;
	v5 =	vshrl.u32 v52, $0x12  }
0x339: {  	v58 =	vshrl.u32 v54, $0x12;
	[tilespmem:s20+$0x8020] =	vst v14;
	vm10 =	vgt.s32 v14, $0x0  }
0x33a: {  	v59 =	vshrl.u32 v14, $0x12;
	[tilespmem:s20+$0x8030] =	vst v6;
	vm11 =	vgt.s32 v6, $0x0  }
0x33b: {  	[tilespmem:s20+$0x8040] =	vst v57;
	v60 =	vshrl.u32 v6, $0x12;
	vm12 =	vgt.s32 v57, $0x0  }
0x33c: {  	[tilespmem:s20+$0x8050] =	vst v11;
	v61 =	vshrl.u32 v57, $0x12;
	vm13 =	vgt.s32 v11, $0x0  }
0x33d: {  	vm14 =	vgt.s32 v8, $0x0;
	[tilespmem:v5+s15+$0x0] =	vst.idx.add.f32.msk vm15, v52;
	v5 =	vshrl.u32 v11, $0x12  }
0x33e: {  	v62 =	vshrl.u32 v8, $0x12;
	vm15 =	vgt.s32 v7, $0x0;
	[tilespmem:v58+s15+$0x0] =	vst.idx.add.f32.msk vm9, v54  }
0x33f: {  	v63 =	vshrl.u32 v7, $0x12;
	[tilespmem:v59+s15+$0x0] =	vst.idx.add.f32.msk vm10, v14  }
0x340: {  	[tilespmem:v60+s15+$0x0] =	vst.idx.add.f32.msk vm11, v6  }
0x341: {  	[tilespmem:v61+s15+$0x0] =	vst.idx.add.f32.msk vm12, v57  }
0x342: {  	[tilespmem:v5+s15+$0x0] =	vst.idx.add.f32.msk vm13, v11;
	s31 =	spop (v2sf)  }
0x343: {  	[tilespmem:v62+s15+$0x0] =	vst.idx.add.f32.msk vm14, v8;
	s20 =	smax.f32 s31, $9.999999960e-13  }
0x344: {  	s23 =	simm.f32 $0.0e+00;
	s21 =	simm.s32 $0x0;
	[tilespmem:v63+s15+$0x0] =	vst.idx.add.f32.msk vm15, v7;
	s20 =	smul.f32 $8.999999760e-01, s20  }
.LBB2_42:
0x345: {  	s22 =	sshll.u32 s21, $0x7  }
0x346: {  	s24 =	ssub.s32 $0x18F80, s22  }
0x347: {  	s31 =	ssub.s32 $0x18F90, s22;
	v5 =	vld [tilespmem:s24+$0x0]  }
0x348: {  	v6 =	vld [tilespmem:s31+$0x0]  }
0x349: {  	s25 =	ssub.s32 $0x18FA0, s22  }
0x34a: {  	v7 =	vld [tilespmem:s25+$0x0]  }
0x34b: {  	s26 =	ssub.s32 $0x18FB0, s22  }
0x34c: {  	v8 =	vld [tilespmem:s26+$0x0]  }
0x34d: {  	s28 =	ssub.s32 $0x18FC0, s22;
	v5 =	vadd.f32 v6, v5  }
0x34e: {  	v6 =	vld [tilespmem:s28+$0x0]  }
0x34f: {  	s29 =	ssub.s32 $0x18FD0, s22;
	v5 =	vadd.f32 v7, v5  }
0x350: {  	v7 =	vld [tilespmem:s29+$0x0]  }
0x351: {  	s30 =	ssub.s32 $0x18FE0, s22;
	v5 =	vadd.f32 v8, v5  }
0x352: {  	v63 =	vld [tilespmem:s30+$0x0]  }
0x353: {  	s22 =	ssub.s32 $0x18FF0, s22;
	v5 =	vadd.f32 v6, v5  }
0x354: {  	v6 =	vld [tilespmem:s22+$0x0]  }
0x355: {  	v5 =	vadd.f32 v7, v5;
	_ =	sdelay $0x1  }
0x356: {  	v5 =	vadd.f32 v63, v5;
	_ =	sdelay $0x1  }
0x357: {  	v5 =	vadd.f32 v6, v5;
	_ =	sdelay $0x1  }
0x358: {  	(xrf2) =	vadd.scan.msk.f32 $0xffff, v5;
	_ =	sdelay $0x9  }
0x359: {  	v5, _, _ =	vpop (xrf2)  }
0x35a: {  	(v2sf) =	vpush v5, $0xF;
	_ =	sdelay $0xe  }
0x35b: {  	s22 =	smov.u32 s23;
	s31 =	spop (v2sf)  }
0x35c: {  	s24 =	sadd.f32 s31, s22;
	_ =	sdelay $0x1  }
0x35d: {  	p1 =	sgt.f32 s24, s20;
	_ =	sdelay $0x1  }
0x35e: {  	s23 =	simm.s32 $0x1;
	p0 =	por !p1, !p1  }
0x35f: {  	s23 =	simm.s32 @!p0 $0x0  }
0x360: {  	s21 =	sadd.s32 s23, s21  }
0x361: {  	p0 =	sgt.u32 s21, $0x1F  }
0x362: {  	p2 =	sgt.f32 @!p0 s24, s20;
	_ =	sdelay $0x1  }
0x363: {  	p0 =	por p0, p2  }
.Ltmp26:
0x364: {  	_ = 	snop;
	(pc) =	sbr.rel @!p0 .LBB2_42-.Ltmp26, $3  }
0x365: {  	_ =	sdelay $0x1  }
0x366: {  	s23 =	smov.u32 s24  }
0x367: {  	s23 =	smov.u32 @p1 s22  }
.Ltmp27:
0x368: {  	(pc) =	sbr.rel @!p1 .LBB2_46-.Ltmp27, $4  }
0x369: {  	_ = 	snop  }
0x36a: {  	s21 =	smin.u32 s21, $0x1F  }
0x36b: {  	s21 =	sshll.u32 s21, $0x3  }
0x36c: {  	p0 =	por $0x0, $0x0;
	s25 =	simm.s32 $0x0;
	s23 =	ssub.s32 $0x100, s21  }
.LBB2_44:
0x36d: {  	s24 =	sadd.s32 s21, s25  }
0x36e: {  	s24 =	sshll.u32 s24, $0x4  }
0x36f: {  	s24 =	ssub.s32 $0x18FF0, s24  }
0x370: {  	v5 =	vld [tilespmem:s24+$0x0];
	_ =	sdelay $0x4  }
0x371: {  	(xrf2) =	vadd.scan.msk.f32 $0xffff, v5;
	_ =	sdelay $0x9  }
0x372: {  	v5, _, _ =	vpop (xrf2)  }
0x373: {  	(v2sf) =	vpush v5, $0xF;
	_ =	sdelay $0xe  }
0x374: {  	s24 =	smov.u32 s22;
	s31 =	spop (v2sf)  }
0x375: {  	s22 =	sadd.f32 s31, s24;
	_ =	sdelay $0x1  }
0x376: {  	p0 =	sgt.f32 s22, s20;
	_ =	sdelay $0x1  }
0x377: {  	s26 =	simm.s32 $0x1;
	p1 =	por !p0, !p0  }
0x378: {  	s26 =	simm.s32 @!p1 $0x0  }
0x379: {  	s25 =	sadd.s32 s26, s25  }
0x37a: {  	p1 =	sge.u32 s25, s23  }
0x37b: {  	p2 =	sgt.f32 @!p1 s22, s20;
	_ =	sdelay $0x1  }
0x37c: {  	p2 =	por p1, p2  }
.Ltmp28:
0x37d: {  	_ = 	snop;
	(pc) =	sbr.rel @!p2 .LBB2_44-.Ltmp28, $2  }
0x37e: {  	_ =	sdelay $0x2  }
0x37f: {  	s22 =	smov.u32 @p0 s24  }
0x380: {  	s25 =	smov.u32 @p1 s25;
	s22 =	smov.u32 @p1 s22  }
0x381: {  	p0 =	por @!p1 p0, p0;
	s23 =	smov.u32 s25;
	s24 =	smov.u32 s22  }
.LBB2_46:
0x382: {  	s21 =	sxor.u32 $0xFF, s21  }
0x383: {  	s21 =	smax.u32 s21, s23  }
0x384: {  	s21 =	ssub.s32 s21, s23  }
0x385: {  	s21 =	sshll.u32 s21, $0x4  }
0x386: {  	s22 =	sor.u32 $0x18000, s21  }
0x387: {  	v5 =	vld [tilespmem:s22+$0x0];
	_ =	sdelay $0x4  }
0x388: {  	v6 =	vperm.xlane v5, v1;
	_ =	sdelay $0x1  }
0x389: {  	(xrf2) =	vadd.scan.msk.f32 $0xffff, v6;
	_ =	sdelay $0x9  }
0x38a: {  	v5, _, _ =	vpop (xrf2)  }
0x38b: {  	v7 =	vadd.f32 s24, v5;
	_ =	sdelay $0x1  }
0x38c: {  	vm0 =	vgt.f32 v7, s20  }
0x38d: {  	s23 =	simm.s32 $0x200;
	s22 =	simm.s32 $0x0;
	v5 =	vmov s20;
	v8 =	vmctz.xlane vm0  }
.LBB2_47:
0x38e: {  	p1 =	seq.s32 s23, $0x3E00;
	[tilespmem:s22+$0x18070] =	vst v2  }
0x38f: {  	[tilespmem:s22+$0x18000] =	vst v2  }
0x390: {  	[tilespmem:s22+$0x18010] =	vst v2  }
.Ltmp29:
0x391: {  	[tilespmem:s22+$0x18020] =	vst v2;
	(pc) =	sbr.rel @!p1 .LBB2_47-.Ltmp29, $4  }
0x392: {  	[tilespmem:s22+$0x18030] =	vst v2  }
0x393: {  	[tilespmem:s22+$0x18040] =	vst v2  }
0x394: {  	[tilespmem:s22+$0x18050] =	vst v2  }
0x395: {  	[tilespmem:s22+$0x18060] =	vst v2;
	s22 =	sshra.s32 s23, $0x2;
	s23 =	sadd.s32 $0x200, s23  }
0x396: {  	v8 =	vxor.u32 $0x80000000, v8  }
0x397: {  	(xrf0) =	vmax.scan.msk.u32 $0xffff, v8;
	_ =	sdelay $0x5  }
0x398: {  	v8, _, _ =	vpop (xrf0)  }
0x399: {  	(v2sf) =	vpush v8, $0xF;
	_ =	sdelay $0x4  }
0x39a: {  	[tilespmem:s22+$0x18070] =	vst v2  }
0x39b: {  	[tilespmem:s22+$0x18000] =	vst v2  }
0x39c: {  	[tilespmem:s22+$0x18010] =	vst v2  }
0x39d: {  	[tilespmem:s22+$0x18020] =	vst v2  }
0x39e: {  	[tilespmem:s22+$0x18030] =	vst v2  }
0x39f: {  	[tilespmem:s22+$0x18040] =	vst v2  }
0x3a0: {  	[tilespmem:s22+$0x18050] =	vst v2  }
0x3a1: {  	[tilespmem:s22+$0x18060] =	vst v2;
	s23 =	simm.s32 $0x0  }
0x3a2: {  	v12 =	vld [tilespmem:s23+$0x8000]  }
0x3a3: {  	v13 =	vld [tilespmem:s23+$0x8010]  }
0x3a4: {  	s31 =	spop (v2sf)  }
0x3a5: {  	s21 =	sor.u32 $0xF, s21;
	v14 =	vld [tilespmem:s23+$0x8020];
	s22 =	sxor.u32 $0x80000000, s31  }
0x3a6: {  	v15 =	vld [tilespmem:s23+$0x8030];
	s21 =	ssub.s32 s21, s22  }
0x3a7: {  	v16 =	vld [tilespmem:s23+$0x8040];
	v9 =	vshrl.u32 v12, $0x12;
	v10 =	vshrl.u32 v12, $0x6;
	v8 =	vmov s21  }
0x3a8: {  	v18 =	vand.u32 $0xFFF, v10;
	v10 =	vld [tilespmem:s23+$0x8060];
	vm0 =	veq.s32 v9, v8;
	v9 =	vshrl.u32 v13, $0x12  }
0x3a9: {  	v11 =	vshrl.u32 v13, $0x6;
	vm1 =	veq.s32 v9, v8;
	v9 =	vld [tilespmem:s23+$0x8050]  }
0x3aa: {  	v17 =	vshrl.u32 v14, $0x12;
	v59 =	vshrl.u32 v14, $0x6;
	v21 =	vand.u32 $0xFFF, v11  }
0x3ab: {  	v19 =	vshrl.u32 v15, $0x6;
	v20 =	vshrl.u32 v15, $0x12;
	v11 =	vld [tilespmem:s23+$0x8070];
	vm2 =	veq.s32 v17, v8  }
0x3ac: {  	v60 =	vshrl.u32 v16, $0x12;
	v17 =	vand.u32 $0xFFF, v59;
	vm3 =	veq.s32 v20, v8  }
0x3ad: {  	v61 =	vshrl.u32 v16, $0x6;
	v19 =	vand.u32 $0xFFF, v19;
	vm4 =	veq.s32 v60, v8  }
0x3ae: {  	v62 =	vshrl.u32 v10, $0x6;
	v20 =	vand.u32 $0xFFF, v61;
	v22 =	vshrl.u32 v9, $0x12;
	[tilespmem:v18+s15+$0x0] =	vst.idx.add.f32.msk vm0, v12  }
0x3af: {  	v12 =	vshrl.u32 v10, $0x12;
	vm0 =	veq.s32 v22, v8;
	[tilespmem:v21+s15+$0x0] =	vst.idx.add.f32.msk vm1, v13;
	v13 =	vshrl.u32 v9, $0x6  }
0x3b0: {  	v63 =	vshrl.u32 v11, $0x12;
	vm1 =	veq.s32 v12, v8;
	v12 =	vand.u32 $0xFFF, v13  }
0x3b1: {  	[tilespmem:v17+s15+$0x0] =	vst.idx.add.f32.msk vm2, v14;
	v14 =	vshrl.u32 v11, $0x6;
	v13 =	vand.u32 $0xFFF, v62;
	vm2 =	veq.s32 v63, v8  }
0x3b2: {  	[tilespmem:v19+s15+$0x0] =	vst.idx.add.f32.msk vm3, v15;
	v14 =	vand.u32 $0xFFF, v14  }
0x3b3: {  	s23 =	simm.s32 $0x200;
	[tilespmem:v20+s15+$0x0] =	vst.idx.add.f32.msk vm4, v16  }
.LBB2_49:
0x3b4: {  	_ = 	snop  }
0x3b5: {  	p1 =	sne.s32 s23, $0x1FE00;
	[tilespmem:v12+s15+$0x0] =	vst.idx.add.f32.msk vm0, v9;
	s24 =	smov.u32 s23;
	s23 =	sadd.s32 $0x200, s23  }
0x3b6: {  	[tilespmem:v13+s15+$0x0] =	vst.idx.add.f32.msk vm1, v10  }
0x3b7: {  	s24 =	sshra.s32 s24, $0x2;
	[tilespmem:v14+s15+$0x0] =	vst.idx.add.f32.msk vm2, v11  }
0x3b8: {  	v12 =	vld [tilespmem:s24+$0x8000]  }
0x3b9: {  	v13 =	vld [tilespmem:s24+$0x8010]  }
0x3ba: {  	v14 =	vld [tilespmem:s24+$0x8020]  }
0x3bb: {  	v15 =	vld [tilespmem:s24+$0x8030]  }
0x3bc: {  	v16 =	vld [tilespmem:s24+$0x8040]  }
0x3bd: {  	v10 =	vshrl.u32 v12, $0x12;
	v11 =	vshrl.u32 v12, $0x6  }
0x3be: {  	v9 =	vld [tilespmem:s24+$0x8050];
	vm1 =	veq.s32 v10, v8;
	v17 =	vshrl.u32 v13, $0x12;
	v18 =	vshrl.u32 v13, $0x6  }
0x3bf: {  	v19 =	vand.u32 $0xFFF, v11;
	v10 =	vld [tilespmem:s24+$0x8060];
	vm2 =	veq.s32 v17, v8;
	v17 =	vshrl.u32 v14, $0x12  }
0x3c0: {  	v11 =	vld [tilespmem:s24+$0x8070];
	vm3 =	veq.s32 v17, v8;
	v17 =	vshrl.u32 v14, $0x6;
	v20 =	vshrl.u32 v15, $0x6  }
0x3c1: {  	v18 =	vand.u32 $0xFFF, v18;
	v21 =	vshrl.u32 v15, $0x12;
	v17 =	vand.u32 $0xFFF, v17  }
0x3c2: {  	vm4 =	veq.s32 v21, v8;
	v21 =	vshrl.u32 v16, $0x12;
	v20 =	vand.u32 $0xFFF, v20  }
0x3c3: {  	v22 =	vshrl.u32 v16, $0x6;
	vm5 =	veq.s32 v21, v8;
	v21 =	vshrl.u32 v9, $0x12  }
0x3c4: {  	vm0 =	veq.s32 v21, v8;
	v21 =	vshrl.u32 v10, $0x6;
	[tilespmem:v19+s15+$0x0] =	vst.idx.add.f32.msk vm1, v12;
	v19 =	vand.u32 $0xFFF, v22  }
.Ltmp30:
0x3c5: {  	v23 =	vshrl.u32 v9, $0x6;
	v12 =	vshrl.u32 v10, $0x12;
	v22 =	vshrl.u32 v11, $0x12;
	(pc) =	sbr.rel @p1 .LBB2_49-.Ltmp30, $4  }
0x3c6: {  	vm1 =	veq.s32 v12, v8;
	v12 =	vand.u32 $0xFFF, v23;
	[tilespmem:v18+s15+$0x0] =	vst.idx.add.f32.msk vm2, v13;
	v13 =	vand.u32 $0xFFF, v21  }
0x3c7: {  	vm2 =	veq.s32 v22, v8;
	v18 =	vshrl.u32 v11, $0x6;
	[tilespmem:v17+s15+$0x0] =	vst.idx.add.f32.msk vm3, v14  }
0x3c8: {  	v14 =	vand.u32 $0xFFF, v18;
	[tilespmem:v20+s15+$0x0] =	vst.idx.add.f32.msk vm4, v15  }
0x3c9: {  	[tilespmem:v19+s15+$0x0] =	vst.idx.add.f32.msk vm5, v16  }
0x3ca: {  	v8 =	vmov s22;
	v6 =	vsub.f32 v7, v6  }
0x3cb: {  	vm3 =	veq.s32 v8, v0  }
0x3cc: {  	v6 =	vnsel vm3, $0x0, v6  }
0x3cd: {  	(xrf2) =	vadd.scan.msk.f32 $0xffff, v6;
	_ =	sdelay $0x9  }
0x3ce: {  	v6, _, _ =	vpop (xrf2)  }
0x3cf: {  	(v2sf) =	vpush v6, $0xF;
	_ =	sdelay $0xc  }
0x3d0: {  	[tilespmem:v12+s15+$0x0] =	vst.idx.add.f32.msk vm0, v9  }
0x3d1: {  	[tilespmem:v13+s15+$0x0] =	vst.idx.add.f32.msk vm1, v10  }
0x3d2: {  	s22 =	simm.s32 $0x0;
	[tilespmem:v14+s15+$0x0] =	vst.idx.add.f32.msk vm2, v11;
	s24 =	spop (v2sf)  }
.LBB2_51:
0x3d3: {  	s23 =	sshll.u32 s22, $0x7  }
0x3d4: {  	s25 =	ssub.s32 $0x18F80, s23  }
0x3d5: {  	s30 =	ssub.s32 $0x18F90, s23;
	v6 =	vld [tilespmem:s25+$0x0]  }
0x3d6: {  	v7 =	vld [tilespmem:s30+$0x0]  }
0x3d7: {  	s31 =	ssub.s32 $0x18FA0, s23  }
0x3d8: {  	v8 =	vld [tilespmem:s31+$0x0]  }
0x3d9: {  	s26 =	ssub.s32 $0x18FB0, s23  }
0x3da: {  	v9 =	vld [tilespmem:s26+$0x0]  }
0x3db: {  	s28 =	ssub.s32 $0x18FC0, s23;
	v6 =	vadd.f32 v7, v6  }
0x3dc: {  	v7 =	vld [tilespmem:s28+$0x0]  }
0x3dd: {  	s29 =	ssub.s32 $0x18FD0, s23;
	v6 =	vadd.f32 v8, v6  }
0x3de: {  	v62 =	vld [tilespmem:s29+$0x0]  }
0x3df: {  	s30 =	ssub.s32 $0x18FE0, s23;
	v6 =	vadd.f32 v9, v6  }
0x3e0: {  	v63 =	vld [tilespmem:s30+$0x0]  }
0x3e1: {  	s23 =	ssub.s32 $0x18FF0, s23;
	v6 =	vadd.f32 v7, v6  }
0x3e2: {  	v7 =	vld [tilespmem:s23+$0x0]  }
0x3e3: {  	v6 =	vadd.f32 v62, v6;
	_ =	sdelay $0x1  }
0x3e4: {  	v6 =	vadd.f32 v63, v6;
	_ =	sdelay $0x1  }
0x3e5: {  	v6 =	vadd.f32 v7, v6;
	_ =	sdelay $0x1  }
0x3e6: {  	(xrf2) =	vadd.scan.msk.f32 $0xffff, v6;
	_ =	sdelay $0x9  }
0x3e7: {  	v6, _, _ =	vpop (xrf2)  }
0x3e8: {  	(v2sf) =	vpush v6, $0xF;
	_ =	sdelay $0xe  }
0x3e9: {  	s23 =	smov.u32 s24;
	s31 =	spop (v2sf)  }
0x3ea: {  	s25 =	sadd.f32 s31, s23;
	_ =	sdelay $0x1  }
0x3eb: {  	p1 =	sgt.f32 s25, s20;
	_ =	sdelay $0x1  }
0x3ec: {  	s24 =	simm.s32 $0x1;
	p2 =	por !p1, !p1  }
0x3ed: {  	s24 =	simm.s32 @!p2 $0x0  }
0x3ee: {  	s22 =	sadd.s32 s24, s22  }
0x3ef: {  	p2 =	sgt.u32 s22, $0x1F  }
0x3f0: {  	p3 =	sgt.f32 @!p2 s25, s20;
	_ =	sdelay $0x1  }
0x3f1: {  	p2 =	por p2, p3  }
.Ltmp31:
0x3f2: {  	_ = 	snop;
	(pc) =	sbr.rel @!p2 .LBB2_51-.Ltmp31, $3  }
0x3f3: {  	_ =	sdelay $0x1  }
0x3f4: {  	s24 =	smov.u32 s25  }
0x3f5: {  	s24 =	smov.u32 @p1 s23  }
.Ltmp32:
0x3f6: {  	(pc) =	sbr.rel @!p1 .LBB2_55-.Ltmp32, $4  }
0x3f7: {  	_ = 	snop  }
0x3f8: {  	s22 =	smin.u32 s22, $0x1F  }
0x3f9: {  	s22 =	sshll.u32 s22, $0x3  }
0x3fa: {  	s26 =	simm.s32 $0x0;
	s24 =	ssub.s32 $0x100, s22  }
.LBB2_53:
0x3fb: {  	s25 =	sadd.s32 s22, s26  }
0x3fc: {  	s25 =	sshll.u32 s25, $0x4  }
0x3fd: {  	s25 =	ssub.s32 $0x18FF0, s25  }
0x3fe: {  	v6 =	vld [tilespmem:s25+$0x0];
	_ =	sdelay $0x4  }
0x3ff: {  	(xrf2) =	vadd.scan.msk.f32 $0xffff, v6;
	_ =	sdelay $0x9  }
0x400: {  	v6, _, _ =	vpop (xrf2)  }
0x401: {  	(v2sf) =	vpush v6, $0xF;
	_ =	sdelay $0xe  }
0x402: {  	s25 =	smov.u32 s23;
	s31 =	spop (v2sf)  }
0x403: {  	s23 =	sadd.f32 s31, s25;
	_ =	sdelay $0x1  }
0x404: {  	p2 =	sgt.f32 s23, s20;
	_ =	sdelay $0x1  }
0x405: {  	s28 =	simm.s32 $0x1;
	p1 =	por !p2, !p2  }
0x406: {  	s28 =	simm.s32 @!p1 $0x0  }
0x407: {  	s26 =	sadd.s32 s28, s26  }
0x408: {  	p1 =	sge.u32 s26, s24  }
0x409: {  	p3 =	sgt.f32 @!p1 s23, s20;
	_ =	sdelay $0x1  }
0x40a: {  	p3 =	por p1, p3  }
.Ltmp33:
0x40b: {  	_ = 	snop;
	(pc) =	sbr.rel @!p3 .LBB2_53-.Ltmp33, $2  }
0x40c: {  	_ =	sdelay $0x2  }
0x40d: {  	s23 =	smov.u32 @p2 s25  }
0x40e: {  	s26 =	smov.u32 @p1 s26;
	s23 =	smov.u32 @p1 s23  }
0x40f: {  	s24 =	smov.u32 s26;
	s25 =	smov.u32 s23  }
.LBB2_55:
0x410: {  	s22 =	sxor.u32 $0xFF, s22  }
0x411: {  	s22 =	smax.u32 s22, s24  }
0x412: {  	s22 =	ssub.s32 s22, s24  }
0x413: {  	s23 =	sshll.u32 s22, $0x4  }
0x414: {  	s23 =	sor.u32 $0x18000, s23  }
0x415: {  	v6 =	vld [tilespmem:s23+$0x0];
	_ =	sdelay $0x4  }
0x416: {  	v6 =	vperm.xlane v6, v1;
	_ =	sdelay $0x1  }
0x417: {  	(xrf2) =	vadd.scan.msk.f32 $0xffff, v6;
	_ =	sdelay $0x9  }
0x418: {  	v7, _, _ =	vpop (xrf2)  }
0x419: {  	v7 =	vadd.f32 s25, v7;
	_ =	sdelay $0x1  }
0x41a: {  	vm0 =	vgt.f32 v7, v5  }
0x41b: {  	v8 =	vmctz.xlane vm0;
	_ =	sdelay $0x1  }
0x41c: {  	v8 =	vxor.u32 $0x80000000, v8  }
0x41d: {  	(xrf0) =	vmax.scan.msk.u32 $0xffff, v8;
	_ =	sdelay $0x5  }
0x41e: {  	v8, _, _ =	vpop (xrf0)  }
0x41f: {  	(v2sf) =	vpush v8, $0xF;
	_ =	sdelay $0xe  }
0x420: {  	s29 =	spop (v2sf)  }
0x421: {  	s22 =	sshllo.u32 s22, $0x4;
	s23 =	sxor.u32 $0x80000000, s29  }
0x422: {  	s21 =	sshll.u32 s21, $0xC;
	s22 =	ssub.s32 s22, s23  }
0x423: {  	v7 =	vsub.f32 v7, v6;
	v8 =	vmov s23;
	s23 =	sor.u32 s21, s22  }
0x424: {  	vm15 =	veq.s32 v8, v0;
	s21 =	sshll.u32 s23, $0x6  }
0x425: {  	v7 =	vnsel vm15, $0x0, v7;
	s30 =	sor.u32 $0x20, s21  }
0x426: {  	v6 =	vnsel vm15, $0x0, v6;
	(xrf2) =	vadd.scan.msk.f32 $0xffff, v7;
	v7 =	vmov s30  }
0x427: {  	(xrf2) =	vadd.scan.msk.f32 $0xffff, v6;
	v6 =	vmax.f32 v7, $1.000000000e-30  }
0x428: {  	v6 =	vbroadcast v6, $0x0;
	_ =	sdelay $0x1  }
0x429: {  	(erf) = vrcp.f32 v6;
	_ =	sdelay $0x5  }
0x42a: {  	v7, _, _ =	vpop (xrf2)  }
0x42b: {  	v6, _, _ =	vpop (xrf2)  }
0x42c: {  	v6 =	vbroadcast v6, $0xF  }
0x42d: {  	v8 =	vpop (erf)  }
0x42e: {  	v8 =	vmul.f32 v8, v6;
	_ =	sdelay $0x1  }
0x42f: {  	v8 =	vadd.f32 $5.000000000e-01, v8;
	_ =	sdelay $0x1  }
0x430: {  	v8 =	vtrunc.f32 v8  }
0x431: {  	v8 =	vcvt.f32.s32 v8;
	_ =	sdelay $0x1  }
0x432: {  	v8 =	vxor.u32 $0x80000000, v8  }
0x433: {  	(xrf0) =	vmax.scan.msk.u32 $0xffff, v8;
	_ =	sdelay $0x5  }
0x434: {  	(v2sf) =	vpush v7, $0xF;
	v7, _, _ =	vpop (xrf0)  }
0x435: {  	(v2sf) =	vpush v7, $0xF;
	_ =	sdelay $0xd  }
0x436: {  	s22 =	spop (v2sf)  }
0x437: {  	s31 =	spop (v2sf)  }
0x438: {  	p1 =	slt.u32 s31, $0x80000002  }
.Ltmp34:
0x439: {  	_ = 	snop;
	(pc) =	sbr.rel @p1 .LBB2_61-.Ltmp34, $1  }
0x43a: {  	_ =	sdelay $0x3  }
0x43b: {  	[tilespmem:$0x19000] =	vst v2  }
0x43c: {  	[tilespmem:$0x19010] =	vst v2  }
0x43d: {  	[tilespmem:$0x19020] =	vst v2  }
0x43e: {  	[tilespmem:$0x19030] =	vst v2;
	s24 =	simm.s32 $0x0  }
0x43f: {  	v8 =	vld [tilespmem:s24+$0x8000]  }
0x440: {  	v9 =	vld [tilespmem:s24+$0x8010]  }
0x441: {  	v10 =	vld [tilespmem:s24+$0x8020]  }
0x442: {  	v11 =	vld [tilespmem:s24+$0x8030]  }
0x443: {  	v12 =	vld [tilespmem:s24+$0x8040]  }
0x444: {  	v6 =	vmov s23;
	v7 =	vshrl.u32 v8, $0x6  }
0x445: {  	vm0 =	veq.s32 v7, v6;
	v7 =	vshrl.u32 v9, $0x6  }
0x446: {  	v13 =	vld [tilespmem:s24+$0x8050];
	vm1 =	veq.s32 v7, v6;
	v7 =	vshrl.u32 v10, $0x6  }
0x447: {  	v14 =	vld [tilespmem:s24+$0x8060];
	vm2 =	veq.s32 v7, v6;
	v7 =	vshrl.u32 v11, $0x6  }
0x448: {  	v15 =	vand.u32 $0x3F, v8;
	vm3 =	veq.s32 v7, v6;
	v7 =	vshrl.u32 v12, $0x6  }
0x449: {  	v16 =	vand.u32 $0x3F, v9;
	vm4 =	veq.s32 v7, v6;
	v7 =	vld [tilespmem:s24+$0x8070]  }
0x44a: {  	v17 =	vand.u32 $0x3F, v10  }
0x44b: {  	v18 =	vshrl.u32 v13, $0x6;
	v19 =	vand.u32 $0x3F, v11  }
0x44c: {  	v61 =	vshrl.u32 v14, $0x6;
	v20 =	vand.u32 $0x3F, v12;
	vm5 =	veq.s32 v18, v6  }
0x44d: {  	v62 =	vand.u32 $0x3F, v13;
	vm6 =	veq.s32 v61, v6;
	[tilespmem:v15+s17+$0x0] =	vst.idx.add.f32.msk vm0, v8  }
0x44e: {  	v63 =	vand.u32 $0x3F, v14;
	[tilespmem:v16+s17+$0x0] =	vst.idx.add.f32.msk vm1, v9;
	v8 =	vshrl.u32 v7, $0x6  }
0x44f: {  	[tilespmem:v17+s17+$0x0] =	vst.idx.add.f32.msk vm2, v10;
	vm0 =	veq.s32 v8, v6  }
0x450: {  	[tilespmem:v19+s17+$0x0] =	vst.idx.add.f32.msk vm3, v11;
	v8 =	vand.u32 $0x3F, v7  }
0x451: {  	[tilespmem:v20+s17+$0x0] =	vst.idx.add.f32.msk vm4, v12  }
0x452: {  	[tilespmem:v62+s17+$0x0] =	vst.idx.add.f32.msk vm5, v13  }
0x453: {  	s23 =	simm.s32 $0x0;
	s25 =	simm.s32 $0x400;
	s24 =	simm.s32 $0x200;
	[tilespmem:v63+s17+$0x0] =	vst.idx.add.f32.msk vm6, v14  }
.LBB2_57:
0x454: {  	p1 =	sne.s32 s25, $0x1FE00  }
0x455: {  	s26 =	sshra.s32 s24, $0x2;
	[tilespmem:v8+s17+$0x0] =	vst.idx.add.f32.msk vm0, v7;
	s24 =	smov.u32 s25;
	s25 =	sadd.s32 $0x200, s25  }
0x456: {  	v8 =	vld [tilespmem:s26+$0x8000]  }
0x457: {  	v9 =	vld [tilespmem:s26+$0x8010]  }
0x458: {  	v10 =	vld [tilespmem:s26+$0x8020]  }
0x459: {  	v11 =	vld [tilespmem:s26+$0x8030]  }
0x45a: {  	v12 =	vld [tilespmem:s26+$0x8040]  }
0x45b: {  	v13 =	vld [tilespmem:s26+$0x8050];
	v7 =	vshrl.u32 v8, $0x6  }
0x45c: {  	v14 =	vld [tilespmem:s26+$0x8060];
	vm0 =	veq.s32 v7, v6;
	v15 =	vshrl.u32 v9, $0x6  }
0x45d: {  	v16 =	vand.u32 $0x3F, v8;
	v7 =	vld [tilespmem:s26+$0x8070];
	vm1 =	veq.s32 v15, v6;
	v15 =	vshrl.u32 v10, $0x6  }
0x45e: {  	v17 =	vand.u32 $0x3F, v9;
	vm2 =	veq.s32 v15, v6;
	v15 =	vshrl.u32 v11, $0x6  }
0x45f: {  	v18 =	vand.u32 $0x3F, v10;
	vm3 =	veq.s32 v15, v6;
	v15 =	vshrl.u32 v12, $0x6  }
0x460: {  	v19 =	vand.u32 $0x3F, v11;
	vm4 =	veq.s32 v15, v6;
	v15 =	vshrl.u32 v13, $0x6  }
0x461: {  	v20 =	vand.u32 $0x3F, v12;
	vm5 =	veq.s32 v15, v6;
	v15 =	vshrl.u32 v14, $0x6  }
0x462: {  	v21 =	vand.u32 $0x3F, v13;
	vm6 =	veq.s32 v15, v6;
	v15 =	vshrl.u32 v7, $0x6;
	[tilespmem:v16+s17+$0x0] =	vst.idx.add.f32.msk vm0, v8  }
0x463: {  	vm0 =	veq.s32 v15, v6;
	v15 =	vand.u32 $0x3F, v14;
	[tilespmem:v17+s17+$0x0] =	vst.idx.add.f32.msk vm1, v9  }
.Ltmp35:
0x464: {  	v8 =	vand.u32 $0x3F, v7;
	[tilespmem:v18+s17+$0x0] =	vst.idx.add.f32.msk vm2, v10;
	(pc) =	sbr.rel @p1 .LBB2_57-.Ltmp35, $4  }
0x465: {  	[tilespmem:v19+s17+$0x0] =	vst.idx.add.f32.msk vm3, v11  }
0x466: {  	[tilespmem:v20+s17+$0x0] =	vst.idx.add.f32.msk vm4, v12  }
0x467: {  	[tilespmem:v21+s17+$0x0] =	vst.idx.add.f32.msk vm5, v13  }
0x468: {  	[tilespmem:v15+s17+$0x0] =	vst.idx.add.f32.msk vm6, v14  }
0x469: {  	_ =	sdelay $0x4  }
0x46a: {  	s24 =	sshra.s32 s24, $0x2;
	[tilespmem:v8+s17+$0x0] =	vst.idx.add.f32.msk vm0, v7  }
0x46b: {  	v7 =	vld [tilespmem:s24+$0x8000]  }
0x46c: {  	v8 =	vld [tilespmem:s24+$0x8010]  }
0x46d: {  	v9 =	vld [tilespmem:s24+$0x8020]  }
0x46e: {  	v10 =	vld [tilespmem:s24+$0x8030]  }
0x46f: {  	v11 =	vld [tilespmem:s24+$0x8040]  }
0x470: {  	v12 =	vld [tilespmem:s24+$0x8050];
	v13 =	vshrl.u32 v7, $0x6  }
0x471: {  	v14 =	vld [tilespmem:s24+$0x8060];
	v57 =	vshrl.u32 v8, $0x6;
	vm14 =	veq.s32 v13, v6  }
0x472: {  	v15 =	vld [tilespmem:s24+$0x8070];
	v58 =	vshrl.u32 v9, $0x6;
	v16 =	vand.u32 $0x3F, v7;
	vm1 =	veq.s32 v57, v6  }
0x473: {  	v59 =	vshrl.u32 v10, $0x6;
	v17 =	vand.u32 $0x3F, v8;
	vm2 =	veq.s32 v58, v6  }
0x474: {  	v60 =	vshrl.u32 v11, $0x6;
	v18 =	vand.u32 $0x3F, v9;
	vm3 =	veq.s32 v59, v6  }
0x475: {  	v61 =	vshrl.u32 v12, $0x6;
	v19 =	vand.u32 $0x3F, v10;
	vm4 =	veq.s32 v60, v6  }
0x476: {  	v62 =	vshrl.u32 v14, $0x6;
	v20 =	vand.u32 $0x3F, v11;
	vm5 =	veq.s32 v61, v6  }
0x477: {  	v63 =	vshrl.u32 v15, $0x6;
	v21 =	vand.u32 $0x3F, v12;
	vm6 =	veq.s32 v62, v6;
	[tilespmem:v16+s17+$0x0] =	vst.idx.add.f32.msk vm14, v7  }
0x478: {  	vm15 =	veq.s32 v63, v6;
	v6 =	vand.u32 $0x3F, v14;
	[tilespmem:v17+s17+$0x0] =	vst.idx.add.f32.msk vm1, v8  }
0x479: {  	v7 =	vand.u32 $0x3F, v15;
	[tilespmem:v18+s17+$0x0] =	vst.idx.add.f32.msk vm2, v9  }
0x47a: {  	[tilespmem:v19+s17+$0x0] =	vst.idx.add.f32.msk vm3, v10  }
0x47b: {  	[tilespmem:v20+s17+$0x0] =	vst.idx.add.f32.msk vm4, v11  }
0x47c: {  	[tilespmem:v21+s17+$0x0] =	vst.idx.add.f32.msk vm5, v12  }
0x47d: {  	[tilespmem:v6+s17+$0x0] =	vst.idx.add.f32.msk vm6, v14  }
0x47e: {  	[tilespmem:v7+s17+$0x0] =	vst.idx.add.f32.msk vm15, v15  }
.LBB2_59:
0x47f: {  	s24 =	sshll.u32 s23, $0x4  }
0x480: {  	s24 =	ssub.s32 $0x19030, s24  }
0x481: {  	v6 =	vld [tilespmem:s24+$0x0];
	_ =	sdelay $0x4  }
0x482: {  	(xrf2) =	vadd.scan.msk.f32 $0xffff, v6;
	_ =	sdelay $0x9  }
0x483: {  	v6, _, _ =	vpop (xrf2)  }
0x484: {  	(v2sf) =	vpush v6, $0xF;
	_ =	sdelay $0xe  }
0x485: {  	s24 =	smov.u32 s22;
	s31 =	spop (v2sf)  }
0x486: {  	s22 =	sadd.f32 s31, s24;
	_ =	sdelay $0x1  }
0x487: {  	p1 =	sgt.f32 s22, s20;
	_ =	sdelay $0x1  }
0x488: {  	s25 =	simm.s32 $0x1;
	p2 =	por !p1, !p1  }
0x489: {  	s25 =	simm.s32 @!p2 $0x0  }
0x48a: {  	s23 =	sadd.s32 s25, s23  }
0x48b: {  	p2 =	sgt.u32 s23, $0x3  }
0x48c: {  	p3 =	sgt.f32 @!p2 s22, s20;
	_ =	sdelay $0x1  }
0x48d: {  	p2 =	por p2, p3  }
.Ltmp36:
0x48e: {  	_ = 	snop;
	(pc) =	sbr.rel @!p2 .LBB2_59-.Ltmp36, $2  }
0x48f: {  	_ =	sdelay $0x2  }
0x490: {  	s22 =	smov.u32 @p1 s24  }
0x491: {  	s23 =	smin.u32 s23, $0x3  }
0x492: {  	s23 =	sshll.u32 s23, $0x4  }
0x493: {  	s24 =	sxor.u32 $0x19030, s23  }
0x494: {  	v6 =	vld [tilespmem:s24+$0x0];
	_ =	sdelay $0x4  }
0x495: {  	v6 =	vperm.xlane v6, v1;
	_ =	sdelay $0x1  }
0x496: {  	(xrf2) =	vadd.scan.msk.f32 $0xffff, v6;
	_ =	sdelay $0x9  }
0x497: {  	v7, _, _ =	vpop (xrf2)  }
0x498: {  	v7 =	vadd.f32 s22, v7;
	_ =	sdelay $0x1  }
0x499: {  	vm0 =	vgt.f32 v7, v5  }
0x49a: {  	v5 =	vmctz.xlane vm0;
	_ =	sdelay $0x1  }
0x49b: {  	v5 =	vxor.u32 $0x80000000, v5  }
0x49c: {  	(xrf0) =	vmax.scan.msk.u32 $0xffff, v5;
	_ =	sdelay $0x5  }
0x49d: {  	v5, _, _ =	vpop (xrf0)  }
0x49e: {  	(v2sf) =	vpush v5, $0xF;
	_ =	sdelay $0xe  }
0x49f: {  	s31 =	spop (v2sf)  }
0x4a0: {  	s22 =	sxor.u32 $0x80000000, s31  }
0x4a1: {  	v7 =	vsub.f32 v7, v6;
	v5 =	vmov s22  }
0x4a2: {  	vm15 =	veq.s32 v5, v0  }
0x4a3: {  	v5 =	vnsel vm15, $0x0, v7  }
0x4a4: {  	(xrf2) =	vadd.scan.msk.f32 $0xffff, v5;
	_ =	sdelay $0x3  }
0x4a5: {  	s23 =	sxor.u32 $0x3F, s23  }
0x4a6: {  	s22 =	ssub.s32 s23, s22  }
0x4a7: {  	s21 =	sor.u32 s21, s22  }
0x4a8: {  	v6 =	vnsel vm15, $0x0, v6;
	v5 =	vmov s21  }
0x4a9: {  	(xrf2) =	vadd.scan.msk.f32 $0xffff, v6;
	v6 =	vmax.f32 v5, $1.000000000e-30  }
0x4aa: {  	v6 =	vbroadcast v6, $0x0  }
0x4ab: {  	v7, _, _ =	vpop (xrf2)  }
0x4ac: {  	(erf) = vrcp.f32 v6;
	(v2sf) =	vpush v7, $0xF;
	_ =	sdelay $0x6  }
0x4ad: {  	v6, _, _ =	vpop (xrf2)  }
0x4ae: {  	v7 =	vbroadcast v6, $0xF  }
0x4af: {  	v6 =	vpop (erf)  }
0x4b0: {  	v7 =	vmul.f32 v6, v7  }
.Ltmp37:
0x4b1: {  	_ = 	snop;
	(pc) =	sbr.rel .LBB2_62-.Ltmp37, $3  }
0x4b2: {  	v7 =	vadd.f32 $5.000000000e-01, v7;
	_ =	sdelay $0x1  }
0x4b3: {  	v7 =	vtrunc.f32 v7  }
0x4b4: {  	v8 =	vcvt.f32.s32 v7;
	s22 =	spop (v2sf)  }
.LBB2_61:
0x4b5: {  	v5 =	vmax.f32 v6, $1.000000000e-30  }
0x4b6: {  	(erf) = vrcp.f32 v5;
	_ =	sdelay $0x7  }
0x4b7: {  	s23 =	sor.u32 $0x3F, s21  }
0x4b8: {  	v8 =	vimm.s32 $0x1;
	v5 =	vmov s23;
	v6 =	vpop (erf)  }
.LBB2_62:
.Ltmp38:
0x4b9: {  	(pc) =	sbr.rel @!p0 .LBB2_70-.Ltmp38, $2  }
0x4ba: {  	_ =	sdelay $0x2  }
0x4bb: {  	s23 =	simm.s32 $0x0  }
0x4bc: {  	s20 =	ssub.f32 s20, s22;
	_ =	sdelay $0x1  }
0x4bd: {  	v6 =	vmul.f32 s20, v6;
	_ =	sdelay $0x1  }
0x4be: {  	v7 =	vmov s22;
	v6 =	vmax.f32 v6, $0.0e+00  }
0x4bf: {  	vm0 =	veq.f32 v7, $0.0e+00;
	v6 =	vmin.f32 v6, $3.276800000e+04  }
0x4c0: {  	v7 =	vsel vm0, $0x1, v3;
	v6 =	vtrunc.f32 v6  }
0x4c1: {  	v7 =	vbroadcast v7, $0x0;
	v6 =	vcvt.f32.s32 v6;
	_ =	sdelay $0x1  }
0x4c2: {  	v7 =	vand.u32 $0x1, v7;
	vm15 =	vgt.s32 v6, $0x1  }
0x4c3: {  	vm1 =	veq.s32 v7, $0x1;
	v7 =	vnsel vm15, $0x1, v6  }
0x4c4: {  	v7 =	vsel vm1, v7, v6  }
0x4c5: {  	v6 =	vxor.u32 $0x80000000, v7  }
0x4c6: {  	(xrf0) =	vmax.scan.msk.u32 $0xffff, v6;
	v6 =	vxor.u32 $0x80000000, v8  }
0x4c7: {  	(xrf0) =	vmax.scan.msk.u32 $0xffff, v6;
	_ =	sdelay $0x4  }
0x4c8: {  	v6, _, _ =	vpop (xrf0)  }
0x4c9: {  	(v2sf) =	vpush v6, $0xF;
	v6, _, _ =	vpop (xrf0)  }
0x4ca: {  	(v2sf) =	vpush v6, $0xF;
	_ =	sdelay $0xd  }
0x4cb: {  	s20 =	spop (v2sf)  }
0x4cc: {  	p0 =	slt.u32 s20, $0x80000001;
	s22 =	spop (v2sf)  }
0x4cd: {  	p1 =	sge.u32 @!p0 s20, s22  }
0x4ce: {  	p1 =	por p0, p1  }
.Ltmp39:
0x4cf: {  	_ = 	snop;
	(pc) =	sbr.rel @p1 .LBB2_64-.Ltmp39, $3  }
0x4d0: {  	_ =	sdelay $0x1  }
0x4d1: {  	s31 =	sadd.s32 $0xFFFFFFFF, s21  }
0x4d2: {  	v5 =	vbroadcast v5, $0x0;
	v11 =	vimm.s32 $0x0;
	v6 =	vmov s31  }
0x4d3: {  	s20 =	simm.s32 $0x0  }
0x4d4: {  	v10 =	vld [tilespmem:s20+$0x8010]  }
0x4d5: {  	v12 =	vld [tilespmem:s20+$0x8050]  }
0x4d6: {  	v13 =	vld [tilespmem:s20+$0x8070]  }
0x4d7: {  	v14 =	vld [tilespmem:s20+$0x8000]  }
0x4d8: {  	v8 =	vld [tilespmem:s20+$0x8030]  }
0x4d9: {  	v16 =	vld [tilespmem:s20+$0x8020]  }
0x4da: {  	v15 =	vld [tilespmem:s20+$0x8040];
	vm0 =	vle.s32 v10, v5;
	vm4 =	vgt.s32 v10, v6  }
0x4db: {  	vm1 =	vle.s32 v12, v5;
	vm3 =	vgt.s32 v12, v6;
	vm2 =	vle.s32 v13, v5  }
0x4dc: {  	vm7 =	vgt.s32 v13, v6;
	vm5 =	vgt.s32 v14, v6;
	vm0 =	vmand vm4, vm0  }
0x4dd: {  	vm8 =	vle.s32 v14, v5;
	vm12 =	vgt.s32 v8, v6;
	v9 =	vsel vm0, $0x1, v3  }
0x4de: {  	vm9 =	vle.s32 v16, v5;
	vm6 =	vmand vm3, vm1;
	vm1 =	vmand vm7, vm2;
	(xrf0) =	vadd.scan.msk.s32 $0xffff, v9  }
0x4df: {  	vm2 =	vmand vm5, vm8;
	vm8 =	vle.s32 v15, v5;
	v17 =	vsel vm1, $0x1, v3  }
0x4e0: {  	v18 =	vsel vm2, $0x1, v3;
	v19 =	vmpcnt.ones.xlane vm2;
	v20 =	vsel vm6, $0x1, v3  }
0x4e1: {  	v21 =	vmpcnt.ones.xlane vm0;
	vm0 =	vle.s32 v8, v5;
	vm2 =	vgt.s32 v16, v6;
	(xrf0) =	vadd.scan.msk.s32 $0xffff, v18  }
0x4e2: {  	v22 =	vld [tilespmem:s20+$0x8060];
	v26 =	vmpcnt.ones.xlane vm6;
	vm6 =	vgt.s32 v10, v5;
	vm0 =	vmand vm12, vm0  }
0x4e3: {  	vm9 =	vmand vm2, vm9;
	v55 =	vadd.s32 v11, v19;
	v23 =	vsel vm0, $0x1, v3  }
0x4e4: {  	v24 =	vmpcnt.ones.xlane vm0;
	vm0 =	vgt.s32 v15, v6;
	v25 =	vmpcnt.ones.xlane vm9;
	v56, _, _ =	vpop (xrf0)  }
0x4e5: {  	(xrf0) =	vadd.scan.msk.s32 $0xffff, v17;
	v17 =	vsel vm9, $0x1, v3;
	vm8 =	vmand vm0, vm8;
	v19 =	vadd.s32 v56, v55  }
0x4e6: {  	(xrf0) =	vadd.scan.msk.s32 $0xffff, v20;
	v57 =	vmpcnt.ones.xlane vm8;
	v58 =	vsel vm8, $0x1, v3;
	vm9 =	vle.s32 v19, v7  }
0x4e7: {  	vm8 =	vle.s32 v22, v5;
	v27, _, _ =	vpop (xrf0);
	vm9 =	vmand vm4, vm9;
	vm4 =	vgt.s32 v22, v6  }
0x4e8: {  	v10 =	vadd.s32 v21, v55;
	v11 =	vadd.s32 v11, v27;
	vm8 =	vmand vm4, vm8  }
0x4e9: {  	(xrf0) =	vadd.scan.msk.s32 $0xffff, v23;
	vm6 =	vmor vm6, vm9;
	vm9 =	vle.s32 v11, v7;
	v59 =	vsel vm8, $0x1, v3  }
0x4ea: {  	v9 =	vmpcnt.ones.xlane vm1;
	v60 =	vadd.s32 v25, v10;
	vm9 =	vmand vm5, vm9;
	(xrf0) =	vadd.scan.msk.s32 $0xffff, v59  }
0x4eb: {  	v61, _, _ =	vpop (xrf0);
	v62 =	vsel vm6, $0x3F800000, v2;
	vm6 =	vgt.s32 v14, v5;
	(xrf0) =	vadd.scan.msk.s32 $0xffff, v17;
	v17 =	vadd.s32 v24, v60  }
0x4ec: {  	vm1 =	vgt.s32 v13, v5;
	v11, _, _ =	vpop (xrf0);
	vm9 =	vmor vm6, vm9;
	v13 =	vadd.s32 v57, v17  }
0x4ed: {  	v14 =	vmpcnt.ones.xlane vm8;
	v63 =	vsel vm9, $0x3F800000, v2;
	(xrf0) =	vadd.scan.msk.s32 $0xffff, v58;
	v11 =	vadd.s32 v11, v13  }
0x4ee: {  	vm9 =	vgt.s32 v12, v5;
	v12 =	vadd.s32 v26, v13;
	vm8 =	vle.s32 v11, v7  }
0x4ef: {  	v11 =	vadd.s32 v14, v12;
	vm8 =	vmand vm3, vm8  }
0x4f0: {  	v13, _, _ =	vpop (xrf0);
	vm8 =	vmor vm9, vm8;
	vm9 =	vgt.s32 v16, v5;
	v16 =	vadd.s32 v61, v11  }
0x4f1: {  	v14, _, _ =	vpop (xrf0)  }
0x4f2: {  	vm11 =	vgt.s32 v15, v5;
	vm6 =	vgt.s32 v22, v5;
	v13 =	vadd.s32 v13, v60;
	v15, _, _ =	vpop (xrf0)  }
0x4f3: {  	[tilespmem:s20+$0x8010] =	vst v62;
	v12 =	vadd.s32 v14, v12;
	v14 =	vsel vm8, $0x3F800000, v2;
	vm8 =	vle.s32 v16, v7;
	v16, _, _ =	vpop (xrf0)  }
0x4f4: {  	s21 =	simm.s32 $0x200;
	[tilespmem:s20+$0x8000] =	vst v63;
	vm7 =	vmand vm7, vm8;
	vm8 =	vle.s32 v12, v7;
	v12 =	vadd.s32 v16, v17  }
.LBB2_68:
0x4f5: {  	v10 =	vadd.s32 v15, v10  }
0x4f6: {  	s22 =	sshra.s32 s21, $0x2;
	vm10 =	vle.s32 v13, v7;
	vm4 =	vmand vm4, vm8;
	vm8 =	vgt.s32 v8, v5  }
0x4f7: {  	vm5 =	vmor vm1, vm7;
	v11 =	vadd.s32 v9, v11;
	v13 =	vld [tilespmem:s22+$0x8010];
	vm4 =	vmor vm6, vm4;
	[tilespmem:s20+$0x8050] =	vst v14  }
0x4f8: {  	vm6 =	vle.s32 v10, v7;
	v10 =	vsel vm5, $0x3F800000, v2;
	vm1 =	vmand vm12, vm10;
	v14 =	vld [tilespmem:s22+$0x8050]  }
0x4f9: {  	v8 =	vsel vm4, $0x3F800000, v2;
	v15 =	vld [tilespmem:s22+$0x8000];
	vm2 =	vmand vm2, vm6;
	[tilespmem:s20+$0x8070] =	vst v10;
	vm4 =	vle.s32 v12, v7  }
0x4fa: {  	vm1 =	vmor vm8, vm1;
	v9 =	vld [tilespmem:s22+$0x8070];
	vm2 =	vmor vm9, vm2;
	vm0 =	vmand vm0, vm4  }
0x4fb: {  	[tilespmem:s20+$0x8060] =	vst v8;
	v10 =	vsel vm1, $0x3F800000, v2;
	v8 =	vsel vm2, $0x3F800000, v2;
	vm2 =	vmor vm11, vm0  }
0x4fc: {  	v16 =	vimm.s32 $0x0;
	[tilespmem:s20+$0x8030] =	vst v10;
	v10 =	vsel vm2, $0x3F800000, v2  }
0x4fd: {  	vm1 =	vle.s32 v13, v5;
	vm10 =	vgt.s32 v13, v6;
	vm9 =	vgt.s32 v13, v5  }
0x4fe: {  	vm0 =	vmand vm10, vm1;
	vm1 =	vle.s32 v14, v5;
	vm8 =	vgt.s32 v14, v6  }
0x4ff: {  	v12 =	vld [tilespmem:s22+$0x8060];
	[tilespmem:s20+$0x8020] =	vst v8;
	vm13 =	vgt.s32 v15, v6;
	v8 =	vsel vm0, $0x1, v3;
	vm2 =	vle.s32 v9, v5  }
0x500: {  	v13 =	vld [tilespmem:s22+$0x8020];
	[tilespmem:s20+$0x8040] =	vst v10;
	vm11 =	vmand vm8, vm1;
	vm1 =	vgt.s32 v9, v6;
	vm7 =	vgt.s32 v9, v5  }
0x501: {  	s20 =	smov.u32 s22;
	v19 =	vmpcnt.ones.xlane vm0;
	v16 =	vsel vm1, $0xFFFFFFFF, v16;
	(xrf0) =	vadd.scan.msk.s32 $0xffff, v8;
	vm1 =	vmand vm1, vm2  }
0x502: {  	v10 =	vld [tilespmem:s20+$0x8040];
	vm2 =	vle.s32 v15, v5;
	v18 =	vsel vm11, $0x1, v3;
	[tilespmem:$0x1FFD0] =	vst v16;
	v16 =	vsel vm1, $0x1, v3  }
0x503: {  	v9 =	vmpcnt.ones.xlane vm1;
	vm1 =	vgt.s32 v15, v5;
	v15 =	vimm.s32 $0x0  }
0x504: {  	v8 =	vld [tilespmem:s20+$0x8030];
	vm4 =	vgt.s32 v12, v6;
	v15 =	vsel vm1, $0xFFFFFFFF, v15;
	vm1 =	vmand vm13, vm2  }
0x505: {  	vm6 =	vgt.s32 v12, v5;
	vm5 =	vle.s32 v12, v5;
	[tilespmem:$0x1FFC0] =	vst v15;
	v15 =	vsel vm1, $0x1, v3  }
0x506: {  	vm15 =	vle.s32 v13, v5;
	vm2 =	vgt.s32 v13, v6;
	v20 =	vmpcnt.ones.xlane vm1;
	(xrf0) =	vadd.scan.msk.s32 $0xffff, v15  }
0x507: {  	vm5 =	vmand vm4, vm5;
	vm1 =	vgt.s32 v10, v5;
	vm14 =	vle.s32 v10, v5  }
0x508: {  	vm0 =	vgt.s32 v10, v6;
	vm15 =	vmand vm2, vm15;
	v15 =	vadd.s32 v11, v20;
	v17, _, _ =	vpop (xrf0);
	(xrf0) =	vadd.scan.msk.s32 $0xffff, v16  }
0x509: {  	vm12 =	vgt.s32 v8, v6;
	vm3 =	vle.s32 v8, v5;
	v16 =	vadd.s32 v17, v15  }
0x50a: {  	v58 =	vsel vm5, $0x1, v3;
	vm14 =	vmand vm0, vm14;
	v21 =	vld [tilespmem:$0x1FFC0];
	vm3 =	vmand vm12, vm3  }
0x50b: {  	v59 =	vmpcnt.ones.xlane vm15;
	v10 =	vadd.s32 v19, v15;
	(xrf0) =	vadd.scan.msk.s32 $0xffff, v18;
	v57 =	vsel vm3, $0x1, v3  }
0x50c: {  	v15 =	vsel vm15, $0x1, v3;
	v17 =	vmpcnt.ones.xlane vm3;
	vm3 =	vle.s32 v16, v7;
	v16, _, _ =	vpop (xrf0)  }
0x50d: {  	v19 =	vadd.s32 v59, v10;
	vm3 =	vmand vm10, vm3;
	(xrf0) =	vadd.scan.msk.s32 $0xffff, v57;
	v11 =	vadd.s32 v11, v16  }
0x50e: {  	vm3 =	vmor vm9, vm3;
	v16 =	vmpcnt.ones.xlane vm14;
	v12, _, _ =	vpop (xrf0);
	vm15 =	vle.s32 v11, v7;
	(xrf0) =	vadd.scan.msk.s32 $0xffff, v58  }
0x50f: {  	(xrf0) =	vadd.scan.msk.s32 $0xffff, v15;
	vm9 =	vmand vm13, vm15;
	v15 =	vsel vm3, $0x3F800000, v2;
	vm3 =	vnez.u8 v21  }
0x510: {  	v61 =	vmpcnt.ones.xlane vm11;
	v17 =	vadd.s32 v17, v19;
	vm3 =	vmor vm3, vm9  }
0x511: {  	v62 =	vmpcnt.ones.xlane vm5;
	v16 =	vadd.s32 v16, v17;
	v11, _, _ =	vpop (xrf0);
	v63 =	vsel vm3, $0x3F800000, v2  }
0x512: {  	vm3 =	vgt.s32 v14, v5;
	v11 =	vadd.s32 v11, v16;
	v14 =	vadd.s32 v61, v16  }
0x513: {  	v60 =	vsel vm14, $0x1, v3;
	vm5 =	vle.s32 v11, v7;
	v11 =	vadd.s32 v62, v14  }
0x514: {  	(xrf0) =	vadd.scan.msk.s32 $0xffff, v60;
	vm5 =	vmand vm8, vm5;
	v16 =	vadd.s32 v12, v11  }
0x515: {  	vm3 =	vmor vm3, vm5;
	vm5 =	vle.s32 v16, v7;
	v16 =	vld [tilespmem:$0x1FFD0]  }
0x516: {  	p0 =	seq.s32 s21, $0x1FE00  }
.Ltmp40:
0x517: {  	vm9 =	vgt.s32 v13, v5;
	v13, _, _ =	vpop (xrf0);
	(pc) =	sbr.rel @!p0 .LBB2_68-.Ltmp40, $4  }
0x518: {  	[tilespmem:s20+$0x8010] =	vst v15;
	v15, _, _ =	vpop (xrf0)  }
0x519: {  	vm11 =	vmmov vm1;
	vm1 =	vmmov vm7;
	v14 =	vadd.s32 v15, v14;
	v15, _, _ =	vpop (xrf0)  }
0x51a: {  	vm8 =	vle.s32 v14, v7;
	v12, _, _ =	vpop (xrf0);
	v14 =	vsel vm3, $0x3F800000, v2;
	vm3 =	vnez.u8 v16  }
0x51b: {  	s21 =	sadd.s32 $0x200, s21;
	[tilespmem:s20+$0x8000] =	vst v63;
	v13 =	vadd.s32 v13, v19;
	v12 =	vadd.s32 v12, v17;
	vm7 =	vmand vm3, vm5  }
0x51c: {  	v6 =	vadd.s32 v15, v10  }
0x51d: {  	vm3 =	vle.s32 v13, v7;
	vm4 =	vmand vm4, vm8;
	vm5 =	vgt.s32 v8, v5  }
0x51e: {  	vm10 =	vmor vm1, vm7;
	vm15 =	vle.s32 v12, v7;
	vm4 =	vmor vm6, vm4  }
0x51f: {  	[tilespmem:s20+$0x8050] =	vst v14;
	vm13 =	vle.s32 v6, v7;
	v6 =	vsel vm10, $0x3F800000, v2;
	vm14 =	vmand vm12, vm3  }
.Ltmp41:
0x520: {  	v5 =	vsel vm4, $0x3F800000, v2;
	vm2 =	vmand vm2, vm13;
	[tilespmem:s20+$0x8070] =	vst v6;
	vm1 =	vmor vm5, vm14;
	(pc) =	sbr.rel .LBB2_73-.Ltmp41, $4  }
0x521: {  	vm0 =	vmand vm0, vm15;
	vm2 =	vmor vm9, vm2;
	[tilespmem:s20+$0x8060] =	vst v5;
	v5 =	vsel vm1, $0x3F800000, v2  }
0x522: {  	vm0 =	vmor vm11, vm0;
	v6 =	vsel vm2, $0x3F800000, v2;
	[tilespmem:s20+$0x8030] =	vst v5  }
0x523: {  	v5 =	vsel vm0, $0x3F800000, v2;
	[tilespmem:s20+$0x8020] =	vst v6  }
0x524: {  	[tilespmem:s20+$0x8040] =	vst v5  }
.LBB2_70:
0x525: {  	s21 =	simm.s32 $0x0  }
0x526: {  	v5 =	vld [tilespmem:s21+$0x10070]  }
0x527: {  	v7 =	vld [tilespmem:s21+$0x10000]  }
0x528: {  	v11 =	vld [tilespmem:s21+$0x10010]  }
0x529: {  	v9 =	vld [tilespmem:s21+$0x10020]  }
0x52a: {  	v8 =	vld [tilespmem:s21+$0x10030]  }
0x52b: {  	v6 =	vld [tilespmem:s21+$0x10040];
	vm0 =	veq.s32 v5, $0x0  }
0x52c: {  	v5 =	vld [tilespmem:s21+$0x10050];
	vm1 =	veq.s32 v7, $0x0;
	v12 =	vsel vm0, $0x0, v4  }
0x52d: {  	s20 =	simm.s32 $0x80;
	s22 =	simm.s32 $0x400;
	v7 =	vld [tilespmem:s21+$0x10060];
	v10 =	vsel vm1, $0x0, v4;
	vm0 =	veq.s32 v11, $0x0;
	[tilespmem:s21+$0x8070] =	vst v12  }
.LBB2_71:
0x52e: {  	p0 =	sne.s32 s22, $0x1FE00;
	v11 =	vld [tilespmem:s20+$0x10070];
	v12 =	vsel vm0, $0x0, v4;
	vm0 =	veq.s32 v9, $0x0;
	[tilespmem:s21+$0x8000] =	vst v10  }
0x52f: {  	v10 =	vld [tilespmem:s20+$0x10000];
	v9 =	vsel vm0, $0x0, v4;
	vm0 =	veq.s32 v8, $0x0;
	[tilespmem:s21+$0x8010] =	vst v12  }
0x530: {  	v12 =	vld [tilespmem:s20+$0x10010];
	v8 =	vsel vm0, $0x0, v4;
	vm0 =	veq.s32 v6, $0x0;
	[tilespmem:s21+$0x8020] =	vst v9  }
.Ltmp42:
0x531: {  	v9 =	vld [tilespmem:s20+$0x10020];
	v6 =	vsel vm0, $0x0, v4;
	vm0 =	veq.s32 v5, $0x0;
	[tilespmem:s21+$0x8030] =	vst v8;
	(pc) =	sbr.rel @p0 .LBB2_71-.Ltmp42, $4  }
0x532: {  	v8 =	vld [tilespmem:s20+$0x10030];
	v5 =	vsel vm0, $0x0, v4;
	vm0 =	veq.s32 v7, $0x0;
	[tilespmem:s21+$0x8040] =	vst v6  }
0x533: {  	v6 =	vld [tilespmem:s20+$0x10040];
	vm1 =	veq.s32 v11, $0x0;
	v7 =	vsel vm0, $0x0, v4;
	[tilespmem:s21+$0x8050] =	vst v5  }
0x534: {  	v5 =	vld [tilespmem:s20+$0x10050];
	vm0 =	veq.s32 v10, $0x0;
	v11 =	vsel vm1, $0x0, v4;
	[tilespmem:s21+$0x8060] =	vst v7;
	s21 =	smov.u32 s20  }
0x535: {  	s20 =	sshra.s32 s22, $0x2;
	s22 =	sadd.s32 $0x200, s22;
	v7 =	vld [tilespmem:s21+$0x10060];
	v10 =	vsel vm0, $0x0, v4;
	vm0 =	veq.s32 v12, $0x0;
	[tilespmem:s21+$0x8070] =	vst v11  }
0x536: {  	v11 =	vld [tilespmem:s20+$0x10070];
	[tilespmem:s21+$0x8000] =	vst v10;
	v62 =	vsel vm0, $0x0, v4;
	vm4 =	veq.s32 v9, $0x0  }
0x537: {  	v12 =	vld [tilespmem:s20+$0x10000];
	[tilespmem:s21+$0x8010] =	vst v62;
	v9 =	vsel vm4, $0x0, v4;
	vm5 =	veq.s32 v8, $0x0  }
0x538: {  	v10 =	vld [tilespmem:s20+$0x10010];
	[tilespmem:s21+$0x8020] =	vst v9;
	v8 =	vsel vm5, $0x0, v4;
	vm6 =	veq.s32 v6, $0x0  }
0x539: {  	v9 =	vld [tilespmem:s20+$0x10020];
	[tilespmem:s21+$0x8030] =	vst v8;
	v6 =	vsel vm6, $0x0, v4;
	vm7 =	veq.s32 v5, $0x0  }
0x53a: {  	v8 =	vld [tilespmem:s20+$0x10030];
	[tilespmem:s21+$0x8040] =	vst v6;
	v5 =	vsel vm7, $0x0, v4;
	vm8 =	veq.s32 v7, $0x0  }
0x53b: {  	v6 =	vld [tilespmem:s20+$0x10040];
	[tilespmem:s21+$0x8050] =	vst v5;
	v5 =	vsel vm8, $0x0, v4;
	vm9 =	veq.s32 v11, $0x0  }
0x53c: {  	v7 =	vld [tilespmem:s20+$0x10050];
	[tilespmem:s21+$0x8060] =	vst v5;
	vm1 =	veq.s32 v12, $0x0;
	v5 =	vsel vm9, $0x0, v4  }
0x53d: {  	v63 =	vld [tilespmem:s20+$0x10060];
	v12 =	vsel vm1, $0x0, v4;
	vm10 =	veq.s32 v10, $0x0;
	[tilespmem:s20+$0x8070] =	vst v5  }
0x53e: {  	v5 =	vsel vm10, $0x0, v4;
	vm11 =	veq.s32 v9, $0x0;
	[tilespmem:s20+$0x8000] =	vst v12  }
0x53f: {  	v9 =	vsel vm11, $0x0, v4;
	vm12 =	veq.s32 v8, $0x0;
	[tilespmem:s20+$0x8010] =	vst v5  }
.Ltmp43:
0x540: {  	v5 =	vsel vm12, $0x0, v4;
	vm13 =	veq.s32 v6, $0x0;
	[tilespmem:s20+$0x8020] =	vst v9;
	(pc) =	sbr.rel .LBB2_73-.Ltmp43, $4  }
0x541: {  	v6 =	vsel vm13, $0x0, v4;
	vm14 =	veq.s32 v7, $0x0;
	[tilespmem:s20+$0x8030] =	vst v5  }
0x542: {  	v5 =	vsel vm14, $0x0, v4;
	vm15 =	veq.s32 v63, $0x0;
	[tilespmem:s20+$0x8040] =	vst v6  }
0x543: {  	v6 =	vsel vm15, $0x0, v4;
	[tilespmem:s20+$0x8050] =	vst v5  }
0x544: {  	[tilespmem:s20+$0x8060] =	vst v6  }
.LBB2_64:
0x545: {  	s23 =	simm.s32 @p0 $0x0  }
0x546: {  	s20 =	sshra.s32 s23, $0x2  }
0x547: {  	v9 =	vld [tilespmem:s20+$0x8000]  }
0x548: {  	v10 =	vld [tilespmem:s20+$0x8010];
	_ =	sdelay $0x1  }
0x549: {  	v11 =	vld [tilespmem:s20+$0x8020]  }
0x54a: {  	v12 =	vld [tilespmem:s20+$0x8030]  }
0x54b: {  	vm0 =	vge.s32 v7, v8;
	p0 =	seq.s32 s23, $0x1FE00;
	vm1 =	vgt.s32 v9, v6  }
.Ltmp44:
0x54c: {  	v8 =	vld [tilespmem:s20+$0x8040];
	vm2 =	vgt.s32 v9, v5;
	vm3 =	vgt.s32 v10, v6;
	vm1 =	vmand vm0, vm1;
	(pc) =	sbr.rel @p0 .LBB2_66-.Ltmp44, $4  }
0x54d: {  	vm3 =	vmand vm0, vm3;
	vm1 =	vmor vm2, vm1;
	vm2 =	vgt.s32 v10, v5;
	v10 =	vld [tilespmem:s20+$0x8050]  }
0x54e: {  	v7 =	vld [tilespmem:s20+$0x8060];
	v9 =	vsel vm1, $0x3F800000, v2;
	vm1 =	vmor vm2, vm3;
	vm2 =	vgt.s32 v11, v6  }
0x54f: {  	vm4 =	vgt.s32 v12, v6;
	vm3 =	vgt.s32 v11, v5;
	vm2 =	vmand vm0, vm2  }
0x550: {  	s21 =	sadd.s32 $0x200, s23;
	vm4 =	vmand vm0, vm4;
	vm2 =	vmor vm3, vm2;
	vm3 =	vgt.s32 v12, v5  }
.LBB2_65:
0x551: {  	p0 =	seq.s32 s21, $0x1FE00;
	v11 =	vld [tilespmem:s20+$0x8070];
	v12 =	vsel vm1, $0x3F800000, v2;
	v13 =	vsel vm2, $0x3F800000, v2;
	vm1 =	vmor vm3, vm4  }
0x552: {  	vm2 =	vgt.s32 v8, v5;
	vm3 =	vgt.s32 v8, v6;
	vm4 =	vgt.s32 v10, v6  }
0x553: {  	s22 =	sshra.s32 s21, $0x2;
	vm5 =	vgt.s32 v10, v5;
	vm3 =	vmand vm0, vm3;
	vm4 =	vmand vm0, vm4;
	[tilespmem:s20+$0x8000] =	vst v9  }
0x554: {  	v8 =	vsel vm1, $0x3F800000, v2;
	vm1 =	vmor vm2, vm3;
	vm2 =	vmor vm5, vm4;
	v9 =	vld [tilespmem:s22+$0x8000];
	[tilespmem:s20+$0x8010] =	vst v12  }
0x555: {  	v10 =	vsel vm1, $0x3F800000, v2;
	v14 =	vsel vm2, $0x3F800000, v2;
	vm1 =	vgt.s32 v7, v6;
	v12 =	vld [tilespmem:s22+$0x8010];
	[tilespmem:s20+$0x8020] =	vst v13  }
0x556: {  	vm2 =	vgt.s32 v7, v5;
	vm1 =	vmand vm0, vm1;
	vm3 =	vgt.s32 v11, v6;
	[tilespmem:s20+$0x8030] =	vst v8  }
0x557: {  	vm1 =	vmor vm2, vm1;
	vm2 =	vgt.s32 v11, v5;
	v7 =	vld [tilespmem:s22+$0x8020];
	vm3 =	vmand vm0, vm3;
	[tilespmem:s20+$0x8040] =	vst v10  }
0x558: {  	v8 =	vsel vm1, $0x3F800000, v2;
	v11 =	vld [tilespmem:s22+$0x8030];
	vm1 =	vmor vm2, vm3;
	[tilespmem:s20+$0x8050] =	vst v14  }
0x559: {  	vm2 =	vgt.s32 v9, v6;
	v10 =	vsel vm1, $0x3F800000, v2;
	[tilespmem:s20+$0x8060] =	vst v8  }
.Ltmp45:
0x55a: {  	vm1 =	vgt.s32 v9, v5;
	v8 =	vld [tilespmem:s22+$0x8040];
	vm2 =	vmand vm0, vm2;
	vm3 =	vgt.s32 v12, v6;
	[tilespmem:s20+$0x8070] =	vst v10;
	s20 =	smov.u32 s22;
	(pc) =	sbr.rel @!p0 .LBB2_65-.Ltmp45, $4  }
0x55b: {  	v10 =	vld [tilespmem:s20+$0x8050];
	vm1 =	vmor vm1, vm2;
	vm2 =	vgt.s32 v12, v5;
	vm3 =	vmand vm0, vm3  }
0x55c: {  	v9 =	vsel vm1, $0x3F800000, v2;
	vm1 =	vmor vm2, vm3;
	vm2 =	vgt.s32 v7, v6  }
0x55d: {  	vm3 =	vgt.s32 v7, v5;
	vm2 =	vmand vm0, vm2;
	vm4 =	vgt.s32 v11, v6  }
0x55e: {  	s21 =	sadd.s32 $0x200, s21;
	v7 =	vld [tilespmem:s20+$0x8060];
	vm2 =	vmor vm3, vm2;
	vm3 =	vgt.s32 v11, v5;
	vm4 =	vmand vm0, vm4  }
.Ltmp46:
0x55f: {  	_ = 	snop;
	(pc) =	sbr.rel .LBB2_66-.Ltmp46, $1  }
0x560: {  	_ =	sdelay $0x3  }
.LBB2_74:
0x561: {  	_ =	sfence.sel $0x180000  }
0x562: {  	[bflag:$0x0] =	sbarrier.arrive $0xFFFF  }
0x563: {  	p0 =	sne.s32 s1, $0x0;
	_ =	strace $0x90000047  }
0x564: {  	s0 =	sadd.s32 @!p0 $0x100000, s0;
	[bflag:$0x2] =	sbarrier.arrive $0xFFFF  }
0x565: {  	[sflag:s0] =	ssyncadd.tile.s32 @!p0 $0x1;
	_ =	shalt  }
.Lfunc_end2:
_tile_overlayer_lowered:
.L_overlay_start_2:
0x566: {  	(tag) =	ssettag $0x2  }
0x567: {  	s0 =	rddreg [dreg:$0x0];
	s2 =	stileid.u32  }
0x568: {  	s1 =	rddreg [dreg:$0x1];
	p0 =	sne.s32 s2, $0x0  }
0x569: {  	s3 =	rddreg [dreg:$0x2];
	[bflag:$0x3] =	sbarrier.arrive $0xFFFF;
	s2 =	simm.s32 @!p0 $0x1C03  }
0x56a: {  	[timem:s3], [sflag:s2] =	dma.local @!p0 [hbm:s0], s1  }
0x56b: {  	s0 =	simm.s32 @!p0 $0x3  }
0x56c: {  	_ =	swait.ge @!p0 [sflag:s0], s1  }
0x56d: {  	s1 =	ssub.s32 @!p0 $0x0, s1;
	[sflag:s0] =	ssyncset.done @!p0 $0x0  }
0x56e: {  	[sflag:s0] =	ssyncadd.s32 @!p0 s1  }
0x56f: {  	[bflag:$0x3] =	sbarrier.arrive $0xFFFF  }
0x570: {  	_ =	shalt  }

</sc_bundles>
